<compile_context>
chip_gen: v7x
topology: tpu7x:2x2x1
jax: 0.10.2.dev20260603
libtpu: 0.0.44.dev20260713+nightly
codegen_flags: <defaults>
</compile_context>

<pallas_src>
import jax
import jax.numpy as jnp
from jax.experimental import pallas as pl
from jax.experimental.pallas import tpu as pltpu

N_UP = 32
N_DOWN = 32
NE = N_UP + N_DOWN
NA = 16
DF = 4
KD = 8
ED = 16
HI = 6
NI = 2
BBH = 8
RB = 512

_LOG2 = 0.6931471805599453

_O_W1 = 0
_O_B1 = _O_W1 + NI * 3 * DF * HI
_O_W2 = _O_B1 + NI * 3 * HI
_O_B2 = _O_W2 + NI * 3 * HI * KD
_O_HW = _O_B2 + NI * 3 * KD
_O_HB = _O_HW + NI * ED * KD
_O_GW = _O_HB + NI * KD
_O_GB = _O_GW + NI * KD * ED
_O_X0 = _O_GB + NI * ED
_O_OW = _O_X0 + ED


def _ssp(v):
    return jnp.log(0.5 + 0.5 * jnp.exp(v))


def _wnet(d, n, s, th_ref):
    th = lambda i: th_ref[i]
    hid = []
    for h in range(HI):
        a = d[0] * th(_O_W1 + ((n * 3 + s) * DF + 0) * HI + h)
        for f in range(1, DF):
            a = a + d[f] * th(_O_W1 + ((n * 3 + s) * DF + f) * HI + h)
        hid.append(_ssp(a + th(_O_B1 + (n * 3 + s) * HI + h)))
    ws = []
    for k in range(KD):
        a = hid[0] * th(_O_W2 + ((n * 3 + s) * HI + 0) * KD + k)
        for h in range(1, HI):
            a = a + hid[h] * th(_O_W2 + ((n * 3 + s) * HI + h) * KD + k)
        ws.append(_ssp(a + th(_O_B2 + (n * 3 + s) * KD + k)))
    return ws


def _body_nuc(dn_ref, th_ref, y2_ref, out_ref):
    d = [dn_ref[f] for f in range(DF)]
    ll = jax.lax.broadcasted_iota(jnp.int32, (128, KD), 0)
    cc = jax.lax.broadcasted_iota(jnp.int32, (128, KD), 1)
    s16 = (ll // NA == cc).astype(jnp.float32)
    for n in range(NI):
        w = _wnet(d, n, 2, th_ref)
        for k in range(KD):
            partial = w[k] * y2_ref[k][None, :]
            out_ref[n, k] = jnp.dot(partial, s16,
                                    preferred_element_type=jnp.float32)


def _body_main(de_ref, zn_ref, th_ref, out_ref):
    th = lambda i: th_ref[i]
    de = [de_ref[f] for f in range(DF)]

    ii = jax.lax.broadcasted_iota(jnp.int32, (NE, 2 * NE), 0)
    ll = jax.lax.broadcasted_iota(jnp.int32, (NE, 2 * NE), 1)
    jm = ll % NE
    sameb = (ii < N_UP) == (jm < N_UP)
    diagm = ii == jm
    l1 = jax.lax.broadcasted_iota(jnp.int32, (2 * NE, 2), 0)
    c1 = jax.lax.broadcasted_iota(jnp.int32, (2 * NE, 2), 1)
    s2 = (l1 // NE == c1).astype(jnp.float32)

    x = [jnp.full((BBH, 2 * NE), th(_O_X0 + e), jnp.float32)
         for e in range(ED)]

    for n in range(NI):
        w_same = _wnet(de, n, 0, th_ref)
        w_anti = _wnet(de, n, 1, th_ref)

        hk = []
        for k in range(KD):
            a = x[0] * th(_O_HW + (n * ED + 0) * KD + k)
            for e in range(1, ED):
                a = a + x[e] * th(_O_HW + (n * ED + e) * KD + k)
            hk.append(a + th(_O_HB + n * KD + k))

        zk = []
        for k in range(KD):
            wc = jnp.where(diagm[None], 0.0,
                           jnp.where(sameb[None], w_same[k], w_anti[k]))
            partial = wc * hk[k][:, None, :]
            z0 = jnp.sum(partial[:, :, :NE], axis=-1)
            z1 = jnp.sum(partial[:, :, NE:], axis=-1)
            zk.append(jnp.concatenate([z0, z1], axis=-1) + zn_ref[n, k])

        xn = []
        for e in range(ED):
            a = zk[0] * th(_O_GW + (n * KD + 0) * ED + e)
            for k in range(1, KD):
                a = a + zk[k] * th(_O_GW + (n * KD + k) * ED + e)
            xn.append(x[e] + a + th(_O_GB + n * ED + e))
        x = xn

    tot = jnp.dot(x[0], s2, preferred_element_type=jnp.float32) * th(_O_OW + 0)
    for e in range(1, ED):
        tot = tot + jnp.dot(x[e], s2,
                            preferred_element_type=jnp.float32) * th(_O_OW + e)
    out_ref[...] = tot[None]


def kernel(dists_nuc, dists_elec, W1, b1, W2, b2, hW, hb, gW, gb, X0, Y, oW):
    Bd = dists_elec.shape[0]
    theta = jnp.concatenate([
        W1.ravel(), b1.ravel(), W2.ravel(), b2.ravel(),
        hW.ravel(), hb.ravel(), gW.ravel(), gb.ravel(),
        X0.ravel(), oW.ravel(),
    ]).astype(jnp.float32)

    X = Bd * NE * NA // 128
    rb = min(RB, X)
    dn_f = jnp.transpose(dists_nuc, (3, 0, 1, 2)).reshape(DF, X, 128)
    y2 = jnp.tile(Y.T, (1, 128 // NA))
    znuc = pl.pallas_call(
        _body_nuc,
        grid=(X // rb,),
        in_specs=[
            pl.BlockSpec((DF, rb, 128), lambda i: (0, i, 0)),
            pl.BlockSpec(memory_space=pltpu.SMEM),
            pl.BlockSpec((KD, 128), lambda i: (0, 0)),
        ],
        out_specs=pl.BlockSpec((NI, KD, rb, KD), lambda i: (0, 0, i, 0)),
        out_shape=jax.ShapeDtypeStruct((NI, KD, X, KD), jnp.float32),
    )(dn_f, theta, y2)
    zn_m = znuc.reshape(NI, KD, Bd // 2, 2 * NE)

    de_m = jnp.transpose(
        dists_elec.reshape(Bd // 2, 2, NE, NE, DF), (4, 0, 2, 1, 3)
    ).reshape(DF, Bd // 2, NE, 2 * NE)

    G = Bd // 2 // BBH
    out = pl.pallas_call(
        _body_main,
        grid=(G,),
        in_specs=[
            pl.BlockSpec((DF, BBH, NE, 2 * NE), lambda i: (0, i, 0, 0)),
            pl.BlockSpec((NI, KD, BBH, 2 * NE), lambda i: (0, 0, i, 0)),
            pl.BlockSpec(memory_space=pltpu.SMEM),
        ],
        out_specs=pl.BlockSpec((1, BBH, 2), lambda i: (i, 0, 0)),
        out_shape=jax.ShapeDtypeStruct((G, BBH, 2), jnp.float32),
    )(de_m, zn_m, theta)
    return out.reshape(Bd)

# --- scband reference (transcript-rebuilt; emitter-appended) ---
"""Pipeline reference for scband-omni-net-13408887898469 (READ-ONLY COPY).

The authoritative reference and input builder live on the scoring server;
editing this copy changes nothing except your own understanding.
"""

import jax, jax.numpy as jnp
import numpy as np

N_UP = 32
N_DOWN = 32
N_ELEC = N_UP + N_DOWN
N_ATOMS = 16
DFEAT = 4
KDIM = 8
EDIM = 16
NINT = 2
HID = 6
B = 1024


def ssp(x):
    # shifted softplus activation used by SchNet
    return jax.nn.softplus(x) - jnp.log(2.0)


def setup_inputs(seed: int = 0):
    key = jax.random.key(seed)
    ks = jax.random.split(key, 16)
    s = 0.1
    inp = {}
    inp['dists_nuc'] = jax.random.uniform(ks[0], (B, N_ELEC, N_ATOMS, DFEAT), dtype=jnp.float32)
    inp['dists_elec'] = jax.random.uniform(ks[1], (B, N_ELEC, N_ELEC, DFEAT), dtype=jnp.float32)
    # w-subnets (2-layer MLPs, dist_feat->hidden->kernel) for [same, anti, nuc] per interaction
    inp['W1'] = jax.random.normal(ks[2], (NINT, 3, DFEAT, HID), dtype=jnp.float32) * s
    inp['b1'] = jnp.zeros((NINT, 3, HID), jnp.float32)
    inp['W2'] = jax.random.normal(ks[3], (NINT, 3, HID, KDIM), dtype=jnp.float32) * s
    inp['b2'] = jnp.zeros((NINT, 3, KDIM), jnp.float32)
    # h-subnet (embedding->kernel) per interaction
    inp['hW'] = jax.random.normal(ks[4], (NINT, EDIM, KDIM), dtype=jnp.float32) * s
    inp['hb'] = jnp.zeros((NINT, KDIM), jnp.float32)
    # g-subnet (kernel->embedding) per interaction
    inp['gW'] = jax.random.normal(ks[5], (NINT, KDIM, EDIM), dtype=jnp.float32) * s
    inp['gb'] = jnp.zeros((NINT, EDIM), jnp.float32)
    # initial electron embedding (n_up == n_down -> single shared embedding)
    inp['X0'] = jax.random.normal(ks[6], (EDIM,), dtype=jnp.float32)
    # nuclear embeddings Y
    inp['Y'] = jax.random.normal(ks[7], (N_ATOMS, KDIM), dtype=jnp.float32)
    # orbital readout Linear(16, 1, bias=False)
    inp['oW'] = jax.random.normal(ks[8], (EDIM,), dtype=jnp.float32) * s
    return inp


def _forward(dists_nuc, dists_elec, W1, b1, W2, b2, hW, hb, gW, gb, X0, Y, oW):
    Bd = dists_elec.shape[0]
    spins = jnp.concatenate([jnp.zeros(N_UP), jnp.ones(N_DOWN)])
    eye = jnp.eye(N_ELEC, dtype=bool)
    same = ((spins[:, None] == spins[None, :]) & (~eye)).astype(jnp.float32)
    anti = (spins[:, None] != spins[None, :]).astype(jnp.float32)
    x = jnp.broadcast_to(X0, (Bd, N_ELEC, EDIM))
    for n in range(NINT):
        w_same = ssp(ssp(dists_elec @ W1[n, 0] + b1[n, 0]) @ W2[n, 0] + b2[n, 0])
        w_anti = ssp(ssp(dists_elec @ W1[n, 1] + b1[n, 1]) @ W2[n, 1] + b2[n, 1])
        w_nuc = ssp(ssp(dists_nuc @ W1[n, 2] + b1[n, 2]) @ W2[n, 2] + b2[n, 2])
        h = x @ hW[n] + hb[n]
        z_same = jnp.einsum('ij,bijk,bjk->bik', same, w_same, h)
        z_anti = jnp.einsum('ij,bijk,bjk->bik', anti, w_anti, h)
        z_nuc = jnp.einsum('bijk,jk->bik', w_nuc, Y)
        z = z_same + z_anti + z_nuc
        x = x + (z @ gW[n] + gb[n])
    # orbital: Linear(16,1,bias=False).squeeze(-1), then sum over electrons
    return (x @ oW).sum(axis=-1)


def reference(dists_nuc, dists_elec, W1, b1, W2, b2, hW, hb, gW, gb, X0, Y, oW):
    return _forward(dists_nuc=dists_nuc, dists_elec=dists_elec, W1=W1, b1=b1,
                    W2=W2, b2=b2, hW=hW, hb=hb, gW=gW, gb=gb, X0=X0, Y=Y, oW=oW)

if __name__ == "__main__":
    import jax
    _d = setup_inputs()
    print(jax.jit(kernel)(*tuple(_d.values())))

</pallas_src>

<mosaic_0001>
module attributes {stable_mosaic.version = 14 : i64} {
  func.func @_body_nuc(%arg0: i32, %arg1: memref<4x512x128xf32, #tpu.memory_space<vmem>>, %arg2: memref<1108xf32, #tpu.memory_space<smem>>, %arg3: memref<8x128xf32, #tpu.memory_space<vmem>>, %arg4: memref<2x8x512x8xf32, #tpu.memory_space<vmem>>) attributes {dimension_semantics = [#tpu.dimension_semantics<arbitrary>], iteration_bounds = array<i64: 16>, scalar_prefetch = 0 : i64, scratch_operands = 0 : i64, tpu.core_type = #tpu.core_type<tc>, window_params = [{transform_indices = @transform_0, window_bounds = array<i64: 4, 512, 128>}, {transform_indices = @transform_1, window_bounds = array<i64: 1108>}, {pipeline_mode = #tpu.pipeline_mode<synchronous>, transform_indices = @transform_2, window_bounds = array<i64: 8, 128>}, {transform_indices = @transform_3, window_bounds = array<i64: 2, 8, 512, 8>}]} {
    %get3A = arith.constant 0 : index
    %get3A_0 = arith.constant 0 : index
    %get3A_1 = arith.constant 0 : index
    %get3A_2 = vector.load %arg1[%get3A, %get3A_0, %get3A_1] : memref<4x512x128xf32, #tpu.memory_space<vmem>>, vector<1x512x128xf32>
    %get3A_3 = vector.shape_cast %get3A_2 : vector<1x512x128xf32> to vector<512x128xf32>
    %get3A_4 = arith.constant 1 : index
    %get3A_5 = arith.constant 0 : index
    %get3A_6 = arith.constant 0 : index
    %get3A_7 = vector.load %arg1[%get3A_4, %get3A_5, %get3A_6] : memref<4x512x128xf32, #tpu.memory_space<vmem>>, vector<1x512x128xf32>
    %get3A_8 = vector.shape_cast %get3A_7 : vector<1x512x128xf32> to vector<512x128xf32>
    %get3A_9 = arith.constant 2 : index
    %get3A_10 = arith.constant 0 : index
    %get3A_11 = arith.constant 0 : index
    %get3A_12 = vector.load %arg1[%get3A_9, %get3A_10, %get3A_11] : memref<4x512x128xf32, #tpu.memory_space<vmem>>, vector<1x512x128xf32>
    %get3A_13 = vector.shape_cast %get3A_12 : vector<1x512x128xf32> to vector<512x128xf32>
    %get3A_14 = arith.constant 3 : index
    %get3A_15 = arith.constant 0 : index
    %get3A_16 = arith.constant 0 : index
    %get3A_17 = vector.load %arg1[%get3A_14, %get3A_15, %get3A_16] : memref<4x512x128xf32, #tpu.memory_space<vmem>>, vector<1x512x128xf32>
    %get3A_18 = vector.shape_cast %get3A_17 : vector<1x512x128xf32> to vector<512x128xf32>
    %iota3A = tpu.iota {dimensions = array<i32: 0>} : vector<128x8xi32>
    %iota3A_19 = tpu.iota {dimensions = array<i32: 1>} : vector<128x8xi32>
    %jit3A = arith.constant 16 : i32
    %div3A = vector.broadcast %jit3A : i32 to vector<128x8xi32>
    %div3A_20 = arith.divsi %iota3A, %div3A : vector<128x8xi32>
    %sign3A = arith.constant 0 : i32
    %sign3A_21 = vector.broadcast %sign3A : i32 to vector<128x8xi32>
    %sign3A_22 = arith.cmpi sgt, %iota3A, %sign3A_21 : vector<128x8xi32>
    %sign3A_23 = arith.extui %sign3A_22 : vector<128x8xi1> to vector<128x8xi32>
    %sign3A_24 = arith.constant 0 : i32
    %sign3A_25 = vector.broadcast %sign3A_24 : i32 to vector<128x8xi32>
    %sign3A_26 = arith.cmpi slt, %iota3A, %sign3A_25 : vector<128x8xi32>
    %sign3A_27 = arith.extui %sign3A_26 : vector<128x8xi1> to vector<128x8xi32>
    %sign3A_28 = arith.subi %sign3A_23, %sign3A_27 : vector<128x8xi32>
    %sign3A_29 = arith.constant 0 : i32
    %sign3A_30 = arith.cmpi sgt, %jit3A, %sign3A_29 : i32
    %sign3A_31 = arith.extui %sign3A_30 : i1 to i32
    %sign3A_32 = arith.constant 0 : i32
    %sign3A_33 = arith.cmpi slt, %jit3A, %sign3A_32 : i32
    %sign3A_34 = arith.extui %sign3A_33 : i1 to i32
    %sign3A_35 = arith.subi %sign3A_31, %sign3A_34 : i32
    %ne3A = vector.broadcast %sign3A_35 : i32 to vector<128x8xi32>
    %ne3A_36 = arith.cmpi ne, %sign3A_28, %ne3A : vector<128x8xi32>
    %rem3A = vector.broadcast %jit3A : i32 to vector<128x8xi32>
    %rem3A_37 = arith.remsi %iota3A, %rem3A : vector<128x8xi32>
    %ne3A_38 = arith.constant 0 : i32
    %ne3A_39 = vector.broadcast %ne3A_38 : i32 to vector<128x8xi32>
    %ne3A_40 = arith.cmpi ne, %rem3A_37, %ne3A_39 : vector<128x8xi32>
    %and3A = arith.andi %ne3A_36, %ne3A_40 : vector<128x8xi1>
    %sub3A = arith.constant 1 : i32
    %sub3A_41 = vector.broadcast %sub3A : i32 to vector<128x8xi32>
    %sub3A_42 = arith.subi %div3A_20, %sub3A_41 : vector<128x8xi32>
    %select_n3A = arith.select %and3A, %sub3A_42, %div3A_20 : vector<128x8xi1>, vector<128x8xi32>
    %eq3A = arith.cmpi eq, %select_n3A, %iota3A_19 : vector<128x8xi32>
    %convert_element_type3A = arith.extui %eq3A : vector<128x8xi1> to vector<128x8xi32>
    %convert_element_type3A_43 = arith.sitofp %convert_element_type3A : vector<128x8xi32> to vector<128x8xf32>
    %get3A_44 = arith.constant 48 : index
    %get3A_45 = memref.load %arg2[%get3A_44] : memref<1108xf32, #tpu.memory_space<smem>>
    %mul3A = vector.broadcast %get3A_45 : f32 to vector<512x128xf32>
    %mul3A_46 = arith.mulf %get3A_3, %mul3A : vector<512x128xf32>
    %get3A_47 = arith.constant 54 : index
    %get3A_48 = memref.load %arg2[%get3A_47] : memref<1108xf32, #tpu.memory_space<smem>>
    %mul3A_49 = vector.broadcast %get3A_48 : f32 to vector<512x128xf32>
    %mul3A_50 = arith.mulf %get3A_8, %mul3A_49 : vector<512x128xf32>
    %add3A = arith.addf %mul3A_46, %mul3A_50 : vector<512x128xf32>
    %get3A_51 = arith.constant 60 : index
    %get3A_52 = memref.load %arg2[%get3A_51] : memref<1108xf32, #tpu.memory_space<smem>>
    %mul3A_53 = vector.broadcast %get3A_52 : f32 to vector<512x128xf32>
    %mul3A_54 = arith.mulf %get3A_13, %mul3A_53 : vector<512x128xf32>
    %add3A_55 = arith.addf %add3A, %mul3A_54 : vector<512x128xf32>
    %get3A_56 = arith.constant 66 : index
    %get3A_57 = memref.load %arg2[%get3A_56] : memref<1108xf32, #tpu.memory_space<smem>>
    %mul3A_58 = vector.broadcast %get3A_57 : f32 to vector<512x128xf32>
    %mul3A_59 = arith.mulf %get3A_18, %mul3A_58 : vector<512x128xf32>
    %add3A_60 = arith.addf %add3A_55, %mul3A_59 : vector<512x128xf32>
    %get3A_61 = arith.constant 156 : index
    %get3A_62 = memref.load %arg2[%get3A_61] : memref<1108xf32, #tpu.memory_space<smem>>
    %add3A_63 = vector.broadcast %get3A_62 : f32 to vector<512x128xf32>
    %add3A_64 = arith.addf %add3A_60, %add3A_63 : vector<512x128xf32>
    %exp3A = math.exp %add3A_64 : vector<512x128xf32>
    %mul3A_65 = arith.constant 5.000000e-01 : f32
    %mul3A_66 = vector.broadcast %mul3A_65 : f32 to vector<512x128xf32>
    %mul3A_67 = arith.mulf %mul3A_66, %exp3A : vector<512x128xf32>
    %add3A_68 = arith.constant 5.000000e-01 : f32
    %add3A_69 = vector.broadcast %add3A_68 : f32 to vector<512x128xf32>
    %add3A_70 = arith.addf %add3A_69, %mul3A_67 : vector<512x128xf32>
    %log3A = math.log %add3A_70 : vector<512x128xf32>
    %get3A_71 = arith.constant 49 : index
    %get3A_72 = memref.load %arg2[%get3A_71] : memref<1108xf32, #tpu.memory_space<smem>>
    %mul3A_73 = vector.broadcast %get3A_72 : f32 to vector<512x128xf32>
    %mul3A_74 = arith.mulf %get3A_3, %mul3A_73 : vector<512x128xf32>
    %get3A_75 = arith.constant 55 : index
    %get3A_76 = memref.load %arg2[%get3A_75] : memref<1108xf32, #tpu.memory_space<smem>>
    %mul3A_77 = vector.broadcast %get3A_76 : f32 to vector<512x128xf32>
    %mul3A_78 = arith.mulf %get3A_8, %mul3A_77 : vector<512x128xf32>
    %add3A_79 = arith.addf %mul3A_74, %mul3A_78 : vector<512x128xf32>
    %get3A_80 = arith.constant 61 : index
    %get3A_81 = memref.load %arg2[%get3A_80] : memref<1108xf32, #tpu.memory_space<smem>>
    %mul3A_82 = vector.broadcast %get3A_81 : f32 to vector<512x128xf32>
    %mul3A_83 = arith.mulf %get3A_13, %mul3A_82 : vector<512x128xf32>
    %add3A_84 = arith.addf %add3A_79, %mul3A_83 : vector<512x128xf32>
    %get3A_85 = arith.constant 67 : index
    %get3A_86 = memref.load %arg2[%get3A_85] : memref<1108xf32, #tpu.memory_space<smem>>
    %mul3A_87 = vector.broadcast %get3A_86 : f32 to vector<512x128xf32>
    %mul3A_88 = arith.mulf %get3A_18, %mul3A_87 : vector<512x128xf32>
    %add3A_89 = arith.addf %add3A_84, %mul3A_88 : vector<512x128xf32>
    %get3A_90 = arith.constant 157 : index
    %get3A_91 = memref.load %arg2[%get3A_90] : memref<1108xf32, #tpu.memory_space<smem>>
    %add3A_92 = vector.broadcast %get3A_91 : f32 to vector<512x128xf32>
    %add3A_93 = arith.addf %add3A_89, %add3A_92 : vector<512x128xf32>
    %exp3A_94 = math.exp %add3A_93 : vector<512x128xf32>
    %mul3A_95 = arith.constant 5.000000e-01 : f32
    %mul3A_96 = vector.broadcast %mul3A_95 : f32 to vector<512x128xf32>
    %mul3A_97 = arith.mulf %mul3A_96, %exp3A_94 : vector<512x128xf32>
    %add3A_98 = arith.constant 5.000000e-01 : f32
    %add3A_99 = vector.broadcast %add3A_98 : f32 to vector<512x128xf32>
    %add3A_100 = arith.addf %add3A_99, %mul3A_97 : vector<512x128xf32>
    %log3A_101 = math.log %add3A_100 : vector<512x128xf32>
    %get3A_102 = arith.constant 50 : index
    %get3A_103 = memref.load %arg2[%get3A_102] : memref<1108xf32, #tpu.memory_space<smem>>
    %mul3A_104 = vector.broadcast %get3A_103 : f32 to vector<512x128xf32>
    %mul3A_105 = arith.mulf %get3A_3, %mul3A_104 : vector<512x128xf32>
    %get3A_106 = arith.constant 56 : index
    %get3A_107 = memref.load %arg2[%get3A_106] : memref<1108xf32, #tpu.memory_space<smem>>
    %mul3A_108 = vector.broadcast %get3A_107 : f32 to vector<512x128xf32>
    %mul3A_109 = arith.mulf %get3A_8, %mul3A_108 : vector<512x128xf32>
    %add3A_110 = arith.addf %mul3A_105, %mul3A_109 : vector<512x128xf32>
    %get3A_111 = arith.constant 62 : index
    %get3A_112 = memref.load %arg2[%get3A_111] : memref<1108xf32, #tpu.memory_space<smem>>
    %mul3A_113 = vector.broadcast %get3A_112 : f32 to vector<512x128xf32>
    %mul3A_114 = arith.mulf %get3A_13, %mul3A_113 : vector<512x128xf32>
    %add3A_115 = arith.addf %add3A_110, %mul3A_114 : vector<512x128xf32>
    %get3A_116 = arith.constant 68 : index
    %get3A_117 = memref.load %arg2[%get3A_116] : memref<1108xf32, #tpu.memory_space<smem>>
    %mul3A_118 = vector.broadcast %get3A_117 : f32 to vector<512x128xf32>
    %mul3A_119 = arith.mulf %get3A_18, %mul3A_118 : vector<512x128xf32>
    %add3A_120 = arith.addf %add3A_115, %mul3A_119 : vector<512x128xf32>
    %get3A_121 = arith.constant 158 : index
    %get3A_122 = memref.load %arg2[%get3A_121] : memref<1108xf32, #tpu.memory_space<smem>>
    %add3A_123 = vector.broadcast %get3A_122 : f32 to vector<512x128xf32>
    %add3A_124 = arith.addf %add3A_120, %add3A_123 : vector<512x128xf32>
    %exp3A_125 = math.exp %add3A_124 : vector<512x128xf32>
    %mul3A_126 = arith.constant 5.000000e-01 : f32
    %mul3A_127 = vector.broadcast %mul3A_126 : f32 to vector<512x128xf32>
    %mul3A_128 = arith.mulf %mul3A_127, %exp3A_125 : vector<512x128xf32>
    %add3A_129 = arith.constant 5.000000e-01 : f32
    %add3A_130 = vector.broadcast %add3A_129 : f32 to vector<512x128xf32>
    %add3A_131 = arith.addf %add3A_130, %mul3A_128 : vector<512x128xf32>
    %log3A_132 = math.log %add3A_131 : vector<512x128xf32>
    %get3A_133 = arith.constant 51 : index
    %get3A_134 = memref.load %arg2[%get3A_133] : memref<1108xf32, #tpu.memory_space<smem>>
    %mul3A_135 = vector.broadcast %get3A_134 : f32 to vector<512x128xf32>
    %mul3A_136 = arith.mulf %get3A_3, %mul3A_135 : vector<512x128xf32>
    %get3A_137 = arith.constant 57 : index
    %get3A_138 = memref.load %arg2[%get3A_137] : memref<1108xf32, #tpu.memory_space<smem>>
    %mul3A_139 = vector.broadcast %get3A_138 : f32 to vector<512x128xf32>
    %mul3A_140 = arith.mulf %get3A_8, %mul3A_139 : vector<512x128xf32>
    %add3A_141 = arith.addf %mul3A_136, %mul3A_140 : vector<512x128xf32>
    %get3A_142 = arith.constant 63 : index
    %get3A_143 = memref.load %arg2[%get3A_142] : memref<1108xf32, #tpu.memory_space<smem>>
    %mul3A_144 = vector.broadcast %get3A_143 : f32 to vector<512x128xf32>
    %mul3A_145 = arith.mulf %get3A_13, %mul3A_144 : vector<512x128xf32>
    %add3A_146 = arith.addf %add3A_141, %mul3A_145 : vector<512x128xf32>
    %get3A_147 = arith.constant 69 : index
    %get3A_148 = memref.load %arg2[%get3A_147] : memref<1108xf32, #tpu.memory_space<smem>>
    %mul3A_149 = vector.broadcast %get3A_148 : f32 to vector<512x128xf32>
    %mul3A_150 = arith.mulf %get3A_18, %mul3A_149 : vector<512x128xf32>
    %add3A_151 = arith.addf %add3A_146, %mul3A_150 : vector<512x128xf32>
    %get3A_152 = arith.constant 159 : index
    %get3A_153 = memref.load %arg2[%get3A_152] : memref<1108xf32, #tpu.memory_space<smem>>
    %add3A_154 = vector.broadcast %get3A_153 : f32 to vector<512x128xf32>
    %add3A_155 = arith.addf %add3A_151, %add3A_154 : vector<512x128xf32>
    %exp3A_156 = math.exp %add3A_155 : vector<512x128xf32>
    %mul3A_157 = arith.constant 5.000000e-01 : f32
    %mul3A_158 = vector.broadcast %mul3A_157 : f32 to vector<512x128xf32>
    %mul3A_159 = arith.mulf %mul3A_158, %exp3A_156 : vector<512x128xf32>
    %add3A_160 = arith.constant 5.000000e-01 : f32
    %add3A_161 = vector.broadcast %add3A_160 : f32 to vector<512x128xf32>
    %add3A_162 = arith.addf %add3A_161, %mul3A_159 : vector<512x128xf32>
    %log3A_163 = math.log %add3A_162 : vector<512x128xf32>
    %get3A_164 = arith.constant 52 : index
    %get3A_165 = memref.load %arg2[%get3A_164] : memref<1108xf32, #tpu.memory_space<smem>>
    %mul3A_166 = vector.broadcast %get3A_165 : f32 to vector<512x128xf32>
    %mul3A_167 = arith.mulf %get3A_3, %mul3A_166 : vector<512x128xf32>
    %get3A_168 = arith.constant 58 : index
    %get3A_169 = memref.load %arg2[%get3A_168] : memref<1108xf32, #tpu.memory_space<smem>>
    %mul3A_170 = vector.broadcast %get3A_169 : f32 to vector<512x128xf32>
    %mul3A_171 = arith.mulf %get3A_8, %mul3A_170 : vector<512x128xf32>
    %add3A_172 = arith.addf %mul3A_167, %mul3A_171 : vector<512x128xf32>
    %get3A_173 = arith.constant 64 : index
    %get3A_174 = memref.load %arg2[%get3A_173] : memref<1108xf32, #tpu.memory_space<smem>>
    %mul3A_175 = vector.broadcast %get3A_174 : f32 to vector<512x128xf32>
    %mul3A_176 = arith.mulf %get3A_13, %mul3A_175 : vector<512x128xf32>
    %add3A_177 = arith.addf %add3A_172, %mul3A_176 : vector<512x128xf32>
    %get3A_178 = arith.constant 70 : index
    %get3A_179 = memref.load %arg2[%get3A_178] : memref<1108xf32, #tpu.memory_space<smem>>
    %mul3A_180 = vector.broadcast %get3A_179 : f32 to vector<512x128xf32>
    %mul3A_181 = arith.mulf %get3A_18, %mul3A_180 : vector<512x128xf32>
    %add3A_182 = arith.addf %add3A_177, %mul3A_181 : vector<512x128xf32>
    %get3A_183 = arith.constant 160 : index
    %get3A_184 = memref.load %arg2[%get3A_183] : memref<1108xf32, #tpu.memory_space<smem>>
    %add3A_185 = vector.broadcast %get3A_184 : f32 to vector<512x128xf32>
    %add3A_186 = arith.addf %add3A_182, %add3A_185 : vector<512x128xf32>
    %exp3A_187 = math.exp %add3A_186 : vector<512x128xf32>
    %mul3A_188 = arith.constant 5.000000e-01 : f32
    %mul3A_189 = vector.broadcast %mul3A_188 : f32 to vector<512x128xf32>
    %mul3A_190 = arith.mulf %mul3A_189, %exp3A_187 : vector<512x128xf32>
    %add3A_191 = arith.constant 5.000000e-01 : f32
    %add3A_192 = vector.broadcast %add3A_191 : f32 to vector<512x128xf32>
    %add3A_193 = arith.addf %add3A_192, %mul3A_190 : vector<512x128xf32>
    %log3A_194 = math.log %add3A_193 : vector<512x128xf32>
    %get3A_195 = arith.constant 53 : index
    %get3A_196 = memref.load %arg2[%get3A_195] : memref<1108xf32, #tpu.memory_space<smem>>
    %mul3A_197 = vector.broadcast %get3A_196 : f32 to vector<512x128xf32>
    %mul3A_198 = arith.mulf %get3A_3, %mul3A_197 : vector<512x128xf32>
    %get3A_199 = arith.constant 59 : index
    %get3A_200 = memref.load %arg2[%get3A_199] : memref<1108xf32, #tpu.memory_space<smem>>
    %mul3A_201 = vector.broadcast %get3A_200 : f32 to vector<512x128xf32>
    %mul3A_202 = arith.mulf %get3A_8, %mul3A_201 : vector<512x128xf32>
    %add3A_203 = arith.addf %mul3A_198, %mul3A_202 : vector<512x128xf32>
    %get3A_204 = arith.constant 65 : index
    %get3A_205 = memref.load %arg2[%get3A_204] : memref<1108xf32, #tpu.memory_space<smem>>
    %mul3A_206 = vector.broadcast %get3A_205 : f32 to vector<512x128xf32>
    %mul3A_207 = arith.mulf %get3A_13, %mul3A_206 : vector<512x128xf32>
    %add3A_208 = arith.addf %add3A_203, %mul3A_207 : vector<512x128xf32>
    %get3A_209 = arith.constant 71 : index
    %get3A_210 = memref.load %arg2[%get3A_209] : memref<1108xf32, #tpu.memory_space<smem>>
    %mul3A_211 = vector.broadcast %get3A_210 : f32 to vector<512x128xf32>
    %mul3A_212 = arith.mulf %get3A_18, %mul3A_211 : vector<512x128xf32>
    %add3A_213 = arith.addf %add3A_208, %mul3A_212 : vector<512x128xf32>
    %get3A_214 = arith.constant 161 : index
    %get3A_215 = memref.load %arg2[%get3A_214] : memref<1108xf32, #tpu.memory_space<smem>>
    %add3A_216 = vector.broadcast %get3A_215 : f32 to vector<512x128xf32>
    %add3A_217 = arith.addf %add3A_213, %add3A_216 : vector<512x128xf32>
    %exp3A_218 = math.exp %add3A_217 : vector<512x128xf32>
    %mul3A_219 = arith.constant 5.000000e-01 : f32
    %mul3A_220 = vector.broadcast %mul3A_219 : f32 to vector<512x128xf32>
    %mul3A_221 = arith.mulf %mul3A_220, %exp3A_218 : vector<512x128xf32>
    %add3A_222 = arith.constant 5.000000e-01 : f32
    %add3A_223 = vector.broadcast %add3A_222 : f32 to vector<512x128xf32>
    %add3A_224 = arith.addf %add3A_223, %mul3A_221 : vector<512x128xf32>
    %log3A_225 = math.log %add3A_224 : vector<512x128xf32>
    %get3A_226 = arith.constant 276 : index
    %get3A_227 = memref.load %arg2[%get3A_226] : memref<1108xf32, #tpu.memory_space<smem>>
    %mul3A_228 = vector.broadcast %get3A_227 : f32 to vector<512x128xf32>
    %mul3A_229 = arith.mulf %log3A, %mul3A_228 : vector<512x128xf32>
    %get3A_230 = arith.constant 284 : index
    %get3A_231 = memref.load %arg2[%get3A_230] : memref<1108xf32, #tpu.memory_space<smem>>
    %mul3A_232 = vector.broadcast %get3A_231 : f32 to vector<512x128xf32>
    %mul3A_233 = arith.mulf %log3A_101, %mul3A_232 : vector<512x128xf32>
    %add3A_234 = arith.addf %mul3A_229, %mul3A_233 : vector<512x128xf32>
    %get3A_235 = arith.constant 292 : index
    %get3A_236 = memref.load %arg2[%get3A_235] : memref<1108xf32, #tpu.memory_space<smem>>
    %mul3A_237 = vector.broadcast %get3A_236 : f32 to vector<512x128xf32>
    %mul3A_238 = arith.mulf %log3A_132, %mul3A_237 : vector<512x128xf32>
    %add3A_239 = arith.addf %add3A_234, %mul3A_238 : vector<512x128xf32>
    %get3A_240 = arith.constant 300 : index
    %get3A_241 = memref.load %arg2[%get3A_240] : memref<1108xf32, #tpu.memory_space<smem>>
    %mul3A_242 = vector.broadcast %get3A_241 : f32 to vector<512x128xf32>
    %mul3A_243 = arith.mulf %log3A_163, %mul3A_242 : vector<512x128xf32>
    %add3A_244 = arith.addf %add3A_239, %mul3A_243 : vector<512x128xf32>
    %get3A_245 = arith.constant 308 : index
    %get3A_246 = memref.load %arg2[%get3A_245] : memref<1108xf32, #tpu.memory_space<smem>>
    %mul3A_247 = vector.broadcast %get3A_246 : f32 to vector<512x128xf32>
    %mul3A_248 = arith.mulf %log3A_194, %mul3A_247 : vector<512x128xf32>
    %add3A_249 = arith.addf %add3A_244, %mul3A_248 : vector<512x128xf32>
    %get3A_250 = arith.constant 316 : index
    %get3A_251 = memref.load %arg2[%get3A_250] : memref<1108xf32, #tpu.memory_space<smem>>
    %mul3A_252 = vector.broadcast %get3A_251 : f32 to vector<512x128xf32>
    %mul3A_253 = arith.mulf %log3A_225, %mul3A_252 : vector<512x128xf32>
    %add3A_254 = arith.addf %add3A_249, %mul3A_253 : vector<512x128xf32>
    %get3A_255 = arith.constant 484 : index
    %get3A_256 = memref.load %arg2[%get3A_255] : memref<1108xf32, #tpu.memory_space<smem>>
    %add3A_257 = vector.broadcast %get3A_256 : f32 to vector<512x128xf32>
    %add3A_258 = arith.addf %add3A_254, %add3A_257 : vector<512x128xf32>
    %exp3A_259 = math.exp %add3A_258 : vector<512x128xf32>
    %mul3A_260 = arith.constant 5.000000e-01 : f32
    %mul3A_261 = vector.broadcast %mul3A_260 : f32 to vector<512x128xf32>
    %mul3A_262 = arith.mulf %mul3A_261, %exp3A_259 : vector<512x128xf32>
    %add3A_263 = arith.constant 5.000000e-01 : f32
    %add3A_264 = vector.broadcast %add3A_263 : f32 to vector<512x128xf32>
    %add3A_265 = arith.addf %add3A_264, %mul3A_262 : vector<512x128xf32>
    %log3A_266 = math.log %add3A_265 : vector<512x128xf32>
    %get3A_267 = arith.constant 277 : index
    %get3A_268 = memref.load %arg2[%get3A_267] : memref<1108xf32, #tpu.memory_space<smem>>
    %mul3A_269 = vector.broadcast %get3A_268 : f32 to vector<512x128xf32>
    %mul3A_270 = arith.mulf %log3A, %mul3A_269 : vector<512x128xf32>
    %get3A_271 = arith.constant 285 : index
    %get3A_272 = memref.load %arg2[%get3A_271] : memref<1108xf32, #tpu.memory_space<smem>>
    %mul3A_273 = vector.broadcast %get3A_272 : f32 to vector<512x128xf32>
    %mul3A_274 = arith.mulf %log3A_101, %mul3A_273 : vector<512x128xf32>
    %add3A_275 = arith.addf %mul3A_270, %mul3A_274 : vector<512x128xf32>
    %get3A_276 = arith.constant 293 : index
    %get3A_277 = memref.load %arg2[%get3A_276] : memref<1108xf32, #tpu.memory_space<smem>>
    %mul3A_278 = vector.broadcast %get3A_277 : f32 to vector<512x128xf32>
    %mul3A_279 = arith.mulf %log3A_132, %mul3A_278 : vector<512x128xf32>
    %add3A_280 = arith.addf %add3A_275, %mul3A_279 : vector<512x128xf32>
    %get3A_281 = arith.constant 301 : index
    %get3A_282 = memref.load %arg2[%get3A_281] : memref<1108xf32, #tpu.memory_space<smem>>
    %mul3A_283 = vector.broadcast %get3A_282 : f32 to vector<512x128xf32>
    %mul3A_284 = arith.mulf %log3A_163, %mul3A_283 : vector<512x128xf32>
    %add3A_285 = arith.addf %add3A_280, %mul3A_284 : vector<512x128xf32>
    %get3A_286 = arith.constant 309 : index
    %get3A_287 = memref.load %arg2[%get3A_286] : memref<1108xf32, #tpu.memory_space<smem>>
    %mul3A_288 = vector.broadcast %get3A_287 : f32 to vector<512x128xf32>
    %mul3A_289 = arith.mulf %log3A_194, %mul3A_288 : vector<512x128xf32>
    %add3A_290 = arith.addf %add3A_285, %mul3A_289 : vector<512x128xf32>
    %get3A_291 = arith.constant 317 : index
    %get3A_292 = memref.load %arg2[%get3A_291] : memref<1108xf32, #tpu.memory_space<smem>>
    %mul3A_293 = vector.broadcast %get3A_292 : f32 to vector<512x128xf32>
    %mul3A_294 = arith.mulf %log3A_225, %mul3A_293 : vector<512x128xf32>
    %add3A_295 = arith.addf %add3A_290, %mul3A_294 : vector<512x128xf32>
    %get3A_296 = arith.constant 485 : index
    %get3A_297 = memref.load %arg2[%get3A_296] : memref<1108xf32, #tpu.memory_space<smem>>
    %add3A_298 = vector.broadcast %get3A_297 : f32 to vector<512x128xf32>
    %add3A_299 = arith.addf %add3A_295, %add3A_298 : vector<512x128xf32>
    %exp3A_300 = math.exp %add3A_299 : vector<512x128xf32>
    %mul3A_301 = arith.constant 5.000000e-01 : f32
    %mul3A_302 = vector.broadcast %mul3A_301 : f32 to vector<512x128xf32>
    %mul3A_303 = arith.mulf %mul3A_302, %exp3A_300 : vector<512x128xf32>
    %add3A_304 = arith.constant 5.000000e-01 : f32
    %add3A_305 = vector.broadcast %add3A_304 : f32 to vector<512x128xf32>
    %add3A_306 = arith.addf %add3A_305, %mul3A_303 : vector<512x128xf32>
    %log3A_307 = math.log %add3A_306 : vector<512x128xf32>
    %get3A_308 = arith.constant 278 : index
    %get3A_309 = memref.load %arg2[%get3A_308] : memref<1108xf32, #tpu.memory_space<smem>>
    %mul3A_310 = vector.broadcast %get3A_309 : f32 to vector<512x128xf32>
    %mul3A_311 = arith.mulf %log3A, %mul3A_310 : vector<512x128xf32>
    %get3A_312 = arith.constant 286 : index
    %get3A_313 = memref.load %arg2[%get3A_312] : memref<1108xf32, #tpu.memory_space<smem>>
    %mul3A_314 = vector.broadcast %get3A_313 : f32 to vector<512x128xf32>
    %mul3A_315 = arith.mulf %log3A_101, %mul3A_314 : vector<512x128xf32>
    %add3A_316 = arith.addf %mul3A_311, %mul3A_315 : vector<512x128xf32>
    %get3A_317 = arith.constant 294 : index
    %get3A_318 = memref.load %arg2[%get3A_317] : memref<1108xf32, #tpu.memory_space<smem>>
    %mul3A_319 = vector.broadcast %get3A_318 : f32 to vector<512x128xf32>
    %mul3A_320 = arith.mulf %log3A_132, %mul3A_319 : vector<512x128xf32>
    %add3A_321 = arith.addf %add3A_316, %mul3A_320 : vector<512x128xf32>
    %get3A_322 = arith.constant 302 : index
    %get3A_323 = memref.load %arg2[%get3A_322] : memref<1108xf32, #tpu.memory_space<smem>>
    %mul3A_324 = vector.broadcast %get3A_323 : f32 to vector<512x128xf32>
    %mul3A_325 = arith.mulf %log3A_163, %mul3A_324 : vector<512x128xf32>
    %add3A_326 = arith.addf %add3A_321, %mul3A_325 : vector<512x128xf32>
    %get3A_327 = arith.constant 310 : index
    %get3A_328 = memref.load %arg2[%get3A_327] : memref<1108xf32, #tpu.memory_space<smem>>
    %mul3A_329 = vector.broadcast %get3A_328 : f32 to vector<512x128xf32>
    %mul3A_330 = arith.mulf %log3A_194, %mul3A_329 : vector<512x128xf32>
    %add3A_331 = arith.addf %add3A_326, %mul3A_330 : vector<512x128xf32>
    %get3A_332 = arith.constant 318 : index
    %get3A_333 = memref.load %arg2[%get3A_332] : memref<1108xf32, #tpu.memory_space<smem>>
    %mul3A_334 = vector.broadcast %get3A_333 : f32 to vector<512x128xf32>
    %mul3A_335 = arith.mulf %log3A_225, %mul3A_334 : vector<512x128xf32>
    %add3A_336 = arith.addf %add3A_331, %mul3A_335 : vector<512x128xf32>
    %get3A_337 = arith.constant 486 : index
    %get3A_338 = memref.load %arg2[%get3A_337] : memref<1108xf32, #tpu.memory_space<smem>>
    %add3A_339 = vector.broadcast %get3A_338 : f32 to vector<512x128xf32>
    %add3A_340 = arith.addf %add3A_336, %add3A_339 : vector<512x128xf32>
    %exp3A_341 = math.exp %add3A_340 : vector<512x128xf32>
    %mul3A_342 = arith.constant 5.000000e-01 : f32
    %mul3A_343 = vector.broadcast %mul3A_342 : f32 to vector<512x128xf32>
    %mul3A_344 = arith.mulf %mul3A_343, %exp3A_341 : vector<512x128xf32>
    %add3A_345 = arith.constant 5.000000e-01 : f32
    %add3A_346 = vector.broadcast %add3A_345 : f32 to vector<512x128xf32>
    %add3A_347 = arith.addf %add3A_346, %mul3A_344 : vector<512x128xf32>
    %log3A_348 = math.log %add3A_347 : vector<512x128xf32>
    %get3A_349 = arith.constant 279 : index
    %get3A_350 = memref.load %arg2[%get3A_349] : memref<1108xf32, #tpu.memory_space<smem>>
    %mul3A_351 = vector.broadcast %get3A_350 : f32 to vector<512x128xf32>
    %mul3A_352 = arith.mulf %log3A, %mul3A_351 : vector<512x128xf32>
    %get3A_353 = arith.constant 287 : index
    %get3A_354 = memref.load %arg2[%get3A_353] : memref<1108xf32, #tpu.memory_space<smem>>
    %mul3A_355 = vector.broadcast %get3A_354 : f32 to vector<512x128xf32>
    %mul3A_356 = arith.mulf %log3A_101, %mul3A_355 : vector<512x128xf32>
    %add3A_357 = arith.addf %mul3A_352, %mul3A_356 : vector<512x128xf32>
    %get3A_358 = arith.constant 295 : index
    %get3A_359 = memref.load %arg2[%get3A_358] : memref<1108xf32, #tpu.memory_space<smem>>
    %mul3A_360 = vector.broadcast %get3A_359 : f32 to vector<512x128xf32>
    %mul3A_361 = arith.mulf %log3A_132, %mul3A_360 : vector<512x128xf32>
    %add3A_362 = arith.addf %add3A_357, %mul3A_361 : vector<512x128xf32>
    %get3A_363 = arith.constant 303 : index
    %get3A_364 = memref.load %arg2[%get3A_363] : memref<1108xf32, #tpu.memory_space<smem>>
    %mul3A_365 = vector.broadcast %get3A_364 : f32 to vector<512x128xf32>
    %mul3A_366 = arith.mulf %log3A_163, %mul3A_365 : vector<512x128xf32>
    %add3A_367 = arith.addf %add3A_362, %mul3A_366 : vector<512x128xf32>
    %get3A_368 = arith.constant 311 : index
    %get3A_369 = memref.load %arg2[%get3A_368] : memref<1108xf32, #tpu.memory_space<smem>>
    %mul3A_370 = vector.broadcast %get3A_369 : f32 to vector<512x128xf32>
    %mul3A_371 = arith.mulf %log3A_194, %mul3A_370 : vector<512x128xf32>
    %add3A_372 = arith.addf %add3A_367, %mul3A_371 : vector<512x128xf32>
    %get3A_373 = arith.constant 319 : index
    %get3A_374 = memref.load %arg2[%get3A_373] : memref<1108xf32, #tpu.memory_space<smem>>
    %mul3A_375 = vector.broadcast %get3A_374 : f32 to vector<512x128xf32>
    %mul3A_376 = arith.mulf %log3A_225, %mul3A_375 : vector<512x128xf32>
    %add3A_377 = arith.addf %add3A_372, %mul3A_376 : vector<512x128xf32>
    %get3A_378 = arith.constant 487 : index
    %get3A_379 = memref.load %arg2[%get3A_378] : memref<1108xf32, #tpu.memory_space<smem>>
    %add3A_380 = vector.broadcast %get3A_379 : f32 to vector<512x128xf32>
    %add3A_381 = arith.addf %add3A_377, %add3A_380 : vector<512x128xf32>
    %exp3A_382 = math.exp %add3A_381 : vector<512x128xf32>
    %mul3A_383 = arith.constant 5.000000e-01 : f32
    %mul3A_384 = vector.broadcast %mul3A_383 : f32 to vector<512x128xf32>
    %mul3A_385 = arith.mulf %mul3A_384, %exp3A_382 : vector<512x128xf32>
    %add3A_386 = arith.constant 5.000000e-01 : f32
    %add3A_387 = vector.broadcast %add3A_386 : f32 to vector<512x128xf32>
    %add3A_388 = arith.addf %add3A_387, %mul3A_385 : vector<512x128xf32>
    %log3A_389 = math.log %add3A_388 : vector<512x128xf32>
    %get3A_390 = arith.constant 280 : index
    %get3A_391 = memref.load %arg2[%get3A_390] : memref<1108xf32, #tpu.memory_space<smem>>
    %mul3A_392 = vector.broadcast %get3A_391 : f32 to vector<512x128xf32>
    %mul3A_393 = arith.mulf %log3A, %mul3A_392 : vector<512x128xf32>
    %get3A_394 = arith.constant 288 : index
    %get3A_395 = memref.load %arg2[%get3A_394] : memref<1108xf32, #tpu.memory_space<smem>>
    %mul3A_396 = vector.broadcast %get3A_395 : f32 to vector<512x128xf32>
    %mul3A_397 = arith.mulf %log3A_101, %mul3A_396 : vector<512x128xf32>
    %add3A_398 = arith.addf %mul3A_393, %mul3A_397 : vector<512x128xf32>
    %get3A_399 = arith.constant 296 : index
    %get3A_400 = memref.load %arg2[%get3A_399] : memref<1108xf32, #tpu.memory_space<smem>>
    %mul3A_401 = vector.broadcast %get3A_400 : f32 to vector<512x128xf32>
    %mul3A_402 = arith.mulf %log3A_132, %mul3A_401 : vector<512x128xf32>
    %add3A_403 = arith.addf %add3A_398, %mul3A_402 : vector<512x128xf32>
    %get3A_404 = arith.constant 304 : index
    %get3A_405 = memref.load %arg2[%get3A_404] : memref<1108xf32, #tpu.memory_space<smem>>
    %mul3A_406 = vector.broadcast %get3A_405 : f32 to vector<512x128xf32>
    %mul3A_407 = arith.mulf %log3A_163, %mul3A_406 : vector<512x128xf32>
    %add3A_408 = arith.addf %add3A_403, %mul3A_407 : vector<512x128xf32>
    %get3A_409 = arith.constant 312 : index
    %get3A_410 = memref.load %arg2[%get3A_409] : memref<1108xf32, #tpu.memory_space<smem>>
    %mul3A_411 = vector.broadcast %get3A_410 : f32 to vector<512x128xf32>
    %mul3A_412 = arith.mulf %log3A_194, %mul3A_411 : vector<512x128xf32>
    %add3A_413 = arith.addf %add3A_408, %mul3A_412 : vector<512x128xf32>
    %get3A_414 = arith.constant 320 : index
    %get3A_415 = memref.load %arg2[%get3A_414] : memref<1108xf32, #tpu.memory_space<smem>>
    %mul3A_416 = vector.broadcast %get3A_415 : f32 to vector<512x128xf32>
    %mul3A_417 = arith.mulf %log3A_225, %mul3A_416 : vector<512x128xf32>
    %add3A_418 = arith.addf %add3A_413, %mul3A_417 : vector<512x128xf32>
    %get3A_419 = arith.constant 488 : index
    %get3A_420 = memref.load %arg2[%get3A_419] : memref<1108xf32, #tpu.memory_space<smem>>
    %add3A_421 = vector.broadcast %get3A_420 : f32 to vector<512x128xf32>
    %add3A_422 = arith.addf %add3A_418, %add3A_421 : vector<512x128xf32>
    %exp3A_423 = math.exp %add3A_422 : vector<512x128xf32>
    %mul3A_424 = arith.constant 5.000000e-01 : f32
    %mul3A_425 = vector.broadcast %mul3A_424 : f32 to vector<512x128xf32>
    %mul3A_426 = arith.mulf %mul3A_425, %exp3A_423 : vector<512x128xf32>
    %add3A_427 = arith.constant 5.000000e-01 : f32
    %add3A_428 = vector.broadcast %add3A_427 : f32 to vector<512x128xf32>
    %add3A_429 = arith.addf %add3A_428, %mul3A_426 : vector<512x128xf32>
    %log3A_430 = math.log %add3A_429 : vector<512x128xf32>
    %get3A_431 = arith.constant 281 : index
    %get3A_432 = memref.load %arg2[%get3A_431] : memref<1108xf32, #tpu.memory_space<smem>>
    %mul3A_433 = vector.broadcast %get3A_432 : f32 to vector<512x128xf32>
    %mul3A_434 = arith.mulf %log3A, %mul3A_433 : vector<512x128xf32>
    %get3A_435 = arith.constant 289 : index
    %get3A_436 = memref.load %arg2[%get3A_435] : memref<1108xf32, #tpu.memory_space<smem>>
    %mul3A_437 = vector.broadcast %get3A_436 : f32 to vector<512x128xf32>
    %mul3A_438 = arith.mulf %log3A_101, %mul3A_437 : vector<512x128xf32>
    %add3A_439 = arith.addf %mul3A_434, %mul3A_438 : vector<512x128xf32>
    %get3A_440 = arith.constant 297 : index
    %get3A_441 = memref.load %arg2[%get3A_440] : memref<1108xf32, #tpu.memory_space<smem>>
    %mul3A_442 = vector.broadcast %get3A_441 : f32 to vector<512x128xf32>
    %mul3A_443 = arith.mulf %log3A_132, %mul3A_442 : vector<512x128xf32>
    %add3A_444 = arith.addf %add3A_439, %mul3A_443 : vector<512x128xf32>
    %get3A_445 = arith.constant 305 : index
    %get3A_446 = memref.load %arg2[%get3A_445] : memref<1108xf32, #tpu.memory_space<smem>>
    %mul3A_447 = vector.broadcast %get3A_446 : f32 to vector<512x128xf32>
    %mul3A_448 = arith.mulf %log3A_163, %mul3A_447 : vector<512x128xf32>
    %add3A_449 = arith.addf %add3A_444, %mul3A_448 : vector<512x128xf32>
    %get3A_450 = arith.constant 313 : index
    %get3A_451 = memref.load %arg2[%get3A_450] : memref<1108xf32, #tpu.memory_space<smem>>
    %mul3A_452 = vector.broadcast %get3A_451 : f32 to vector<512x128xf32>
    %mul3A_453 = arith.mulf %log3A_194, %mul3A_452 : vector<512x128xf32>
    %add3A_454 = arith.addf %add3A_449, %mul3A_453 : vector<512x128xf32>
    %get3A_455 = arith.constant 321 : index
    %get3A_456 = memref.load %arg2[%get3A_455] : memref<1108xf32, #tpu.memory_space<smem>>
    %mul3A_457 = vector.broadcast %get3A_456 : f32 to vector<512x128xf32>
    %mul3A_458 = arith.mulf %log3A_225, %mul3A_457 : vector<512x128xf32>
    %add3A_459 = arith.addf %add3A_454, %mul3A_458 : vector<512x128xf32>
    %get3A_460 = arith.constant 489 : index
    %get3A_461 = memref.load %arg2[%get3A_460] : memref<1108xf32, #tpu.memory_space<smem>>
    %add3A_462 = vector.broadcast %get3A_461 : f32 to vector<512x128xf32>
    %add3A_463 = arith.addf %add3A_459, %add3A_462 : vector<512x128xf32>
    %exp3A_464 = math.exp %add3A_463 : vector<512x128xf32>
    %mul3A_465 = arith.constant 5.000000e-01 : f32
    %mul3A_466 = vector.broadcast %mul3A_465 : f32 to vector<512x128xf32>
    %mul3A_467 = arith.mulf %mul3A_466, %exp3A_464 : vector<512x128xf32>
    %add3A_468 = arith.constant 5.000000e-01 : f32
    %add3A_469 = vector.broadcast %add3A_468 : f32 to vector<512x128xf32>
    %add3A_470 = arith.addf %add3A_469, %mul3A_467 : vector<512x128xf32>
    %log3A_471 = math.log %add3A_470 : vector<512x128xf32>
    %get3A_472 = arith.constant 282 : index
    %get3A_473 = memref.load %arg2[%get3A_472] : memref<1108xf32, #tpu.memory_space<smem>>
    %mul3A_474 = vector.broadcast %get3A_473 : f32 to vector<512x128xf32>
    %mul3A_475 = arith.mulf %log3A, %mul3A_474 : vector<512x128xf32>
    %get3A_476 = arith.constant 290 : index
    %get3A_477 = memref.load %arg2[%get3A_476] : memref<1108xf32, #tpu.memory_space<smem>>
    %mul3A_478 = vector.broadcast %get3A_477 : f32 to vector<512x128xf32>
    %mul3A_479 = arith.mulf %log3A_101, %mul3A_478 : vector<512x128xf32>
    %add3A_480 = arith.addf %mul3A_475, %mul3A_479 : vector<512x128xf32>
    %get3A_481 = arith.constant 298 : index
    %get3A_482 = memref.load %arg2[%get3A_481] : memref<1108xf32, #tpu.memory_space<smem>>
    %mul3A_483 = vector.broadcast %get3A_482 : f32 to vector<512x128xf32>
    %mul3A_484 = arith.mulf %log3A_132, %mul3A_483 : vector<512x128xf32>
    %add3A_485 = arith.addf %add3A_480, %mul3A_484 : vector<512x128xf32>
    %get3A_486 = arith.constant 306 : index
    %get3A_487 = memref.load %arg2[%get3A_486] : memref<1108xf32, #tpu.memory_space<smem>>
    %mul3A_488 = vector.broadcast %get3A_487 : f32 to vector<512x128xf32>
    %mul3A_489 = arith.mulf %log3A_163, %mul3A_488 : vector<512x128xf32>
    %add3A_490 = arith.addf %add3A_485, %mul3A_489 : vector<512x128xf32>
    %get3A_491 = arith.constant 314 : index
    %get3A_492 = memref.load %arg2[%get3A_491] : memref<1108xf32, #tpu.memory_space<smem>>
    %mul3A_493 = vector.broadcast %get3A_492 : f32 to vector<512x128xf32>
    %mul3A_494 = arith.mulf %log3A_194, %mul3A_493 : vector<512x128xf32>
    %add3A_495 = arith.addf %add3A_490, %mul3A_494 : vector<512x128xf32>
    %get3A_496 = arith.constant 322 : index
    %get3A_497 = memref.load %arg2[%get3A_496] : memref<1108xf32, #tpu.memory_space<smem>>
    %mul3A_498 = vector.broadcast %get3A_497 : f32 to vector<512x128xf32>
    %mul3A_499 = arith.mulf %log3A_225, %mul3A_498 : vector<512x128xf32>
    %add3A_500 = arith.addf %add3A_495, %mul3A_499 : vector<512x128xf32>
    %get3A_501 = arith.constant 490 : index
    %get3A_502 = memref.load %arg2[%get3A_501] : memref<1108xf32, #tpu.memory_space<smem>>
    %add3A_503 = vector.broadcast %get3A_502 : f32 to vector<512x128xf32>
    %add3A_504 = arith.addf %add3A_500, %add3A_503 : vector<512x128xf32>
    %exp3A_505 = math.exp %add3A_504 : vector<512x128xf32>
    %mul3A_506 = arith.constant 5.000000e-01 : f32
    %mul3A_507 = vector.broadcast %mul3A_506 : f32 to vector<512x128xf32>
    %mul3A_508 = arith.mulf %mul3A_507, %exp3A_505 : vector<512x128xf32>
    %add3A_509 = arith.constant 5.000000e-01 : f32
    %add3A_510 = vector.broadcast %add3A_509 : f32 to vector<512x128xf32>
    %add3A_511 = arith.addf %add3A_510, %mul3A_508 : vector<512x128xf32>
    %log3A_512 = math.log %add3A_511 : vector<512x128xf32>
    %get3A_513 = arith.constant 283 : index
    %get3A_514 = memref.load %arg2[%get3A_513] : memref<1108xf32, #tpu.memory_space<smem>>
    %mul3A_515 = vector.broadcast %get3A_514 : f32 to vector<512x128xf32>
    %mul3A_516 = arith.mulf %log3A, %mul3A_515 : vector<512x128xf32>
    %get3A_517 = arith.constant 291 : index
    %get3A_518 = memref.load %arg2[%get3A_517] : memref<1108xf32, #tpu.memory_space<smem>>
    %mul3A_519 = vector.broadcast %get3A_518 : f32 to vector<512x128xf32>
    %mul3A_520 = arith.mulf %log3A_101, %mul3A_519 : vector<512x128xf32>
    %add3A_521 = arith.addf %mul3A_516, %mul3A_520 : vector<512x128xf32>
    %get3A_522 = arith.constant 299 : index
    %get3A_523 = memref.load %arg2[%get3A_522] : memref<1108xf32, #tpu.memory_space<smem>>
    %mul3A_524 = vector.broadcast %get3A_523 : f32 to vector<512x128xf32>
    %mul3A_525 = arith.mulf %log3A_132, %mul3A_524 : vector<512x128xf32>
    %add3A_526 = arith.addf %add3A_521, %mul3A_525 : vector<512x128xf32>
    %get3A_527 = arith.constant 307 : index
    %get3A_528 = memref.load %arg2[%get3A_527] : memref<1108xf32, #tpu.memory_space<smem>>
    %mul3A_529 = vector.broadcast %get3A_528 : f32 to vector<512x128xf32>
    %mul3A_530 = arith.mulf %log3A_163, %mul3A_529 : vector<512x128xf32>
    %add3A_531 = arith.addf %add3A_526, %mul3A_530 : vector<512x128xf32>
    %get3A_532 = arith.constant 315 : index
    %get3A_533 = memref.load %arg2[%get3A_532] : memref<1108xf32, #tpu.memory_space<smem>>
    %mul3A_534 = vector.broadcast %get3A_533 : f32 to vector<512x128xf32>
    %mul3A_535 = arith.mulf %log3A_194, %mul3A_534 : vector<512x128xf32>
    %add3A_536 = arith.addf %add3A_531, %mul3A_535 : vector<512x128xf32>
    %get3A_537 = arith.constant 323 : index
    %get3A_538 = memref.load %arg2[%get3A_537] : memref<1108xf32, #tpu.memory_space<smem>>
    %mul3A_539 = vector.broadcast %get3A_538 : f32 to vector<512x128xf32>
    %mul3A_540 = arith.mulf %log3A_225, %mul3A_539 : vector<512x128xf32>
    %add3A_541 = arith.addf %add3A_536, %mul3A_540 : vector<512x128xf32>
    %get3A_542 = arith.constant 491 : index
    %get3A_543 = memref.load %arg2[%get3A_542] : memref<1108xf32, #tpu.memory_space<smem>>
    %add3A_544 = vector.broadcast %get3A_543 : f32 to vector<512x128xf32>
    %add3A_545 = arith.addf %add3A_541, %add3A_544 : vector<512x128xf32>
    %exp3A_546 = math.exp %add3A_545 : vector<512x128xf32>
    %mul3A_547 = arith.constant 5.000000e-01 : f32
    %mul3A_548 = vector.broadcast %mul3A_547 : f32 to vector<512x128xf32>
    %mul3A_549 = arith.mulf %mul3A_548, %exp3A_546 : vector<512x128xf32>
    %add3A_550 = arith.constant 5.000000e-01 : f32
    %add3A_551 = vector.broadcast %add3A_550 : f32 to vector<512x128xf32>
    %add3A_552 = arith.addf %add3A_551, %mul3A_549 : vector<512x128xf32>
    %log3A_553 = math.log %add3A_552 : vector<512x128xf32>
    %get3A_554 = arith.constant 0 : index
    %get3A_555 = arith.constant 0 : index
    %get3A_556 = vector.load %arg3[%get3A_554, %get3A_555] : memref<8x128xf32, #tpu.memory_space<vmem>>, vector<1x128xf32>
    %get3A_557 = vector.shape_cast %get3A_556 : vector<1x128xf32> to vector<128xf32>
    %broadcast_in_dim3A = vector.shape_cast %get3A_557 : vector<128xf32> to vector<1x128xf32>
    %mul3A_558 = vector.broadcast %broadcast_in_dim3A : vector<1x128xf32> to vector<512x128xf32>
    %mul3A_559 = arith.mulf %log3A_266, %mul3A_558 : vector<512x128xf32>
    %dot_general3A = arith.constant dense<0.000000e+00> : vector<512x8xf32>
    %dot_general3A_560 = tpu.matmul %mul3A_559, %convert_element_type3A_43, %dot_general3A {dimension_numbers = #tpu.dot_dimension_numbers<[1], [0], [0], [1], [0, 0, 1, 1], [], []>, transpose_lhs_hint = false} : vector<512x128xf32>, vector<128x8xf32>, vector<512x8xf32> -> vector<512x8xf32>
    %swap3A = arith.constant 0 : index
    %swap3A_561 = arith.constant 0 : index
    %swap3A_562 = arith.constant 0 : index
    %swap3A_563 = arith.constant 0 : index
    %swap3A_564 = vector.load %arg4[%swap3A, %swap3A_561, %swap3A_562, %swap3A_563] : memref<2x8x512x8xf32, #tpu.memory_space<vmem>>, vector<1x1x512x8xf32>
    %swap3A_565 = vector.shape_cast %swap3A_564 : vector<1x1x512x8xf32> to vector<512x8xf32>
    %swap3A_566 = vector.shape_cast %dot_general3A_560 : vector<512x8xf32> to vector<1x1x512x8xf32>
    tpu.vector_store %arg4[%swap3A, %swap3A_561, %swap3A_562, %swap3A_563], %swap3A_566 {strides = array<i32>} : memref<2x8x512x8xf32, #tpu.memory_space<vmem>>, vector<1x1x512x8xf32>,
    %get3A_567 = arith.constant 1 : index
    %get3A_568 = arith.constant 0 : index
    %get3A_569 = vector.load %arg3[%get3A_567, %get3A_568] : memref<8x128xf32, #tpu.memory_space<vmem>>, vector<1x128xf32>
    %get3A_570 = vector.shape_cast %get3A_569 : vector<1x128xf32> to vector<128xf32>
    %broadcast_in_dim3A_571 = vector.shape_cast %get3A_570 : vector<128xf32> to vector<1x128xf32>
    %mul3A_572 = vector.broadcast %broadcast_in_dim3A_571 : vector<1x128xf32> to vector<512x128xf32>
    %mul3A_573 = arith.mulf %log3A_307, %mul3A_572 : vector<512x128xf32>
    %dot_general3A_574 = arith.constant dense<0.000000e+00> : vector<512x8xf32>
    %dot_general3A_575 = tpu.matmul %mul3A_573, %convert_element_type3A_43, %dot_general3A_574 {dimension_numbers = #tpu.dot_dimension_numbers<[1], [0], [0], [1], [0, 0, 1, 1], [], []>, transpose_lhs_hint = false} : vector<512x128xf32>, vector<128x8xf32>, vector<512x8xf32> -> vector<512x8xf32>
    %swap3A_576 = arith.constant 0 : index
    %swap3A_577 = arith.constant 1 : index
    %swap3A_578 = arith.constant 0 : index
    %swap3A_579 = arith.constant 0 : index
    %swap3A_580 = vector.load %arg4[%swap3A_576, %swap3A_577, %swap3A_578, %swap3A_579] : memref<2x8x512x8xf32, #tpu.memory_space<vmem>>, vector<1x1x512x8xf32>
    %swap3A_581 = vector.shape_cast %swap3A_580 : vector<1x1x512x8xf32> to vector<512x8xf32>
    %swap3A_582 = vector.shape_cast %dot_general3A_575 : vector<512x8xf32> to vector<1x1x512x8xf32>
    tpu.vector_store %arg4[%swap3A_576, %swap3A_577, %swap3A_578, %swap3A_579], %swap3A_582 {strides = array<i32>} : memref<2x8x512x8xf32, #tpu.memory_space<vmem>>, vector<1x1x512x8xf32>,
    %get3A_583 = arith.constant 2 : index
    %get3A_584 = arith.constant 0 : index
    %get3A_585 = vector.load %arg3[%get3A_583, %get3A_584] : memref<8x128xf32, #tpu.memory_space<vmem>>, vector<1x128xf32>
    %get3A_586 = vector.shape_cast %get3A_585 : vector<1x128xf32> to vector<128xf32>
    %broadcast_in_dim3A_587 = vector.shape_cast %get3A_586 : vector<128xf32> to vector<1x128xf32>
    %mul3A_588 = vector.broadcast %broadcast_in_dim3A_587 : vector<1x128xf32> to vector<512x128xf32>
    %mul3A_589 = arith.mulf %log3A_348, %mul3A_588 : vector<512x128xf32>
    %dot_general3A_590 = arith.constant dense<0.000000e+00> : vector<512x8xf32>
    %dot_general3A_591 = tpu.matmul %mul3A_589, %convert_element_type3A_43, %dot_general3A_590 {dimension_numbers = #tpu.dot_dimension_numbers<[1], [0], [0], [1], [0, 0, 1, 1], [], []>, transpose_lhs_hint = false} : vector<512x128xf32>, vector<128x8xf32>, vector<512x8xf32> -> vector<512x8xf32>
    %swap3A_592 = arith.constant 0 : index
    %swap3A_593 = arith.constant 2 : index
    %swap3A_594 = arith.constant 0 : index
    %swap3A_595 = arith.constant 0 : index
    %swap3A_596 = vector.load %arg4[%swap3A_592, %swap3A_593, %swap3A_594, %swap3A_595] : memref<2x8x512x8xf32, #tpu.memory_space<vmem>>, vector<1x1x512x8xf32>
    %swap3A_597 = vector.shape_cast %swap3A_596 : vector<1x1x512x8xf32> to vector<512x8xf32>
    %swap3A_598 = vector.shape_cast %dot_general3A_591 : vector<512x8xf32> to vector<1x1x512x8xf32>
    tpu.vector_store %arg4[%swap3A_592, %swap3A_593, %swap3A_594, %swap3A_595], %swap3A_598 {strides = array<i32>} : memref<2x8x512x8xf32, #tpu.memory_space<vmem>>, vector<1x1x512x8xf32>,
    %get3A_599 = arith.constant 3 : index
    %get3A_600 = arith.constant 0 : index
    %get3A_601 = vector.load %arg3[%get3A_599, %get3A_600] : memref<8x128xf32, #tpu.memory_space<vmem>>, vector<1x128xf32>
    %get3A_602 = vector.shape_cast %get3A_601 : vector<1x128xf32> to vector<128xf32>
    %broadcast_in_dim3A_603 = vector.shape_cast %get3A_602 : vector<128xf32> to vector<1x128xf32>
    %mul3A_604 = vector.broadcast %broadcast_in_dim3A_603 : vector<1x128xf32> to vector<512x128xf32>
    %mul3A_605 = arith.mulf %log3A_389, %mul3A_604 : vector<512x128xf32>
    %dot_general3A_606 = arith.constant dense<0.000000e+00> : vector<512x8xf32>
    %dot_general3A_607 = tpu.matmul %mul3A_605, %convert_element_type3A_43, %dot_general3A_606 {dimension_numbers = #tpu.dot_dimension_numbers<[1], [0], [0], [1], [0, 0, 1, 1], [], []>, transpose_lhs_hint = false} : vector<512x128xf32>, vector<128x8xf32>, vector<512x8xf32> -> vector<512x8xf32>
    %swap3A_608 = arith.constant 0 : index
    %swap3A_609 = arith.constant 3 : index
    %swap3A_610 = arith.constant 0 : index
    %swap3A_611 = arith.constant 0 : index
    %swap3A_612 = vector.load %arg4[%swap3A_608, %swap3A_609, %swap3A_610, %swap3A_611] : memref<2x8x512x8xf32, #tpu.memory_space<vmem>>, vector<1x1x512x8xf32>
    %swap3A_613 = vector.shape_cast %swap3A_612 : vector<1x1x512x8xf32> to vector<512x8xf32>
    %swap3A_614 = vector.shape_cast %dot_general3A_607 : vector<512x8xf32> to vector<1x1x512x8xf32>
    tpu.vector_store %arg4[%swap3A_608, %swap3A_609, %swap3A_610, %swap3A_611], %swap3A_614 {strides = array<i32>} : memref<2x8x512x8xf32, #tpu.memory_space<vmem>>, vector<1x1x512x8xf32>,
    %get3A_615 = arith.constant 4 : index
    %get3A_616 = arith.constant 0 : index
    %get3A_617 = vector.load %arg3[%get3A_615, %get3A_616] : memref<8x128xf32, #tpu.memory_space<vmem>>, vector<1x128xf32>
    %get3A_618 = vector.shape_cast %get3A_617 : vector<1x128xf32> to vector<128xf32>
    %broadcast_in_dim3A_619 = vector.shape_cast %get3A_618 : vector<128xf32> to vector<1x128xf32>
    %mul3A_620 = vector.broadcast %broadcast_in_dim3A_619 : vector<1x128xf32> to vector<512x128xf32>
    %mul3A_621 = arith.mulf %log3A_430, %mul3A_620 : vector<512x128xf32>
    %dot_general3A_622 = arith.constant dense<0.000000e+00> : vector<512x8xf32>
    %dot_general3A_623 = tpu.matmul %mul3A_621, %convert_element_type3A_43, %dot_general3A_622 {dimension_numbers = #tpu.dot_dimension_numbers<[1], [0], [0], [1], [0, 0, 1, 1], [], []>, transpose_lhs_hint = false} : vector<512x128xf32>, vector<128x8xf32>, vector<512x8xf32> -> vector<512x8xf32>
    %swap3A_624 = arith.constant 0 : index
    %swap3A_625 = arith.constant 4 : index
    %swap3A_626 = arith.constant 0 : index
    %swap3A_627 = arith.constant 0 : index
    %swap3A_628 = vector.load %arg4[%swap3A_624, %swap3A_625, %swap3A_626, %swap3A_627] : memref<2x8x512x8xf32, #tpu.memory_space<vmem>>, vector<1x1x512x8xf32>
    %swap3A_629 = vector.shape_cast %swap3A_628 : vector<1x1x512x8xf32> to vector<512x8xf32>
    %swap3A_630 = vector.shape_cast %dot_general3A_623 : vector<512x8xf32> to vector<1x1x512x8xf32>
    tpu.vector_store %arg4[%swap3A_624, %swap3A_625, %swap3A_626, %swap3A_627], %swap3A_630 {strides = array<i32>} : memref<2x8x512x8xf32, #tpu.memory_space<vmem>>, vector<1x1x512x8xf32>,
    %get3A_631 = arith.constant 5 : index
    %get3A_632 = arith.constant 0 : index
    %get3A_633 = vector.load %arg3[%get3A_631, %get3A_632] : memref<8x128xf32, #tpu.memory_space<vmem>>, vector<1x128xf32>
    %get3A_634 = vector.shape_cast %get3A_633 : vector<1x128xf32> to vector<128xf32>
    %broadcast_in_dim3A_635 = vector.shape_cast %get3A_634 : vector<128xf32> to vector<1x128xf32>
    %mul3A_636 = vector.broadcast %broadcast_in_dim3A_635 : vector<1x128xf32> to vector<512x128xf32>
    %mul3A_637 = arith.mulf %log3A_471, %mul3A_636 : vector<512x128xf32>
    %dot_general3A_638 = arith.constant dense<0.000000e+00> : vector<512x8xf32>
    %dot_general3A_639 = tpu.matmul %mul3A_637, %convert_element_type3A_43, %dot_general3A_638 {dimension_numbers = #tpu.dot_dimension_numbers<[1], [0], [0], [1], [0, 0, 1, 1], [], []>, transpose_lhs_hint = false} : vector<512x128xf32>, vector<128x8xf32>, vector<512x8xf32> -> vector<512x8xf32>
    %swap3A_640 = arith.constant 0 : index
    %swap3A_641 = arith.constant 5 : index
    %swap3A_642 = arith.constant 0 : index
    %swap3A_643 = arith.constant 0 : index
    %swap3A_644 = vector.load %arg4[%swap3A_640, %swap3A_641, %swap3A_642, %swap3A_643] : memref<2x8x512x8xf32, #tpu.memory_space<vmem>>, vector<1x1x512x8xf32>
    %swap3A_645 = vector.shape_cast %swap3A_644 : vector<1x1x512x8xf32> to vector<512x8xf32>
    %swap3A_646 = vector.shape_cast %dot_general3A_639 : vector<512x8xf32> to vector<1x1x512x8xf32>
    tpu.vector_store %arg4[%swap3A_640, %swap3A_641, %swap3A_642, %swap3A_643], %swap3A_646 {strides = array<i32>} : memref<2x8x512x8xf32, #tpu.memory_space<vmem>>, vector<1x1x512x8xf32>,
    %get3A_647 = arith.constant 6 : index
    %get3A_648 = arith.constant 0 : index
    %get3A_649 = vector.load %arg3[%get3A_647, %get3A_648] : memref<8x128xf32, #tpu.memory_space<vmem>>, vector<1x128xf32>
    %get3A_650 = vector.shape_cast %get3A_649 : vector<1x128xf32> to vector<128xf32>
    %broadcast_in_dim3A_651 = vector.shape_cast %get3A_650 : vector<128xf32> to vector<1x128xf32>
    %mul3A_652 = vector.broadcast %broadcast_in_dim3A_651 : vector<1x128xf32> to vector<512x128xf32>
    %mul3A_653 = arith.mulf %log3A_512, %mul3A_652 : vector<512x128xf32>
    %dot_general3A_654 = arith.constant dense<0.000000e+00> : vector<512x8xf32>
    %dot_general3A_655 = tpu.matmul %mul3A_653, %convert_element_type3A_43, %dot_general3A_654 {dimension_numbers = #tpu.dot_dimension_numbers<[1], [0], [0], [1], [0, 0, 1, 1], [], []>, transpose_lhs_hint = false} : vector<512x128xf32>, vector<128x8xf32>, vector<512x8xf32> -> vector<512x8xf32>
    %swap3A_656 = arith.constant 0 : index
    %swap3A_657 = arith.constant 6 : index
    %swap3A_658 = arith.constant 0 : index
    %swap3A_659 = arith.constant 0 : index
    %swap3A_660 = vector.load %arg4[%swap3A_656, %swap3A_657, %swap3A_658, %swap3A_659] : memref<2x8x512x8xf32, #tpu.memory_space<vmem>>, vector<1x1x512x8xf32>
    %swap3A_661 = vector.shape_cast %swap3A_660 : vector<1x1x512x8xf32> to vector<512x8xf32>
    %swap3A_662 = vector.shape_cast %dot_general3A_655 : vector<512x8xf32> to vector<1x1x512x8xf32>
    tpu.vector_store %arg4[%swap3A_656, %swap3A_657, %swap3A_658, %swap3A_659], %swap3A_662 {strides = array<i32>} : memref<2x8x512x8xf32, #tpu.memory_space<vmem>>, vector<1x1x512x8xf32>,
    %get3A_663 = arith.constant 7 : index
    %get3A_664 = arith.constant 0 : index
    %get3A_665 = vector.load %arg3[%get3A_663, %get3A_664] : memref<8x128xf32, #tpu.memory_space<vmem>>, vector<1x128xf32>
    %get3A_666 = vector.shape_cast %get3A_665 : vector<1x128xf32> to vector<128xf32>
    %broadcast_in_dim3A_667 = vector.shape_cast %get3A_666 : vector<128xf32> to vector<1x128xf32>
    %mul3A_668 = vector.broadcast %broadcast_in_dim3A_667 : vector<1x128xf32> to vector<512x128xf32>
    %mul3A_669 = arith.mulf %log3A_553, %mul3A_668 : vector<512x128xf32>
    %dot_general3A_670 = arith.constant dense<0.000000e+00> : vector<512x8xf32>
    %dot_general3A_671 = tpu.matmul %mul3A_669, %convert_element_type3A_43, %dot_general3A_670 {dimension_numbers = #tpu.dot_dimension_numbers<[1], [0], [0], [1], [0, 0, 1, 1], [], []>, transpose_lhs_hint = false} : vector<512x128xf32>, vector<128x8xf32>, vector<512x8xf32> -> vector<512x8xf32>
    %swap3A_672 = arith.constant 0 : index
    %swap3A_673 = arith.constant 7 : index
    %swap3A_674 = arith.constant 0 : index
    %swap3A_675 = arith.constant 0 : index
    %swap3A_676 = vector.load %arg4[%swap3A_672, %swap3A_673, %swap3A_674, %swap3A_675] : memref<2x8x512x8xf32, #tpu.memory_space<vmem>>, vector<1x1x512x8xf32>
    %swap3A_677 = vector.shape_cast %swap3A_676 : vector<1x1x512x8xf32> to vector<512x8xf32>
    %swap3A_678 = vector.shape_cast %dot_general3A_671 : vector<512x8xf32> to vector<1x1x512x8xf32>
    tpu.vector_store %arg4[%swap3A_672, %swap3A_673, %swap3A_674, %swap3A_675], %swap3A_678 {strides = array<i32>} : memref<2x8x512x8xf32, #tpu.memory_space<vmem>>, vector<1x1x512x8xf32>,
    %get3A_679 = arith.constant 120 : index
    %get3A_680 = memref.load %arg2[%get3A_679] : memref<1108xf32, #tpu.memory_space<smem>>
    %mul3A_681 = vector.broadcast %get3A_680 : f32 to vector<512x128xf32>
    %mul3A_682 = arith.mulf %get3A_3, %mul3A_681 : vector<512x128xf32>
    %get3A_683 = arith.constant 126 : index
    %get3A_684 = memref.load %arg2[%get3A_683] : memref<1108xf32, #tpu.memory_space<smem>>
    %mul3A_685 = vector.broadcast %get3A_684 : f32 to vector<512x128xf32>
    %mul3A_686 = arith.mulf %get3A_8, %mul3A_685 : vector<512x128xf32>
    %add3A_687 = arith.addf %mul3A_682, %mul3A_686 : vector<512x128xf32>
    %get3A_688 = arith.constant 132 : index
    %get3A_689 = memref.load %arg2[%get3A_688] : memref<1108xf32, #tpu.memory_space<smem>>
    %mul3A_690 = vector.broadcast %get3A_689 : f32 to vector<512x128xf32>
    %mul3A_691 = arith.mulf %get3A_13, %mul3A_690 : vector<512x128xf32>
    %add3A_692 = arith.addf %add3A_687, %mul3A_691 : vector<512x128xf32>
    %get3A_693 = arith.constant 138 : index
    %get3A_694 = memref.load %arg2[%get3A_693] : memref<1108xf32, #tpu.memory_space<smem>>
    %mul3A_695 = vector.broadcast %get3A_694 : f32 to vector<512x128xf32>
    %mul3A_696 = arith.mulf %get3A_18, %mul3A_695 : vector<512x128xf32>
    %add3A_697 = arith.addf %add3A_692, %mul3A_696 : vector<512x128xf32>
    %get3A_698 = arith.constant 174 : index
    %get3A_699 = memref.load %arg2[%get3A_698] : memref<1108xf32, #tpu.memory_space<smem>>
    %add3A_700 = vector.broadcast %get3A_699 : f32 to vector<512x128xf32>
    %add3A_701 = arith.addf %add3A_697, %add3A_700 : vector<512x128xf32>
    %exp3A_702 = math.exp %add3A_701 : vector<512x128xf32>
    %mul3A_703 = arith.constant 5.000000e-01 : f32
    %mul3A_704 = vector.broadcast %mul3A_703 : f32 to vector<512x128xf32>
    %mul3A_705 = arith.mulf %mul3A_704, %exp3A_702 : vector<512x128xf32>
    %add3A_706 = arith.constant 5.000000e-01 : f32
    %add3A_707 = vector.broadcast %add3A_706 : f32 to vector<512x128xf32>
    %add3A_708 = arith.addf %add3A_707, %mul3A_705 : vector<512x128xf32>
    %log3A_709 = math.log %add3A_708 : vector<512x128xf32>
    %get3A_710 = arith.constant 121 : index
    %get3A_711 = memref.load %arg2[%get3A_710] : memref<1108xf32, #tpu.memory_space<smem>>
    %mul3A_712 = vector.broadcast %get3A_711 : f32 to vector<512x128xf32>
    %mul3A_713 = arith.mulf %get3A_3, %mul3A_712 : vector<512x128xf32>
    %get3A_714 = arith.constant 127 : index
    %get3A_715 = memref.load %arg2[%get3A_714] : memref<1108xf32, #tpu.memory_space<smem>>
    %mul3A_716 = vector.broadcast %get3A_715 : f32 to vector<512x128xf32>
    %mul3A_717 = arith.mulf %get3A_8, %mul3A_716 : vector<512x128xf32>
    %add3A_718 = arith.addf %mul3A_713, %mul3A_717 : vector<512x128xf32>
    %get3A_719 = arith.constant 133 : index
    %get3A_720 = memref.load %arg2[%get3A_719] : memref<1108xf32, #tpu.memory_space<smem>>
    %mul3A_721 = vector.broadcast %get3A_720 : f32 to vector<512x128xf32>
    %mul3A_722 = arith.mulf %get3A_13, %mul3A_721 : vector<512x128xf32>
    %add3A_723 = arith.addf %add3A_718, %mul3A_722 : vector<512x128xf32>
    %get3A_724 = arith.constant 139 : index
    %get3A_725 = memref.load %arg2[%get3A_724] : memref<1108xf32, #tpu.memory_space<smem>>
    %mul3A_726 = vector.broadcast %get3A_725 : f32 to vector<512x128xf32>
    %mul3A_727 = arith.mulf %get3A_18, %mul3A_726 : vector<512x128xf32>
    %add3A_728 = arith.addf %add3A_723, %mul3A_727 : vector<512x128xf32>
    %get3A_729 = arith.constant 175 : index
    %get3A_730 = memref.load %arg2[%get3A_729] : memref<1108xf32, #tpu.memory_space<smem>>
    %add3A_731 = vector.broadcast %get3A_730 : f32 to vector<512x128xf32>
    %add3A_732 = arith.addf %add3A_728, %add3A_731 : vector<512x128xf32>
    %exp3A_733 = math.exp %add3A_732 : vector<512x128xf32>
    %mul3A_734 = arith.constant 5.000000e-01 : f32
    %mul3A_735 = vector.broadcast %mul3A_734 : f32 to vector<512x128xf32>
    %mul3A_736 = arith.mulf %mul3A_735, %exp3A_733 : vector<512x128xf32>
    %add3A_737 = arith.constant 5.000000e-01 : f32
    %add3A_738 = vector.broadcast %add3A_737 : f32 to vector<512x128xf32>
    %add3A_739 = arith.addf %add3A_738, %mul3A_736 : vector<512x128xf32>
    %log3A_740 = math.log %add3A_739 : vector<512x128xf32>
    %get3A_741 = arith.constant 122 : index
    %get3A_742 = memref.load %arg2[%get3A_741] : memref<1108xf32, #tpu.memory_space<smem>>
    %mul3A_743 = vector.broadcast %get3A_742 : f32 to vector<512x128xf32>
    %mul3A_744 = arith.mulf %get3A_3, %mul3A_743 : vector<512x128xf32>
    %get3A_745 = arith.constant 128 : index
    %get3A_746 = memref.load %arg2[%get3A_745] : memref<1108xf32, #tpu.memory_space<smem>>
    %mul3A_747 = vector.broadcast %get3A_746 : f32 to vector<512x128xf32>
    %mul3A_748 = arith.mulf %get3A_8, %mul3A_747 : vector<512x128xf32>
    %add3A_749 = arith.addf %mul3A_744, %mul3A_748 : vector<512x128xf32>
    %get3A_750 = arith.constant 134 : index
    %get3A_751 = memref.load %arg2[%get3A_750] : memref<1108xf32, #tpu.memory_space<smem>>
    %mul3A_752 = vector.broadcast %get3A_751 : f32 to vector<512x128xf32>
    %mul3A_753 = arith.mulf %get3A_13, %mul3A_752 : vector<512x128xf32>
    %add3A_754 = arith.addf %add3A_749, %mul3A_753 : vector<512x128xf32>
    %get3A_755 = arith.constant 140 : index
    %get3A_756 = memref.load %arg2[%get3A_755] : memref<1108xf32, #tpu.memory_space<smem>>
    %mul3A_757 = vector.broadcast %get3A_756 : f32 to vector<512x128xf32>
    %mul3A_758 = arith.mulf %get3A_18, %mul3A_757 : vector<512x128xf32>
    %add3A_759 = arith.addf %add3A_754, %mul3A_758 : vector<512x128xf32>
    %get3A_760 = arith.constant 176 : index
    %get3A_761 = memref.load %arg2[%get3A_760] : memref<1108xf32, #tpu.memory_space<smem>>
    %add3A_762 = vector.broadcast %get3A_761 : f32 to vector<512x128xf32>
    %add3A_763 = arith.addf %add3A_759, %add3A_762 : vector<512x128xf32>
    %exp3A_764 = math.exp %add3A_763 : vector<512x128xf32>
    %mul3A_765 = arith.constant 5.000000e-01 : f32
    %mul3A_766 = vector.broadcast %mul3A_765 : f32 to vector<512x128xf32>
    %mul3A_767 = arith.mulf %mul3A_766, %exp3A_764 : vector<512x128xf32>
    %add3A_768 = arith.constant 5.000000e-01 : f32
    %add3A_769 = vector.broadcast %add3A_768 : f32 to vector<512x128xf32>
    %add3A_770 = arith.addf %add3A_769, %mul3A_767 : vector<512x128xf32>
    %log3A_771 = math.log %add3A_770 : vector<512x128xf32>
    %get3A_772 = arith.constant 123 : index
    %get3A_773 = memref.load %arg2[%get3A_772] : memref<1108xf32, #tpu.memory_space<smem>>
    %mul3A_774 = vector.broadcast %get3A_773 : f32 to vector<512x128xf32>
    %mul3A_775 = arith.mulf %get3A_3, %mul3A_774 : vector<512x128xf32>
    %get3A_776 = arith.constant 129 : index
    %get3A_777 = memref.load %arg2[%get3A_776] : memref<1108xf32, #tpu.memory_space<smem>>
    %mul3A_778 = vector.broadcast %get3A_777 : f32 to vector<512x128xf32>
    %mul3A_779 = arith.mulf %get3A_8, %mul3A_778 : vector<512x128xf32>
    %add3A_780 = arith.addf %mul3A_775, %mul3A_779 : vector<512x128xf32>
    %get3A_781 = arith.constant 135 : index
    %get3A_782 = memref.load %arg2[%get3A_781] : memref<1108xf32, #tpu.memory_space<smem>>
    %mul3A_783 = vector.broadcast %get3A_782 : f32 to vector<512x128xf32>
    %mul3A_784 = arith.mulf %get3A_13, %mul3A_783 : vector<512x128xf32>
    %add3A_785 = arith.addf %add3A_780, %mul3A_784 : vector<512x128xf32>
    %get3A_786 = arith.constant 141 : index
    %get3A_787 = memref.load %arg2[%get3A_786] : memref<1108xf32, #tpu.memory_space<smem>>
    %mul3A_788 = vector.broadcast %get3A_787 : f32 to vector<512x128xf32>
    %mul3A_789 = arith.mulf %get3A_18, %mul3A_788 : vector<512x128xf32>
    %add3A_790 = arith.addf %add3A_785, %mul3A_789 : vector<512x128xf32>
    %get3A_791 = arith.constant 177 : index
    %get3A_792 = memref.load %arg2[%get3A_791] : memref<1108xf32, #tpu.memory_space<smem>>
    %add3A_793 = vector.broadcast %get3A_792 : f32 to vector<512x128xf32>
    %add3A_794 = arith.addf %add3A_790, %add3A_793 : vector<512x128xf32>
    %exp3A_795 = math.exp %add3A_794 : vector<512x128xf32>
    %mul3A_796 = arith.constant 5.000000e-01 : f32
    %mul3A_797 = vector.broadcast %mul3A_796 : f32 to vector<512x128xf32>
    %mul3A_798 = arith.mulf %mul3A_797, %exp3A_795 : vector<512x128xf32>
    %add3A_799 = arith.constant 5.000000e-01 : f32
    %add3A_800 = vector.broadcast %add3A_799 : f32 to vector<512x128xf32>
    %add3A_801 = arith.addf %add3A_800, %mul3A_798 : vector<512x128xf32>
    %log3A_802 = math.log %add3A_801 : vector<512x128xf32>
    %get3A_803 = arith.constant 124 : index
    %get3A_804 = memref.load %arg2[%get3A_803] : memref<1108xf32, #tpu.memory_space<smem>>
    %mul3A_805 = vector.broadcast %get3A_804 : f32 to vector<512x128xf32>
    %mul3A_806 = arith.mulf %get3A_3, %mul3A_805 : vector<512x128xf32>
    %get3A_807 = arith.constant 130 : index
    %get3A_808 = memref.load %arg2[%get3A_807] : memref<1108xf32, #tpu.memory_space<smem>>
    %mul3A_809 = vector.broadcast %get3A_808 : f32 to vector<512x128xf32>
    %mul3A_810 = arith.mulf %get3A_8, %mul3A_809 : vector<512x128xf32>
    %add3A_811 = arith.addf %mul3A_806, %mul3A_810 : vector<512x128xf32>
    %get3A_812 = arith.constant 136 : index
    %get3A_813 = memref.load %arg2[%get3A_812] : memref<1108xf32, #tpu.memory_space<smem>>
    %mul3A_814 = vector.broadcast %get3A_813 : f32 to vector<512x128xf32>
    %mul3A_815 = arith.mulf %get3A_13, %mul3A_814 : vector<512x128xf32>
    %add3A_816 = arith.addf %add3A_811, %mul3A_815 : vector<512x128xf32>
    %get3A_817 = arith.constant 142 : index
    %get3A_818 = memref.load %arg2[%get3A_817] : memref<1108xf32, #tpu.memory_space<smem>>
    %mul3A_819 = vector.broadcast %get3A_818 : f32 to vector<512x128xf32>
    %mul3A_820 = arith.mulf %get3A_18, %mul3A_819 : vector<512x128xf32>
    %add3A_821 = arith.addf %add3A_816, %mul3A_820 : vector<512x128xf32>
    %get3A_822 = arith.constant 178 : index
    %get3A_823 = memref.load %arg2[%get3A_822] : memref<1108xf32, #tpu.memory_space<smem>>
    %add3A_824 = vector.broadcast %get3A_823 : f32 to vector<512x128xf32>
    %add3A_825 = arith.addf %add3A_821, %add3A_824 : vector<512x128xf32>
    %exp3A_826 = math.exp %add3A_825 : vector<512x128xf32>
    %mul3A_827 = arith.constant 5.000000e-01 : f32
    %mul3A_828 = vector.broadcast %mul3A_827 : f32 to vector<512x128xf32>
    %mul3A_829 = arith.mulf %mul3A_828, %exp3A_826 : vector<512x128xf32>
    %add3A_830 = arith.constant 5.000000e-01 : f32
    %add3A_831 = vector.broadcast %add3A_830 : f32 to vector<512x128xf32>
    %add3A_832 = arith.addf %add3A_831, %mul3A_829 : vector<512x128xf32>
    %log3A_833 = math.log %add3A_832 : vector<512x128xf32>
    %get3A_834 = arith.constant 125 : index
    %get3A_835 = memref.load %arg2[%get3A_834] : memref<1108xf32, #tpu.memory_space<smem>>
    %mul3A_836 = vector.broadcast %get3A_835 : f32 to vector<512x128xf32>
    %mul3A_837 = arith.mulf %get3A_3, %mul3A_836 : vector<512x128xf32>
    %get3A_838 = arith.constant 131 : index
    %get3A_839 = memref.load %arg2[%get3A_838] : memref<1108xf32, #tpu.memory_space<smem>>
    %mul3A_840 = vector.broadcast %get3A_839 : f32 to vector<512x128xf32>
    %mul3A_841 = arith.mulf %get3A_8, %mul3A_840 : vector<512x128xf32>
    %add3A_842 = arith.addf %mul3A_837, %mul3A_841 : vector<512x128xf32>
    %get3A_843 = arith.constant 137 : index
    %get3A_844 = memref.load %arg2[%get3A_843] : memref<1108xf32, #tpu.memory_space<smem>>
    %mul3A_845 = vector.broadcast %get3A_844 : f32 to vector<512x128xf32>
    %mul3A_846 = arith.mulf %get3A_13, %mul3A_845 : vector<512x128xf32>
    %add3A_847 = arith.addf %add3A_842, %mul3A_846 : vector<512x128xf32>
    %get3A_848 = arith.constant 143 : index
    %get3A_849 = memref.load %arg2[%get3A_848] : memref<1108xf32, #tpu.memory_space<smem>>
    %mul3A_850 = vector.broadcast %get3A_849 : f32 to vector<512x128xf32>
    %mul3A_851 = arith.mulf %get3A_18, %mul3A_850 : vector<512x128xf32>
    %add3A_852 = arith.addf %add3A_847, %mul3A_851 : vector<512x128xf32>
    %get3A_853 = arith.constant 179 : index
    %get3A_854 = memref.load %arg2[%get3A_853] : memref<1108xf32, #tpu.memory_space<smem>>
    %add3A_855 = vector.broadcast %get3A_854 : f32 to vector<512x128xf32>
    %add3A_856 = arith.addf %add3A_852, %add3A_855 : vector<512x128xf32>
    %exp3A_857 = math.exp %add3A_856 : vector<512x128xf32>
    %mul3A_858 = arith.constant 5.000000e-01 : f32
    %mul3A_859 = vector.broadcast %mul3A_858 : f32 to vector<512x128xf32>
    %mul3A_860 = arith.mulf %mul3A_859, %exp3A_857 : vector<512x128xf32>
    %add3A_861 = arith.constant 5.000000e-01 : f32
    %add3A_862 = vector.broadcast %add3A_861 : f32 to vector<512x128xf32>
    %add3A_863 = arith.addf %add3A_862, %mul3A_860 : vector<512x128xf32>
    %log3A_864 = math.log %add3A_863 : vector<512x128xf32>
    %get3A_865 = arith.constant 420 : index
    %get3A_866 = memref.load %arg2[%get3A_865] : memref<1108xf32, #tpu.memory_space<smem>>
    %mul3A_867 = vector.broadcast %get3A_866 : f32 to vector<512x128xf32>
    %mul3A_868 = arith.mulf %log3A_709, %mul3A_867 : vector<512x128xf32>
    %get3A_869 = arith.constant 428 : index
    %get3A_870 = memref.load %arg2[%get3A_869] : memref<1108xf32, #tpu.memory_space<smem>>
    %mul3A_871 = vector.broadcast %get3A_870 : f32 to vector<512x128xf32>
    %mul3A_872 = arith.mulf %log3A_740, %mul3A_871 : vector<512x128xf32>
    %add3A_873 = arith.addf %mul3A_868, %mul3A_872 : vector<512x128xf32>
    %get3A_874 = arith.constant 436 : index
    %get3A_875 = memref.load %arg2[%get3A_874] : memref<1108xf32, #tpu.memory_space<smem>>
    %mul3A_876 = vector.broadcast %get3A_875 : f32 to vector<512x128xf32>
    %mul3A_877 = arith.mulf %log3A_771, %mul3A_876 : vector<512x128xf32>
    %add3A_878 = arith.addf %add3A_873, %mul3A_877 : vector<512x128xf32>
    %get3A_879 = arith.constant 444 : index
    %get3A_880 = memref.load %arg2[%get3A_879] : memref<1108xf32, #tpu.memory_space<smem>>
    %mul3A_881 = vector.broadcast %get3A_880 : f32 to vector<512x128xf32>
    %mul3A_882 = arith.mulf %log3A_802, %mul3A_881 : vector<512x128xf32>
    %add3A_883 = arith.addf %add3A_878, %mul3A_882 : vector<512x128xf32>
    %get3A_884 = arith.constant 452 : index
    %get3A_885 = memref.load %arg2[%get3A_884] : memref<1108xf32, #tpu.memory_space<smem>>
    %mul3A_886 = vector.broadcast %get3A_885 : f32 to vector<512x128xf32>
    %mul3A_887 = arith.mulf %log3A_833, %mul3A_886 : vector<512x128xf32>
    %add3A_888 = arith.addf %add3A_883, %mul3A_887 : vector<512x128xf32>
    %get3A_889 = arith.constant 460 : index
    %get3A_890 = memref.load %arg2[%get3A_889] : memref<1108xf32, #tpu.memory_space<smem>>
    %mul3A_891 = vector.broadcast %get3A_890 : f32 to vector<512x128xf32>
    %mul3A_892 = arith.mulf %log3A_864, %mul3A_891 : vector<512x128xf32>
    %add3A_893 = arith.addf %add3A_888, %mul3A_892 : vector<512x128xf32>
    %get3A_894 = arith.constant 508 : index
    %get3A_895 = memref.load %arg2[%get3A_894] : memref<1108xf32, #tpu.memory_space<smem>>
    %add3A_896 = vector.broadcast %get3A_895 : f32 to vector<512x128xf32>
    %add3A_897 = arith.addf %add3A_893, %add3A_896 : vector<512x128xf32>
    %exp3A_898 = math.exp %add3A_897 : vector<512x128xf32>
    %mul3A_899 = arith.constant 5.000000e-01 : f32
    %mul3A_900 = vector.broadcast %mul3A_899 : f32 to vector<512x128xf32>
    %mul3A_901 = arith.mulf %mul3A_900, %exp3A_898 : vector<512x128xf32>
    %add3A_902 = arith.constant 5.000000e-01 : f32
    %add3A_903 = vector.broadcast %add3A_902 : f32 to vector<512x128xf32>
    %add3A_904 = arith.addf %add3A_903, %mul3A_901 : vector<512x128xf32>
    %log3A_905 = math.log %add3A_904 : vector<512x128xf32>
    %get3A_906 = arith.constant 421 : index
    %get3A_907 = memref.load %arg2[%get3A_906] : memref<1108xf32, #tpu.memory_space<smem>>
    %mul3A_908 = vector.broadcast %get3A_907 : f32 to vector<512x128xf32>
    %mul3A_909 = arith.mulf %log3A_709, %mul3A_908 : vector<512x128xf32>
    %get3A_910 = arith.constant 429 : index
    %get3A_911 = memref.load %arg2[%get3A_910] : memref<1108xf32, #tpu.memory_space<smem>>
    %mul3A_912 = vector.broadcast %get3A_911 : f32 to vector<512x128xf32>
    %mul3A_913 = arith.mulf %log3A_740, %mul3A_912 : vector<512x128xf32>
    %add3A_914 = arith.addf %mul3A_909, %mul3A_913 : vector<512x128xf32>
    %get3A_915 = arith.constant 437 : index
    %get3A_916 = memref.load %arg2[%get3A_915] : memref<1108xf32, #tpu.memory_space<smem>>
    %mul3A_917 = vector.broadcast %get3A_916 : f32 to vector<512x128xf32>
    %mul3A_918 = arith.mulf %log3A_771, %mul3A_917 : vector<512x128xf32>
    %add3A_919 = arith.addf %add3A_914, %mul3A_918 : vector<512x128xf32>
    %get3A_920 = arith.constant 445 : index
    %get3A_921 = memref.load %arg2[%get3A_920] : memref<1108xf32, #tpu.memory_space<smem>>
    %mul3A_922 = vector.broadcast %get3A_921 : f32 to vector<512x128xf32>
    %mul3A_923 = arith.mulf %log3A_802, %mul3A_922 : vector<512x128xf32>
    %add3A_924 = arith.addf %add3A_919, %mul3A_923 : vector<512x128xf32>
    %get3A_925 = arith.constant 453 : index
    %get3A_926 = memref.load %arg2[%get3A_925] : memref<1108xf32, #tpu.memory_space<smem>>
    %mul3A_927 = vector.broadcast %get3A_926 : f32 to vector<512x128xf32>
    %mul3A_928 = arith.mulf %log3A_833, %mul3A_927 : vector<512x128xf32>
    %add3A_929 = arith.addf %add3A_924, %mul3A_928 : vector<512x128xf32>
    %get3A_930 = arith.constant 461 : index
    %get3A_931 = memref.load %arg2[%get3A_930] : memref<1108xf32, #tpu.memory_space<smem>>
    %mul3A_932 = vector.broadcast %get3A_931 : f32 to vector<512x128xf32>
    %mul3A_933 = arith.mulf %log3A_864, %mul3A_932 : vector<512x128xf32>
    %add3A_934 = arith.addf %add3A_929, %mul3A_933 : vector<512x128xf32>
    %get3A_935 = arith.constant 509 : index
    %get3A_936 = memref.load %arg2[%get3A_935] : memref<1108xf32, #tpu.memory_space<smem>>
    %add3A_937 = vector.broadcast %get3A_936 : f32 to vector<512x128xf32>
    %add3A_938 = arith.addf %add3A_934, %add3A_937 : vector<512x128xf32>
    %exp3A_939 = math.exp %add3A_938 : vector<512x128xf32>
    %mul3A_940 = arith.constant 5.000000e-01 : f32
    %mul3A_941 = vector.broadcast %mul3A_940 : f32 to vector<512x128xf32>
    %mul3A_942 = arith.mulf %mul3A_941, %exp3A_939 : vector<512x128xf32>
    %add3A_943 = arith.constant 5.000000e-01 : f32
    %add3A_944 = vector.broadcast %add3A_943 : f32 to vector<512x128xf32>
    %add3A_945 = arith.addf %add3A_944, %mul3A_942 : vector<512x128xf32>
    %log3A_946 = math.log %add3A_945 : vector<512x128xf32>
    %get3A_947 = arith.constant 422 : index
    %get3A_948 = memref.load %arg2[%get3A_947] : memref<1108xf32, #tpu.memory_space<smem>>
    %mul3A_949 = vector.broadcast %get3A_948 : f32 to vector<512x128xf32>
    %mul3A_950 = arith.mulf %log3A_709, %mul3A_949 : vector<512x128xf32>
    %get3A_951 = arith.constant 430 : index
    %get3A_952 = memref.load %arg2[%get3A_951] : memref<1108xf32, #tpu.memory_space<smem>>
    %mul3A_953 = vector.broadcast %get3A_952 : f32 to vector<512x128xf32>
    %mul3A_954 = arith.mulf %log3A_740, %mul3A_953 : vector<512x128xf32>
    %add3A_955 = arith.addf %mul3A_950, %mul3A_954 : vector<512x128xf32>
    %get3A_956 = arith.constant 438 : index
    %get3A_957 = memref.load %arg2[%get3A_956] : memref<1108xf32, #tpu.memory_space<smem>>
    %mul3A_958 = vector.broadcast %get3A_957 : f32 to vector<512x128xf32>
    %mul3A_959 = arith.mulf %log3A_771, %mul3A_958 : vector<512x128xf32>
    %add3A_960 = arith.addf %add3A_955, %mul3A_959 : vector<512x128xf32>
    %get3A_961 = arith.constant 446 : index
    %get3A_962 = memref.load %arg2[%get3A_961] : memref<1108xf32, #tpu.memory_space<smem>>
    %mul3A_963 = vector.broadcast %get3A_962 : f32 to vector<512x128xf32>
    %mul3A_964 = arith.mulf %log3A_802, %mul3A_963 : vector<512x128xf32>
    %add3A_965 = arith.addf %add3A_960, %mul3A_964 : vector<512x128xf32>
    %get3A_966 = arith.constant 454 : index
    %get3A_967 = memref.load %arg2[%get3A_966] : memref<1108xf32, #tpu.memory_space<smem>>
    %mul3A_968 = vector.broadcast %get3A_967 : f32 to vector<512x128xf32>
    %mul3A_969 = arith.mulf %log3A_833, %mul3A_968 : vector<512x128xf32>
    %add3A_970 = arith.addf %add3A_965, %mul3A_969 : vector<512x128xf32>
    %get3A_971 = arith.constant 462 : index
    %get3A_972 = memref.load %arg2[%get3A_971] : memref<1108xf32, #tpu.memory_space<smem>>
    %mul3A_973 = vector.broadcast %get3A_972 : f32 to vector<512x128xf32>
    %mul3A_974 = arith.mulf %log3A_864, %mul3A_973 : vector<512x128xf32>
    %add3A_975 = arith.addf %add3A_970, %mul3A_974 : vector<512x128xf32>
    %get3A_976 = arith.constant 510 : index
    %get3A_977 = memref.load %arg2[%get3A_976] : memref<1108xf32, #tpu.memory_space<smem>>
    %add3A_978 = vector.broadcast %get3A_977 : f32 to vector<512x128xf32>
    %add3A_979 = arith.addf %add3A_975, %add3A_978 : vector<512x128xf32>
    %exp3A_980 = math.exp %add3A_979 : vector<512x128xf32>
    %mul3A_981 = arith.constant 5.000000e-01 : f32
    %mul3A_982 = vector.broadcast %mul3A_981 : f32 to vector<512x128xf32>
    %mul3A_983 = arith.mulf %mul3A_982, %exp3A_980 : vector<512x128xf32>
    %add3A_984 = arith.constant 5.000000e-01 : f32
    %add3A_985 = vector.broadcast %add3A_984 : f32 to vector<512x128xf32>
    %add3A_986 = arith.addf %add3A_985, %mul3A_983 : vector<512x128xf32>
    %log3A_987 = math.log %add3A_986 : vector<512x128xf32>
    %get3A_988 = arith.constant 423 : index
    %get3A_989 = memref.load %arg2[%get3A_988] : memref<1108xf32, #tpu.memory_space<smem>>
    %mul3A_990 = vector.broadcast %get3A_989 : f32 to vector<512x128xf32>
    %mul3A_991 = arith.mulf %log3A_709, %mul3A_990 : vector<512x128xf32>
    %get3A_992 = arith.constant 431 : index
    %get3A_993 = memref.load %arg2[%get3A_992] : memref<1108xf32, #tpu.memory_space<smem>>
    %mul3A_994 = vector.broadcast %get3A_993 : f32 to vector<512x128xf32>
    %mul3A_995 = arith.mulf %log3A_740, %mul3A_994 : vector<512x128xf32>
    %add3A_996 = arith.addf %mul3A_991, %mul3A_995 : vector<512x128xf32>
    %get3A_997 = arith.constant 439 : index
    %get3A_998 = memref.load %arg2[%get3A_997] : memref<1108xf32, #tpu.memory_space<smem>>
    %mul3A_999 = vector.broadcast %get3A_998 : f32 to vector<512x128xf32>
    %mul3A_1000 = arith.mulf %log3A_771, %mul3A_999 : vector<512x128xf32>
    %add3A_1001 = arith.addf %add3A_996, %mul3A_1000 : vector<512x128xf32>
    %get3A_1002 = arith.constant 447 : index
    %get3A_1003 = memref.load %arg2[%get3A_1002] : memref<1108xf32, #tpu.memory_space<smem>>
    %mul3A_1004 = vector.broadcast %get3A_1003 : f32 to vector<512x128xf32>
    %mul3A_1005 = arith.mulf %log3A_802, %mul3A_1004 : vector<512x128xf32>
    %add3A_1006 = arith.addf %add3A_1001, %mul3A_1005 : vector<512x128xf32>
    %get3A_1007 = arith.constant 455 : index
    %get3A_1008 = memref.load %arg2[%get3A_1007] : memref<1108xf32, #tpu.memory_space<smem>>
    %mul3A_1009 = vector.broadcast %get3A_1008 : f32 to vector<512x128xf32>
    %mul3A_1010 = arith.mulf %log3A_833, %mul3A_1009 : vector<512x128xf32>
    %add3A_1011 = arith.addf %add3A_1006, %mul3A_1010 : vector<512x128xf32>
    %get3A_1012 = arith.constant 463 : index
    %get3A_1013 = memref.load %arg2[%get3A_1012] : memref<1108xf32, #tpu.memory_space<smem>>
    %mul3A_1014 = vector.broadcast %get3A_1013 : f32 to vector<512x128xf32>
    %mul3A_1015 = arith.mulf %log3A_864, %mul3A_1014 : vector<512x128xf32>
    %add3A_1016 = arith.addf %add3A_1011, %mul3A_1015 : vector<512x128xf32>
    %get3A_1017 = arith.constant 511 : index
    %get3A_1018 = memref.load %arg2[%get3A_1017] : memref<1108xf32, #tpu.memory_space<smem>>
    %add3A_1019 = vector.broadcast %get3A_1018 : f32 to vector<512x128xf32>
    %add3A_1020 = arith.addf %add3A_1016, %add3A_1019 : vector<512x128xf32>
    %exp3A_1021 = math.exp %add3A_1020 : vector<512x128xf32>
    %mul3A_1022 = arith.constant 5.000000e-01 : f32
    %mul3A_1023 = vector.broadcast %mul3A_1022 : f32 to vector<512x128xf32>
    %mul3A_1024 = arith.mulf %mul3A_1023, %exp3A_1021 : vector<512x128xf32>
    %add3A_1025 = arith.constant 5.000000e-01 : f32
    %add3A_1026 = vector.broadcast %add3A_1025 : f32 to vector<512x128xf32>
    %add3A_1027 = arith.addf %add3A_1026, %mul3A_1024 : vector<512x128xf32>
    %log3A_1028 = math.log %add3A_1027 : vector<512x128xf32>
    %get3A_1029 = arith.constant 424 : index
    %get3A_1030 = memref.load %arg2[%get3A_1029] : memref<1108xf32, #tpu.memory_space<smem>>
    %mul3A_1031 = vector.broadcast %get3A_1030 : f32 to vector<512x128xf32>
    %mul3A_1032 = arith.mulf %log3A_709, %mul3A_1031 : vector<512x128xf32>
    %get3A_1033 = arith.constant 432 : index
    %get3A_1034 = memref.load %arg2[%get3A_1033] : memref<1108xf32, #tpu.memory_space<smem>>
    %mul3A_1035 = vector.broadcast %get3A_1034 : f32 to vector<512x128xf32>
    %mul3A_1036 = arith.mulf %log3A_740, %mul3A_1035 : vector<512x128xf32>
    %add3A_1037 = arith.addf %mul3A_1032, %mul3A_1036 : vector<512x128xf32>
    %get3A_1038 = arith.constant 440 : index
    %get3A_1039 = memref.load %arg2[%get3A_1038] : memref<1108xf32, #tpu.memory_space<smem>>
    %mul3A_1040 = vector.broadcast %get3A_1039 : f32 to vector<512x128xf32>
    %mul3A_1041 = arith.mulf %log3A_771, %mul3A_1040 : vector<512x128xf32>
    %add3A_1042 = arith.addf %add3A_1037, %mul3A_1041 : vector<512x128xf32>
    %get3A_1043 = arith.constant 448 : index
    %get3A_1044 = memref.load %arg2[%get3A_1043] : memref<1108xf32, #tpu.memory_space<smem>>
    %mul3A_1045 = vector.broadcast %get3A_1044 : f32 to vector<512x128xf32>
    %mul3A_1046 = arith.mulf %log3A_802, %mul3A_1045 : vector<512x128xf32>
    %add3A_1047 = arith.addf %add3A_1042, %mul3A_1046 : vector<512x128xf32>
    %get3A_1048 = arith.constant 456 : index
    %get3A_1049 = memref.load %arg2[%get3A_1048] : memref<1108xf32, #tpu.memory_space<smem>>
    %mul3A_1050 = vector.broadcast %get3A_1049 : f32 to vector<512x128xf32>
    %mul3A_1051 = arith.mulf %log3A_833, %mul3A_1050 : vector<512x128xf32>
    %add3A_1052 = arith.addf %add3A_1047, %mul3A_1051 : vector<512x128xf32>
    %get3A_1053 = arith.constant 464 : index
    %get3A_1054 = memref.load %arg2[%get3A_1053] : memref<1108xf32, #tpu.memory_space<smem>>
    %mul3A_1055 = vector.broadcast %get3A_1054 : f32 to vector<512x128xf32>
    %mul3A_1056 = arith.mulf %log3A_864, %mul3A_1055 : vector<512x128xf32>
    %add3A_1057 = arith.addf %add3A_1052, %mul3A_1056 : vector<512x128xf32>
    %get3A_1058 = arith.constant 512 : index
    %get3A_1059 = memref.load %arg2[%get3A_1058] : memref<1108xf32, #tpu.memory_space<smem>>
    %add3A_1060 = vector.broadcast %get3A_1059 : f32 to vector<512x128xf32>
    %add3A_1061 = arith.addf %add3A_1057, %add3A_1060 : vector<512x128xf32>
    %exp3A_1062 = math.exp %add3A_1061 : vector<512x128xf32>
    %mul3A_1063 = arith.constant 5.000000e-01 : f32
    %mul3A_1064 = vector.broadcast %mul3A_1063 : f32 to vector<512x128xf32>
    %mul3A_1065 = arith.mulf %mul3A_1064, %exp3A_1062 : vector<512x128xf32>
    %add3A_1066 = arith.constant 5.000000e-01 : f32
    %add3A_1067 = vector.broadcast %add3A_1066 : f32 to vector<512x128xf32>
    %add3A_1068 = arith.addf %add3A_1067, %mul3A_1065 : vector<512x128xf32>
    %log3A_1069 = math.log %add3A_1068 : vector<512x128xf32>
    %get3A_1070 = arith.constant 425 : index
    %get3A_1071 = memref.load %arg2[%get3A_1070] : memref<1108xf32, #tpu.memory_space<smem>>
    %mul3A_1072 = vector.broadcast %get3A_1071 : f32 to vector<512x128xf32>
    %mul3A_1073 = arith.mulf %log3A_709, %mul3A_1072 : vector<512x128xf32>
    %get3A_1074 = arith.constant 433 : index
    %get3A_1075 = memref.load %arg2[%get3A_1074] : memref<1108xf32, #tpu.memory_space<smem>>
    %mul3A_1076 = vector.broadcast %get3A_1075 : f32 to vector<512x128xf32>
    %mul3A_1077 = arith.mulf %log3A_740, %mul3A_1076 : vector<512x128xf32>
    %add3A_1078 = arith.addf %mul3A_1073, %mul3A_1077 : vector<512x128xf32>
    %get3A_1079 = arith.constant 441 : index
    %get3A_1080 = memref.load %arg2[%get3A_1079] : memref<1108xf32, #tpu.memory_space<smem>>
    %mul3A_1081 = vector.broadcast %get3A_1080 : f32 to vector<512x128xf32>
    %mul3A_1082 = arith.mulf %log3A_771, %mul3A_1081 : vector<512x128xf32>
    %add3A_1083 = arith.addf %add3A_1078, %mul3A_1082 : vector<512x128xf32>
    %get3A_1084 = arith.constant 449 : index
    %get3A_1085 = memref.load %arg2[%get3A_1084] : memref<1108xf32, #tpu.memory_space<smem>>
    %mul3A_1086 = vector.broadcast %get3A_1085 : f32 to vector<512x128xf32>
    %mul3A_1087 = arith.mulf %log3A_802, %mul3A_1086 : vector<512x128xf32>
    %add3A_1088 = arith.addf %add3A_1083, %mul3A_1087 : vector<512x128xf32>
    %get3A_1089 = arith.constant 457 : index
    %get3A_1090 = memref.load %arg2[%get3A_1089] : memref<1108xf32, #tpu.memory_space<smem>>
    %mul3A_1091 = vector.broadcast %get3A_1090 : f32 to vector<512x128xf32>
    %mul3A_1092 = arith.mulf %log3A_833, %mul3A_1091 : vector<512x128xf32>
    %add3A_1093 = arith.addf %add3A_1088, %mul3A_1092 : vector<512x128xf32>
    %get3A_1094 = arith.constant 465 : index
    %get3A_1095 = memref.load %arg2[%get3A_1094] : memref<1108xf32, #tpu.memory_space<smem>>
    %mul3A_1096 = vector.broadcast %get3A_1095 : f32 to vector<512x128xf32>
    %mul3A_1097 = arith.mulf %log3A_864, %mul3A_1096 : vector<512x128xf32>
    %add3A_1098 = arith.addf %add3A_1093, %mul3A_1097 : vector<512x128xf32>
    %get3A_1099 = arith.constant 513 : index
    %get3A_1100 = memref.load %arg2[%get3A_1099] : memref<1108xf32, #tpu.memory_space<smem>>
    %add3A_1101 = vector.broadcast %get3A_1100 : f32 to vector<512x128xf32>
    %add3A_1102 = arith.addf %add3A_1098, %add3A_1101 : vector<512x128xf32>
    %exp3A_1103 = math.exp %add3A_1102 : vector<512x128xf32>
    %mul3A_1104 = arith.constant 5.000000e-01 : f32
    %mul3A_1105 = vector.broadcast %mul3A_1104 : f32 to vector<512x128xf32>
    %mul3A_1106 = arith.mulf %mul3A_1105, %exp3A_1103 : vector<512x128xf32>
    %add3A_1107 = arith.constant 5.000000e-01 : f32
    %add3A_1108 = vector.broadcast %add3A_1107 : f32 to vector<512x128xf32>
    %add3A_1109 = arith.addf %add3A_1108, %mul3A_1106 : vector<512x128xf32>
    %log3A_1110 = math.log %add3A_1109 : vector<512x128xf32>
    %get3A_1111 = arith.constant 426 : index
    %get3A_1112 = memref.load %arg2[%get3A_1111] : memref<1108xf32, #tpu.memory_space<smem>>
    %mul3A_1113 = vector.broadcast %get3A_1112 : f32 to vector<512x128xf32>
    %mul3A_1114 = arith.mulf %log3A_709, %mul3A_1113 : vector<512x128xf32>
    %get3A_1115 = arith.constant 434 : index
    %get3A_1116 = memref.load %arg2[%get3A_1115] : memref<1108xf32, #tpu.memory_space<smem>>
    %mul3A_1117 = vector.broadcast %get3A_1116 : f32 to vector<512x128xf32>
    %mul3A_1118 = arith.mulf %log3A_740, %mul3A_1117 : vector<512x128xf32>
    %add3A_1119 = arith.addf %mul3A_1114, %mul3A_1118 : vector<512x128xf32>
    %get3A_1120 = arith.constant 442 : index
    %get3A_1121 = memref.load %arg2[%get3A_1120] : memref<1108xf32, #tpu.memory_space<smem>>
    %mul3A_1122 = vector.broadcast %get3A_1121 : f32 to vector<512x128xf32>
    %mul3A_1123 = arith.mulf %log3A_771, %mul3A_1122 : vector<512x128xf32>
    %add3A_1124 = arith.addf %add3A_1119, %mul3A_1123 : vector<512x128xf32>
    %get3A_1125 = arith.constant 450 : index
    %get3A_1126 = memref.load %arg2[%get3A_1125] : memref<1108xf32, #tpu.memory_space<smem>>
    %mul3A_1127 = vector.broadcast %get3A_1126 : f32 to vector<512x128xf32>
    %mul3A_1128 = arith.mulf %log3A_802, %mul3A_1127 : vector<512x128xf32>
    %add3A_1129 = arith.addf %add3A_1124, %mul3A_1128 : vector<512x128xf32>
    %get3A_1130 = arith.constant 458 : index
    %get3A_1131 = memref.load %arg2[%get3A_1130] : memref<1108xf32, #tpu.memory_space<smem>>
    %mul3A_1132 = vector.broadcast %get3A_1131 : f32 to vector<512x128xf32>
    %mul3A_1133 = arith.mulf %log3A_833, %mul3A_1132 : vector<512x128xf32>
    %add3A_1134 = arith.addf %add3A_1129, %mul3A_1133 : vector<512x128xf32>
    %get3A_1135 = arith.constant 466 : index
    %get3A_1136 = memref.load %arg2[%get3A_1135] : memref<1108xf32, #tpu.memory_space<smem>>
    %mul3A_1137 = vector.broadcast %get3A_1136 : f32 to vector<512x128xf32>
    %mul3A_1138 = arith.mulf %log3A_864, %mul3A_1137 : vector<512x128xf32>
    %add3A_1139 = arith.addf %add3A_1134, %mul3A_1138 : vector<512x128xf32>
    %get3A_1140 = arith.constant 514 : index
    %get3A_1141 = memref.load %arg2[%get3A_1140] : memref<1108xf32, #tpu.memory_space<smem>>
    %add3A_1142 = vector.broadcast %get3A_1141 : f32 to vector<512x128xf32>
    %add3A_1143 = arith.addf %add3A_1139, %add3A_1142 : vector<512x128xf32>
    %exp3A_1144 = math.exp %add3A_1143 : vector<512x128xf32>
    %mul3A_1145 = arith.constant 5.000000e-01 : f32
    %mul3A_1146 = vector.broadcast %mul3A_1145 : f32 to vector<512x128xf32>
    %mul3A_1147 = arith.mulf %mul3A_1146, %exp3A_1144 : vector<512x128xf32>
    %add3A_1148 = arith.constant 5.000000e-01 : f32
    %add3A_1149 = vector.broadcast %add3A_1148 : f32 to vector<512x128xf32>
    %add3A_1150 = arith.addf %add3A_1149, %mul3A_1147 : vector<512x128xf32>
    %log3A_1151 = math.log %add3A_1150 : vector<512x128xf32>
    %get3A_1152 = arith.constant 427 : index
    %get3A_1153 = memref.load %arg2[%get3A_1152] : memref<1108xf32, #tpu.memory_space<smem>>
    %mul3A_1154 = vector.broadcast %get3A_1153 : f32 to vector<512x128xf32>
    %mul3A_1155 = arith.mulf %log3A_709, %mul3A_1154 : vector<512x128xf32>
    %get3A_1156 = arith.constant 435 : index
    %get3A_1157 = memref.load %arg2[%get3A_1156] : memref<1108xf32, #tpu.memory_space<smem>>
    %mul3A_1158 = vector.broadcast %get3A_1157 : f32 to vector<512x128xf32>
    %mul3A_1159 = arith.mulf %log3A_740, %mul3A_1158 : vector<512x128xf32>
    %add3A_1160 = arith.addf %mul3A_1155, %mul3A_1159 : vector<512x128xf32>
    %get3A_1161 = arith.constant 443 : index
    %get3A_1162 = memref.load %arg2[%get3A_1161] : memref<1108xf32, #tpu.memory_space<smem>>
    %mul3A_1163 = vector.broadcast %get3A_1162 : f32 to vector<512x128xf32>
    %mul3A_1164 = arith.mulf %log3A_771, %mul3A_1163 : vector<512x128xf32>
    %add3A_1165 = arith.addf %add3A_1160, %mul3A_1164 : vector<512x128xf32>
    %get3A_1166 = arith.constant 451 : index
    %get3A_1167 = memref.load %arg2[%get3A_1166] : memref<1108xf32, #tpu.memory_space<smem>>
    %mul3A_1168 = vector.broadcast %get3A_1167 : f32 to vector<512x128xf32>
    %mul3A_1169 = arith.mulf %log3A_802, %mul3A_1168 : vector<512x128xf32>
    %add3A_1170 = arith.addf %add3A_1165, %mul3A_1169 : vector<512x128xf32>
    %get3A_1171 = arith.constant 459 : index
    %get3A_1172 = memref.load %arg2[%get3A_1171] : memref<1108xf32, #tpu.memory_space<smem>>
    %mul3A_1173 = vector.broadcast %get3A_1172 : f32 to vector<512x128xf32>
    %mul3A_1174 = arith.mulf %log3A_833, %mul3A_1173 : vector<512x128xf32>
    %add3A_1175 = arith.addf %add3A_1170, %mul3A_1174 : vector<512x128xf32>
    %get3A_1176 = arith.constant 467 : index
    %get3A_1177 = memref.load %arg2[%get3A_1176] : memref<1108xf32, #tpu.memory_space<smem>>
    %mul3A_1178 = vector.broadcast %get3A_1177 : f32 to vector<512x128xf32>
    %mul3A_1179 = arith.mulf %log3A_864, %mul3A_1178 : vector<512x128xf32>
    %add3A_1180 = arith.addf %add3A_1175, %mul3A_1179 : vector<512x128xf32>
    %get3A_1181 = arith.constant 515 : index
    %get3A_1182 = memref.load %arg2[%get3A_1181] : memref<1108xf32, #tpu.memory_space<smem>>
    %add3A_1183 = vector.broadcast %get3A_1182 : f32 to vector<512x128xf32>
    %add3A_1184 = arith.addf %add3A_1180, %add3A_1183 : vector<512x128xf32>
    %exp3A_1185 = math.exp %add3A_1184 : vector<512x128xf32>
    %mul3A_1186 = arith.constant 5.000000e-01 : f32
    %mul3A_1187 = vector.broadcast %mul3A_1186 : f32 to vector<512x128xf32>
    %mul3A_1188 = arith.mulf %mul3A_1187, %exp3A_1185 : vector<512x128xf32>
    %add3A_1189 = arith.constant 5.000000e-01 : f32
    %add3A_1190 = vector.broadcast %add3A_1189 : f32 to vector<512x128xf32>
    %add3A_1191 = arith.addf %add3A_1190, %mul3A_1188 : vector<512x128xf32>
    %log3A_1192 = math.log %add3A_1191 : vector<512x128xf32>
    %get3A_1193 = arith.constant 0 : index
    %get3A_1194 = arith.constant 0 : index
    %get3A_1195 = vector.load %arg3[%get3A_1193, %get3A_1194] : memref<8x128xf32, #tpu.memory_space<vmem>>, vector<1x128xf32>
    %get3A_1196 = vector.shape_cast %get3A_1195 : vector<1x128xf32> to vector<128xf32>
    %broadcast_in_dim3A_1197 = vector.shape_cast %get3A_1196 : vector<128xf32> to vector<1x128xf32>
    %mul3A_1198 = vector.broadcast %broadcast_in_dim3A_1197 : vector<1x128xf32> to vector<512x128xf32>
    %mul3A_1199 = arith.mulf %log3A_905, %mul3A_1198 : vector<512x128xf32>
    %dot_general3A_1200 = arith.constant dense<0.000000e+00> : vector<512x8xf32>
    %dot_general3A_1201 = tpu.matmul %mul3A_1199, %convert_element_type3A_43, %dot_general3A_1200 {dimension_numbers = #tpu.dot_dimension_numbers<[1], [0], [0], [1], [0, 0, 1, 1], [], []>, transpose_lhs_hint = false} : vector<512x128xf32>, vector<128x8xf32>, vector<512x8xf32> -> vector<512x8xf32>
    %swap3A_1202 = arith.constant 1 : index
    %swap3A_1203 = arith.constant 0 : index
    %swap3A_1204 = arith.constant 0 : index
    %swap3A_1205 = arith.constant 0 : index
    %swap3A_1206 = vector.load %arg4[%swap3A_1202, %swap3A_1203, %swap3A_1204, %swap3A_1205] : memref<2x8x512x8xf32, #tpu.memory_space<vmem>>, vector<1x1x512x8xf32>
    %swap3A_1207 = vector.shape_cast %swap3A_1206 : vector<1x1x512x8xf32> to vector<512x8xf32>
    %swap3A_1208 = vector.shape_cast %dot_general3A_1201 : vector<512x8xf32> to vector<1x1x512x8xf32>
    tpu.vector_store %arg4[%swap3A_1202, %swap3A_1203, %swap3A_1204, %swap3A_1205], %swap3A_1208 {strides = array<i32>} : memref<2x8x512x8xf32, #tpu.memory_space<vmem>>, vector<1x1x512x8xf32>,
    %get3A_1209 = arith.constant 1 : index
    %get3A_1210 = arith.constant 0 : index
    %get3A_1211 = vector.load %arg3[%get3A_1209, %get3A_1210] : memref<8x128xf32, #tpu.memory_space<vmem>>, vector<1x128xf32>
    %get3A_1212 = vector.shape_cast %get3A_1211 : vector<1x128xf32> to vector<128xf32>
    %broadcast_in_dim3A_1213 = vector.shape_cast %get3A_1212 : vector<128xf32> to vector<1x128xf32>
    %mul3A_1214 = vector.broadcast %broadcast_in_dim3A_1213 : vector<1x128xf32> to vector<512x128xf32>
    %mul3A_1215 = arith.mulf %log3A_946, %mul3A_1214 : vector<512x128xf32>
    %dot_general3A_1216 = arith.constant dense<0.000000e+00> : vector<512x8xf32>
    %dot_general3A_1217 = tpu.matmul %mul3A_1215, %convert_element_type3A_43, %dot_general3A_1216 {dimension_numbers = #tpu.dot_dimension_numbers<[1], [0], [0], [1], [0, 0, 1, 1], [], []>, transpose_lhs_hint = false} : vector<512x128xf32>, vector<128x8xf32>, vector<512x8xf32> -> vector<512x8xf32>
    %swap3A_1218 = arith.constant 1 : index
    %swap3A_1219 = arith.constant 1 : index
    %swap3A_1220 = arith.constant 0 : index
    %swap3A_1221 = arith.constant 0 : index
    %swap3A_1222 = vector.load %arg4[%swap3A_1218, %swap3A_1219, %swap3A_1220, %swap3A_1221] : memref<2x8x512x8xf32, #tpu.memory_space<vmem>>, vector<1x1x512x8xf32>
    %swap3A_1223 = vector.shape_cast %swap3A_1222 : vector<1x1x512x8xf32> to vector<512x8xf32>
    %swap3A_1224 = vector.shape_cast %dot_general3A_1217 : vector<512x8xf32> to vector<1x1x512x8xf32>
    tpu.vector_store %arg4[%swap3A_1218, %swap3A_1219, %swap3A_1220, %swap3A_1221], %swap3A_1224 {strides = array<i32>} : memref<2x8x512x8xf32, #tpu.memory_space<vmem>>, vector<1x1x512x8xf32>,
    %get3A_1225 = arith.constant 2 : index
    %get3A_1226 = arith.constant 0 : index
    %get3A_1227 = vector.load %arg3[%get3A_1225, %get3A_1226] : memref<8x128xf32, #tpu.memory_space<vmem>>, vector<1x128xf32>
    %get3A_1228 = vector.shape_cast %get3A_1227 : vector<1x128xf32> to vector<128xf32>
    %broadcast_in_dim3A_1229 = vector.shape_cast %get3A_1228 : vector<128xf32> to vector<1x128xf32>
    %mul3A_1230 = vector.broadcast %broadcast_in_dim3A_1229 : vector<1x128xf32> to vector<512x128xf32>
    %mul3A_1231 = arith.mulf %log3A_987, %mul3A_1230 : vector<512x128xf32>
    %dot_general3A_1232 = arith.constant dense<0.000000e+00> : vector<512x8xf32>
    %dot_general3A_1233 = tpu.matmul %mul3A_1231, %convert_element_type3A_43, %dot_general3A_1232 {dimension_numbers = #tpu.dot_dimension_numbers<[1], [0], [0], [1], [0, 0, 1, 1], [], []>, transpose_lhs_hint = false} : vector<512x128xf32>, vector<128x8xf32>, vector<512x8xf32> -> vector<512x8xf32>
    %swap3A_1234 = arith.constant 1 : index
    %swap3A_1235 = arith.constant 2 : index
    %swap3A_1236 = arith.constant 0 : index
    %swap3A_1237 = arith.constant 0 : index
    %swap3A_1238 = vector.load %arg4[%swap3A_1234, %swap3A_1235, %swap3A_1236, %swap3A_1237] : memref<2x8x512x8xf32, #tpu.memory_space<vmem>>, vector<1x1x512x8xf32>
    %swap3A_1239 = vector.shape_cast %swap3A_1238 : vector<1x1x512x8xf32> to vector<512x8xf32>
    %swap3A_1240 = vector.shape_cast %dot_general3A_1233 : vector<512x8xf32> to vector<1x1x512x8xf32>
    tpu.vector_store %arg4[%swap3A_1234, %swap3A_1235, %swap3A_1236, %swap3A_1237], %swap3A_1240 {strides = array<i32>} : memref<2x8x512x8xf32, #tpu.memory_space<vmem>>, vector<1x1x512x8xf32>,
    %get3A_1241 = arith.constant 3 : index
    %get3A_1242 = arith.constant 0 : index
    %get3A_1243 = vector.load %arg3[%get3A_1241, %get3A_1242] : memref<8x128xf32, #tpu.memory_space<vmem>>, vector<1x128xf32>
    %get3A_1244 = vector.shape_cast %get3A_1243 : vector<1x128xf32> to vector<128xf32>
    %broadcast_in_dim3A_1245 = vector.shape_cast %get3A_1244 : vector<128xf32> to vector<1x128xf32>
    %mul3A_1246 = vector.broadcast %broadcast_in_dim3A_1245 : vector<1x128xf32> to vector<512x128xf32>
    %mul3A_1247 = arith.mulf %log3A_1028, %mul3A_1246 : vector<512x128xf32>
    %dot_general3A_1248 = arith.constant dense<0.000000e+00> : vector<512x8xf32>
    %dot_general3A_1249 = tpu.matmul %mul3A_1247, %convert_element_type3A_43, %dot_general3A_1248 {dimension_numbers = #tpu.dot_dimension_numbers<[1], [0], [0], [1], [0, 0, 1, 1], [], []>, transpose_lhs_hint = false} : vector<512x128xf32>, vector<128x8xf32>, vector<512x8xf32> -> vector<512x8xf32>
    %swap3A_1250 = arith.constant 1 : index
    %swap3A_1251 = arith.constant 3 : index
    %swap3A_1252 = arith.constant 0 : index
    %swap3A_1253 = arith.constant 0 : index
    %swap3A_1254 = vector.load %arg4[%swap3A_1250, %swap3A_1251, %swap3A_1252, %swap3A_1253] : memref<2x8x512x8xf32, #tpu.memory_space<vmem>>, vector<1x1x512x8xf32>
    %swap3A_1255 = vector.shape_cast %swap3A_1254 : vector<1x1x512x8xf32> to vector<512x8xf32>
    %swap3A_1256 = vector.shape_cast %dot_general3A_1249 : vector<512x8xf32> to vector<1x1x512x8xf32>
    tpu.vector_store %arg4[%swap3A_1250, %swap3A_1251, %swap3A_1252, %swap3A_1253], %swap3A_1256 {strides = array<i32>} : memref<2x8x512x8xf32, #tpu.memory_space<vmem>>, vector<1x1x512x8xf32>,
    %get3A_1257 = arith.constant 4 : index
    %get3A_1258 = arith.constant 0 : index
    %get3A_1259 = vector.load %arg3[%get3A_1257, %get3A_1258] : memref<8x128xf32, #tpu.memory_space<vmem>>, vector<1x128xf32>
    %get3A_1260 = vector.shape_cast %get3A_1259 : vector<1x128xf32> to vector<128xf32>
    %broadcast_in_dim3A_1261 = vector.shape_cast %get3A_1260 : vector<128xf32> to vector<1x128xf32>
    %mul3A_1262 = vector.broadcast %broadcast_in_dim3A_1261 : vector<1x128xf32> to vector<512x128xf32>
    %mul3A_1263 = arith.mulf %log3A_1069, %mul3A_1262 : vector<512x128xf32>
    %dot_general3A_1264 = arith.constant dense<0.000000e+00> : vector<512x8xf32>
    %dot_general3A_1265 = tpu.matmul %mul3A_1263, %convert_element_type3A_43, %dot_general3A_1264 {dimension_numbers = #tpu.dot_dimension_numbers<[1], [0], [0], [1], [0, 0, 1, 1], [], []>, transpose_lhs_hint = false} : vector<512x128xf32>, vector<128x8xf32>, vector<512x8xf32> -> vector<512x8xf32>
    %swap3A_1266 = arith.constant 1 : index
    %swap3A_1267 = arith.constant 4 : index
    %swap3A_1268 = arith.constant 0 : index
    %swap3A_1269 = arith.constant 0 : index
    %swap3A_1270 = vector.load %arg4[%swap3A_1266, %swap3A_1267, %swap3A_1268, %swap3A_1269] : memref<2x8x512x8xf32, #tpu.memory_space<vmem>>, vector<1x1x512x8xf32>
    %swap3A_1271 = vector.shape_cast %swap3A_1270 : vector<1x1x512x8xf32> to vector<512x8xf32>
    %swap3A_1272 = vector.shape_cast %dot_general3A_1265 : vector<512x8xf32> to vector<1x1x512x8xf32>
    tpu.vector_store %arg4[%swap3A_1266, %swap3A_1267, %swap3A_1268, %swap3A_1269], %swap3A_1272 {strides = array<i32>} : memref<2x8x512x8xf32, #tpu.memory_space<vmem>>, vector<1x1x512x8xf32>,
    %get3A_1273 = arith.constant 5 : index
    %get3A_1274 = arith.constant 0 : index
    %get3A_1275 = vector.load %arg3[%get3A_1273, %get3A_1274] : memref<8x128xf32, #tpu.memory_space<vmem>>, vector<1x128xf32>
    %get3A_1276 = vector.shape_cast %get3A_1275 : vector<1x128xf32> to vector<128xf32>
    %broadcast_in_dim3A_1277 = vector.shape_cast %get3A_1276 : vector<128xf32> to vector<1x128xf32>
    %mul3A_1278 = vector.broadcast %broadcast_in_dim3A_1277 : vector<1x128xf32> to vector<512x128xf32>
    %mul3A_1279 = arith.mulf %log3A_1110, %mul3A_1278 : vector<512x128xf32>
    %dot_general3A_1280 = arith.constant dense<0.000000e+00> : vector<512x8xf32>
    %dot_general3A_1281 = tpu.matmul %mul3A_1279, %convert_element_type3A_43, %dot_general3A_1280 {dimension_numbers = #tpu.dot_dimension_numbers<[1], [0], [0], [1], [0, 0, 1, 1], [], []>, transpose_lhs_hint = false} : vector<512x128xf32>, vector<128x8xf32>, vector<512x8xf32> -> vector<512x8xf32>
    %swap3A_1282 = arith.constant 1 : index
    %swap3A_1283 = arith.constant 5 : index
    %swap3A_1284 = arith.constant 0 : index
    %swap3A_1285 = arith.constant 0 : index
    %swap3A_1286 = vector.load %arg4[%swap3A_1282, %swap3A_1283, %swap3A_1284, %swap3A_1285] : memref<2x8x512x8xf32, #tpu.memory_space<vmem>>, vector<1x1x512x8xf32>
    %swap3A_1287 = vector.shape_cast %swap3A_1286 : vector<1x1x512x8xf32> to vector<512x8xf32>
    %swap3A_1288 = vector.shape_cast %dot_general3A_1281 : vector<512x8xf32> to vector<1x1x512x8xf32>
    tpu.vector_store %arg4[%swap3A_1282, %swap3A_1283, %swap3A_1284, %swap3A_1285], %swap3A_1288 {strides = array<i32>} : memref<2x8x512x8xf32, #tpu.memory_space<vmem>>, vector<1x1x512x8xf32>,
    %get3A_1289 = arith.constant 6 : index
    %get3A_1290 = arith.constant 0 : index
    %get3A_1291 = vector.load %arg3[%get3A_1289, %get3A_1290] : memref<8x128xf32, #tpu.memory_space<vmem>>, vector<1x128xf32>
    %get3A_1292 = vector.shape_cast %get3A_1291 : vector<1x128xf32> to vector<128xf32>
    %broadcast_in_dim3A_1293 = vector.shape_cast %get3A_1292 : vector<128xf32> to vector<1x128xf32>
    %mul3A_1294 = vector.broadcast %broadcast_in_dim3A_1293 : vector<1x128xf32> to vector<512x128xf32>
    %mul3A_1295 = arith.mulf %log3A_1151, %mul3A_1294 : vector<512x128xf32>
    %dot_general3A_1296 = arith.constant dense<0.000000e+00> : vector<512x8xf32>
    %dot_general3A_1297 = tpu.matmul %mul3A_1295, %convert_element_type3A_43, %dot_general3A_1296 {dimension_numbers = #tpu.dot_dimension_numbers<[1], [0], [0], [1], [0, 0, 1, 1], [], []>, transpose_lhs_hint = false} : vector<512x128xf32>, vector<128x8xf32>, vector<512x8xf32> -> vector<512x8xf32>
    %swap3A_1298 = arith.constant 1 : index
    %swap3A_1299 = arith.constant 6 : index
    %swap3A_1300 = arith.constant 0 : index
    %swap3A_1301 = arith.constant 0 : index
    %swap3A_1302 = vector.load %arg4[%swap3A_1298, %swap3A_1299, %swap3A_1300, %swap3A_1301] : memref<2x8x512x8xf32, #tpu.memory_space<vmem>>, vector<1x1x512x8xf32>
    %swap3A_1303 = vector.shape_cast %swap3A_1302 : vector<1x1x512x8xf32> to vector<512x8xf32>
    %swap3A_1304 = vector.shape_cast %dot_general3A_1297 : vector<512x8xf32> to vector<1x1x512x8xf32>
    tpu.vector_store %arg4[%swap3A_1298, %swap3A_1299, %swap3A_1300, %swap3A_1301], %swap3A_1304 {strides = array<i32>} : memref<2x8x512x8xf32, #tpu.memory_space<vmem>>, vector<1x1x512x8xf32>,
    %get3A_1305 = arith.constant 7 : index
    %get3A_1306 = arith.constant 0 : index
    %get3A_1307 = vector.load %arg3[%get3A_1305, %get3A_1306] : memref<8x128xf32, #tpu.memory_space<vmem>>, vector<1x128xf32>
    %get3A_1308 = vector.shape_cast %get3A_1307 : vector<1x128xf32> to vector<128xf32>
    %broadcast_in_dim3A_1309 = vector.shape_cast %get3A_1308 : vector<128xf32> to vector<1x128xf32>
    %mul3A_1310 = vector.broadcast %broadcast_in_dim3A_1309 : vector<1x128xf32> to vector<512x128xf32>
    %mul3A_1311 = arith.mulf %log3A_1192, %mul3A_1310 : vector<512x128xf32>
    %dot_general3A_1312 = arith.constant dense<0.000000e+00> : vector<512x8xf32>
    %dot_general3A_1313 = tpu.matmul %mul3A_1311, %convert_element_type3A_43, %dot_general3A_1312 {dimension_numbers = #tpu.dot_dimension_numbers<[1], [0], [0], [1], [0, 0, 1, 1], [], []>, transpose_lhs_hint = false} : vector<512x128xf32>, vector<128x8xf32>, vector<512x8xf32> -> vector<512x8xf32>
    %swap3A_1314 = arith.constant 1 : index
    %swap3A_1315 = arith.constant 7 : index
    %swap3A_1316 = arith.constant 0 : index
    %swap3A_1317 = arith.constant 0 : index
    %swap3A_1318 = vector.load %arg4[%swap3A_1314, %swap3A_1315, %swap3A_1316, %swap3A_1317] : memref<2x8x512x8xf32, #tpu.memory_space<vmem>>, vector<1x1x512x8xf32>
    %swap3A_1319 = vector.shape_cast %swap3A_1318 : vector<1x1x512x8xf32> to vector<512x8xf32>
    %swap3A_1320 = vector.shape_cast %dot_general3A_1313 : vector<512x8xf32> to vector<1x1x512x8xf32>
    tpu.vector_store %arg4[%swap3A_1314, %swap3A_1315, %swap3A_1316, %swap3A_1317], %swap3A_1320 {strides = array<i32>} : memref<2x8x512x8xf32, #tpu.memory_space<vmem>>, vector<1x1x512x8xf32>,
    return
  }
  func.func @transform_0(%arg0: i32) -> (i32, i32, i32) {
    %c0_i32 = arith.constant 0 : i32
    %c0_i32_0 = arith.constant 0 : i32
    %c0_i32_1 = arith.constant 0 : i32
    return %c0_i32, %arg0, %c0_i32_0 : i32, i32, i32
  }
  func.func @transform_1(%arg0: i32) -> i32 {
    %c0_i32 = arith.constant 0 : i32
    %c0_i32_0 = arith.constant 0 : i32
    return %c0_i32 : i32
  }
  func.func @transform_2(%arg0: i32) -> (i32, i32) {
    %c0_i32 = arith.constant 0 : i32
    %c0_i32_0 = arith.constant 0 : i32
    %c0_i32_1 = arith.constant 0 : i32
    return %c0_i32, %c0_i32_0 : i32, i32
  }
  func.func @transform_3(%arg0: i32) -> (i32, i32, i32, i32) {
    %c0_i32 = arith.constant 0 : i32
    %c0_i32_0 = arith.constant 0 : i32
    %c0_i32_1 = arith.constant 0 : i32
    %c0_i32_2 = arith.constant 0 : i32
    return %c0_i32, %c0_i32_0, %arg0, %c0_i32_1 : i32, i32, i32, i32
  }
}

module attributes {stable_mosaic.version = 14 : i64} {
  func.func @_body_main(%arg0: i32, %arg1: memref<4x8x64x128xf32, #tpu.memory_space<vmem>>, %arg2: memref<2x8x8x128xf32, #tpu.memory_space<vmem>>, %arg3: memref<1108xf32, #tpu.memory_space<smem>>, %arg4: memref<1x8x2xf32, #tpu.memory_space<vmem>>) attributes {dimension_semantics = [#tpu.dimension_semantics<arbitrary>], iteration_bounds = array<i64: 64>, scalar_prefetch = 0 : i64, scratch_operands = 0 : i64, tpu.core_type = #tpu.core_type<tc>, window_params = [{transform_indices = @transform_0, window_bounds = array<i64: 4, 8, 64, 128>}, {transform_indices = @transform_1, window_bounds = array<i64: 2, 8, 8, 128>}, {transform_indices = @transform_2, window_bounds = array<i64: 1108>}, {transform_indices = @transform_3, window_bounds = array<i64: 1, 8, 2>}]} {
    %get3A = arith.constant 0 : index
    %get3A_0 = arith.constant 0 : index
    %get3A_1 = arith.constant 0 : index
    %get3A_2 = arith.constant 0 : index
    %get3A_3 = vector.load %arg1[%get3A, %get3A_0, %get3A_1, %get3A_2] : memref<4x8x64x128xf32, #tpu.memory_space<vmem>>, vector<1x8x64x128xf32>
    %get3A_4 = vector.shape_cast %get3A_3 : vector<1x8x64x128xf32> to vector<8x64x128xf32>
    %get3A_5 = arith.constant 1 : index
    %get3A_6 = arith.constant 0 : index
    %get3A_7 = arith.constant 0 : index
    %get3A_8 = arith.constant 0 : index
    %get3A_9 = vector.load %arg1[%get3A_5, %get3A_6, %get3A_7, %get3A_8] : memref<4x8x64x128xf32, #tpu.memory_space<vmem>>, vector<1x8x64x128xf32>
    %get3A_10 = vector.shape_cast %get3A_9 : vector<1x8x64x128xf32> to vector<8x64x128xf32>
    %get3A_11 = arith.constant 2 : index
    %get3A_12 = arith.constant 0 : index
    %get3A_13 = arith.constant 0 : index
    %get3A_14 = arith.constant 0 : index
    %get3A_15 = vector.load %arg1[%get3A_11, %get3A_12, %get3A_13, %get3A_14] : memref<4x8x64x128xf32, #tpu.memory_space<vmem>>, vector<1x8x64x128xf32>
    %get3A_16 = vector.shape_cast %get3A_15 : vector<1x8x64x128xf32> to vector<8x64x128xf32>
    %get3A_17 = arith.constant 3 : index
    %get3A_18 = arith.constant 0 : index
    %get3A_19 = arith.constant 0 : index
    %get3A_20 = arith.constant 0 : index
    %get3A_21 = vector.load %arg1[%get3A_17, %get3A_18, %get3A_19, %get3A_20] : memref<4x8x64x128xf32, #tpu.memory_space<vmem>>, vector<1x8x64x128xf32>
    %get3A_22 = vector.shape_cast %get3A_21 : vector<1x8x64x128xf32> to vector<8x64x128xf32>
    %iota3A = tpu.iota {dimensions = array<i32: 0>} : vector<64x128xi32>
    %iota3A_23 = tpu.iota {dimensions = array<i32: 1>} : vector<64x128xi32>
    %jit3A = arith.constant 64 : i32
    %eq3A = arith.constant 0 : i32
    %eq3A_24 = arith.cmpi eq, %jit3A, %eq3A : i32
    %jit3A_25 = arith.constant 1 : i32
    %select_n3A = arith.select %eq3A_24, %jit3A_25, %jit3A : i32
    %rem3A = vector.broadcast %select_n3A : i32 to vector<64x128xi32>
    %rem3A_26 = arith.remsi %iota3A_23, %rem3A : vector<64x128xi32>
    %ne3A = arith.constant 0 : i32
    %ne3A_27 = vector.broadcast %ne3A : i32 to vector<64x128xi32>
    %ne3A_28 = arith.cmpi ne, %rem3A_26, %ne3A_27 : vector<64x128xi32>
    %lt3A = arith.constant 0 : i32
    %lt3A_29 = vector.broadcast %lt3A : i32 to vector<64x128xi32>
    %lt3A_30 = arith.cmpi slt, %rem3A_26, %lt3A_29 : vector<64x128xi32>
    %lt3A_31 = arith.constant 0 : i32
    %lt3A_32 = arith.cmpi slt, %select_n3A, %lt3A_31 : i32
    %ne3A_33 = vector.broadcast %lt3A_32 : i1 to vector<64x128xi1>
    %ne3A_34 = vector.broadcast %ne3A_33 : vector<64x128xi1> to vector<64x128xi1>
    %ne3A_35 = arith.xori %lt3A_30, %ne3A_34 : vector<64x128xi1>
    %and3A = arith.andi %ne3A_35, %ne3A_28 : vector<64x128xi1>
    %add3A = vector.broadcast %select_n3A : i32 to vector<64x128xi32>
    %add3A_36 = arith.addi %rem3A_26, %add3A : vector<64x128xi32>
    %select_n3A_37 = arith.select %and3A, %add3A_36, %rem3A_26 : vector<64x128xi1>, vector<64x128xi32>
    %lt3A_38 = arith.constant 32 : i32
    %lt3A_39 = vector.broadcast %lt3A_38 : i32 to vector<64x128xi32>
    %lt3A_40 = arith.cmpi slt, %iota3A, %lt3A_39 : vector<64x128xi32>
    %lt3A_41 = arith.constant 32 : i32
    %lt3A_42 = vector.broadcast %lt3A_41 : i32 to vector<64x128xi32>
    %lt3A_43 = arith.cmpi slt, %select_n3A_37, %lt3A_42 : vector<64x128xi32>
    %eq3A_44 = arith.xori %lt3A_40, %lt3A_43 : vector<64x128xi1>
    %eq3A_45 = arith.constant dense<true> : vector<64x128xi1>
    %eq3A_46 = arith.xori %eq3A_44, %eq3A_45 : vector<64x128xi1>
    %eq3A_47 = arith.cmpi eq, %iota3A, %select_n3A_37 : vector<64x128xi32>
    %iota3A_48 = tpu.iota {dimensions = array<i32: 0>} : vector<128x2xi32>
    %iota3A_49 = tpu.iota {dimensions = array<i32: 1>} : vector<128x2xi32>
    %jit3A_50 = arith.constant 64 : i32
    %div3A = vector.broadcast %jit3A_50 : i32 to vector<128x2xi32>
    %div3A_51 = arith.divsi %iota3A_48, %div3A : vector<128x2xi32>
    %sign3A = arith.constant 0 : i32
    %sign3A_52 = vector.broadcast %sign3A : i32 to vector<128x2xi32>
    %sign3A_53 = arith.cmpi sgt, %iota3A_48, %sign3A_52 : vector<128x2xi32>
    %sign3A_54 = arith.extui %sign3A_53 : vector<128x2xi1> to vector<128x2xi32>
    %sign3A_55 = arith.constant 0 : i32
    %sign3A_56 = vector.broadcast %sign3A_55 : i32 to vector<128x2xi32>
    %sign3A_57 = arith.cmpi slt, %iota3A_48, %sign3A_56 : vector<128x2xi32>
    %sign3A_58 = arith.extui %sign3A_57 : vector<128x2xi1> to vector<128x2xi32>
    %sign3A_59 = arith.subi %sign3A_54, %sign3A_58 : vector<128x2xi32>
    %sign3A_60 = arith.constant 0 : i32
    %sign3A_61 = arith.cmpi sgt, %jit3A_50, %sign3A_60 : i32
    %sign3A_62 = arith.extui %sign3A_61 : i1 to i32
    %sign3A_63 = arith.constant 0 : i32
    %sign3A_64 = arith.cmpi slt, %jit3A_50, %sign3A_63 : i32
    %sign3A_65 = arith.extui %sign3A_64 : i1 to i32
    %sign3A_66 = arith.subi %sign3A_62, %sign3A_65 : i32
    %ne3A_67 = vector.broadcast %sign3A_66 : i32 to vector<128x2xi32>
    %ne3A_68 = arith.cmpi ne, %sign3A_59, %ne3A_67 : vector<128x2xi32>
    %rem3A_69 = vector.broadcast %jit3A_50 : i32 to vector<128x2xi32>
    %rem3A_70 = arith.remsi %iota3A_48, %rem3A_69 : vector<128x2xi32>
    %ne3A_71 = arith.constant 0 : i32
    %ne3A_72 = vector.broadcast %ne3A_71 : i32 to vector<128x2xi32>
    %ne3A_73 = arith.cmpi ne, %rem3A_70, %ne3A_72 : vector<128x2xi32>
    %and3A_74 = arith.andi %ne3A_68, %ne3A_73 : vector<128x2xi1>
    %sub3A = arith.constant 1 : i32
    %sub3A_75 = vector.broadcast %sub3A : i32 to vector<128x2xi32>
    %sub3A_76 = arith.subi %div3A_51, %sub3A_75 : vector<128x2xi32>
    %select_n3A_77 = arith.select %and3A_74, %sub3A_76, %div3A_51 : vector<128x2xi1>, vector<128x2xi32>
    %eq3A_78 = arith.cmpi eq, %select_n3A_77, %iota3A_49 : vector<128x2xi32>
    %convert_element_type3A = arith.extui %eq3A_78 : vector<128x2xi1> to vector<128x2xi32>
    %convert_element_type3A_79 = arith.sitofp %convert_element_type3A : vector<128x2xi32> to vector<128x2xf32>
    %get3A_80 = arith.constant 1076 : index
    %get3A_81 = memref.load %arg3[%get3A_80] : memref<1108xf32, #tpu.memory_space<smem>>
    %broadcast_in_dim3A = vector.broadcast %get3A_81 : f32 to vector<8x128xf32>
    %get3A_82 = arith.constant 1077 : index
    %get3A_83 = memref.load %arg3[%get3A_82] : memref<1108xf32, #tpu.memory_space<smem>>
    %broadcast_in_dim3A_84 = vector.broadcast %get3A_83 : f32 to vector<8x128xf32>
    %get3A_85 = arith.constant 1078 : index
    %get3A_86 = memref.load %arg3[%get3A_85] : memref<1108xf32, #tpu.memory_space<smem>>
    %broadcast_in_dim3A_87 = vector.broadcast %get3A_86 : f32 to vector<8x128xf32>
    %get3A_88 = arith.constant 1079 : index
    %get3A_89 = memref.load %arg3[%get3A_88] : memref<1108xf32, #tpu.memory_space<smem>>
    %broadcast_in_dim3A_90 = vector.broadcast %get3A_89 : f32 to vector<8x128xf32>
    %get3A_91 = arith.constant 1080 : index
    %get3A_92 = memref.load %arg3[%get3A_91] : memref<1108xf32, #tpu.memory_space<smem>>
    %broadcast_in_dim3A_93 = vector.broadcast %get3A_92 : f32 to vector<8x128xf32>
    %get3A_94 = arith.constant 1081 : index
    %get3A_95 = memref.load %arg3[%get3A_94] : memref<1108xf32, #tpu.memory_space<smem>>
    %broadcast_in_dim3A_96 = vector.broadcast %get3A_95 : f32 to vector<8x128xf32>
    %get3A_97 = arith.constant 1082 : index
    %get3A_98 = memref.load %arg3[%get3A_97] : memref<1108xf32, #tpu.memory_space<smem>>
    %broadcast_in_dim3A_99 = vector.broadcast %get3A_98 : f32 to vector<8x128xf32>
    %get3A_100 = arith.constant 1083 : index
    %get3A_101 = memref.load %arg3[%get3A_100] : memref<1108xf32, #tpu.memory_space<smem>>
    %broadcast_in_dim3A_102 = vector.broadcast %get3A_101 : f32 to vector<8x128xf32>
    %get3A_103 = arith.constant 1084 : index
    %get3A_104 = memref.load %arg3[%get3A_103] : memref<1108xf32, #tpu.memory_space<smem>>
    %broadcast_in_dim3A_105 = vector.broadcast %get3A_104 : f32 to vector<8x128xf32>
    %get3A_106 = arith.constant 1085 : index
    %get3A_107 = memref.load %arg3[%get3A_106] : memref<1108xf32, #tpu.memory_space<smem>>
    %broadcast_in_dim3A_108 = vector.broadcast %get3A_107 : f32 to vector<8x128xf32>
    %get3A_109 = arith.constant 1086 : index
    %get3A_110 = memref.load %arg3[%get3A_109] : memref<1108xf32, #tpu.memory_space<smem>>
    %broadcast_in_dim3A_111 = vector.broadcast %get3A_110 : f32 to vector<8x128xf32>
    %get3A_112 = arith.constant 1087 : index
    %get3A_113 = memref.load %arg3[%get3A_112] : memref<1108xf32, #tpu.memory_space<smem>>
    %broadcast_in_dim3A_114 = vector.broadcast %get3A_113 : f32 to vector<8x128xf32>
    %get3A_115 = arith.constant 1088 : index
    %get3A_116 = memref.load %arg3[%get3A_115] : memref<1108xf32, #tpu.memory_space<smem>>
    %broadcast_in_dim3A_117 = vector.broadcast %get3A_116 : f32 to vector<8x128xf32>
    %get3A_118 = arith.constant 1089 : index
    %get3A_119 = memref.load %arg3[%get3A_118] : memref<1108xf32, #tpu.memory_space<smem>>
    %broadcast_in_dim3A_120 = vector.broadcast %get3A_119 : f32 to vector<8x128xf32>
    %get3A_121 = arith.constant 1090 : index
    %get3A_122 = memref.load %arg3[%get3A_121] : memref<1108xf32, #tpu.memory_space<smem>>
    %broadcast_in_dim3A_123 = vector.broadcast %get3A_122 : f32 to vector<8x128xf32>
    %get3A_124 = arith.constant 1091 : index
    %get3A_125 = memref.load %arg3[%get3A_124] : memref<1108xf32, #tpu.memory_space<smem>>
    %broadcast_in_dim3A_126 = vector.broadcast %get3A_125 : f32 to vector<8x128xf32>
    %get3A_127 = arith.constant 0 : index
    %get3A_128 = memref.load %arg3[%get3A_127] : memref<1108xf32, #tpu.memory_space<smem>>
    %mul3A = vector.broadcast %get3A_128 : f32 to vector<8x64x128xf32>
    %mul3A_129 = arith.mulf %get3A_4, %mul3A : vector<8x64x128xf32>
    %get3A_130 = arith.constant 6 : index
    %get3A_131 = memref.load %arg3[%get3A_130] : memref<1108xf32, #tpu.memory_space<smem>>
    %mul3A_132 = vector.broadcast %get3A_131 : f32 to vector<8x64x128xf32>
    %mul3A_133 = arith.mulf %get3A_10, %mul3A_132 : vector<8x64x128xf32>
    %add3A_134 = arith.addf %mul3A_129, %mul3A_133 : vector<8x64x128xf32>
    %get3A_135 = arith.constant 12 : index
    %get3A_136 = memref.load %arg3[%get3A_135] : memref<1108xf32, #tpu.memory_space<smem>>
    %mul3A_137 = vector.broadcast %get3A_136 : f32 to vector<8x64x128xf32>
    %mul3A_138 = arith.mulf %get3A_16, %mul3A_137 : vector<8x64x128xf32>
    %add3A_139 = arith.addf %add3A_134, %mul3A_138 : vector<8x64x128xf32>
    %get3A_140 = arith.constant 18 : index
    %get3A_141 = memref.load %arg3[%get3A_140] : memref<1108xf32, #tpu.memory_space<smem>>
    %mul3A_142 = vector.broadcast %get3A_141 : f32 to vector<8x64x128xf32>
    %mul3A_143 = arith.mulf %get3A_22, %mul3A_142 : vector<8x64x128xf32>
    %add3A_144 = arith.addf %add3A_139, %mul3A_143 : vector<8x64x128xf32>
    %get3A_145 = arith.constant 144 : index
    %get3A_146 = memref.load %arg3[%get3A_145] : memref<1108xf32, #tpu.memory_space<smem>>
    %add3A_147 = vector.broadcast %get3A_146 : f32 to vector<8x64x128xf32>
    %add3A_148 = arith.addf %add3A_144, %add3A_147 : vector<8x64x128xf32>
    %exp3A = math.exp %add3A_148 : vector<8x64x128xf32>
    %mul3A_149 = arith.constant 5.000000e-01 : f32
    %mul3A_150 = vector.broadcast %mul3A_149 : f32 to vector<8x64x128xf32>
    %mul3A_151 = arith.mulf %mul3A_150, %exp3A : vector<8x64x128xf32>
    %add3A_152 = arith.constant 5.000000e-01 : f32
    %add3A_153 = vector.broadcast %add3A_152 : f32 to vector<8x64x128xf32>
    %add3A_154 = arith.addf %add3A_153, %mul3A_151 : vector<8x64x128xf32>
    %log3A = math.log %add3A_154 : vector<8x64x128xf32>
    %get3A_155 = arith.constant 1 : index
    %get3A_156 = memref.load %arg3[%get3A_155] : memref<1108xf32, #tpu.memory_space<smem>>
    %mul3A_157 = vector.broadcast %get3A_156 : f32 to vector<8x64x128xf32>
    %mul3A_158 = arith.mulf %get3A_4, %mul3A_157 : vector<8x64x128xf32>
    %get3A_159 = arith.constant 7 : index
    %get3A_160 = memref.load %arg3[%get3A_159] : memref<1108xf32, #tpu.memory_space<smem>>
    %mul3A_161 = vector.broadcast %get3A_160 : f32 to vector<8x64x128xf32>
    %mul3A_162 = arith.mulf %get3A_10, %mul3A_161 : vector<8x64x128xf32>
    %add3A_163 = arith.addf %mul3A_158, %mul3A_162 : vector<8x64x128xf32>
    %get3A_164 = arith.constant 13 : index
    %get3A_165 = memref.load %arg3[%get3A_164] : memref<1108xf32, #tpu.memory_space<smem>>
    %mul3A_166 = vector.broadcast %get3A_165 : f32 to vector<8x64x128xf32>
    %mul3A_167 = arith.mulf %get3A_16, %mul3A_166 : vector<8x64x128xf32>
    %add3A_168 = arith.addf %add3A_163, %mul3A_167 : vector<8x64x128xf32>
    %get3A_169 = arith.constant 19 : index
    %get3A_170 = memref.load %arg3[%get3A_169] : memref<1108xf32, #tpu.memory_space<smem>>
    %mul3A_171 = vector.broadcast %get3A_170 : f32 to vector<8x64x128xf32>
    %mul3A_172 = arith.mulf %get3A_22, %mul3A_171 : vector<8x64x128xf32>
    %add3A_173 = arith.addf %add3A_168, %mul3A_172 : vector<8x64x128xf32>
    %get3A_174 = arith.constant 145 : index
    %get3A_175 = memref.load %arg3[%get3A_174] : memref<1108xf32, #tpu.memory_space<smem>>
    %add3A_176 = vector.broadcast %get3A_175 : f32 to vector<8x64x128xf32>
    %add3A_177 = arith.addf %add3A_173, %add3A_176 : vector<8x64x128xf32>
    %exp3A_178 = math.exp %add3A_177 : vector<8x64x128xf32>
    %mul3A_179 = arith.constant 5.000000e-01 : f32
    %mul3A_180 = vector.broadcast %mul3A_179 : f32 to vector<8x64x128xf32>
    %mul3A_181 = arith.mulf %mul3A_180, %exp3A_178 : vector<8x64x128xf32>
    %add3A_182 = arith.constant 5.000000e-01 : f32
    %add3A_183 = vector.broadcast %add3A_182 : f32 to vector<8x64x128xf32>
    %add3A_184 = arith.addf %add3A_183, %mul3A_181 : vector<8x64x128xf32>
    %log3A_185 = math.log %add3A_184 : vector<8x64x128xf32>
    %get3A_186 = arith.constant 2 : index
    %get3A_187 = memref.load %arg3[%get3A_186] : memref<1108xf32, #tpu.memory_space<smem>>
    %mul3A_188 = vector.broadcast %get3A_187 : f32 to vector<8x64x128xf32>
    %mul3A_189 = arith.mulf %get3A_4, %mul3A_188 : vector<8x64x128xf32>
    %get3A_190 = arith.constant 8 : index
    %get3A_191 = memref.load %arg3[%get3A_190] : memref<1108xf32, #tpu.memory_space<smem>>
    %mul3A_192 = vector.broadcast %get3A_191 : f32 to vector<8x64x128xf32>
    %mul3A_193 = arith.mulf %get3A_10, %mul3A_192 : vector<8x64x128xf32>
    %add3A_194 = arith.addf %mul3A_189, %mul3A_193 : vector<8x64x128xf32>
    %get3A_195 = arith.constant 14 : index
    %get3A_196 = memref.load %arg3[%get3A_195] : memref<1108xf32, #tpu.memory_space<smem>>
    %mul3A_197 = vector.broadcast %get3A_196 : f32 to vector<8x64x128xf32>
    %mul3A_198 = arith.mulf %get3A_16, %mul3A_197 : vector<8x64x128xf32>
    %add3A_199 = arith.addf %add3A_194, %mul3A_198 : vector<8x64x128xf32>
    %get3A_200 = arith.constant 20 : index
    %get3A_201 = memref.load %arg3[%get3A_200] : memref<1108xf32, #tpu.memory_space<smem>>
    %mul3A_202 = vector.broadcast %get3A_201 : f32 to vector<8x64x128xf32>
    %mul3A_203 = arith.mulf %get3A_22, %mul3A_202 : vector<8x64x128xf32>
    %add3A_204 = arith.addf %add3A_199, %mul3A_203 : vector<8x64x128xf32>
    %get3A_205 = arith.constant 146 : index
    %get3A_206 = memref.load %arg3[%get3A_205] : memref<1108xf32, #tpu.memory_space<smem>>
    %add3A_207 = vector.broadcast %get3A_206 : f32 to vector<8x64x128xf32>
    %add3A_208 = arith.addf %add3A_204, %add3A_207 : vector<8x64x128xf32>
    %exp3A_209 = math.exp %add3A_208 : vector<8x64x128xf32>
    %mul3A_210 = arith.constant 5.000000e-01 : f32
    %mul3A_211 = vector.broadcast %mul3A_210 : f32 to vector<8x64x128xf32>
    %mul3A_212 = arith.mulf %mul3A_211, %exp3A_209 : vector<8x64x128xf32>
    %add3A_213 = arith.constant 5.000000e-01 : f32
    %add3A_214 = vector.broadcast %add3A_213 : f32 to vector<8x64x128xf32>
    %add3A_215 = arith.addf %add3A_214, %mul3A_212 : vector<8x64x128xf32>
    %log3A_216 = math.log %add3A_215 : vector<8x64x128xf32>
    %get3A_217 = arith.constant 3 : index
    %get3A_218 = memref.load %arg3[%get3A_217] : memref<1108xf32, #tpu.memory_space<smem>>
    %mul3A_219 = vector.broadcast %get3A_218 : f32 to vector<8x64x128xf32>
    %mul3A_220 = arith.mulf %get3A_4, %mul3A_219 : vector<8x64x128xf32>
    %get3A_221 = arith.constant 9 : index
    %get3A_222 = memref.load %arg3[%get3A_221] : memref<1108xf32, #tpu.memory_space<smem>>
    %mul3A_223 = vector.broadcast %get3A_222 : f32 to vector<8x64x128xf32>
    %mul3A_224 = arith.mulf %get3A_10, %mul3A_223 : vector<8x64x128xf32>
    %add3A_225 = arith.addf %mul3A_220, %mul3A_224 : vector<8x64x128xf32>
    %get3A_226 = arith.constant 15 : index
    %get3A_227 = memref.load %arg3[%get3A_226] : memref<1108xf32, #tpu.memory_space<smem>>
    %mul3A_228 = vector.broadcast %get3A_227 : f32 to vector<8x64x128xf32>
    %mul3A_229 = arith.mulf %get3A_16, %mul3A_228 : vector<8x64x128xf32>
    %add3A_230 = arith.addf %add3A_225, %mul3A_229 : vector<8x64x128xf32>
    %get3A_231 = arith.constant 21 : index
    %get3A_232 = memref.load %arg3[%get3A_231] : memref<1108xf32, #tpu.memory_space<smem>>
    %mul3A_233 = vector.broadcast %get3A_232 : f32 to vector<8x64x128xf32>
    %mul3A_234 = arith.mulf %get3A_22, %mul3A_233 : vector<8x64x128xf32>
    %add3A_235 = arith.addf %add3A_230, %mul3A_234 : vector<8x64x128xf32>
    %get3A_236 = arith.constant 147 : index
    %get3A_237 = memref.load %arg3[%get3A_236] : memref<1108xf32, #tpu.memory_space<smem>>
    %add3A_238 = vector.broadcast %get3A_237 : f32 to vector<8x64x128xf32>
    %add3A_239 = arith.addf %add3A_235, %add3A_238 : vector<8x64x128xf32>
    %exp3A_240 = math.exp %add3A_239 : vector<8x64x128xf32>
    %mul3A_241 = arith.constant 5.000000e-01 : f32
    %mul3A_242 = vector.broadcast %mul3A_241 : f32 to vector<8x64x128xf32>
    %mul3A_243 = arith.mulf %mul3A_242, %exp3A_240 : vector<8x64x128xf32>
    %add3A_244 = arith.constant 5.000000e-01 : f32
    %add3A_245 = vector.broadcast %add3A_244 : f32 to vector<8x64x128xf32>
    %add3A_246 = arith.addf %add3A_245, %mul3A_243 : vector<8x64x128xf32>
    %log3A_247 = math.log %add3A_246 : vector<8x64x128xf32>
    %get3A_248 = arith.constant 4 : index
    %get3A_249 = memref.load %arg3[%get3A_248] : memref<1108xf32, #tpu.memory_space<smem>>
    %mul3A_250 = vector.broadcast %get3A_249 : f32 to vector<8x64x128xf32>
    %mul3A_251 = arith.mulf %get3A_4, %mul3A_250 : vector<8x64x128xf32>
    %get3A_252 = arith.constant 10 : index
    %get3A_253 = memref.load %arg3[%get3A_252] : memref<1108xf32, #tpu.memory_space<smem>>
    %mul3A_254 = vector.broadcast %get3A_253 : f32 to vector<8x64x128xf32>
    %mul3A_255 = arith.mulf %get3A_10, %mul3A_254 : vector<8x64x128xf32>
    %add3A_256 = arith.addf %mul3A_251, %mul3A_255 : vector<8x64x128xf32>
    %get3A_257 = arith.constant 16 : index
    %get3A_258 = memref.load %arg3[%get3A_257] : memref<1108xf32, #tpu.memory_space<smem>>
    %mul3A_259 = vector.broadcast %get3A_258 : f32 to vector<8x64x128xf32>
    %mul3A_260 = arith.mulf %get3A_16, %mul3A_259 : vector<8x64x128xf32>
    %add3A_261 = arith.addf %add3A_256, %mul3A_260 : vector<8x64x128xf32>
    %get3A_262 = arith.constant 22 : index
    %get3A_263 = memref.load %arg3[%get3A_262] : memref<1108xf32, #tpu.memory_space<smem>>
    %mul3A_264 = vector.broadcast %get3A_263 : f32 to vector<8x64x128xf32>
    %mul3A_265 = arith.mulf %get3A_22, %mul3A_264 : vector<8x64x128xf32>
    %add3A_266 = arith.addf %add3A_261, %mul3A_265 : vector<8x64x128xf32>
    %get3A_267 = arith.constant 148 : index
    %get3A_268 = memref.load %arg3[%get3A_267] : memref<1108xf32, #tpu.memory_space<smem>>
    %add3A_269 = vector.broadcast %get3A_268 : f32 to vector<8x64x128xf32>
    %add3A_270 = arith.addf %add3A_266, %add3A_269 : vector<8x64x128xf32>
    %exp3A_271 = math.exp %add3A_270 : vector<8x64x128xf32>
    %mul3A_272 = arith.constant 5.000000e-01 : f32
    %mul3A_273 = vector.broadcast %mul3A_272 : f32 to vector<8x64x128xf32>
    %mul3A_274 = arith.mulf %mul3A_273, %exp3A_271 : vector<8x64x128xf32>
    %add3A_275 = arith.constant 5.000000e-01 : f32
    %add3A_276 = vector.broadcast %add3A_275 : f32 to vector<8x64x128xf32>
    %add3A_277 = arith.addf %add3A_276, %mul3A_274 : vector<8x64x128xf32>
    %log3A_278 = math.log %add3A_277 : vector<8x64x128xf32>
    %get3A_279 = arith.constant 5 : index
    %get3A_280 = memref.load %arg3[%get3A_279] : memref<1108xf32, #tpu.memory_space<smem>>
    %mul3A_281 = vector.broadcast %get3A_280 : f32 to vector<8x64x128xf32>
    %mul3A_282 = arith.mulf %get3A_4, %mul3A_281 : vector<8x64x128xf32>
    %get3A_283 = arith.constant 11 : index
    %get3A_284 = memref.load %arg3[%get3A_283] : memref<1108xf32, #tpu.memory_space<smem>>
    %mul3A_285 = vector.broadcast %get3A_284 : f32 to vector<8x64x128xf32>
    %mul3A_286 = arith.mulf %get3A_10, %mul3A_285 : vector<8x64x128xf32>
    %add3A_287 = arith.addf %mul3A_282, %mul3A_286 : vector<8x64x128xf32>
    %get3A_288 = arith.constant 17 : index
    %get3A_289 = memref.load %arg3[%get3A_288] : memref<1108xf32, #tpu.memory_space<smem>>
    %mul3A_290 = vector.broadcast %get3A_289 : f32 to vector<8x64x128xf32>
    %mul3A_291 = arith.mulf %get3A_16, %mul3A_290 : vector<8x64x128xf32>
    %add3A_292 = arith.addf %add3A_287, %mul3A_291 : vector<8x64x128xf32>
    %get3A_293 = arith.constant 23 : index
    %get3A_294 = memref.load %arg3[%get3A_293] : memref<1108xf32, #tpu.memory_space<smem>>
    %mul3A_295 = vector.broadcast %get3A_294 : f32 to vector<8x64x128xf32>
    %mul3A_296 = arith.mulf %get3A_22, %mul3A_295 : vector<8x64x128xf32>
    %add3A_297 = arith.addf %add3A_292, %mul3A_296 : vector<8x64x128xf32>
    %get3A_298 = arith.constant 149 : index
    %get3A_299 = memref.load %arg3[%get3A_298] : memref<1108xf32, #tpu.memory_space<smem>>
    %add3A_300 = vector.broadcast %get3A_299 : f32 to vector<8x64x128xf32>
    %add3A_301 = arith.addf %add3A_297, %add3A_300 : vector<8x64x128xf32>
    %exp3A_302 = math.exp %add3A_301 : vector<8x64x128xf32>
    %mul3A_303 = arith.constant 5.000000e-01 : f32
    %mul3A_304 = vector.broadcast %mul3A_303 : f32 to vector<8x64x128xf32>
    %mul3A_305 = arith.mulf %mul3A_304, %exp3A_302 : vector<8x64x128xf32>
    %add3A_306 = arith.constant 5.000000e-01 : f32
    %add3A_307 = vector.broadcast %add3A_306 : f32 to vector<8x64x128xf32>
    %add3A_308 = arith.addf %add3A_307, %mul3A_305 : vector<8x64x128xf32>
    %log3A_309 = math.log %add3A_308 : vector<8x64x128xf32>
    %get3A_310 = arith.constant 180 : index
    %get3A_311 = memref.load %arg3[%get3A_310] : memref<1108xf32, #tpu.memory_space<smem>>
    %mul3A_312 = vector.broadcast %get3A_311 : f32 to vector<8x64x128xf32>
    %mul3A_313 = arith.mulf %log3A, %mul3A_312 : vector<8x64x128xf32>
    %get3A_314 = arith.constant 188 : index
    %get3A_315 = memref.load %arg3[%get3A_314] : memref<1108xf32, #tpu.memory_space<smem>>
    %mul3A_316 = vector.broadcast %get3A_315 : f32 to vector<8x64x128xf32>
    %mul3A_317 = arith.mulf %log3A_185, %mul3A_316 : vector<8x64x128xf32>
    %add3A_318 = arith.addf %mul3A_313, %mul3A_317 : vector<8x64x128xf32>
    %get3A_319 = arith.constant 196 : index
    %get3A_320 = memref.load %arg3[%get3A_319] : memref<1108xf32, #tpu.memory_space<smem>>
    %mul3A_321 = vector.broadcast %get3A_320 : f32 to vector<8x64x128xf32>
    %mul3A_322 = arith.mulf %log3A_216, %mul3A_321 : vector<8x64x128xf32>
    %add3A_323 = arith.addf %add3A_318, %mul3A_322 : vector<8x64x128xf32>
    %get3A_324 = arith.constant 204 : index
    %get3A_325 = memref.load %arg3[%get3A_324] : memref<1108xf32, #tpu.memory_space<smem>>
    %mul3A_326 = vector.broadcast %get3A_325 : f32 to vector<8x64x128xf32>
    %mul3A_327 = arith.mulf %log3A_247, %mul3A_326 : vector<8x64x128xf32>
    %add3A_328 = arith.addf %add3A_323, %mul3A_327 : vector<8x64x128xf32>
    %get3A_329 = arith.constant 212 : index
    %get3A_330 = memref.load %arg3[%get3A_329] : memref<1108xf32, #tpu.memory_space<smem>>
    %mul3A_331 = vector.broadcast %get3A_330 : f32 to vector<8x64x128xf32>
    %mul3A_332 = arith.mulf %log3A_278, %mul3A_331 : vector<8x64x128xf32>
    %add3A_333 = arith.addf %add3A_328, %mul3A_332 : vector<8x64x128xf32>
    %get3A_334 = arith.constant 220 : index
    %get3A_335 = memref.load %arg3[%get3A_334] : memref<1108xf32, #tpu.memory_space<smem>>
    %mul3A_336 = vector.broadcast %get3A_335 : f32 to vector<8x64x128xf32>
    %mul3A_337 = arith.mulf %log3A_309, %mul3A_336 : vector<8x64x128xf32>
    %add3A_338 = arith.addf %add3A_333, %mul3A_337 : vector<8x64x128xf32>
    %get3A_339 = arith.constant 468 : index
    %get3A_340 = memref.load %arg3[%get3A_339] : memref<1108xf32, #tpu.memory_space<smem>>
    %add3A_341 = vector.broadcast %get3A_340 : f32 to vector<8x64x128xf32>
    %add3A_342 = arith.addf %add3A_338, %add3A_341 : vector<8x64x128xf32>
    %exp3A_343 = math.exp %add3A_342 : vector<8x64x128xf32>
    %mul3A_344 = arith.constant 5.000000e-01 : f32
    %mul3A_345 = vector.broadcast %mul3A_344 : f32 to vector<8x64x128xf32>
    %mul3A_346 = arith.mulf %mul3A_345, %exp3A_343 : vector<8x64x128xf32>
    %add3A_347 = arith.constant 5.000000e-01 : f32
    %add3A_348 = vector.broadcast %add3A_347 : f32 to vector<8x64x128xf32>
    %add3A_349 = arith.addf %add3A_348, %mul3A_346 : vector<8x64x128xf32>
    %log3A_350 = math.log %add3A_349 : vector<8x64x128xf32>
    %get3A_351 = arith.constant 181 : index
    %get3A_352 = memref.load %arg3[%get3A_351] : memref<1108xf32, #tpu.memory_space<smem>>
    %mul3A_353 = vector.broadcast %get3A_352 : f32 to vector<8x64x128xf32>
    %mul3A_354 = arith.mulf %log3A, %mul3A_353 : vector<8x64x128xf32>
    %get3A_355 = arith.constant 189 : index
    %get3A_356 = memref.load %arg3[%get3A_355] : memref<1108xf32, #tpu.memory_space<smem>>
    %mul3A_357 = vector.broadcast %get3A_356 : f32 to vector<8x64x128xf32>
    %mul3A_358 = arith.mulf %log3A_185, %mul3A_357 : vector<8x64x128xf32>
    %add3A_359 = arith.addf %mul3A_354, %mul3A_358 : vector<8x64x128xf32>
    %get3A_360 = arith.constant 197 : index
    %get3A_361 = memref.load %arg3[%get3A_360] : memref<1108xf32, #tpu.memory_space<smem>>
    %mul3A_362 = vector.broadcast %get3A_361 : f32 to vector<8x64x128xf32>
    %mul3A_363 = arith.mulf %log3A_216, %mul3A_362 : vector<8x64x128xf32>
    %add3A_364 = arith.addf %add3A_359, %mul3A_363 : vector<8x64x128xf32>
    %get3A_365 = arith.constant 205 : index
    %get3A_366 = memref.load %arg3[%get3A_365] : memref<1108xf32, #tpu.memory_space<smem>>
    %mul3A_367 = vector.broadcast %get3A_366 : f32 to vector<8x64x128xf32>
    %mul3A_368 = arith.mulf %log3A_247, %mul3A_367 : vector<8x64x128xf32>
    %add3A_369 = arith.addf %add3A_364, %mul3A_368 : vector<8x64x128xf32>
    %get3A_370 = arith.constant 213 : index
    %get3A_371 = memref.load %arg3[%get3A_370] : memref<1108xf32, #tpu.memory_space<smem>>
    %mul3A_372 = vector.broadcast %get3A_371 : f32 to vector<8x64x128xf32>
    %mul3A_373 = arith.mulf %log3A_278, %mul3A_372 : vector<8x64x128xf32>
    %add3A_374 = arith.addf %add3A_369, %mul3A_373 : vector<8x64x128xf32>
    %get3A_375 = arith.constant 221 : index
    %get3A_376 = memref.load %arg3[%get3A_375] : memref<1108xf32, #tpu.memory_space<smem>>
    %mul3A_377 = vector.broadcast %get3A_376 : f32 to vector<8x64x128xf32>
    %mul3A_378 = arith.mulf %log3A_309, %mul3A_377 : vector<8x64x128xf32>
    %add3A_379 = arith.addf %add3A_374, %mul3A_378 : vector<8x64x128xf32>
    %get3A_380 = arith.constant 469 : index
    %get3A_381 = memref.load %arg3[%get3A_380] : memref<1108xf32, #tpu.memory_space<smem>>
    %add3A_382 = vector.broadcast %get3A_381 : f32 to vector<8x64x128xf32>
    %add3A_383 = arith.addf %add3A_379, %add3A_382 : vector<8x64x128xf32>
    %exp3A_384 = math.exp %add3A_383 : vector<8x64x128xf32>
    %mul3A_385 = arith.constant 5.000000e-01 : f32
    %mul3A_386 = vector.broadcast %mul3A_385 : f32 to vector<8x64x128xf32>
    %mul3A_387 = arith.mulf %mul3A_386, %exp3A_384 : vector<8x64x128xf32>
    %add3A_388 = arith.constant 5.000000e-01 : f32
    %add3A_389 = vector.broadcast %add3A_388 : f32 to vector<8x64x128xf32>
    %add3A_390 = arith.addf %add3A_389, %mul3A_387 : vector<8x64x128xf32>
    %log3A_391 = math.log %add3A_390 : vector<8x64x128xf32>
    %get3A_392 = arith.constant 182 : index
    %get3A_393 = memref.load %arg3[%get3A_392] : memref<1108xf32, #tpu.memory_space<smem>>
    %mul3A_394 = vector.broadcast %get3A_393 : f32 to vector<8x64x128xf32>
    %mul3A_395 = arith.mulf %log3A, %mul3A_394 : vector<8x64x128xf32>
    %get3A_396 = arith.constant 190 : index
    %get3A_397 = memref.load %arg3[%get3A_396] : memref<1108xf32, #tpu.memory_space<smem>>
    %mul3A_398 = vector.broadcast %get3A_397 : f32 to vector<8x64x128xf32>
    %mul3A_399 = arith.mulf %log3A_185, %mul3A_398 : vector<8x64x128xf32>
    %add3A_400 = arith.addf %mul3A_395, %mul3A_399 : vector<8x64x128xf32>
    %get3A_401 = arith.constant 198 : index
    %get3A_402 = memref.load %arg3[%get3A_401] : memref<1108xf32, #tpu.memory_space<smem>>
    %mul3A_403 = vector.broadcast %get3A_402 : f32 to vector<8x64x128xf32>
    %mul3A_404 = arith.mulf %log3A_216, %mul3A_403 : vector<8x64x128xf32>
    %add3A_405 = arith.addf %add3A_400, %mul3A_404 : vector<8x64x128xf32>
    %get3A_406 = arith.constant 206 : index
    %get3A_407 = memref.load %arg3[%get3A_406] : memref<1108xf32, #tpu.memory_space<smem>>
    %mul3A_408 = vector.broadcast %get3A_407 : f32 to vector<8x64x128xf32>
    %mul3A_409 = arith.mulf %log3A_247, %mul3A_408 : vector<8x64x128xf32>
    %add3A_410 = arith.addf %add3A_405, %mul3A_409 : vector<8x64x128xf32>
    %get3A_411 = arith.constant 214 : index
    %get3A_412 = memref.load %arg3[%get3A_411] : memref<1108xf32, #tpu.memory_space<smem>>
    %mul3A_413 = vector.broadcast %get3A_412 : f32 to vector<8x64x128xf32>
    %mul3A_414 = arith.mulf %log3A_278, %mul3A_413 : vector<8x64x128xf32>
    %add3A_415 = arith.addf %add3A_410, %mul3A_414 : vector<8x64x128xf32>
    %get3A_416 = arith.constant 222 : index
    %get3A_417 = memref.load %arg3[%get3A_416] : memref<1108xf32, #tpu.memory_space<smem>>
    %mul3A_418 = vector.broadcast %get3A_417 : f32 to vector<8x64x128xf32>
    %mul3A_419 = arith.mulf %log3A_309, %mul3A_418 : vector<8x64x128xf32>
    %add3A_420 = arith.addf %add3A_415, %mul3A_419 : vector<8x64x128xf32>
    %get3A_421 = arith.constant 470 : index
    %get3A_422 = memref.load %arg3[%get3A_421] : memref<1108xf32, #tpu.memory_space<smem>>
    %add3A_423 = vector.broadcast %get3A_422 : f32 to vector<8x64x128xf32>
    %add3A_424 = arith.addf %add3A_420, %add3A_423 : vector<8x64x128xf32>
    %exp3A_425 = math.exp %add3A_424 : vector<8x64x128xf32>
    %mul3A_426 = arith.constant 5.000000e-01 : f32
    %mul3A_427 = vector.broadcast %mul3A_426 : f32 to vector<8x64x128xf32>
    %mul3A_428 = arith.mulf %mul3A_427, %exp3A_425 : vector<8x64x128xf32>
    %add3A_429 = arith.constant 5.000000e-01 : f32
    %add3A_430 = vector.broadcast %add3A_429 : f32 to vector<8x64x128xf32>
    %add3A_431 = arith.addf %add3A_430, %mul3A_428 : vector<8x64x128xf32>
    %log3A_432 = math.log %add3A_431 : vector<8x64x128xf32>
    %get3A_433 = arith.constant 183 : index
    %get3A_434 = memref.load %arg3[%get3A_433] : memref<1108xf32, #tpu.memory_space<smem>>
    %mul3A_435 = vector.broadcast %get3A_434 : f32 to vector<8x64x128xf32>
    %mul3A_436 = arith.mulf %log3A, %mul3A_435 : vector<8x64x128xf32>
    %get3A_437 = arith.constant 191 : index
    %get3A_438 = memref.load %arg3[%get3A_437] : memref<1108xf32, #tpu.memory_space<smem>>
    %mul3A_439 = vector.broadcast %get3A_438 : f32 to vector<8x64x128xf32>
    %mul3A_440 = arith.mulf %log3A_185, %mul3A_439 : vector<8x64x128xf32>
    %add3A_441 = arith.addf %mul3A_436, %mul3A_440 : vector<8x64x128xf32>
    %get3A_442 = arith.constant 199 : index
    %get3A_443 = memref.load %arg3[%get3A_442] : memref<1108xf32, #tpu.memory_space<smem>>
    %mul3A_444 = vector.broadcast %get3A_443 : f32 to vector<8x64x128xf32>
    %mul3A_445 = arith.mulf %log3A_216, %mul3A_444 : vector<8x64x128xf32>
    %add3A_446 = arith.addf %add3A_441, %mul3A_445 : vector<8x64x128xf32>
    %get3A_447 = arith.constant 207 : index
    %get3A_448 = memref.load %arg3[%get3A_447] : memref<1108xf32, #tpu.memory_space<smem>>
    %mul3A_449 = vector.broadcast %get3A_448 : f32 to vector<8x64x128xf32>
    %mul3A_450 = arith.mulf %log3A_247, %mul3A_449 : vector<8x64x128xf32>
    %add3A_451 = arith.addf %add3A_446, %mul3A_450 : vector<8x64x128xf32>
    %get3A_452 = arith.constant 215 : index
    %get3A_453 = memref.load %arg3[%get3A_452] : memref<1108xf32, #tpu.memory_space<smem>>
    %mul3A_454 = vector.broadcast %get3A_453 : f32 to vector<8x64x128xf32>
    %mul3A_455 = arith.mulf %log3A_278, %mul3A_454 : vector<8x64x128xf32>
    %add3A_456 = arith.addf %add3A_451, %mul3A_455 : vector<8x64x128xf32>
    %get3A_457 = arith.constant 223 : index
    %get3A_458 = memref.load %arg3[%get3A_457] : memref<1108xf32, #tpu.memory_space<smem>>
    %mul3A_459 = vector.broadcast %get3A_458 : f32 to vector<8x64x128xf32>
    %mul3A_460 = arith.mulf %log3A_309, %mul3A_459 : vector<8x64x128xf32>
    %add3A_461 = arith.addf %add3A_456, %mul3A_460 : vector<8x64x128xf32>
    %get3A_462 = arith.constant 471 : index
    %get3A_463 = memref.load %arg3[%get3A_462] : memref<1108xf32, #tpu.memory_space<smem>>
    %add3A_464 = vector.broadcast %get3A_463 : f32 to vector<8x64x128xf32>
    %add3A_465 = arith.addf %add3A_461, %add3A_464 : vector<8x64x128xf32>
    %exp3A_466 = math.exp %add3A_465 : vector<8x64x128xf32>
    %mul3A_467 = arith.constant 5.000000e-01 : f32
    %mul3A_468 = vector.broadcast %mul3A_467 : f32 to vector<8x64x128xf32>
    %mul3A_469 = arith.mulf %mul3A_468, %exp3A_466 : vector<8x64x128xf32>
    %add3A_470 = arith.constant 5.000000e-01 : f32
    %add3A_471 = vector.broadcast %add3A_470 : f32 to vector<8x64x128xf32>
    %add3A_472 = arith.addf %add3A_471, %mul3A_469 : vector<8x64x128xf32>
    %log3A_473 = math.log %add3A_472 : vector<8x64x128xf32>
    %get3A_474 = arith.constant 184 : index
    %get3A_475 = memref.load %arg3[%get3A_474] : memref<1108xf32, #tpu.memory_space<smem>>
    %mul3A_476 = vector.broadcast %get3A_475 : f32 to vector<8x64x128xf32>
    %mul3A_477 = arith.mulf %log3A, %mul3A_476 : vector<8x64x128xf32>
    %get3A_478 = arith.constant 192 : index
    %get3A_479 = memref.load %arg3[%get3A_478] : memref<1108xf32, #tpu.memory_space<smem>>
    %mul3A_480 = vector.broadcast %get3A_479 : f32 to vector<8x64x128xf32>
    %mul3A_481 = arith.mulf %log3A_185, %mul3A_480 : vector<8x64x128xf32>
    %add3A_482 = arith.addf %mul3A_477, %mul3A_481 : vector<8x64x128xf32>
    %get3A_483 = arith.constant 200 : index
    %get3A_484 = memref.load %arg3[%get3A_483] : memref<1108xf32, #tpu.memory_space<smem>>
    %mul3A_485 = vector.broadcast %get3A_484 : f32 to vector<8x64x128xf32>
    %mul3A_486 = arith.mulf %log3A_216, %mul3A_485 : vector<8x64x128xf32>
    %add3A_487 = arith.addf %add3A_482, %mul3A_486 : vector<8x64x128xf32>
    %get3A_488 = arith.constant 208 : index
    %get3A_489 = memref.load %arg3[%get3A_488] : memref<1108xf32, #tpu.memory_space<smem>>
    %mul3A_490 = vector.broadcast %get3A_489 : f32 to vector<8x64x128xf32>
    %mul3A_491 = arith.mulf %log3A_247, %mul3A_490 : vector<8x64x128xf32>
    %add3A_492 = arith.addf %add3A_487, %mul3A_491 : vector<8x64x128xf32>
    %get3A_493 = arith.constant 216 : index
    %get3A_494 = memref.load %arg3[%get3A_493] : memref<1108xf32, #tpu.memory_space<smem>>
    %mul3A_495 = vector.broadcast %get3A_494 : f32 to vector<8x64x128xf32>
    %mul3A_496 = arith.mulf %log3A_278, %mul3A_495 : vector<8x64x128xf32>
    %add3A_497 = arith.addf %add3A_492, %mul3A_496 : vector<8x64x128xf32>
    %get3A_498 = arith.constant 224 : index
    %get3A_499 = memref.load %arg3[%get3A_498] : memref<1108xf32, #tpu.memory_space<smem>>
    %mul3A_500 = vector.broadcast %get3A_499 : f32 to vector<8x64x128xf32>
    %mul3A_501 = arith.mulf %log3A_309, %mul3A_500 : vector<8x64x128xf32>
    %add3A_502 = arith.addf %add3A_497, %mul3A_501 : vector<8x64x128xf32>
    %get3A_503 = arith.constant 472 : index
    %get3A_504 = memref.load %arg3[%get3A_503] : memref<1108xf32, #tpu.memory_space<smem>>
    %add3A_505 = vector.broadcast %get3A_504 : f32 to vector<8x64x128xf32>
    %add3A_506 = arith.addf %add3A_502, %add3A_505 : vector<8x64x128xf32>
    %exp3A_507 = math.exp %add3A_506 : vector<8x64x128xf32>
    %mul3A_508 = arith.constant 5.000000e-01 : f32
    %mul3A_509 = vector.broadcast %mul3A_508 : f32 to vector<8x64x128xf32>
    %mul3A_510 = arith.mulf %mul3A_509, %exp3A_507 : vector<8x64x128xf32>
    %add3A_511 = arith.constant 5.000000e-01 : f32
    %add3A_512 = vector.broadcast %add3A_511 : f32 to vector<8x64x128xf32>
    %add3A_513 = arith.addf %add3A_512, %mul3A_510 : vector<8x64x128xf32>
    %log3A_514 = math.log %add3A_513 : vector<8x64x128xf32>
    %get3A_515 = arith.constant 185 : index
    %get3A_516 = memref.load %arg3[%get3A_515] : memref<1108xf32, #tpu.memory_space<smem>>
    %mul3A_517 = vector.broadcast %get3A_516 : f32 to vector<8x64x128xf32>
    %mul3A_518 = arith.mulf %log3A, %mul3A_517 : vector<8x64x128xf32>
    %get3A_519 = arith.constant 193 : index
    %get3A_520 = memref.load %arg3[%get3A_519] : memref<1108xf32, #tpu.memory_space<smem>>
    %mul3A_521 = vector.broadcast %get3A_520 : f32 to vector<8x64x128xf32>
    %mul3A_522 = arith.mulf %log3A_185, %mul3A_521 : vector<8x64x128xf32>
    %add3A_523 = arith.addf %mul3A_518, %mul3A_522 : vector<8x64x128xf32>
    %get3A_524 = arith.constant 201 : index
    %get3A_525 = memref.load %arg3[%get3A_524] : memref<1108xf32, #tpu.memory_space<smem>>
    %mul3A_526 = vector.broadcast %get3A_525 : f32 to vector<8x64x128xf32>
    %mul3A_527 = arith.mulf %log3A_216, %mul3A_526 : vector<8x64x128xf32>
    %add3A_528 = arith.addf %add3A_523, %mul3A_527 : vector<8x64x128xf32>
    %get3A_529 = arith.constant 209 : index
    %get3A_530 = memref.load %arg3[%get3A_529] : memref<1108xf32, #tpu.memory_space<smem>>
    %mul3A_531 = vector.broadcast %get3A_530 : f32 to vector<8x64x128xf32>
    %mul3A_532 = arith.mulf %log3A_247, %mul3A_531 : vector<8x64x128xf32>
    %add3A_533 = arith.addf %add3A_528, %mul3A_532 : vector<8x64x128xf32>
    %get3A_534 = arith.constant 217 : index
    %get3A_535 = memref.load %arg3[%get3A_534] : memref<1108xf32, #tpu.memory_space<smem>>
    %mul3A_536 = vector.broadcast %get3A_535 : f32 to vector<8x64x128xf32>
    %mul3A_537 = arith.mulf %log3A_278, %mul3A_536 : vector<8x64x128xf32>
    %add3A_538 = arith.addf %add3A_533, %mul3A_537 : vector<8x64x128xf32>
    %get3A_539 = arith.constant 225 : index
    %get3A_540 = memref.load %arg3[%get3A_539] : memref<1108xf32, #tpu.memory_space<smem>>
    %mul3A_541 = vector.broadcast %get3A_540 : f32 to vector<8x64x128xf32>
    %mul3A_542 = arith.mulf %log3A_309, %mul3A_541 : vector<8x64x128xf32>
    %add3A_543 = arith.addf %add3A_538, %mul3A_542 : vector<8x64x128xf32>
    %get3A_544 = arith.constant 473 : index
    %get3A_545 = memref.load %arg3[%get3A_544] : memref<1108xf32, #tpu.memory_space<smem>>
    %add3A_546 = vector.broadcast %get3A_545 : f32 to vector<8x64x128xf32>
    %add3A_547 = arith.addf %add3A_543, %add3A_546 : vector<8x64x128xf32>
    %exp3A_548 = math.exp %add3A_547 : vector<8x64x128xf32>
    %mul3A_549 = arith.constant 5.000000e-01 : f32
    %mul3A_550 = vector.broadcast %mul3A_549 : f32 to vector<8x64x128xf32>
    %mul3A_551 = arith.mulf %mul3A_550, %exp3A_548 : vector<8x64x128xf32>
    %add3A_552 = arith.constant 5.000000e-01 : f32
    %add3A_553 = vector.broadcast %add3A_552 : f32 to vector<8x64x128xf32>
    %add3A_554 = arith.addf %add3A_553, %mul3A_551 : vector<8x64x128xf32>
    %log3A_555 = math.log %add3A_554 : vector<8x64x128xf32>
    %get3A_556 = arith.constant 186 : index
    %get3A_557 = memref.load %arg3[%get3A_556] : memref<1108xf32, #tpu.memory_space<smem>>
    %mul3A_558 = vector.broadcast %get3A_557 : f32 to vector<8x64x128xf32>
    %mul3A_559 = arith.mulf %log3A, %mul3A_558 : vector<8x64x128xf32>
    %get3A_560 = arith.constant 194 : index
    %get3A_561 = memref.load %arg3[%get3A_560] : memref<1108xf32, #tpu.memory_space<smem>>
    %mul3A_562 = vector.broadcast %get3A_561 : f32 to vector<8x64x128xf32>
    %mul3A_563 = arith.mulf %log3A_185, %mul3A_562 : vector<8x64x128xf32>
    %add3A_564 = arith.addf %mul3A_559, %mul3A_563 : vector<8x64x128xf32>
    %get3A_565 = arith.constant 202 : index
    %get3A_566 = memref.load %arg3[%get3A_565] : memref<1108xf32, #tpu.memory_space<smem>>
    %mul3A_567 = vector.broadcast %get3A_566 : f32 to vector<8x64x128xf32>
    %mul3A_568 = arith.mulf %log3A_216, %mul3A_567 : vector<8x64x128xf32>
    %add3A_569 = arith.addf %add3A_564, %mul3A_568 : vector<8x64x128xf32>
    %get3A_570 = arith.constant 210 : index
    %get3A_571 = memref.load %arg3[%get3A_570] : memref<1108xf32, #tpu.memory_space<smem>>
    %mul3A_572 = vector.broadcast %get3A_571 : f32 to vector<8x64x128xf32>
    %mul3A_573 = arith.mulf %log3A_247, %mul3A_572 : vector<8x64x128xf32>
    %add3A_574 = arith.addf %add3A_569, %mul3A_573 : vector<8x64x128xf32>
    %get3A_575 = arith.constant 218 : index
    %get3A_576 = memref.load %arg3[%get3A_575] : memref<1108xf32, #tpu.memory_space<smem>>
    %mul3A_577 = vector.broadcast %get3A_576 : f32 to vector<8x64x128xf32>
    %mul3A_578 = arith.mulf %log3A_278, %mul3A_577 : vector<8x64x128xf32>
    %add3A_579 = arith.addf %add3A_574, %mul3A_578 : vector<8x64x128xf32>
    %get3A_580 = arith.constant 226 : index
    %get3A_581 = memref.load %arg3[%get3A_580] : memref<1108xf32, #tpu.memory_space<smem>>
    %mul3A_582 = vector.broadcast %get3A_581 : f32 to vector<8x64x128xf32>
    %mul3A_583 = arith.mulf %log3A_309, %mul3A_582 : vector<8x64x128xf32>
    %add3A_584 = arith.addf %add3A_579, %mul3A_583 : vector<8x64x128xf32>
    %get3A_585 = arith.constant 474 : index
    %get3A_586 = memref.load %arg3[%get3A_585] : memref<1108xf32, #tpu.memory_space<smem>>
    %add3A_587 = vector.broadcast %get3A_586 : f32 to vector<8x64x128xf32>
    %add3A_588 = arith.addf %add3A_584, %add3A_587 : vector<8x64x128xf32>
    %exp3A_589 = math.exp %add3A_588 : vector<8x64x128xf32>
    %mul3A_590 = arith.constant 5.000000e-01 : f32
    %mul3A_591 = vector.broadcast %mul3A_590 : f32 to vector<8x64x128xf32>
    %mul3A_592 = arith.mulf %mul3A_591, %exp3A_589 : vector<8x64x128xf32>
    %add3A_593 = arith.constant 5.000000e-01 : f32
    %add3A_594 = vector.broadcast %add3A_593 : f32 to vector<8x64x128xf32>
    %add3A_595 = arith.addf %add3A_594, %mul3A_592 : vector<8x64x128xf32>
    %log3A_596 = math.log %add3A_595 : vector<8x64x128xf32>
    %get3A_597 = arith.constant 187 : index
    %get3A_598 = memref.load %arg3[%get3A_597] : memref<1108xf32, #tpu.memory_space<smem>>
    %mul3A_599 = vector.broadcast %get3A_598 : f32 to vector<8x64x128xf32>
    %mul3A_600 = arith.mulf %log3A, %mul3A_599 : vector<8x64x128xf32>
    %get3A_601 = arith.constant 195 : index
    %get3A_602 = memref.load %arg3[%get3A_601] : memref<1108xf32, #tpu.memory_space<smem>>
    %mul3A_603 = vector.broadcast %get3A_602 : f32 to vector<8x64x128xf32>
    %mul3A_604 = arith.mulf %log3A_185, %mul3A_603 : vector<8x64x128xf32>
    %add3A_605 = arith.addf %mul3A_600, %mul3A_604 : vector<8x64x128xf32>
    %get3A_606 = arith.constant 203 : index
    %get3A_607 = memref.load %arg3[%get3A_606] : memref<1108xf32, #tpu.memory_space<smem>>
    %mul3A_608 = vector.broadcast %get3A_607 : f32 to vector<8x64x128xf32>
    %mul3A_609 = arith.mulf %log3A_216, %mul3A_608 : vector<8x64x128xf32>
    %add3A_610 = arith.addf %add3A_605, %mul3A_609 : vector<8x64x128xf32>
    %get3A_611 = arith.constant 211 : index
    %get3A_612 = memref.load %arg3[%get3A_611] : memref<1108xf32, #tpu.memory_space<smem>>
    %mul3A_613 = vector.broadcast %get3A_612 : f32 to vector<8x64x128xf32>
    %mul3A_614 = arith.mulf %log3A_247, %mul3A_613 : vector<8x64x128xf32>
    %add3A_615 = arith.addf %add3A_610, %mul3A_614 : vector<8x64x128xf32>
    %get3A_616 = arith.constant 219 : index
    %get3A_617 = memref.load %arg3[%get3A_616] : memref<1108xf32, #tpu.memory_space<smem>>
    %mul3A_618 = vector.broadcast %get3A_617 : f32 to vector<8x64x128xf32>
    %mul3A_619 = arith.mulf %log3A_278, %mul3A_618 : vector<8x64x128xf32>
    %add3A_620 = arith.addf %add3A_615, %mul3A_619 : vector<8x64x128xf32>
    %get3A_621 = arith.constant 227 : index
    %get3A_622 = memref.load %arg3[%get3A_621] : memref<1108xf32, #tpu.memory_space<smem>>
    %mul3A_623 = vector.broadcast %get3A_622 : f32 to vector<8x64x128xf32>
    %mul3A_624 = arith.mulf %log3A_309, %mul3A_623 : vector<8x64x128xf32>
    %add3A_625 = arith.addf %add3A_620, %mul3A_624 : vector<8x64x128xf32>
    %get3A_626 = arith.constant 475 : index
    %get3A_627 = memref.load %arg3[%get3A_626] : memref<1108xf32, #tpu.memory_space<smem>>
    %add3A_628 = vector.broadcast %get3A_627 : f32 to vector<8x64x128xf32>
    %add3A_629 = arith.addf %add3A_625, %add3A_628 : vector<8x64x128xf32>
    %exp3A_630 = math.exp %add3A_629 : vector<8x64x128xf32>
    %mul3A_631 = arith.constant 5.000000e-01 : f32
    %mul3A_632 = vector.broadcast %mul3A_631 : f32 to vector<8x64x128xf32>
    %mul3A_633 = arith.mulf %mul3A_632, %exp3A_630 : vector<8x64x128xf32>
    %add3A_634 = arith.constant 5.000000e-01 : f32
    %add3A_635 = vector.broadcast %add3A_634 : f32 to vector<8x64x128xf32>
    %add3A_636 = arith.addf %add3A_635, %mul3A_633 : vector<8x64x128xf32>
    %log3A_637 = math.log %add3A_636 : vector<8x64x128xf32>
    %get3A_638 = arith.constant 24 : index
    %get3A_639 = memref.load %arg3[%get3A_638] : memref<1108xf32, #tpu.memory_space<smem>>
    %mul3A_640 = vector.broadcast %get3A_639 : f32 to vector<8x64x128xf32>
    %mul3A_641 = arith.mulf %get3A_4, %mul3A_640 : vector<8x64x128xf32>
    %get3A_642 = arith.constant 30 : index
    %get3A_643 = memref.load %arg3[%get3A_642] : memref<1108xf32, #tpu.memory_space<smem>>
    %mul3A_644 = vector.broadcast %get3A_643 : f32 to vector<8x64x128xf32>
    %mul3A_645 = arith.mulf %get3A_10, %mul3A_644 : vector<8x64x128xf32>
    %add3A_646 = arith.addf %mul3A_641, %mul3A_645 : vector<8x64x128xf32>
    %get3A_647 = arith.constant 36 : index
    %get3A_648 = memref.load %arg3[%get3A_647] : memref<1108xf32, #tpu.memory_space<smem>>
    %mul3A_649 = vector.broadcast %get3A_648 : f32 to vector<8x64x128xf32>
    %mul3A_650 = arith.mulf %get3A_16, %mul3A_649 : vector<8x64x128xf32>
    %add3A_651 = arith.addf %add3A_646, %mul3A_650 : vector<8x64x128xf32>
    %get3A_652 = arith.constant 42 : index
    %get3A_653 = memref.load %arg3[%get3A_652] : memref<1108xf32, #tpu.memory_space<smem>>
    %mul3A_654 = vector.broadcast %get3A_653 : f32 to vector<8x64x128xf32>
    %mul3A_655 = arith.mulf %get3A_22, %mul3A_654 : vector<8x64x128xf32>
    %add3A_656 = arith.addf %add3A_651, %mul3A_655 : vector<8x64x128xf32>
    %get3A_657 = arith.constant 150 : index
    %get3A_658 = memref.load %arg3[%get3A_657] : memref<1108xf32, #tpu.memory_space<smem>>
    %add3A_659 = vector.broadcast %get3A_658 : f32 to vector<8x64x128xf32>
    %add3A_660 = arith.addf %add3A_656, %add3A_659 : vector<8x64x128xf32>
    %exp3A_661 = math.exp %add3A_660 : vector<8x64x128xf32>
    %mul3A_662 = arith.constant 5.000000e-01 : f32
    %mul3A_663 = vector.broadcast %mul3A_662 : f32 to vector<8x64x128xf32>
    %mul3A_664 = arith.mulf %mul3A_663, %exp3A_661 : vector<8x64x128xf32>
    %add3A_665 = arith.constant 5.000000e-01 : f32
    %add3A_666 = vector.broadcast %add3A_665 : f32 to vector<8x64x128xf32>
    %add3A_667 = arith.addf %add3A_666, %mul3A_664 : vector<8x64x128xf32>
    %log3A_668 = math.log %add3A_667 : vector<8x64x128xf32>
    %get3A_669 = arith.constant 25 : index
    %get3A_670 = memref.load %arg3[%get3A_669] : memref<1108xf32, #tpu.memory_space<smem>>
    %mul3A_671 = vector.broadcast %get3A_670 : f32 to vector<8x64x128xf32>
    %mul3A_672 = arith.mulf %get3A_4, %mul3A_671 : vector<8x64x128xf32>
    %get3A_673 = arith.constant 31 : index
    %get3A_674 = memref.load %arg3[%get3A_673] : memref<1108xf32, #tpu.memory_space<smem>>
    %mul3A_675 = vector.broadcast %get3A_674 : f32 to vector<8x64x128xf32>
    %mul3A_676 = arith.mulf %get3A_10, %mul3A_675 : vector<8x64x128xf32>
    %add3A_677 = arith.addf %mul3A_672, %mul3A_676 : vector<8x64x128xf32>
    %get3A_678 = arith.constant 37 : index
    %get3A_679 = memref.load %arg3[%get3A_678] : memref<1108xf32, #tpu.memory_space<smem>>
    %mul3A_680 = vector.broadcast %get3A_679 : f32 to vector<8x64x128xf32>
    %mul3A_681 = arith.mulf %get3A_16, %mul3A_680 : vector<8x64x128xf32>
    %add3A_682 = arith.addf %add3A_677, %mul3A_681 : vector<8x64x128xf32>
    %get3A_683 = arith.constant 43 : index
    %get3A_684 = memref.load %arg3[%get3A_683] : memref<1108xf32, #tpu.memory_space<smem>>
    %mul3A_685 = vector.broadcast %get3A_684 : f32 to vector<8x64x128xf32>
    %mul3A_686 = arith.mulf %get3A_22, %mul3A_685 : vector<8x64x128xf32>
    %add3A_687 = arith.addf %add3A_682, %mul3A_686 : vector<8x64x128xf32>
    %get3A_688 = arith.constant 151 : index
    %get3A_689 = memref.load %arg3[%get3A_688] : memref<1108xf32, #tpu.memory_space<smem>>
    %add3A_690 = vector.broadcast %get3A_689 : f32 to vector<8x64x128xf32>
    %add3A_691 = arith.addf %add3A_687, %add3A_690 : vector<8x64x128xf32>
    %exp3A_692 = math.exp %add3A_691 : vector<8x64x128xf32>
    %mul3A_693 = arith.constant 5.000000e-01 : f32
    %mul3A_694 = vector.broadcast %mul3A_693 : f32 to vector<8x64x128xf32>
    %mul3A_695 = arith.mulf %mul3A_694, %exp3A_692 : vector<8x64x128xf32>
    %add3A_696 = arith.constant 5.000000e-01 : f32
    %add3A_697 = vector.broadcast %add3A_696 : f32 to vector<8x64x128xf32>
    %add3A_698 = arith.addf %add3A_697, %mul3A_695 : vector<8x64x128xf32>
    %log3A_699 = math.log %add3A_698 : vector<8x64x128xf32>
    %get3A_700 = arith.constant 26 : index
    %get3A_701 = memref.load %arg3[%get3A_700] : memref<1108xf32, #tpu.memory_space<smem>>
    %mul3A_702 = vector.broadcast %get3A_701 : f32 to vector<8x64x128xf32>
    %mul3A_703 = arith.mulf %get3A_4, %mul3A_702 : vector<8x64x128xf32>
    %get3A_704 = arith.constant 32 : index
    %get3A_705 = memref.load %arg3[%get3A_704] : memref<1108xf32, #tpu.memory_space<smem>>
    %mul3A_706 = vector.broadcast %get3A_705 : f32 to vector<8x64x128xf32>
    %mul3A_707 = arith.mulf %get3A_10, %mul3A_706 : vector<8x64x128xf32>
    %add3A_708 = arith.addf %mul3A_703, %mul3A_707 : vector<8x64x128xf32>
    %get3A_709 = arith.constant 38 : index
    %get3A_710 = memref.load %arg3[%get3A_709] : memref<1108xf32, #tpu.memory_space<smem>>
    %mul3A_711 = vector.broadcast %get3A_710 : f32 to vector<8x64x128xf32>
    %mul3A_712 = arith.mulf %get3A_16, %mul3A_711 : vector<8x64x128xf32>
    %add3A_713 = arith.addf %add3A_708, %mul3A_712 : vector<8x64x128xf32>
    %get3A_714 = arith.constant 44 : index
    %get3A_715 = memref.load %arg3[%get3A_714] : memref<1108xf32, #tpu.memory_space<smem>>
    %mul3A_716 = vector.broadcast %get3A_715 : f32 to vector<8x64x128xf32>
    %mul3A_717 = arith.mulf %get3A_22, %mul3A_716 : vector<8x64x128xf32>
    %add3A_718 = arith.addf %add3A_713, %mul3A_717 : vector<8x64x128xf32>
    %get3A_719 = arith.constant 152 : index
    %get3A_720 = memref.load %arg3[%get3A_719] : memref<1108xf32, #tpu.memory_space<smem>>
    %add3A_721 = vector.broadcast %get3A_720 : f32 to vector<8x64x128xf32>
    %add3A_722 = arith.addf %add3A_718, %add3A_721 : vector<8x64x128xf32>
    %exp3A_723 = math.exp %add3A_722 : vector<8x64x128xf32>
    %mul3A_724 = arith.constant 5.000000e-01 : f32
    %mul3A_725 = vector.broadcast %mul3A_724 : f32 to vector<8x64x128xf32>
    %mul3A_726 = arith.mulf %mul3A_725, %exp3A_723 : vector<8x64x128xf32>
    %add3A_727 = arith.constant 5.000000e-01 : f32
    %add3A_728 = vector.broadcast %add3A_727 : f32 to vector<8x64x128xf32>
    %add3A_729 = arith.addf %add3A_728, %mul3A_726 : vector<8x64x128xf32>
    %log3A_730 = math.log %add3A_729 : vector<8x64x128xf32>
    %get3A_731 = arith.constant 27 : index
    %get3A_732 = memref.load %arg3[%get3A_731] : memref<1108xf32, #tpu.memory_space<smem>>
    %mul3A_733 = vector.broadcast %get3A_732 : f32 to vector<8x64x128xf32>
    %mul3A_734 = arith.mulf %get3A_4, %mul3A_733 : vector<8x64x128xf32>
    %get3A_735 = arith.constant 33 : index
    %get3A_736 = memref.load %arg3[%get3A_735] : memref<1108xf32, #tpu.memory_space<smem>>
    %mul3A_737 = vector.broadcast %get3A_736 : f32 to vector<8x64x128xf32>
    %mul3A_738 = arith.mulf %get3A_10, %mul3A_737 : vector<8x64x128xf32>
    %add3A_739 = arith.addf %mul3A_734, %mul3A_738 : vector<8x64x128xf32>
    %get3A_740 = arith.constant 39 : index
    %get3A_741 = memref.load %arg3[%get3A_740] : memref<1108xf32, #tpu.memory_space<smem>>
    %mul3A_742 = vector.broadcast %get3A_741 : f32 to vector<8x64x128xf32>
    %mul3A_743 = arith.mulf %get3A_16, %mul3A_742 : vector<8x64x128xf32>
    %add3A_744 = arith.addf %add3A_739, %mul3A_743 : vector<8x64x128xf32>
    %get3A_745 = arith.constant 45 : index
    %get3A_746 = memref.load %arg3[%get3A_745] : memref<1108xf32, #tpu.memory_space<smem>>
    %mul3A_747 = vector.broadcast %get3A_746 : f32 to vector<8x64x128xf32>
    %mul3A_748 = arith.mulf %get3A_22, %mul3A_747 : vector<8x64x128xf32>
    %add3A_749 = arith.addf %add3A_744, %mul3A_748 : vector<8x64x128xf32>
    %get3A_750 = arith.constant 153 : index
    %get3A_751 = memref.load %arg3[%get3A_750] : memref<1108xf32, #tpu.memory_space<smem>>
    %add3A_752 = vector.broadcast %get3A_751 : f32 to vector<8x64x128xf32>
    %add3A_753 = arith.addf %add3A_749, %add3A_752 : vector<8x64x128xf32>
    %exp3A_754 = math.exp %add3A_753 : vector<8x64x128xf32>
    %mul3A_755 = arith.constant 5.000000e-01 : f32
    %mul3A_756 = vector.broadcast %mul3A_755 : f32 to vector<8x64x128xf32>
    %mul3A_757 = arith.mulf %mul3A_756, %exp3A_754 : vector<8x64x128xf32>
    %add3A_758 = arith.constant 5.000000e-01 : f32
    %add3A_759 = vector.broadcast %add3A_758 : f32 to vector<8x64x128xf32>
    %add3A_760 = arith.addf %add3A_759, %mul3A_757 : vector<8x64x128xf32>
    %log3A_761 = math.log %add3A_760 : vector<8x64x128xf32>
    %get3A_762 = arith.constant 28 : index
    %get3A_763 = memref.load %arg3[%get3A_762] : memref<1108xf32, #tpu.memory_space<smem>>
    %mul3A_764 = vector.broadcast %get3A_763 : f32 to vector<8x64x128xf32>
    %mul3A_765 = arith.mulf %get3A_4, %mul3A_764 : vector<8x64x128xf32>
    %get3A_766 = arith.constant 34 : index
    %get3A_767 = memref.load %arg3[%get3A_766] : memref<1108xf32, #tpu.memory_space<smem>>
    %mul3A_768 = vector.broadcast %get3A_767 : f32 to vector<8x64x128xf32>
    %mul3A_769 = arith.mulf %get3A_10, %mul3A_768 : vector<8x64x128xf32>
    %add3A_770 = arith.addf %mul3A_765, %mul3A_769 : vector<8x64x128xf32>
    %get3A_771 = arith.constant 40 : index
    %get3A_772 = memref.load %arg3[%get3A_771] : memref<1108xf32, #tpu.memory_space<smem>>
    %mul3A_773 = vector.broadcast %get3A_772 : f32 to vector<8x64x128xf32>
    %mul3A_774 = arith.mulf %get3A_16, %mul3A_773 : vector<8x64x128xf32>
    %add3A_775 = arith.addf %add3A_770, %mul3A_774 : vector<8x64x128xf32>
    %get3A_776 = arith.constant 46 : index
    %get3A_777 = memref.load %arg3[%get3A_776] : memref<1108xf32, #tpu.memory_space<smem>>
    %mul3A_778 = vector.broadcast %get3A_777 : f32 to vector<8x64x128xf32>
    %mul3A_779 = arith.mulf %get3A_22, %mul3A_778 : vector<8x64x128xf32>
    %add3A_780 = arith.addf %add3A_775, %mul3A_779 : vector<8x64x128xf32>
    %get3A_781 = arith.constant 154 : index
    %get3A_782 = memref.load %arg3[%get3A_781] : memref<1108xf32, #tpu.memory_space<smem>>
    %add3A_783 = vector.broadcast %get3A_782 : f32 to vector<8x64x128xf32>
    %add3A_784 = arith.addf %add3A_780, %add3A_783 : vector<8x64x128xf32>
    %exp3A_785 = math.exp %add3A_784 : vector<8x64x128xf32>
    %mul3A_786 = arith.constant 5.000000e-01 : f32
    %mul3A_787 = vector.broadcast %mul3A_786 : f32 to vector<8x64x128xf32>
    %mul3A_788 = arith.mulf %mul3A_787, %exp3A_785 : vector<8x64x128xf32>
    %add3A_789 = arith.constant 5.000000e-01 : f32
    %add3A_790 = vector.broadcast %add3A_789 : f32 to vector<8x64x128xf32>
    %add3A_791 = arith.addf %add3A_790, %mul3A_788 : vector<8x64x128xf32>
    %log3A_792 = math.log %add3A_791 : vector<8x64x128xf32>
    %get3A_793 = arith.constant 29 : index
    %get3A_794 = memref.load %arg3[%get3A_793] : memref<1108xf32, #tpu.memory_space<smem>>
    %mul3A_795 = vector.broadcast %get3A_794 : f32 to vector<8x64x128xf32>
    %mul3A_796 = arith.mulf %get3A_4, %mul3A_795 : vector<8x64x128xf32>
    %get3A_797 = arith.constant 35 : index
    %get3A_798 = memref.load %arg3[%get3A_797] : memref<1108xf32, #tpu.memory_space<smem>>
    %mul3A_799 = vector.broadcast %get3A_798 : f32 to vector<8x64x128xf32>
    %mul3A_800 = arith.mulf %get3A_10, %mul3A_799 : vector<8x64x128xf32>
    %add3A_801 = arith.addf %mul3A_796, %mul3A_800 : vector<8x64x128xf32>
    %get3A_802 = arith.constant 41 : index
    %get3A_803 = memref.load %arg3[%get3A_802] : memref<1108xf32, #tpu.memory_space<smem>>
    %mul3A_804 = vector.broadcast %get3A_803 : f32 to vector<8x64x128xf32>
    %mul3A_805 = arith.mulf %get3A_16, %mul3A_804 : vector<8x64x128xf32>
    %add3A_806 = arith.addf %add3A_801, %mul3A_805 : vector<8x64x128xf32>
    %get3A_807 = arith.constant 47 : index
    %get3A_808 = memref.load %arg3[%get3A_807] : memref<1108xf32, #tpu.memory_space<smem>>
    %mul3A_809 = vector.broadcast %get3A_808 : f32 to vector<8x64x128xf32>
    %mul3A_810 = arith.mulf %get3A_22, %mul3A_809 : vector<8x64x128xf32>
    %add3A_811 = arith.addf %add3A_806, %mul3A_810 : vector<8x64x128xf32>
    %get3A_812 = arith.constant 155 : index
    %get3A_813 = memref.load %arg3[%get3A_812] : memref<1108xf32, #tpu.memory_space<smem>>
    %add3A_814 = vector.broadcast %get3A_813 : f32 to vector<8x64x128xf32>
    %add3A_815 = arith.addf %add3A_811, %add3A_814 : vector<8x64x128xf32>
    %exp3A_816 = math.exp %add3A_815 : vector<8x64x128xf32>
    %mul3A_817 = arith.constant 5.000000e-01 : f32
    %mul3A_818 = vector.broadcast %mul3A_817 : f32 to vector<8x64x128xf32>
    %mul3A_819 = arith.mulf %mul3A_818, %exp3A_816 : vector<8x64x128xf32>
    %add3A_820 = arith.constant 5.000000e-01 : f32
    %add3A_821 = vector.broadcast %add3A_820 : f32 to vector<8x64x128xf32>
    %add3A_822 = arith.addf %add3A_821, %mul3A_819 : vector<8x64x128xf32>
    %log3A_823 = math.log %add3A_822 : vector<8x64x128xf32>
    %get3A_824 = arith.constant 228 : index
    %get3A_825 = memref.load %arg3[%get3A_824] : memref<1108xf32, #tpu.memory_space<smem>>
    %mul3A_826 = vector.broadcast %get3A_825 : f32 to vector<8x64x128xf32>
    %mul3A_827 = arith.mulf %log3A_668, %mul3A_826 : vector<8x64x128xf32>
    %get3A_828 = arith.constant 236 : index
    %get3A_829 = memref.load %arg3[%get3A_828] : memref<1108xf32, #tpu.memory_space<smem>>
    %mul3A_830 = vector.broadcast %get3A_829 : f32 to vector<8x64x128xf32>
    %mul3A_831 = arith.mulf %log3A_699, %mul3A_830 : vector<8x64x128xf32>
    %add3A_832 = arith.addf %mul3A_827, %mul3A_831 : vector<8x64x128xf32>
    %get3A_833 = arith.constant 244 : index
    %get3A_834 = memref.load %arg3[%get3A_833] : memref<1108xf32, #tpu.memory_space<smem>>
    %mul3A_835 = vector.broadcast %get3A_834 : f32 to vector<8x64x128xf32>
    %mul3A_836 = arith.mulf %log3A_730, %mul3A_835 : vector<8x64x128xf32>
    %add3A_837 = arith.addf %add3A_832, %mul3A_836 : vector<8x64x128xf32>
    %get3A_838 = arith.constant 252 : index
    %get3A_839 = memref.load %arg3[%get3A_838] : memref<1108xf32, #tpu.memory_space<smem>>
    %mul3A_840 = vector.broadcast %get3A_839 : f32 to vector<8x64x128xf32>
    %mul3A_841 = arith.mulf %log3A_761, %mul3A_840 : vector<8x64x128xf32>
    %add3A_842 = arith.addf %add3A_837, %mul3A_841 : vector<8x64x128xf32>
    %get3A_843 = arith.constant 260 : index
    %get3A_844 = memref.load %arg3[%get3A_843] : memref<1108xf32, #tpu.memory_space<smem>>
    %mul3A_845 = vector.broadcast %get3A_844 : f32 to vector<8x64x128xf32>
    %mul3A_846 = arith.mulf %log3A_792, %mul3A_845 : vector<8x64x128xf32>
    %add3A_847 = arith.addf %add3A_842, %mul3A_846 : vector<8x64x128xf32>
    %get3A_848 = arith.constant 268 : index
    %get3A_849 = memref.load %arg3[%get3A_848] : memref<1108xf32, #tpu.memory_space<smem>>
    %mul3A_850 = vector.broadcast %get3A_849 : f32 to vector<8x64x128xf32>
    %mul3A_851 = arith.mulf %log3A_823, %mul3A_850 : vector<8x64x128xf32>
    %add3A_852 = arith.addf %add3A_847, %mul3A_851 : vector<8x64x128xf32>
    %get3A_853 = arith.constant 476 : index
    %get3A_854 = memref.load %arg3[%get3A_853] : memref<1108xf32, #tpu.memory_space<smem>>
    %add3A_855 = vector.broadcast %get3A_854 : f32 to vector<8x64x128xf32>
    %add3A_856 = arith.addf %add3A_852, %add3A_855 : vector<8x64x128xf32>
    %exp3A_857 = math.exp %add3A_856 : vector<8x64x128xf32>
    %mul3A_858 = arith.constant 5.000000e-01 : f32
    %mul3A_859 = vector.broadcast %mul3A_858 : f32 to vector<8x64x128xf32>
    %mul3A_860 = arith.mulf %mul3A_859, %exp3A_857 : vector<8x64x128xf32>
    %add3A_861 = arith.constant 5.000000e-01 : f32
    %add3A_862 = vector.broadcast %add3A_861 : f32 to vector<8x64x128xf32>
    %add3A_863 = arith.addf %add3A_862, %mul3A_860 : vector<8x64x128xf32>
    %log3A_864 = math.log %add3A_863 : vector<8x64x128xf32>
    %get3A_865 = arith.constant 229 : index
    %get3A_866 = memref.load %arg3[%get3A_865] : memref<1108xf32, #tpu.memory_space<smem>>
    %mul3A_867 = vector.broadcast %get3A_866 : f32 to vector<8x64x128xf32>
    %mul3A_868 = arith.mulf %log3A_668, %mul3A_867 : vector<8x64x128xf32>
    %get3A_869 = arith.constant 237 : index
    %get3A_870 = memref.load %arg3[%get3A_869] : memref<1108xf32, #tpu.memory_space<smem>>
    %mul3A_871 = vector.broadcast %get3A_870 : f32 to vector<8x64x128xf32>
    %mul3A_872 = arith.mulf %log3A_699, %mul3A_871 : vector<8x64x128xf32>
    %add3A_873 = arith.addf %mul3A_868, %mul3A_872 : vector<8x64x128xf32>
    %get3A_874 = arith.constant 245 : index
    %get3A_875 = memref.load %arg3[%get3A_874] : memref<1108xf32, #tpu.memory_space<smem>>
    %mul3A_876 = vector.broadcast %get3A_875 : f32 to vector<8x64x128xf32>
    %mul3A_877 = arith.mulf %log3A_730, %mul3A_876 : vector<8x64x128xf32>
    %add3A_878 = arith.addf %add3A_873, %mul3A_877 : vector<8x64x128xf32>
    %get3A_879 = arith.constant 253 : index
    %get3A_880 = memref.load %arg3[%get3A_879] : memref<1108xf32, #tpu.memory_space<smem>>
    %mul3A_881 = vector.broadcast %get3A_880 : f32 to vector<8x64x128xf32>
    %mul3A_882 = arith.mulf %log3A_761, %mul3A_881 : vector<8x64x128xf32>
    %add3A_883 = arith.addf %add3A_878, %mul3A_882 : vector<8x64x128xf32>
    %get3A_884 = arith.constant 261 : index
    %get3A_885 = memref.load %arg3[%get3A_884] : memref<1108xf32, #tpu.memory_space<smem>>
    %mul3A_886 = vector.broadcast %get3A_885 : f32 to vector<8x64x128xf32>
    %mul3A_887 = arith.mulf %log3A_792, %mul3A_886 : vector<8x64x128xf32>
    %add3A_888 = arith.addf %add3A_883, %mul3A_887 : vector<8x64x128xf32>
    %get3A_889 = arith.constant 269 : index
    %get3A_890 = memref.load %arg3[%get3A_889] : memref<1108xf32, #tpu.memory_space<smem>>
    %mul3A_891 = vector.broadcast %get3A_890 : f32 to vector<8x64x128xf32>
    %mul3A_892 = arith.mulf %log3A_823, %mul3A_891 : vector<8x64x128xf32>
    %add3A_893 = arith.addf %add3A_888, %mul3A_892 : vector<8x64x128xf32>
    %get3A_894 = arith.constant 477 : index
    %get3A_895 = memref.load %arg3[%get3A_894] : memref<1108xf32, #tpu.memory_space<smem>>
    %add3A_896 = vector.broadcast %get3A_895 : f32 to vector<8x64x128xf32>
    %add3A_897 = arith.addf %add3A_893, %add3A_896 : vector<8x64x128xf32>
    %exp3A_898 = math.exp %add3A_897 : vector<8x64x128xf32>
    %mul3A_899 = arith.constant 5.000000e-01 : f32
    %mul3A_900 = vector.broadcast %mul3A_899 : f32 to vector<8x64x128xf32>
    %mul3A_901 = arith.mulf %mul3A_900, %exp3A_898 : vector<8x64x128xf32>
    %add3A_902 = arith.constant 5.000000e-01 : f32
    %add3A_903 = vector.broadcast %add3A_902 : f32 to vector<8x64x128xf32>
    %add3A_904 = arith.addf %add3A_903, %mul3A_901 : vector<8x64x128xf32>
    %log3A_905 = math.log %add3A_904 : vector<8x64x128xf32>
    %get3A_906 = arith.constant 230 : index
    %get3A_907 = memref.load %arg3[%get3A_906] : memref<1108xf32, #tpu.memory_space<smem>>
    %mul3A_908 = vector.broadcast %get3A_907 : f32 to vector<8x64x128xf32>
    %mul3A_909 = arith.mulf %log3A_668, %mul3A_908 : vector<8x64x128xf32>
    %get3A_910 = arith.constant 238 : index
    %get3A_911 = memref.load %arg3[%get3A_910] : memref<1108xf32, #tpu.memory_space<smem>>
    %mul3A_912 = vector.broadcast %get3A_911 : f32 to vector<8x64x128xf32>
    %mul3A_913 = arith.mulf %log3A_699, %mul3A_912 : vector<8x64x128xf32>
    %add3A_914 = arith.addf %mul3A_909, %mul3A_913 : vector<8x64x128xf32>
    %get3A_915 = arith.constant 246 : index
    %get3A_916 = memref.load %arg3[%get3A_915] : memref<1108xf32, #tpu.memory_space<smem>>
    %mul3A_917 = vector.broadcast %get3A_916 : f32 to vector<8x64x128xf32>
    %mul3A_918 = arith.mulf %log3A_730, %mul3A_917 : vector<8x64x128xf32>
    %add3A_919 = arith.addf %add3A_914, %mul3A_918 : vector<8x64x128xf32>
    %get3A_920 = arith.constant 254 : index
    %get3A_921 = memref.load %arg3[%get3A_920] : memref<1108xf32, #tpu.memory_space<smem>>
    %mul3A_922 = vector.broadcast %get3A_921 : f32 to vector<8x64x128xf32>
    %mul3A_923 = arith.mulf %log3A_761, %mul3A_922 : vector<8x64x128xf32>
    %add3A_924 = arith.addf %add3A_919, %mul3A_923 : vector<8x64x128xf32>
    %get3A_925 = arith.constant 262 : index
    %get3A_926 = memref.load %arg3[%get3A_925] : memref<1108xf32, #tpu.memory_space<smem>>
    %mul3A_927 = vector.broadcast %get3A_926 : f32 to vector<8x64x128xf32>
    %mul3A_928 = arith.mulf %log3A_792, %mul3A_927 : vector<8x64x128xf32>
    %add3A_929 = arith.addf %add3A_924, %mul3A_928 : vector<8x64x128xf32>
    %get3A_930 = arith.constant 270 : index
    %get3A_931 = memref.load %arg3[%get3A_930] : memref<1108xf32, #tpu.memory_space<smem>>
    %mul3A_932 = vector.broadcast %get3A_931 : f32 to vector<8x64x128xf32>
    %mul3A_933 = arith.mulf %log3A_823, %mul3A_932 : vector<8x64x128xf32>
    %add3A_934 = arith.addf %add3A_929, %mul3A_933 : vector<8x64x128xf32>
    %get3A_935 = arith.constant 478 : index
    %get3A_936 = memref.load %arg3[%get3A_935] : memref<1108xf32, #tpu.memory_space<smem>>
    %add3A_937 = vector.broadcast %get3A_936 : f32 to vector<8x64x128xf32>
    %add3A_938 = arith.addf %add3A_934, %add3A_937 : vector<8x64x128xf32>
    %exp3A_939 = math.exp %add3A_938 : vector<8x64x128xf32>
    %mul3A_940 = arith.constant 5.000000e-01 : f32
    %mul3A_941 = vector.broadcast %mul3A_940 : f32 to vector<8x64x128xf32>
    %mul3A_942 = arith.mulf %mul3A_941, %exp3A_939 : vector<8x64x128xf32>
    %add3A_943 = arith.constant 5.000000e-01 : f32
    %add3A_944 = vector.broadcast %add3A_943 : f32 to vector<8x64x128xf32>
    %add3A_945 = arith.addf %add3A_944, %mul3A_942 : vector<8x64x128xf32>
    %log3A_946 = math.log %add3A_945 : vector<8x64x128xf32>
    %get3A_947 = arith.constant 231 : index
    %get3A_948 = memref.load %arg3[%get3A_947] : memref<1108xf32, #tpu.memory_space<smem>>
    %mul3A_949 = vector.broadcast %get3A_948 : f32 to vector<8x64x128xf32>
    %mul3A_950 = arith.mulf %log3A_668, %mul3A_949 : vector<8x64x128xf32>
    %get3A_951 = arith.constant 239 : index
    %get3A_952 = memref.load %arg3[%get3A_951] : memref<1108xf32, #tpu.memory_space<smem>>
    %mul3A_953 = vector.broadcast %get3A_952 : f32 to vector<8x64x128xf32>
    %mul3A_954 = arith.mulf %log3A_699, %mul3A_953 : vector<8x64x128xf32>
    %add3A_955 = arith.addf %mul3A_950, %mul3A_954 : vector<8x64x128xf32>
    %get3A_956 = arith.constant 247 : index
    %get3A_957 = memref.load %arg3[%get3A_956] : memref<1108xf32, #tpu.memory_space<smem>>
    %mul3A_958 = vector.broadcast %get3A_957 : f32 to vector<8x64x128xf32>
    %mul3A_959 = arith.mulf %log3A_730, %mul3A_958 : vector<8x64x128xf32>
    %add3A_960 = arith.addf %add3A_955, %mul3A_959 : vector<8x64x128xf32>
    %get3A_961 = arith.constant 255 : index
    %get3A_962 = memref.load %arg3[%get3A_961] : memref<1108xf32, #tpu.memory_space<smem>>
    %mul3A_963 = vector.broadcast %get3A_962 : f32 to vector<8x64x128xf32>
    %mul3A_964 = arith.mulf %log3A_761, %mul3A_963 : vector<8x64x128xf32>
    %add3A_965 = arith.addf %add3A_960, %mul3A_964 : vector<8x64x128xf32>
    %get3A_966 = arith.constant 263 : index
    %get3A_967 = memref.load %arg3[%get3A_966] : memref<1108xf32, #tpu.memory_space<smem>>
    %mul3A_968 = vector.broadcast %get3A_967 : f32 to vector<8x64x128xf32>
    %mul3A_969 = arith.mulf %log3A_792, %mul3A_968 : vector<8x64x128xf32>
    %add3A_970 = arith.addf %add3A_965, %mul3A_969 : vector<8x64x128xf32>
    %get3A_971 = arith.constant 271 : index
    %get3A_972 = memref.load %arg3[%get3A_971] : memref<1108xf32, #tpu.memory_space<smem>>
    %mul3A_973 = vector.broadcast %get3A_972 : f32 to vector<8x64x128xf32>
    %mul3A_974 = arith.mulf %log3A_823, %mul3A_973 : vector<8x64x128xf32>
    %add3A_975 = arith.addf %add3A_970, %mul3A_974 : vector<8x64x128xf32>
    %get3A_976 = arith.constant 479 : index
    %get3A_977 = memref.load %arg3[%get3A_976] : memref<1108xf32, #tpu.memory_space<smem>>
    %add3A_978 = vector.broadcast %get3A_977 : f32 to vector<8x64x128xf32>
    %add3A_979 = arith.addf %add3A_975, %add3A_978 : vector<8x64x128xf32>
    %exp3A_980 = math.exp %add3A_979 : vector<8x64x128xf32>
    %mul3A_981 = arith.constant 5.000000e-01 : f32
    %mul3A_982 = vector.broadcast %mul3A_981 : f32 to vector<8x64x128xf32>
    %mul3A_983 = arith.mulf %mul3A_982, %exp3A_980 : vector<8x64x128xf32>
    %add3A_984 = arith.constant 5.000000e-01 : f32
    %add3A_985 = vector.broadcast %add3A_984 : f32 to vector<8x64x128xf32>
    %add3A_986 = arith.addf %add3A_985, %mul3A_983 : vector<8x64x128xf32>
    %log3A_987 = math.log %add3A_986 : vector<8x64x128xf32>
    %get3A_988 = arith.constant 232 : index
    %get3A_989 = memref.load %arg3[%get3A_988] : memref<1108xf32, #tpu.memory_space<smem>>
    %mul3A_990 = vector.broadcast %get3A_989 : f32 to vector<8x64x128xf32>
    %mul3A_991 = arith.mulf %log3A_668, %mul3A_990 : vector<8x64x128xf32>
    %get3A_992 = arith.constant 240 : index
    %get3A_993 = memref.load %arg3[%get3A_992] : memref<1108xf32, #tpu.memory_space<smem>>
    %mul3A_994 = vector.broadcast %get3A_993 : f32 to vector<8x64x128xf32>
    %mul3A_995 = arith.mulf %log3A_699, %mul3A_994 : vector<8x64x128xf32>
    %add3A_996 = arith.addf %mul3A_991, %mul3A_995 : vector<8x64x128xf32>
    %get3A_997 = arith.constant 248 : index
    %get3A_998 = memref.load %arg3[%get3A_997] : memref<1108xf32, #tpu.memory_space<smem>>
    %mul3A_999 = vector.broadcast %get3A_998 : f32 to vector<8x64x128xf32>
    %mul3A_1000 = arith.mulf %log3A_730, %mul3A_999 : vector<8x64x128xf32>
    %add3A_1001 = arith.addf %add3A_996, %mul3A_1000 : vector<8x64x128xf32>
    %get3A_1002 = arith.constant 256 : index
    %get3A_1003 = memref.load %arg3[%get3A_1002] : memref<1108xf32, #tpu.memory_space<smem>>
    %mul3A_1004 = vector.broadcast %get3A_1003 : f32 to vector<8x64x128xf32>
    %mul3A_1005 = arith.mulf %log3A_761, %mul3A_1004 : vector<8x64x128xf32>
    %add3A_1006 = arith.addf %add3A_1001, %mul3A_1005 : vector<8x64x128xf32>
    %get3A_1007 = arith.constant 264 : index
    %get3A_1008 = memref.load %arg3[%get3A_1007] : memref<1108xf32, #tpu.memory_space<smem>>
    %mul3A_1009 = vector.broadcast %get3A_1008 : f32 to vector<8x64x128xf32>
    %mul3A_1010 = arith.mulf %log3A_792, %mul3A_1009 : vector<8x64x128xf32>
    %add3A_1011 = arith.addf %add3A_1006, %mul3A_1010 : vector<8x64x128xf32>
    %get3A_1012 = arith.constant 272 : index
    %get3A_1013 = memref.load %arg3[%get3A_1012] : memref<1108xf32, #tpu.memory_space<smem>>
    %mul3A_1014 = vector.broadcast %get3A_1013 : f32 to vector<8x64x128xf32>
    %mul3A_1015 = arith.mulf %log3A_823, %mul3A_1014 : vector<8x64x128xf32>
    %add3A_1016 = arith.addf %add3A_1011, %mul3A_1015 : vector<8x64x128xf32>
    %get3A_1017 = arith.constant 480 : index
    %get3A_1018 = memref.load %arg3[%get3A_1017] : memref<1108xf32, #tpu.memory_space<smem>>
    %add3A_1019 = vector.broadcast %get3A_1018 : f32 to vector<8x64x128xf32>
    %add3A_1020 = arith.addf %add3A_1016, %add3A_1019 : vector<8x64x128xf32>
    %exp3A_1021 = math.exp %add3A_1020 : vector<8x64x128xf32>
    %mul3A_1022 = arith.constant 5.000000e-01 : f32
    %mul3A_1023 = vector.broadcast %mul3A_1022 : f32 to vector<8x64x128xf32>
    %mul3A_1024 = arith.mulf %mul3A_1023, %exp3A_1021 : vector<8x64x128xf32>
    %add3A_1025 = arith.constant 5.000000e-01 : f32
    %add3A_1026 = vector.broadcast %add3A_1025 : f32 to vector<8x64x128xf32>
    %add3A_1027 = arith.addf %add3A_1026, %mul3A_1024 : vector<8x64x128xf32>
    %log3A_1028 = math.log %add3A_1027 : vector<8x64x128xf32>
    %get3A_1029 = arith.constant 233 : index
    %get3A_1030 = memref.load %arg3[%get3A_1029] : memref<1108xf32, #tpu.memory_space<smem>>
    %mul3A_1031 = vector.broadcast %get3A_1030 : f32 to vector<8x64x128xf32>
    %mul3A_1032 = arith.mulf %log3A_668, %mul3A_1031 : vector<8x64x128xf32>
    %get3A_1033 = arith.constant 241 : index
    %get3A_1034 = memref.load %arg3[%get3A_1033] : memref<1108xf32, #tpu.memory_space<smem>>
    %mul3A_1035 = vector.broadcast %get3A_1034 : f32 to vector<8x64x128xf32>
    %mul3A_1036 = arith.mulf %log3A_699, %mul3A_1035 : vector<8x64x128xf32>
    %add3A_1037 = arith.addf %mul3A_1032, %mul3A_1036 : vector<8x64x128xf32>
    %get3A_1038 = arith.constant 249 : index
    %get3A_1039 = memref.load %arg3[%get3A_1038] : memref<1108xf32, #tpu.memory_space<smem>>
    %mul3A_1040 = vector.broadcast %get3A_1039 : f32 to vector<8x64x128xf32>
    %mul3A_1041 = arith.mulf %log3A_730, %mul3A_1040 : vector<8x64x128xf32>
    %add3A_1042 = arith.addf %add3A_1037, %mul3A_1041 : vector<8x64x128xf32>
    %get3A_1043 = arith.constant 257 : index
    %get3A_1044 = memref.load %arg3[%get3A_1043] : memref<1108xf32, #tpu.memory_space<smem>>
    %mul3A_1045 = vector.broadcast %get3A_1044 : f32 to vector<8x64x128xf32>
    %mul3A_1046 = arith.mulf %log3A_761, %mul3A_1045 : vector<8x64x128xf32>
    %add3A_1047 = arith.addf %add3A_1042, %mul3A_1046 : vector<8x64x128xf32>
    %get3A_1048 = arith.constant 265 : index
    %get3A_1049 = memref.load %arg3[%get3A_1048] : memref<1108xf32, #tpu.memory_space<smem>>
    %mul3A_1050 = vector.broadcast %get3A_1049 : f32 to vector<8x64x128xf32>
    %mul3A_1051 = arith.mulf %log3A_792, %mul3A_1050 : vector<8x64x128xf32>
    %add3A_1052 = arith.addf %add3A_1047, %mul3A_1051 : vector<8x64x128xf32>
    %get3A_1053 = arith.constant 273 : index
    %get3A_1054 = memref.load %arg3[%get3A_1053] : memref<1108xf32, #tpu.memory_space<smem>>
    %mul3A_1055 = vector.broadcast %get3A_1054 : f32 to vector<8x64x128xf32>
    %mul3A_1056 = arith.mulf %log3A_823, %mul3A_1055 : vector<8x64x128xf32>
    %add3A_1057 = arith.addf %add3A_1052, %mul3A_1056 : vector<8x64x128xf32>
    %get3A_1058 = arith.constant 481 : index
    %get3A_1059 = memref.load %arg3[%get3A_1058] : memref<1108xf32, #tpu.memory_space<smem>>
    %add3A_1060 = vector.broadcast %get3A_1059 : f32 to vector<8x64x128xf32>
    %add3A_1061 = arith.addf %add3A_1057, %add3A_1060 : vector<8x64x128xf32>
    %exp3A_1062 = math.exp %add3A_1061 : vector<8x64x128xf32>
    %mul3A_1063 = arith.constant 5.000000e-01 : f32
    %mul3A_1064 = vector.broadcast %mul3A_1063 : f32 to vector<8x64x128xf32>
    %mul3A_1065 = arith.mulf %mul3A_1064, %exp3A_1062 : vector<8x64x128xf32>
    %add3A_1066 = arith.constant 5.000000e-01 : f32
    %add3A_1067 = vector.broadcast %add3A_1066 : f32 to vector<8x64x128xf32>
    %add3A_1068 = arith.addf %add3A_1067, %mul3A_1065 : vector<8x64x128xf32>
    %log3A_1069 = math.log %add3A_1068 : vector<8x64x128xf32>
    %get3A_1070 = arith.constant 234 : index
    %get3A_1071 = memref.load %arg3[%get3A_1070] : memref<1108xf32, #tpu.memory_space<smem>>
    %mul3A_1072 = vector.broadcast %get3A_1071 : f32 to vector<8x64x128xf32>
    %mul3A_1073 = arith.mulf %log3A_668, %mul3A_1072 : vector<8x64x128xf32>
    %get3A_1074 = arith.constant 242 : index
    %get3A_1075 = memref.load %arg3[%get3A_1074] : memref<1108xf32, #tpu.memory_space<smem>>
    %mul3A_1076 = vector.broadcast %get3A_1075 : f32 to vector<8x64x128xf32>
    %mul3A_1077 = arith.mulf %log3A_699, %mul3A_1076 : vector<8x64x128xf32>
    %add3A_1078 = arith.addf %mul3A_1073, %mul3A_1077 : vector<8x64x128xf32>
    %get3A_1079 = arith.constant 250 : index
    %get3A_1080 = memref.load %arg3[%get3A_1079] : memref<1108xf32, #tpu.memory_space<smem>>
    %mul3A_1081 = vector.broadcast %get3A_1080 : f32 to vector<8x64x128xf32>
    %mul3A_1082 = arith.mulf %log3A_730, %mul3A_1081 : vector<8x64x128xf32>
    %add3A_1083 = arith.addf %add3A_1078, %mul3A_1082 : vector<8x64x128xf32>
    %get3A_1084 = arith.constant 258 : index
    %get3A_1085 = memref.load %arg3[%get3A_1084] : memref<1108xf32, #tpu.memory_space<smem>>
    %mul3A_1086 = vector.broadcast %get3A_1085 : f32 to vector<8x64x128xf32>
    %mul3A_1087 = arith.mulf %log3A_761, %mul3A_1086 : vector<8x64x128xf32>
    %add3A_1088 = arith.addf %add3A_1083, %mul3A_1087 : vector<8x64x128xf32>
    %get3A_1089 = arith.constant 266 : index
    %get3A_1090 = memref.load %arg3[%get3A_1089] : memref<1108xf32, #tpu.memory_space<smem>>
    %mul3A_1091 = vector.broadcast %get3A_1090 : f32 to vector<8x64x128xf32>
    %mul3A_1092 = arith.mulf %log3A_792, %mul3A_1091 : vector<8x64x128xf32>
    %add3A_1093 = arith.addf %add3A_1088, %mul3A_1092 : vector<8x64x128xf32>
    %get3A_1094 = arith.constant 274 : index
    %get3A_1095 = memref.load %arg3[%get3A_1094] : memref<1108xf32, #tpu.memory_space<smem>>
    %mul3A_1096 = vector.broadcast %get3A_1095 : f32 to vector<8x64x128xf32>
    %mul3A_1097 = arith.mulf %log3A_823, %mul3A_1096 : vector<8x64x128xf32>
    %add3A_1098 = arith.addf %add3A_1093, %mul3A_1097 : vector<8x64x128xf32>
    %get3A_1099 = arith.constant 482 : index
    %get3A_1100 = memref.load %arg3[%get3A_1099] : memref<1108xf32, #tpu.memory_space<smem>>
    %add3A_1101 = vector.broadcast %get3A_1100 : f32 to vector<8x64x128xf32>
    %add3A_1102 = arith.addf %add3A_1098, %add3A_1101 : vector<8x64x128xf32>
    %exp3A_1103 = math.exp %add3A_1102 : vector<8x64x128xf32>
    %mul3A_1104 = arith.constant 5.000000e-01 : f32
    %mul3A_1105 = vector.broadcast %mul3A_1104 : f32 to vector<8x64x128xf32>
    %mul3A_1106 = arith.mulf %mul3A_1105, %exp3A_1103 : vector<8x64x128xf32>
    %add3A_1107 = arith.constant 5.000000e-01 : f32
    %add3A_1108 = vector.broadcast %add3A_1107 : f32 to vector<8x64x128xf32>
    %add3A_1109 = arith.addf %add3A_1108, %mul3A_1106 : vector<8x64x128xf32>
    %log3A_1110 = math.log %add3A_1109 : vector<8x64x128xf32>
    %get3A_1111 = arith.constant 235 : index
    %get3A_1112 = memref.load %arg3[%get3A_1111] : memref<1108xf32, #tpu.memory_space<smem>>
    %mul3A_1113 = vector.broadcast %get3A_1112 : f32 to vector<8x64x128xf32>
    %mul3A_1114 = arith.mulf %log3A_668, %mul3A_1113 : vector<8x64x128xf32>
    %get3A_1115 = arith.constant 243 : index
    %get3A_1116 = memref.load %arg3[%get3A_1115] : memref<1108xf32, #tpu.memory_space<smem>>
    %mul3A_1117 = vector.broadcast %get3A_1116 : f32 to vector<8x64x128xf32>
    %mul3A_1118 = arith.mulf %log3A_699, %mul3A_1117 : vector<8x64x128xf32>
    %add3A_1119 = arith.addf %mul3A_1114, %mul3A_1118 : vector<8x64x128xf32>
    %get3A_1120 = arith.constant 251 : index
    %get3A_1121 = memref.load %arg3[%get3A_1120] : memref<1108xf32, #tpu.memory_space<smem>>
    %mul3A_1122 = vector.broadcast %get3A_1121 : f32 to vector<8x64x128xf32>
    %mul3A_1123 = arith.mulf %log3A_730, %mul3A_1122 : vector<8x64x128xf32>
    %add3A_1124 = arith.addf %add3A_1119, %mul3A_1123 : vector<8x64x128xf32>
    %get3A_1125 = arith.constant 259 : index
    %get3A_1126 = memref.load %arg3[%get3A_1125] : memref<1108xf32, #tpu.memory_space<smem>>
    %mul3A_1127 = vector.broadcast %get3A_1126 : f32 to vector<8x64x128xf32>
    %mul3A_1128 = arith.mulf %log3A_761, %mul3A_1127 : vector<8x64x128xf32>
    %add3A_1129 = arith.addf %add3A_1124, %mul3A_1128 : vector<8x64x128xf32>
    %get3A_1130 = arith.constant 267 : index
    %get3A_1131 = memref.load %arg3[%get3A_1130] : memref<1108xf32, #tpu.memory_space<smem>>
    %mul3A_1132 = vector.broadcast %get3A_1131 : f32 to vector<8x64x128xf32>
    %mul3A_1133 = arith.mulf %log3A_792, %mul3A_1132 : vector<8x64x128xf32>
    %add3A_1134 = arith.addf %add3A_1129, %mul3A_1133 : vector<8x64x128xf32>
    %get3A_1135 = arith.constant 275 : index
    %get3A_1136 = memref.load %arg3[%get3A_1135] : memref<1108xf32, #tpu.memory_space<smem>>
    %mul3A_1137 = vector.broadcast %get3A_1136 : f32 to vector<8x64x128xf32>
    %mul3A_1138 = arith.mulf %log3A_823, %mul3A_1137 : vector<8x64x128xf32>
    %add3A_1139 = arith.addf %add3A_1134, %mul3A_1138 : vector<8x64x128xf32>
    %get3A_1140 = arith.constant 483 : index
    %get3A_1141 = memref.load %arg3[%get3A_1140] : memref<1108xf32, #tpu.memory_space<smem>>
    %add3A_1142 = vector.broadcast %get3A_1141 : f32 to vector<8x64x128xf32>
    %add3A_1143 = arith.addf %add3A_1139, %add3A_1142 : vector<8x64x128xf32>
    %exp3A_1144 = math.exp %add3A_1143 : vector<8x64x128xf32>
    %mul3A_1145 = arith.constant 5.000000e-01 : f32
    %mul3A_1146 = vector.broadcast %mul3A_1145 : f32 to vector<8x64x128xf32>
    %mul3A_1147 = arith.mulf %mul3A_1146, %exp3A_1144 : vector<8x64x128xf32>
    %add3A_1148 = arith.constant 5.000000e-01 : f32
    %add3A_1149 = vector.broadcast %add3A_1148 : f32 to vector<8x64x128xf32>
    %add3A_1150 = arith.addf %add3A_1149, %mul3A_1147 : vector<8x64x128xf32>
    %log3A_1151 = math.log %add3A_1150 : vector<8x64x128xf32>
    %get3A_1152 = arith.constant 516 : index
    %get3A_1153 = memref.load %arg3[%get3A_1152] : memref<1108xf32, #tpu.memory_space<smem>>
    %mul3A_1154 = vector.broadcast %get3A_1153 : f32 to vector<8x128xf32>
    %mul3A_1155 = arith.mulf %broadcast_in_dim3A, %mul3A_1154 : vector<8x128xf32>
    %get3A_1156 = arith.constant 524 : index
    %get3A_1157 = memref.load %arg3[%get3A_1156] : memref<1108xf32, #tpu.memory_space<smem>>
    %mul3A_1158 = vector.broadcast %get3A_1157 : f32 to vector<8x128xf32>
    %mul3A_1159 = arith.mulf %broadcast_in_dim3A_84, %mul3A_1158 : vector<8x128xf32>
    %add3A_1160 = arith.addf %mul3A_1155, %mul3A_1159 : vector<8x128xf32>
    %get3A_1161 = arith.constant 532 : index
    %get3A_1162 = memref.load %arg3[%get3A_1161] : memref<1108xf32, #tpu.memory_space<smem>>
    %mul3A_1163 = vector.broadcast %get3A_1162 : f32 to vector<8x128xf32>
    %mul3A_1164 = arith.mulf %broadcast_in_dim3A_87, %mul3A_1163 : vector<8x128xf32>
    %add3A_1165 = arith.addf %add3A_1160, %mul3A_1164 : vector<8x128xf32>
    %get3A_1166 = arith.constant 540 : index
    %get3A_1167 = memref.load %arg3[%get3A_1166] : memref<1108xf32, #tpu.memory_space<smem>>
    %mul3A_1168 = vector.broadcast %get3A_1167 : f32 to vector<8x128xf32>
    %mul3A_1169 = arith.mulf %broadcast_in_dim3A_90, %mul3A_1168 : vector<8x128xf32>
    %add3A_1170 = arith.addf %add3A_1165, %mul3A_1169 : vector<8x128xf32>
    %get3A_1171 = arith.constant 548 : index
    %get3A_1172 = memref.load %arg3[%get3A_1171] : memref<1108xf32, #tpu.memory_space<smem>>
    %mul3A_1173 = vector.broadcast %get3A_1172 : f32 to vector<8x128xf32>
    %mul3A_1174 = arith.mulf %broadcast_in_dim3A_93, %mul3A_1173 : vector<8x128xf32>
    %add3A_1175 = arith.addf %add3A_1170, %mul3A_1174 : vector<8x128xf32>
    %get3A_1176 = arith.constant 556 : index
    %get3A_1177 = memref.load %arg3[%get3A_1176] : memref<1108xf32, #tpu.memory_space<smem>>
    %mul3A_1178 = vector.broadcast %get3A_1177 : f32 to vector<8x128xf32>
    %mul3A_1179 = arith.mulf %broadcast_in_dim3A_96, %mul3A_1178 : vector<8x128xf32>
    %add3A_1180 = arith.addf %add3A_1175, %mul3A_1179 : vector<8x128xf32>
    %get3A_1181 = arith.constant 564 : index
    %get3A_1182 = memref.load %arg3[%get3A_1181] : memref<1108xf32, #tpu.memory_space<smem>>
    %mul3A_1183 = vector.broadcast %get3A_1182 : f32 to vector<8x128xf32>
    %mul3A_1184 = arith.mulf %broadcast_in_dim3A_99, %mul3A_1183 : vector<8x128xf32>
    %add3A_1185 = arith.addf %add3A_1180, %mul3A_1184 : vector<8x128xf32>
    %get3A_1186 = arith.constant 572 : index
    %get3A_1187 = memref.load %arg3[%get3A_1186] : memref<1108xf32, #tpu.memory_space<smem>>
    %mul3A_1188 = vector.broadcast %get3A_1187 : f32 to vector<8x128xf32>
    %mul3A_1189 = arith.mulf %broadcast_in_dim3A_102, %mul3A_1188 : vector<8x128xf32>
    %add3A_1190 = arith.addf %add3A_1185, %mul3A_1189 : vector<8x128xf32>
    %get3A_1191 = arith.constant 580 : index
    %get3A_1192 = memref.load %arg3[%get3A_1191] : memref<1108xf32, #tpu.memory_space<smem>>
    %mul3A_1193 = vector.broadcast %get3A_1192 : f32 to vector<8x128xf32>
    %mul3A_1194 = arith.mulf %broadcast_in_dim3A_105, %mul3A_1193 : vector<8x128xf32>
    %add3A_1195 = arith.addf %add3A_1190, %mul3A_1194 : vector<8x128xf32>
    %get3A_1196 = arith.constant 588 : index
    %get3A_1197 = memref.load %arg3[%get3A_1196] : memref<1108xf32, #tpu.memory_space<smem>>
    %mul3A_1198 = vector.broadcast %get3A_1197 : f32 to vector<8x128xf32>
    %mul3A_1199 = arith.mulf %broadcast_in_dim3A_108, %mul3A_1198 : vector<8x128xf32>
    %add3A_1200 = arith.addf %add3A_1195, %mul3A_1199 : vector<8x128xf32>
    %get3A_1201 = arith.constant 596 : index
    %get3A_1202 = memref.load %arg3[%get3A_1201] : memref<1108xf32, #tpu.memory_space<smem>>
    %mul3A_1203 = vector.broadcast %get3A_1202 : f32 to vector<8x128xf32>
    %mul3A_1204 = arith.mulf %broadcast_in_dim3A_111, %mul3A_1203 : vector<8x128xf32>
    %add3A_1205 = arith.addf %add3A_1200, %mul3A_1204 : vector<8x128xf32>
    %get3A_1206 = arith.constant 604 : index
    %get3A_1207 = memref.load %arg3[%get3A_1206] : memref<1108xf32, #tpu.memory_space<smem>>
    %mul3A_1208 = vector.broadcast %get3A_1207 : f32 to vector<8x128xf32>
    %mul3A_1209 = arith.mulf %broadcast_in_dim3A_114, %mul3A_1208 : vector<8x128xf32>
    %add3A_1210 = arith.addf %add3A_1205, %mul3A_1209 : vector<8x128xf32>
    %get3A_1211 = arith.constant 612 : index
    %get3A_1212 = memref.load %arg3[%get3A_1211] : memref<1108xf32, #tpu.memory_space<smem>>
    %mul3A_1213 = vector.broadcast %get3A_1212 : f32 to vector<8x128xf32>
    %mul3A_1214 = arith.mulf %broadcast_in_dim3A_117, %mul3A_1213 : vector<8x128xf32>
    %add3A_1215 = arith.addf %add3A_1210, %mul3A_1214 : vector<8x128xf32>
    %get3A_1216 = arith.constant 620 : index
    %get3A_1217 = memref.load %arg3[%get3A_1216] : memref<1108xf32, #tpu.memory_space<smem>>
    %mul3A_1218 = vector.broadcast %get3A_1217 : f32 to vector<8x128xf32>
    %mul3A_1219 = arith.mulf %broadcast_in_dim3A_120, %mul3A_1218 : vector<8x128xf32>
    %add3A_1220 = arith.addf %add3A_1215, %mul3A_1219 : vector<8x128xf32>
    %get3A_1221 = arith.constant 628 : index
    %get3A_1222 = memref.load %arg3[%get3A_1221] : memref<1108xf32, #tpu.memory_space<smem>>
    %mul3A_1223 = vector.broadcast %get3A_1222 : f32 to vector<8x128xf32>
    %mul3A_1224 = arith.mulf %broadcast_in_dim3A_123, %mul3A_1223 : vector<8x128xf32>
    %add3A_1225 = arith.addf %add3A_1220, %mul3A_1224 : vector<8x128xf32>
    %get3A_1226 = arith.constant 636 : index
    %get3A_1227 = memref.load %arg3[%get3A_1226] : memref<1108xf32, #tpu.memory_space<smem>>
    %mul3A_1228 = vector.broadcast %get3A_1227 : f32 to vector<8x128xf32>
    %mul3A_1229 = arith.mulf %broadcast_in_dim3A_126, %mul3A_1228 : vector<8x128xf32>
    %add3A_1230 = arith.addf %add3A_1225, %mul3A_1229 : vector<8x128xf32>
    %get3A_1231 = arith.constant 772 : index
    %get3A_1232 = memref.load %arg3[%get3A_1231] : memref<1108xf32, #tpu.memory_space<smem>>
    %add3A_1233 = vector.broadcast %get3A_1232 : f32 to vector<8x128xf32>
    %add3A_1234 = arith.addf %add3A_1230, %add3A_1233 : vector<8x128xf32>
    %get3A_1235 = arith.constant 517 : index
    %get3A_1236 = memref.load %arg3[%get3A_1235] : memref<1108xf32, #tpu.memory_space<smem>>
    %mul3A_1237 = vector.broadcast %get3A_1236 : f32 to vector<8x128xf32>
    %mul3A_1238 = arith.mulf %broadcast_in_dim3A, %mul3A_1237 : vector<8x128xf32>
    %get3A_1239 = arith.constant 525 : index
    %get3A_1240 = memref.load %arg3[%get3A_1239] : memref<1108xf32, #tpu.memory_space<smem>>
    %mul3A_1241 = vector.broadcast %get3A_1240 : f32 to vector<8x128xf32>
    %mul3A_1242 = arith.mulf %broadcast_in_dim3A_84, %mul3A_1241 : vector<8x128xf32>
    %add3A_1243 = arith.addf %mul3A_1238, %mul3A_1242 : vector<8x128xf32>
    %get3A_1244 = arith.constant 533 : index
    %get3A_1245 = memref.load %arg3[%get3A_1244] : memref<1108xf32, #tpu.memory_space<smem>>
    %mul3A_1246 = vector.broadcast %get3A_1245 : f32 to vector<8x128xf32>
    %mul3A_1247 = arith.mulf %broadcast_in_dim3A_87, %mul3A_1246 : vector<8x128xf32>
    %add3A_1248 = arith.addf %add3A_1243, %mul3A_1247 : vector<8x128xf32>
    %get3A_1249 = arith.constant 541 : index
    %get3A_1250 = memref.load %arg3[%get3A_1249] : memref<1108xf32, #tpu.memory_space<smem>>
    %mul3A_1251 = vector.broadcast %get3A_1250 : f32 to vector<8x128xf32>
    %mul3A_1252 = arith.mulf %broadcast_in_dim3A_90, %mul3A_1251 : vector<8x128xf32>
    %add3A_1253 = arith.addf %add3A_1248, %mul3A_1252 : vector<8x128xf32>
    %get3A_1254 = arith.constant 549 : index
    %get3A_1255 = memref.load %arg3[%get3A_1254] : memref<1108xf32, #tpu.memory_space<smem>>
    %mul3A_1256 = vector.broadcast %get3A_1255 : f32 to vector<8x128xf32>
    %mul3A_1257 = arith.mulf %broadcast_in_dim3A_93, %mul3A_1256 : vector<8x128xf32>
    %add3A_1258 = arith.addf %add3A_1253, %mul3A_1257 : vector<8x128xf32>
    %get3A_1259 = arith.constant 557 : index
    %get3A_1260 = memref.load %arg3[%get3A_1259] : memref<1108xf32, #tpu.memory_space<smem>>
    %mul3A_1261 = vector.broadcast %get3A_1260 : f32 to vector<8x128xf32>
    %mul3A_1262 = arith.mulf %broadcast_in_dim3A_96, %mul3A_1261 : vector<8x128xf32>
    %add3A_1263 = arith.addf %add3A_1258, %mul3A_1262 : vector<8x128xf32>
    %get3A_1264 = arith.constant 565 : index
    %get3A_1265 = memref.load %arg3[%get3A_1264] : memref<1108xf32, #tpu.memory_space<smem>>
    %mul3A_1266 = vector.broadcast %get3A_1265 : f32 to vector<8x128xf32>
    %mul3A_1267 = arith.mulf %broadcast_in_dim3A_99, %mul3A_1266 : vector<8x128xf32>
    %add3A_1268 = arith.addf %add3A_1263, %mul3A_1267 : vector<8x128xf32>
    %get3A_1269 = arith.constant 573 : index
    %get3A_1270 = memref.load %arg3[%get3A_1269] : memref<1108xf32, #tpu.memory_space<smem>>
    %mul3A_1271 = vector.broadcast %get3A_1270 : f32 to vector<8x128xf32>
    %mul3A_1272 = arith.mulf %broadcast_in_dim3A_102, %mul3A_1271 : vector<8x128xf32>
    %add3A_1273 = arith.addf %add3A_1268, %mul3A_1272 : vector<8x128xf32>
    %get3A_1274 = arith.constant 581 : index
    %get3A_1275 = memref.load %arg3[%get3A_1274] : memref<1108xf32, #tpu.memory_space<smem>>
    %mul3A_1276 = vector.broadcast %get3A_1275 : f32 to vector<8x128xf32>
    %mul3A_1277 = arith.mulf %broadcast_in_dim3A_105, %mul3A_1276 : vector<8x128xf32>
    %add3A_1278 = arith.addf %add3A_1273, %mul3A_1277 : vector<8x128xf32>
    %get3A_1279 = arith.constant 589 : index
    %get3A_1280 = memref.load %arg3[%get3A_1279] : memref<1108xf32, #tpu.memory_space<smem>>
    %mul3A_1281 = vector.broadcast %get3A_1280 : f32 to vector<8x128xf32>
    %mul3A_1282 = arith.mulf %broadcast_in_dim3A_108, %mul3A_1281 : vector<8x128xf32>
    %add3A_1283 = arith.addf %add3A_1278, %mul3A_1282 : vector<8x128xf32>
    %get3A_1284 = arith.constant 597 : index
    %get3A_1285 = memref.load %arg3[%get3A_1284] : memref<1108xf32, #tpu.memory_space<smem>>
    %mul3A_1286 = vector.broadcast %get3A_1285 : f32 to vector<8x128xf32>
    %mul3A_1287 = arith.mulf %broadcast_in_dim3A_111, %mul3A_1286 : vector<8x128xf32>
    %add3A_1288 = arith.addf %add3A_1283, %mul3A_1287 : vector<8x128xf32>
    %get3A_1289 = arith.constant 605 : index
    %get3A_1290 = memref.load %arg3[%get3A_1289] : memref<1108xf32, #tpu.memory_space<smem>>
    %mul3A_1291 = vector.broadcast %get3A_1290 : f32 to vector<8x128xf32>
    %mul3A_1292 = arith.mulf %broadcast_in_dim3A_114, %mul3A_1291 : vector<8x128xf32>
    %add3A_1293 = arith.addf %add3A_1288, %mul3A_1292 : vector<8x128xf32>
    %get3A_1294 = arith.constant 613 : index
    %get3A_1295 = memref.load %arg3[%get3A_1294] : memref<1108xf32, #tpu.memory_space<smem>>
    %mul3A_1296 = vector.broadcast %get3A_1295 : f32 to vector<8x128xf32>
    %mul3A_1297 = arith.mulf %broadcast_in_dim3A_117, %mul3A_1296 : vector<8x128xf32>
    %add3A_1298 = arith.addf %add3A_1293, %mul3A_1297 : vector<8x128xf32>
    %get3A_1299 = arith.constant 621 : index
    %get3A_1300 = memref.load %arg3[%get3A_1299] : memref<1108xf32, #tpu.memory_space<smem>>
    %mul3A_1301 = vector.broadcast %get3A_1300 : f32 to vector<8x128xf32>
    %mul3A_1302 = arith.mulf %broadcast_in_dim3A_120, %mul3A_1301 : vector<8x128xf32>
    %add3A_1303 = arith.addf %add3A_1298, %mul3A_1302 : vector<8x128xf32>
    %get3A_1304 = arith.constant 629 : index
    %get3A_1305 = memref.load %arg3[%get3A_1304] : memref<1108xf32, #tpu.memory_space<smem>>
    %mul3A_1306 = vector.broadcast %get3A_1305 : f32 to vector<8x128xf32>
    %mul3A_1307 = arith.mulf %broadcast_in_dim3A_123, %mul3A_1306 : vector<8x128xf32>
    %add3A_1308 = arith.addf %add3A_1303, %mul3A_1307 : vector<8x128xf32>
    %get3A_1309 = arith.constant 637 : index
    %get3A_1310 = memref.load %arg3[%get3A_1309] : memref<1108xf32, #tpu.memory_space<smem>>
    %mul3A_1311 = vector.broadcast %get3A_1310 : f32 to vector<8x128xf32>
    %mul3A_1312 = arith.mulf %broadcast_in_dim3A_126, %mul3A_1311 : vector<8x128xf32>
    %add3A_1313 = arith.addf %add3A_1308, %mul3A_1312 : vector<8x128xf32>
    %get3A_1314 = arith.constant 773 : index
    %get3A_1315 = memref.load %arg3[%get3A_1314] : memref<1108xf32, #tpu.memory_space<smem>>
    %add3A_1316 = vector.broadcast %get3A_1315 : f32 to vector<8x128xf32>
    %add3A_1317 = arith.addf %add3A_1313, %add3A_1316 : vector<8x128xf32>
    %get3A_1318 = arith.constant 518 : index
    %get3A_1319 = memref.load %arg3[%get3A_1318] : memref<1108xf32, #tpu.memory_space<smem>>
    %mul3A_1320 = vector.broadcast %get3A_1319 : f32 to vector<8x128xf32>
    %mul3A_1321 = arith.mulf %broadcast_in_dim3A, %mul3A_1320 : vector<8x128xf32>
    %get3A_1322 = arith.constant 526 : index
    %get3A_1323 = memref.load %arg3[%get3A_1322] : memref<1108xf32, #tpu.memory_space<smem>>
    %mul3A_1324 = vector.broadcast %get3A_1323 : f32 to vector<8x128xf32>
    %mul3A_1325 = arith.mulf %broadcast_in_dim3A_84, %mul3A_1324 : vector<8x128xf32>
    %add3A_1326 = arith.addf %mul3A_1321, %mul3A_1325 : vector<8x128xf32>
    %get3A_1327 = arith.constant 534 : index
    %get3A_1328 = memref.load %arg3[%get3A_1327] : memref<1108xf32, #tpu.memory_space<smem>>
    %mul3A_1329 = vector.broadcast %get3A_1328 : f32 to vector<8x128xf32>
    %mul3A_1330 = arith.mulf %broadcast_in_dim3A_87, %mul3A_1329 : vector<8x128xf32>
    %add3A_1331 = arith.addf %add3A_1326, %mul3A_1330 : vector<8x128xf32>
    %get3A_1332 = arith.constant 542 : index
    %get3A_1333 = memref.load %arg3[%get3A_1332] : memref<1108xf32, #tpu.memory_space<smem>>
    %mul3A_1334 = vector.broadcast %get3A_1333 : f32 to vector<8x128xf32>
    %mul3A_1335 = arith.mulf %broadcast_in_dim3A_90, %mul3A_1334 : vector<8x128xf32>
    %add3A_1336 = arith.addf %add3A_1331, %mul3A_1335 : vector<8x128xf32>
    %get3A_1337 = arith.constant 550 : index
    %get3A_1338 = memref.load %arg3[%get3A_1337] : memref<1108xf32, #tpu.memory_space<smem>>
    %mul3A_1339 = vector.broadcast %get3A_1338 : f32 to vector<8x128xf32>
    %mul3A_1340 = arith.mulf %broadcast_in_dim3A_93, %mul3A_1339 : vector<8x128xf32>
    %add3A_1341 = arith.addf %add3A_1336, %mul3A_1340 : vector<8x128xf32>
    %get3A_1342 = arith.constant 558 : index
    %get3A_1343 = memref.load %arg3[%get3A_1342] : memref<1108xf32, #tpu.memory_space<smem>>
    %mul3A_1344 = vector.broadcast %get3A_1343 : f32 to vector<8x128xf32>
    %mul3A_1345 = arith.mulf %broadcast_in_dim3A_96, %mul3A_1344 : vector<8x128xf32>
    %add3A_1346 = arith.addf %add3A_1341, %mul3A_1345 : vector<8x128xf32>
    %get3A_1347 = arith.constant 566 : index
    %get3A_1348 = memref.load %arg3[%get3A_1347] : memref<1108xf32, #tpu.memory_space<smem>>
    %mul3A_1349 = vector.broadcast %get3A_1348 : f32 to vector<8x128xf32>
    %mul3A_1350 = arith.mulf %broadcast_in_dim3A_99, %mul3A_1349 : vector<8x128xf32>
    %add3A_1351 = arith.addf %add3A_1346, %mul3A_1350 : vector<8x128xf32>
    %get3A_1352 = arith.constant 574 : index
    %get3A_1353 = memref.load %arg3[%get3A_1352] : memref<1108xf32, #tpu.memory_space<smem>>
    %mul3A_1354 = vector.broadcast %get3A_1353 : f32 to vector<8x128xf32>
    %mul3A_1355 = arith.mulf %broadcast_in_dim3A_102, %mul3A_1354 : vector<8x128xf32>
    %add3A_1356 = arith.addf %add3A_1351, %mul3A_1355 : vector<8x128xf32>
    %get3A_1357 = arith.constant 582 : index
    %get3A_1358 = memref.load %arg3[%get3A_1357] : memref<1108xf32, #tpu.memory_space<smem>>
    %mul3A_1359 = vector.broadcast %get3A_1358 : f32 to vector<8x128xf32>
    %mul3A_1360 = arith.mulf %broadcast_in_dim3A_105, %mul3A_1359 : vector<8x128xf32>
    %add3A_1361 = arith.addf %add3A_1356, %mul3A_1360 : vector<8x128xf32>
    %get3A_1362 = arith.constant 590 : index
    %get3A_1363 = memref.load %arg3[%get3A_1362] : memref<1108xf32, #tpu.memory_space<smem>>
    %mul3A_1364 = vector.broadcast %get3A_1363 : f32 to vector<8x128xf32>
    %mul3A_1365 = arith.mulf %broadcast_in_dim3A_108, %mul3A_1364 : vector<8x128xf32>
    %add3A_1366 = arith.addf %add3A_1361, %mul3A_1365 : vector<8x128xf32>
    %get3A_1367 = arith.constant 598 : index
    %get3A_1368 = memref.load %arg3[%get3A_1367] : memref<1108xf32, #tpu.memory_space<smem>>
    %mul3A_1369 = vector.broadcast %get3A_1368 : f32 to vector<8x128xf32>
    %mul3A_1370 = arith.mulf %broadcast_in_dim3A_111, %mul3A_1369 : vector<8x128xf32>
    %add3A_1371 = arith.addf %add3A_1366, %mul3A_1370 : vector<8x128xf32>
    %get3A_1372 = arith.constant 606 : index
    %get3A_1373 = memref.load %arg3[%get3A_1372] : memref<1108xf32, #tpu.memory_space<smem>>
    %mul3A_1374 = vector.broadcast %get3A_1373 : f32 to vector<8x128xf32>
    %mul3A_1375 = arith.mulf %broadcast_in_dim3A_114, %mul3A_1374 : vector<8x128xf32>
    %add3A_1376 = arith.addf %add3A_1371, %mul3A_1375 : vector<8x128xf32>
    %get3A_1377 = arith.constant 614 : index
    %get3A_1378 = memref.load %arg3[%get3A_1377] : memref<1108xf32, #tpu.memory_space<smem>>
    %mul3A_1379 = vector.broadcast %get3A_1378 : f32 to vector<8x128xf32>
    %mul3A_1380 = arith.mulf %broadcast_in_dim3A_117, %mul3A_1379 : vector<8x128xf32>
    %add3A_1381 = arith.addf %add3A_1376, %mul3A_1380 : vector<8x128xf32>
    %get3A_1382 = arith.constant 622 : index
    %get3A_1383 = memref.load %arg3[%get3A_1382] : memref<1108xf32, #tpu.memory_space<smem>>
    %mul3A_1384 = vector.broadcast %get3A_1383 : f32 to vector<8x128xf32>
    %mul3A_1385 = arith.mulf %broadcast_in_dim3A_120, %mul3A_1384 : vector<8x128xf32>
    %add3A_1386 = arith.addf %add3A_1381, %mul3A_1385 : vector<8x128xf32>
    %get3A_1387 = arith.constant 630 : index
    %get3A_1388 = memref.load %arg3[%get3A_1387] : memref<1108xf32, #tpu.memory_space<smem>>
    %mul3A_1389 = vector.broadcast %get3A_1388 : f32 to vector<8x128xf32>
    %mul3A_1390 = arith.mulf %broadcast_in_dim3A_123, %mul3A_1389 : vector<8x128xf32>
    %add3A_1391 = arith.addf %add3A_1386, %mul3A_1390 : vector<8x128xf32>
    %get3A_1392 = arith.constant 638 : index
    %get3A_1393 = memref.load %arg3[%get3A_1392] : memref<1108xf32, #tpu.memory_space<smem>>
    %mul3A_1394 = vector.broadcast %get3A_1393 : f32 to vector<8x128xf32>
    %mul3A_1395 = arith.mulf %broadcast_in_dim3A_126, %mul3A_1394 : vector<8x128xf32>
    %add3A_1396 = arith.addf %add3A_1391, %mul3A_1395 : vector<8x128xf32>
    %get3A_1397 = arith.constant 774 : index
    %get3A_1398 = memref.load %arg3[%get3A_1397] : memref<1108xf32, #tpu.memory_space<smem>>
    %add3A_1399 = vector.broadcast %get3A_1398 : f32 to vector<8x128xf32>
    %add3A_1400 = arith.addf %add3A_1396, %add3A_1399 : vector<8x128xf32>
    %get3A_1401 = arith.constant 519 : index
    %get3A_1402 = memref.load %arg3[%get3A_1401] : memref<1108xf32, #tpu.memory_space<smem>>
    %mul3A_1403 = vector.broadcast %get3A_1402 : f32 to vector<8x128xf32>
    %mul3A_1404 = arith.mulf %broadcast_in_dim3A, %mul3A_1403 : vector<8x128xf32>
    %get3A_1405 = arith.constant 527 : index
    %get3A_1406 = memref.load %arg3[%get3A_1405] : memref<1108xf32, #tpu.memory_space<smem>>
    %mul3A_1407 = vector.broadcast %get3A_1406 : f32 to vector<8x128xf32>
    %mul3A_1408 = arith.mulf %broadcast_in_dim3A_84, %mul3A_1407 : vector<8x128xf32>
    %add3A_1409 = arith.addf %mul3A_1404, %mul3A_1408 : vector<8x128xf32>
    %get3A_1410 = arith.constant 535 : index
    %get3A_1411 = memref.load %arg3[%get3A_1410] : memref<1108xf32, #tpu.memory_space<smem>>
    %mul3A_1412 = vector.broadcast %get3A_1411 : f32 to vector<8x128xf32>
    %mul3A_1413 = arith.mulf %broadcast_in_dim3A_87, %mul3A_1412 : vector<8x128xf32>
    %add3A_1414 = arith.addf %add3A_1409, %mul3A_1413 : vector<8x128xf32>
    %get3A_1415 = arith.constant 543 : index
    %get3A_1416 = memref.load %arg3[%get3A_1415] : memref<1108xf32, #tpu.memory_space<smem>>
    %mul3A_1417 = vector.broadcast %get3A_1416 : f32 to vector<8x128xf32>
    %mul3A_1418 = arith.mulf %broadcast_in_dim3A_90, %mul3A_1417 : vector<8x128xf32>
    %add3A_1419 = arith.addf %add3A_1414, %mul3A_1418 : vector<8x128xf32>
    %get3A_1420 = arith.constant 551 : index
    %get3A_1421 = memref.load %arg3[%get3A_1420] : memref<1108xf32, #tpu.memory_space<smem>>
    %mul3A_1422 = vector.broadcast %get3A_1421 : f32 to vector<8x128xf32>
    %mul3A_1423 = arith.mulf %broadcast_in_dim3A_93, %mul3A_1422 : vector<8x128xf32>
    %add3A_1424 = arith.addf %add3A_1419, %mul3A_1423 : vector<8x128xf32>
    %get3A_1425 = arith.constant 559 : index
    %get3A_1426 = memref.load %arg3[%get3A_1425] : memref<1108xf32, #tpu.memory_space<smem>>
    %mul3A_1427 = vector.broadcast %get3A_1426 : f32 to vector<8x128xf32>
    %mul3A_1428 = arith.mulf %broadcast_in_dim3A_96, %mul3A_1427 : vector<8x128xf32>
    %add3A_1429 = arith.addf %add3A_1424, %mul3A_1428 : vector<8x128xf32>
    %get3A_1430 = arith.constant 567 : index
    %get3A_1431 = memref.load %arg3[%get3A_1430] : memref<1108xf32, #tpu.memory_space<smem>>
    %mul3A_1432 = vector.broadcast %get3A_1431 : f32 to vector<8x128xf32>
    %mul3A_1433 = arith.mulf %broadcast_in_dim3A_99, %mul3A_1432 : vector<8x128xf32>
    %add3A_1434 = arith.addf %add3A_1429, %mul3A_1433 : vector<8x128xf32>
    %get3A_1435 = arith.constant 575 : index
    %get3A_1436 = memref.load %arg3[%get3A_1435] : memref<1108xf32, #tpu.memory_space<smem>>
    %mul3A_1437 = vector.broadcast %get3A_1436 : f32 to vector<8x128xf32>
    %mul3A_1438 = arith.mulf %broadcast_in_dim3A_102, %mul3A_1437 : vector<8x128xf32>
    %add3A_1439 = arith.addf %add3A_1434, %mul3A_1438 : vector<8x128xf32>
    %get3A_1440 = arith.constant 583 : index
    %get3A_1441 = memref.load %arg3[%get3A_1440] : memref<1108xf32, #tpu.memory_space<smem>>
    %mul3A_1442 = vector.broadcast %get3A_1441 : f32 to vector<8x128xf32>
    %mul3A_1443 = arith.mulf %broadcast_in_dim3A_105, %mul3A_1442 : vector<8x128xf32>
    %add3A_1444 = arith.addf %add3A_1439, %mul3A_1443 : vector<8x128xf32>
    %get3A_1445 = arith.constant 591 : index
    %get3A_1446 = memref.load %arg3[%get3A_1445] : memref<1108xf32, #tpu.memory_space<smem>>
    %mul3A_1447 = vector.broadcast %get3A_1446 : f32 to vector<8x128xf32>
    %mul3A_1448 = arith.mulf %broadcast_in_dim3A_108, %mul3A_1447 : vector<8x128xf32>
    %add3A_1449 = arith.addf %add3A_1444, %mul3A_1448 : vector<8x128xf32>
    %get3A_1450 = arith.constant 599 : index
    %get3A_1451 = memref.load %arg3[%get3A_1450] : memref<1108xf32, #tpu.memory_space<smem>>
    %mul3A_1452 = vector.broadcast %get3A_1451 : f32 to vector<8x128xf32>
    %mul3A_1453 = arith.mulf %broadcast_in_dim3A_111, %mul3A_1452 : vector<8x128xf32>
    %add3A_1454 = arith.addf %add3A_1449, %mul3A_1453 : vector<8x128xf32>
    %get3A_1455 = arith.constant 607 : index
    %get3A_1456 = memref.load %arg3[%get3A_1455] : memref<1108xf32, #tpu.memory_space<smem>>
    %mul3A_1457 = vector.broadcast %get3A_1456 : f32 to vector<8x128xf32>
    %mul3A_1458 = arith.mulf %broadcast_in_dim3A_114, %mul3A_1457 : vector<8x128xf32>
    %add3A_1459 = arith.addf %add3A_1454, %mul3A_1458 : vector<8x128xf32>
    %get3A_1460 = arith.constant 615 : index
    %get3A_1461 = memref.load %arg3[%get3A_1460] : memref<1108xf32, #tpu.memory_space<smem>>
    %mul3A_1462 = vector.broadcast %get3A_1461 : f32 to vector<8x128xf32>
    %mul3A_1463 = arith.mulf %broadcast_in_dim3A_117, %mul3A_1462 : vector<8x128xf32>
    %add3A_1464 = arith.addf %add3A_1459, %mul3A_1463 : vector<8x128xf32>
    %get3A_1465 = arith.constant 623 : index
    %get3A_1466 = memref.load %arg3[%get3A_1465] : memref<1108xf32, #tpu.memory_space<smem>>
    %mul3A_1467 = vector.broadcast %get3A_1466 : f32 to vector<8x128xf32>
    %mul3A_1468 = arith.mulf %broadcast_in_dim3A_120, %mul3A_1467 : vector<8x128xf32>
    %add3A_1469 = arith.addf %add3A_1464, %mul3A_1468 : vector<8x128xf32>
    %get3A_1470 = arith.constant 631 : index
    %get3A_1471 = memref.load %arg3[%get3A_1470] : memref<1108xf32, #tpu.memory_space<smem>>
    %mul3A_1472 = vector.broadcast %get3A_1471 : f32 to vector<8x128xf32>
    %mul3A_1473 = arith.mulf %broadcast_in_dim3A_123, %mul3A_1472 : vector<8x128xf32>
    %add3A_1474 = arith.addf %add3A_1469, %mul3A_1473 : vector<8x128xf32>
    %get3A_1475 = arith.constant 639 : index
    %get3A_1476 = memref.load %arg3[%get3A_1475] : memref<1108xf32, #tpu.memory_space<smem>>
    %mul3A_1477 = vector.broadcast %get3A_1476 : f32 to vector<8x128xf32>
    %mul3A_1478 = arith.mulf %broadcast_in_dim3A_126, %mul3A_1477 : vector<8x128xf32>
    %add3A_1479 = arith.addf %add3A_1474, %mul3A_1478 : vector<8x128xf32>
    %get3A_1480 = arith.constant 775 : index
    %get3A_1481 = memref.load %arg3[%get3A_1480] : memref<1108xf32, #tpu.memory_space<smem>>
    %add3A_1482 = vector.broadcast %get3A_1481 : f32 to vector<8x128xf32>
    %add3A_1483 = arith.addf %add3A_1479, %add3A_1482 : vector<8x128xf32>
    %get3A_1484 = arith.constant 520 : index
    %get3A_1485 = memref.load %arg3[%get3A_1484] : memref<1108xf32, #tpu.memory_space<smem>>
    %mul3A_1486 = vector.broadcast %get3A_1485 : f32 to vector<8x128xf32>
    %mul3A_1487 = arith.mulf %broadcast_in_dim3A, %mul3A_1486 : vector<8x128xf32>
    %get3A_1488 = arith.constant 528 : index
    %get3A_1489 = memref.load %arg3[%get3A_1488] : memref<1108xf32, #tpu.memory_space<smem>>
    %mul3A_1490 = vector.broadcast %get3A_1489 : f32 to vector<8x128xf32>
    %mul3A_1491 = arith.mulf %broadcast_in_dim3A_84, %mul3A_1490 : vector<8x128xf32>
    %add3A_1492 = arith.addf %mul3A_1487, %mul3A_1491 : vector<8x128xf32>
    %get3A_1493 = arith.constant 536 : index
    %get3A_1494 = memref.load %arg3[%get3A_1493] : memref<1108xf32, #tpu.memory_space<smem>>
    %mul3A_1495 = vector.broadcast %get3A_1494 : f32 to vector<8x128xf32>
    %mul3A_1496 = arith.mulf %broadcast_in_dim3A_87, %mul3A_1495 : vector<8x128xf32>
    %add3A_1497 = arith.addf %add3A_1492, %mul3A_1496 : vector<8x128xf32>
    %get3A_1498 = arith.constant 544 : index
    %get3A_1499 = memref.load %arg3[%get3A_1498] : memref<1108xf32, #tpu.memory_space<smem>>
    %mul3A_1500 = vector.broadcast %get3A_1499 : f32 to vector<8x128xf32>
    %mul3A_1501 = arith.mulf %broadcast_in_dim3A_90, %mul3A_1500 : vector<8x128xf32>
    %add3A_1502 = arith.addf %add3A_1497, %mul3A_1501 : vector<8x128xf32>
    %get3A_1503 = arith.constant 552 : index
    %get3A_1504 = memref.load %arg3[%get3A_1503] : memref<1108xf32, #tpu.memory_space<smem>>
    %mul3A_1505 = vector.broadcast %get3A_1504 : f32 to vector<8x128xf32>
    %mul3A_1506 = arith.mulf %broadcast_in_dim3A_93, %mul3A_1505 : vector<8x128xf32>
    %add3A_1507 = arith.addf %add3A_1502, %mul3A_1506 : vector<8x128xf32>
    %get3A_1508 = arith.constant 560 : index
    %get3A_1509 = memref.load %arg3[%get3A_1508] : memref<1108xf32, #tpu.memory_space<smem>>
    %mul3A_1510 = vector.broadcast %get3A_1509 : f32 to vector<8x128xf32>
    %mul3A_1511 = arith.mulf %broadcast_in_dim3A_96, %mul3A_1510 : vector<8x128xf32>
    %add3A_1512 = arith.addf %add3A_1507, %mul3A_1511 : vector<8x128xf32>
    %get3A_1513 = arith.constant 568 : index
    %get3A_1514 = memref.load %arg3[%get3A_1513] : memref<1108xf32, #tpu.memory_space<smem>>
    %mul3A_1515 = vector.broadcast %get3A_1514 : f32 to vector<8x128xf32>
    %mul3A_1516 = arith.mulf %broadcast_in_dim3A_99, %mul3A_1515 : vector<8x128xf32>
    %add3A_1517 = arith.addf %add3A_1512, %mul3A_1516 : vector<8x128xf32>
    %get3A_1518 = arith.constant 576 : index
    %get3A_1519 = memref.load %arg3[%get3A_1518] : memref<1108xf32, #tpu.memory_space<smem>>
    %mul3A_1520 = vector.broadcast %get3A_1519 : f32 to vector<8x128xf32>
    %mul3A_1521 = arith.mulf %broadcast_in_dim3A_102, %mul3A_1520 : vector<8x128xf32>
    %add3A_1522 = arith.addf %add3A_1517, %mul3A_1521 : vector<8x128xf32>
    %get3A_1523 = arith.constant 584 : index
    %get3A_1524 = memref.load %arg3[%get3A_1523] : memref<1108xf32, #tpu.memory_space<smem>>
    %mul3A_1525 = vector.broadcast %get3A_1524 : f32 to vector<8x128xf32>
    %mul3A_1526 = arith.mulf %broadcast_in_dim3A_105, %mul3A_1525 : vector<8x128xf32>
    %add3A_1527 = arith.addf %add3A_1522, %mul3A_1526 : vector<8x128xf32>
    %get3A_1528 = arith.constant 592 : index
    %get3A_1529 = memref.load %arg3[%get3A_1528] : memref<1108xf32, #tpu.memory_space<smem>>
    %mul3A_1530 = vector.broadcast %get3A_1529 : f32 to vector<8x128xf32>
    %mul3A_1531 = arith.mulf %broadcast_in_dim3A_108, %mul3A_1530 : vector<8x128xf32>
    %add3A_1532 = arith.addf %add3A_1527, %mul3A_1531 : vector<8x128xf32>
    %get3A_1533 = arith.constant 600 : index
    %get3A_1534 = memref.load %arg3[%get3A_1533] : memref<1108xf32, #tpu.memory_space<smem>>
    %mul3A_1535 = vector.broadcast %get3A_1534 : f32 to vector<8x128xf32>
    %mul3A_1536 = arith.mulf %broadcast_in_dim3A_111, %mul3A_1535 : vector<8x128xf32>
    %add3A_1537 = arith.addf %add3A_1532, %mul3A_1536 : vector<8x128xf32>
    %get3A_1538 = arith.constant 608 : index
    %get3A_1539 = memref.load %arg3[%get3A_1538] : memref<1108xf32, #tpu.memory_space<smem>>
    %mul3A_1540 = vector.broadcast %get3A_1539 : f32 to vector<8x128xf32>
    %mul3A_1541 = arith.mulf %broadcast_in_dim3A_114, %mul3A_1540 : vector<8x128xf32>
    %add3A_1542 = arith.addf %add3A_1537, %mul3A_1541 : vector<8x128xf32>
    %get3A_1543 = arith.constant 616 : index
    %get3A_1544 = memref.load %arg3[%get3A_1543] : memref<1108xf32, #tpu.memory_space<smem>>
    %mul3A_1545 = vector.broadcast %get3A_1544 : f32 to vector<8x128xf32>
    %mul3A_1546 = arith.mulf %broadcast_in_dim3A_117, %mul3A_1545 : vector<8x128xf32>
    %add3A_1547 = arith.addf %add3A_1542, %mul3A_1546 : vector<8x128xf32>
    %get3A_1548 = arith.constant 624 : index
    %get3A_1549 = memref.load %arg3[%get3A_1548] : memref<1108xf32, #tpu.memory_space<smem>>
    %mul3A_1550 = vector.broadcast %get3A_1549 : f32 to vector<8x128xf32>
    %mul3A_1551 = arith.mulf %broadcast_in_dim3A_120, %mul3A_1550 : vector<8x128xf32>
    %add3A_1552 = arith.addf %add3A_1547, %mul3A_1551 : vector<8x128xf32>
    %get3A_1553 = arith.constant 632 : index
    %get3A_1554 = memref.load %arg3[%get3A_1553] : memref<1108xf32, #tpu.memory_space<smem>>
    %mul3A_1555 = vector.broadcast %get3A_1554 : f32 to vector<8x128xf32>
    %mul3A_1556 = arith.mulf %broadcast_in_dim3A_123, %mul3A_1555 : vector<8x128xf32>
    %add3A_1557 = arith.addf %add3A_1552, %mul3A_1556 : vector<8x128xf32>
    %get3A_1558 = arith.constant 640 : index
    %get3A_1559 = memref.load %arg3[%get3A_1558] : memref<1108xf32, #tpu.memory_space<smem>>
    %mul3A_1560 = vector.broadcast %get3A_1559 : f32 to vector<8x128xf32>
    %mul3A_1561 = arith.mulf %broadcast_in_dim3A_126, %mul3A_1560 : vector<8x128xf32>
    %add3A_1562 = arith.addf %add3A_1557, %mul3A_1561 : vector<8x128xf32>
    %get3A_1563 = arith.constant 776 : index
    %get3A_1564 = memref.load %arg3[%get3A_1563] : memref<1108xf32, #tpu.memory_space<smem>>
    %add3A_1565 = vector.broadcast %get3A_1564 : f32 to vector<8x128xf32>
    %add3A_1566 = arith.addf %add3A_1562, %add3A_1565 : vector<8x128xf32>
    %get3A_1567 = arith.constant 521 : index
    %get3A_1568 = memref.load %arg3[%get3A_1567] : memref<1108xf32, #tpu.memory_space<smem>>
    %mul3A_1569 = vector.broadcast %get3A_1568 : f32 to vector<8x128xf32>
    %mul3A_1570 = arith.mulf %broadcast_in_dim3A, %mul3A_1569 : vector<8x128xf32>
    %get3A_1571 = arith.constant 529 : index
    %get3A_1572 = memref.load %arg3[%get3A_1571] : memref<1108xf32, #tpu.memory_space<smem>>
    %mul3A_1573 = vector.broadcast %get3A_1572 : f32 to vector<8x128xf32>
    %mul3A_1574 = arith.mulf %broadcast_in_dim3A_84, %mul3A_1573 : vector<8x128xf32>
    %add3A_1575 = arith.addf %mul3A_1570, %mul3A_1574 : vector<8x128xf32>
    %get3A_1576 = arith.constant 537 : index
    %get3A_1577 = memref.load %arg3[%get3A_1576] : memref<1108xf32, #tpu.memory_space<smem>>
    %mul3A_1578 = vector.broadcast %get3A_1577 : f32 to vector<8x128xf32>
    %mul3A_1579 = arith.mulf %broadcast_in_dim3A_87, %mul3A_1578 : vector<8x128xf32>
    %add3A_1580 = arith.addf %add3A_1575, %mul3A_1579 : vector<8x128xf32>
    %get3A_1581 = arith.constant 545 : index
    %get3A_1582 = memref.load %arg3[%get3A_1581] : memref<1108xf32, #tpu.memory_space<smem>>
    %mul3A_1583 = vector.broadcast %get3A_1582 : f32 to vector<8x128xf32>
    %mul3A_1584 = arith.mulf %broadcast_in_dim3A_90, %mul3A_1583 : vector<8x128xf32>
    %add3A_1585 = arith.addf %add3A_1580, %mul3A_1584 : vector<8x128xf32>
    %get3A_1586 = arith.constant 553 : index
    %get3A_1587 = memref.load %arg3[%get3A_1586] : memref<1108xf32, #tpu.memory_space<smem>>
    %mul3A_1588 = vector.broadcast %get3A_1587 : f32 to vector<8x128xf32>
    %mul3A_1589 = arith.mulf %broadcast_in_dim3A_93, %mul3A_1588 : vector<8x128xf32>
    %add3A_1590 = arith.addf %add3A_1585, %mul3A_1589 : vector<8x128xf32>
    %get3A_1591 = arith.constant 561 : index
    %get3A_1592 = memref.load %arg3[%get3A_1591] : memref<1108xf32, #tpu.memory_space<smem>>
    %mul3A_1593 = vector.broadcast %get3A_1592 : f32 to vector<8x128xf32>
    %mul3A_1594 = arith.mulf %broadcast_in_dim3A_96, %mul3A_1593 : vector<8x128xf32>
    %add3A_1595 = arith.addf %add3A_1590, %mul3A_1594 : vector<8x128xf32>
    %get3A_1596 = arith.constant 569 : index
    %get3A_1597 = memref.load %arg3[%get3A_1596] : memref<1108xf32, #tpu.memory_space<smem>>
    %mul3A_1598 = vector.broadcast %get3A_1597 : f32 to vector<8x128xf32>
    %mul3A_1599 = arith.mulf %broadcast_in_dim3A_99, %mul3A_1598 : vector<8x128xf32>
    %add3A_1600 = arith.addf %add3A_1595, %mul3A_1599 : vector<8x128xf32>
    %get3A_1601 = arith.constant 577 : index
    %get3A_1602 = memref.load %arg3[%get3A_1601] : memref<1108xf32, #tpu.memory_space<smem>>
    %mul3A_1603 = vector.broadcast %get3A_1602 : f32 to vector<8x128xf32>
    %mul3A_1604 = arith.mulf %broadcast_in_dim3A_102, %mul3A_1603 : vector<8x128xf32>
    %add3A_1605 = arith.addf %add3A_1600, %mul3A_1604 : vector<8x128xf32>
    %get3A_1606 = arith.constant 585 : index
    %get3A_1607 = memref.load %arg3[%get3A_1606] : memref<1108xf32, #tpu.memory_space<smem>>
    %mul3A_1608 = vector.broadcast %get3A_1607 : f32 to vector<8x128xf32>
    %mul3A_1609 = arith.mulf %broadcast_in_dim3A_105, %mul3A_1608 : vector<8x128xf32>
    %add3A_1610 = arith.addf %add3A_1605, %mul3A_1609 : vector<8x128xf32>
    %get3A_1611 = arith.constant 593 : index
    %get3A_1612 = memref.load %arg3[%get3A_1611] : memref<1108xf32, #tpu.memory_space<smem>>
    %mul3A_1613 = vector.broadcast %get3A_1612 : f32 to vector<8x128xf32>
    %mul3A_1614 = arith.mulf %broadcast_in_dim3A_108, %mul3A_1613 : vector<8x128xf32>
    %add3A_1615 = arith.addf %add3A_1610, %mul3A_1614 : vector<8x128xf32>
    %get3A_1616 = arith.constant 601 : index
    %get3A_1617 = memref.load %arg3[%get3A_1616] : memref<1108xf32, #tpu.memory_space<smem>>
    %mul3A_1618 = vector.broadcast %get3A_1617 : f32 to vector<8x128xf32>
    %mul3A_1619 = arith.mulf %broadcast_in_dim3A_111, %mul3A_1618 : vector<8x128xf32>
    %add3A_1620 = arith.addf %add3A_1615, %mul3A_1619 : vector<8x128xf32>
    %get3A_1621 = arith.constant 609 : index
    %get3A_1622 = memref.load %arg3[%get3A_1621] : memref<1108xf32, #tpu.memory_space<smem>>
    %mul3A_1623 = vector.broadcast %get3A_1622 : f32 to vector<8x128xf32>
    %mul3A_1624 = arith.mulf %broadcast_in_dim3A_114, %mul3A_1623 : vector<8x128xf32>
    %add3A_1625 = arith.addf %add3A_1620, %mul3A_1624 : vector<8x128xf32>
    %get3A_1626 = arith.constant 617 : index
    %get3A_1627 = memref.load %arg3[%get3A_1626] : memref<1108xf32, #tpu.memory_space<smem>>
    %mul3A_1628 = vector.broadcast %get3A_1627 : f32 to vector<8x128xf32>
    %mul3A_1629 = arith.mulf %broadcast_in_dim3A_117, %mul3A_1628 : vector<8x128xf32>
    %add3A_1630 = arith.addf %add3A_1625, %mul3A_1629 : vector<8x128xf32>
    %get3A_1631 = arith.constant 625 : index
    %get3A_1632 = memref.load %arg3[%get3A_1631] : memref<1108xf32, #tpu.memory_space<smem>>
    %mul3A_1633 = vector.broadcast %get3A_1632 : f32 to vector<8x128xf32>
    %mul3A_1634 = arith.mulf %broadcast_in_dim3A_120, %mul3A_1633 : vector<8x128xf32>
    %add3A_1635 = arith.addf %add3A_1630, %mul3A_1634 : vector<8x128xf32>
    %get3A_1636 = arith.constant 633 : index
    %get3A_1637 = memref.load %arg3[%get3A_1636] : memref<1108xf32, #tpu.memory_space<smem>>
    %mul3A_1638 = vector.broadcast %get3A_1637 : f32 to vector<8x128xf32>
    %mul3A_1639 = arith.mulf %broadcast_in_dim3A_123, %mul3A_1638 : vector<8x128xf32>
    %add3A_1640 = arith.addf %add3A_1635, %mul3A_1639 : vector<8x128xf32>
    %get3A_1641 = arith.constant 641 : index
    %get3A_1642 = memref.load %arg3[%get3A_1641] : memref<1108xf32, #tpu.memory_space<smem>>
    %mul3A_1643 = vector.broadcast %get3A_1642 : f32 to vector<8x128xf32>
    %mul3A_1644 = arith.mulf %broadcast_in_dim3A_126, %mul3A_1643 : vector<8x128xf32>
    %add3A_1645 = arith.addf %add3A_1640, %mul3A_1644 : vector<8x128xf32>
    %get3A_1646 = arith.constant 777 : index
    %get3A_1647 = memref.load %arg3[%get3A_1646] : memref<1108xf32, #tpu.memory_space<smem>>
    %add3A_1648 = vector.broadcast %get3A_1647 : f32 to vector<8x128xf32>
    %add3A_1649 = arith.addf %add3A_1645, %add3A_1648 : vector<8x128xf32>
    %get3A_1650 = arith.constant 522 : index
    %get3A_1651 = memref.load %arg3[%get3A_1650] : memref<1108xf32, #tpu.memory_space<smem>>
    %mul3A_1652 = vector.broadcast %get3A_1651 : f32 to vector<8x128xf32>
    %mul3A_1653 = arith.mulf %broadcast_in_dim3A, %mul3A_1652 : vector<8x128xf32>
    %get3A_1654 = arith.constant 530 : index
    %get3A_1655 = memref.load %arg3[%get3A_1654] : memref<1108xf32, #tpu.memory_space<smem>>
    %mul3A_1656 = vector.broadcast %get3A_1655 : f32 to vector<8x128xf32>
    %mul3A_1657 = arith.mulf %broadcast_in_dim3A_84, %mul3A_1656 : vector<8x128xf32>
    %add3A_1658 = arith.addf %mul3A_1653, %mul3A_1657 : vector<8x128xf32>
    %get3A_1659 = arith.constant 538 : index
    %get3A_1660 = memref.load %arg3[%get3A_1659] : memref<1108xf32, #tpu.memory_space<smem>>
    %mul3A_1661 = vector.broadcast %get3A_1660 : f32 to vector<8x128xf32>
    %mul3A_1662 = arith.mulf %broadcast_in_dim3A_87, %mul3A_1661 : vector<8x128xf32>
    %add3A_1663 = arith.addf %add3A_1658, %mul3A_1662 : vector<8x128xf32>
    %get3A_1664 = arith.constant 546 : index
    %get3A_1665 = memref.load %arg3[%get3A_1664] : memref<1108xf32, #tpu.memory_space<smem>>
    %mul3A_1666 = vector.broadcast %get3A_1665 : f32 to vector<8x128xf32>
    %mul3A_1667 = arith.mulf %broadcast_in_dim3A_90, %mul3A_1666 : vector<8x128xf32>
    %add3A_1668 = arith.addf %add3A_1663, %mul3A_1667 : vector<8x128xf32>
    %get3A_1669 = arith.constant 554 : index
    %get3A_1670 = memref.load %arg3[%get3A_1669] : memref<1108xf32, #tpu.memory_space<smem>>
    %mul3A_1671 = vector.broadcast %get3A_1670 : f32 to vector<8x128xf32>
    %mul3A_1672 = arith.mulf %broadcast_in_dim3A_93, %mul3A_1671 : vector<8x128xf32>
    %add3A_1673 = arith.addf %add3A_1668, %mul3A_1672 : vector<8x128xf32>
    %get3A_1674 = arith.constant 562 : index
    %get3A_1675 = memref.load %arg3[%get3A_1674] : memref<1108xf32, #tpu.memory_space<smem>>
    %mul3A_1676 = vector.broadcast %get3A_1675 : f32 to vector<8x128xf32>
    %mul3A_1677 = arith.mulf %broadcast_in_dim3A_96, %mul3A_1676 : vector<8x128xf32>
    %add3A_1678 = arith.addf %add3A_1673, %mul3A_1677 : vector<8x128xf32>
    %get3A_1679 = arith.constant 570 : index
    %get3A_1680 = memref.load %arg3[%get3A_1679] : memref<1108xf32, #tpu.memory_space<smem>>
    %mul3A_1681 = vector.broadcast %get3A_1680 : f32 to vector<8x128xf32>
    %mul3A_1682 = arith.mulf %broadcast_in_dim3A_99, %mul3A_1681 : vector<8x128xf32>
    %add3A_1683 = arith.addf %add3A_1678, %mul3A_1682 : vector<8x128xf32>
    %get3A_1684 = arith.constant 578 : index
    %get3A_1685 = memref.load %arg3[%get3A_1684] : memref<1108xf32, #tpu.memory_space<smem>>
    %mul3A_1686 = vector.broadcast %get3A_1685 : f32 to vector<8x128xf32>
    %mul3A_1687 = arith.mulf %broadcast_in_dim3A_102, %mul3A_1686 : vector<8x128xf32>
    %add3A_1688 = arith.addf %add3A_1683, %mul3A_1687 : vector<8x128xf32>
    %get3A_1689 = arith.constant 586 : index
    %get3A_1690 = memref.load %arg3[%get3A_1689] : memref<1108xf32, #tpu.memory_space<smem>>
    %mul3A_1691 = vector.broadcast %get3A_1690 : f32 to vector<8x128xf32>
    %mul3A_1692 = arith.mulf %broadcast_in_dim3A_105, %mul3A_1691 : vector<8x128xf32>
    %add3A_1693 = arith.addf %add3A_1688, %mul3A_1692 : vector<8x128xf32>
    %get3A_1694 = arith.constant 594 : index
    %get3A_1695 = memref.load %arg3[%get3A_1694] : memref<1108xf32, #tpu.memory_space<smem>>
    %mul3A_1696 = vector.broadcast %get3A_1695 : f32 to vector<8x128xf32>
    %mul3A_1697 = arith.mulf %broadcast_in_dim3A_108, %mul3A_1696 : vector<8x128xf32>
    %add3A_1698 = arith.addf %add3A_1693, %mul3A_1697 : vector<8x128xf32>
    %get3A_1699 = arith.constant 602 : index
    %get3A_1700 = memref.load %arg3[%get3A_1699] : memref<1108xf32, #tpu.memory_space<smem>>
    %mul3A_1701 = vector.broadcast %get3A_1700 : f32 to vector<8x128xf32>
    %mul3A_1702 = arith.mulf %broadcast_in_dim3A_111, %mul3A_1701 : vector<8x128xf32>
    %add3A_1703 = arith.addf %add3A_1698, %mul3A_1702 : vector<8x128xf32>
    %get3A_1704 = arith.constant 610 : index
    %get3A_1705 = memref.load %arg3[%get3A_1704] : memref<1108xf32, #tpu.memory_space<smem>>
    %mul3A_1706 = vector.broadcast %get3A_1705 : f32 to vector<8x128xf32>
    %mul3A_1707 = arith.mulf %broadcast_in_dim3A_114, %mul3A_1706 : vector<8x128xf32>
    %add3A_1708 = arith.addf %add3A_1703, %mul3A_1707 : vector<8x128xf32>
    %get3A_1709 = arith.constant 618 : index
    %get3A_1710 = memref.load %arg3[%get3A_1709] : memref<1108xf32, #tpu.memory_space<smem>>
    %mul3A_1711 = vector.broadcast %get3A_1710 : f32 to vector<8x128xf32>
    %mul3A_1712 = arith.mulf %broadcast_in_dim3A_117, %mul3A_1711 : vector<8x128xf32>
    %add3A_1713 = arith.addf %add3A_1708, %mul3A_1712 : vector<8x128xf32>
    %get3A_1714 = arith.constant 626 : index
    %get3A_1715 = memref.load %arg3[%get3A_1714] : memref<1108xf32, #tpu.memory_space<smem>>
    %mul3A_1716 = vector.broadcast %get3A_1715 : f32 to vector<8x128xf32>
    %mul3A_1717 = arith.mulf %broadcast_in_dim3A_120, %mul3A_1716 : vector<8x128xf32>
    %add3A_1718 = arith.addf %add3A_1713, %mul3A_1717 : vector<8x128xf32>
    %get3A_1719 = arith.constant 634 : index
    %get3A_1720 = memref.load %arg3[%get3A_1719] : memref<1108xf32, #tpu.memory_space<smem>>
    %mul3A_1721 = vector.broadcast %get3A_1720 : f32 to vector<8x128xf32>
    %mul3A_1722 = arith.mulf %broadcast_in_dim3A_123, %mul3A_1721 : vector<8x128xf32>
    %add3A_1723 = arith.addf %add3A_1718, %mul3A_1722 : vector<8x128xf32>
    %get3A_1724 = arith.constant 642 : index
    %get3A_1725 = memref.load %arg3[%get3A_1724] : memref<1108xf32, #tpu.memory_space<smem>>
    %mul3A_1726 = vector.broadcast %get3A_1725 : f32 to vector<8x128xf32>
    %mul3A_1727 = arith.mulf %broadcast_in_dim3A_126, %mul3A_1726 : vector<8x128xf32>
    %add3A_1728 = arith.addf %add3A_1723, %mul3A_1727 : vector<8x128xf32>
    %get3A_1729 = arith.constant 778 : index
    %get3A_1730 = memref.load %arg3[%get3A_1729] : memref<1108xf32, #tpu.memory_space<smem>>
    %add3A_1731 = vector.broadcast %get3A_1730 : f32 to vector<8x128xf32>
    %add3A_1732 = arith.addf %add3A_1728, %add3A_1731 : vector<8x128xf32>
    %get3A_1733 = arith.constant 523 : index
    %get3A_1734 = memref.load %arg3[%get3A_1733] : memref<1108xf32, #tpu.memory_space<smem>>
    %mul3A_1735 = vector.broadcast %get3A_1734 : f32 to vector<8x128xf32>
    %mul3A_1736 = arith.mulf %broadcast_in_dim3A, %mul3A_1735 : vector<8x128xf32>
    %get3A_1737 = arith.constant 531 : index
    %get3A_1738 = memref.load %arg3[%get3A_1737] : memref<1108xf32, #tpu.memory_space<smem>>
    %mul3A_1739 = vector.broadcast %get3A_1738 : f32 to vector<8x128xf32>
    %mul3A_1740 = arith.mulf %broadcast_in_dim3A_84, %mul3A_1739 : vector<8x128xf32>
    %add3A_1741 = arith.addf %mul3A_1736, %mul3A_1740 : vector<8x128xf32>
    %get3A_1742 = arith.constant 539 : index
    %get3A_1743 = memref.load %arg3[%get3A_1742] : memref<1108xf32, #tpu.memory_space<smem>>
    %mul3A_1744 = vector.broadcast %get3A_1743 : f32 to vector<8x128xf32>
    %mul3A_1745 = arith.mulf %broadcast_in_dim3A_87, %mul3A_1744 : vector<8x128xf32>
    %add3A_1746 = arith.addf %add3A_1741, %mul3A_1745 : vector<8x128xf32>
    %get3A_1747 = arith.constant 547 : index
    %get3A_1748 = memref.load %arg3[%get3A_1747] : memref<1108xf32, #tpu.memory_space<smem>>
    %mul3A_1749 = vector.broadcast %get3A_1748 : f32 to vector<8x128xf32>
    %mul3A_1750 = arith.mulf %broadcast_in_dim3A_90, %mul3A_1749 : vector<8x128xf32>
    %add3A_1751 = arith.addf %add3A_1746, %mul3A_1750 : vector<8x128xf32>
    %get3A_1752 = arith.constant 555 : index
    %get3A_1753 = memref.load %arg3[%get3A_1752] : memref<1108xf32, #tpu.memory_space<smem>>
    %mul3A_1754 = vector.broadcast %get3A_1753 : f32 to vector<8x128xf32>
    %mul3A_1755 = arith.mulf %broadcast_in_dim3A_93, %mul3A_1754 : vector<8x128xf32>
    %add3A_1756 = arith.addf %add3A_1751, %mul3A_1755 : vector<8x128xf32>
    %get3A_1757 = arith.constant 563 : index
    %get3A_1758 = memref.load %arg3[%get3A_1757] : memref<1108xf32, #tpu.memory_space<smem>>
    %mul3A_1759 = vector.broadcast %get3A_1758 : f32 to vector<8x128xf32>
    %mul3A_1760 = arith.mulf %broadcast_in_dim3A_96, %mul3A_1759 : vector<8x128xf32>
    %add3A_1761 = arith.addf %add3A_1756, %mul3A_1760 : vector<8x128xf32>
    %get3A_1762 = arith.constant 571 : index
    %get3A_1763 = memref.load %arg3[%get3A_1762] : memref<1108xf32, #tpu.memory_space<smem>>
    %mul3A_1764 = vector.broadcast %get3A_1763 : f32 to vector<8x128xf32>
    %mul3A_1765 = arith.mulf %broadcast_in_dim3A_99, %mul3A_1764 : vector<8x128xf32>
    %add3A_1766 = arith.addf %add3A_1761, %mul3A_1765 : vector<8x128xf32>
    %get3A_1767 = arith.constant 579 : index
    %get3A_1768 = memref.load %arg3[%get3A_1767] : memref<1108xf32, #tpu.memory_space<smem>>
    %mul3A_1769 = vector.broadcast %get3A_1768 : f32 to vector<8x128xf32>
    %mul3A_1770 = arith.mulf %broadcast_in_dim3A_102, %mul3A_1769 : vector<8x128xf32>
    %add3A_1771 = arith.addf %add3A_1766, %mul3A_1770 : vector<8x128xf32>
    %get3A_1772 = arith.constant 587 : index
    %get3A_1773 = memref.load %arg3[%get3A_1772] : memref<1108xf32, #tpu.memory_space<smem>>
    %mul3A_1774 = vector.broadcast %get3A_1773 : f32 to vector<8x128xf32>
    %mul3A_1775 = arith.mulf %broadcast_in_dim3A_105, %mul3A_1774 : vector<8x128xf32>
    %add3A_1776 = arith.addf %add3A_1771, %mul3A_1775 : vector<8x128xf32>
    %get3A_1777 = arith.constant 595 : index
    %get3A_1778 = memref.load %arg3[%get3A_1777] : memref<1108xf32, #tpu.memory_space<smem>>
    %mul3A_1779 = vector.broadcast %get3A_1778 : f32 to vector<8x128xf32>
    %mul3A_1780 = arith.mulf %broadcast_in_dim3A_108, %mul3A_1779 : vector<8x128xf32>
    %add3A_1781 = arith.addf %add3A_1776, %mul3A_1780 : vector<8x128xf32>
    %get3A_1782 = arith.constant 603 : index
    %get3A_1783 = memref.load %arg3[%get3A_1782] : memref<1108xf32, #tpu.memory_space<smem>>
    %mul3A_1784 = vector.broadcast %get3A_1783 : f32 to vector<8x128xf32>
    %mul3A_1785 = arith.mulf %broadcast_in_dim3A_111, %mul3A_1784 : vector<8x128xf32>
    %add3A_1786 = arith.addf %add3A_1781, %mul3A_1785 : vector<8x128xf32>
    %get3A_1787 = arith.constant 611 : index
    %get3A_1788 = memref.load %arg3[%get3A_1787] : memref<1108xf32, #tpu.memory_space<smem>>
    %mul3A_1789 = vector.broadcast %get3A_1788 : f32 to vector<8x128xf32>
    %mul3A_1790 = arith.mulf %broadcast_in_dim3A_114, %mul3A_1789 : vector<8x128xf32>
    %add3A_1791 = arith.addf %add3A_1786, %mul3A_1790 : vector<8x128xf32>
    %get3A_1792 = arith.constant 619 : index
    %get3A_1793 = memref.load %arg3[%get3A_1792] : memref<1108xf32, #tpu.memory_space<smem>>
    %mul3A_1794 = vector.broadcast %get3A_1793 : f32 to vector<8x128xf32>
    %mul3A_1795 = arith.mulf %broadcast_in_dim3A_117, %mul3A_1794 : vector<8x128xf32>
    %add3A_1796 = arith.addf %add3A_1791, %mul3A_1795 : vector<8x128xf32>
    %get3A_1797 = arith.constant 627 : index
    %get3A_1798 = memref.load %arg3[%get3A_1797] : memref<1108xf32, #tpu.memory_space<smem>>
    %mul3A_1799 = vector.broadcast %get3A_1798 : f32 to vector<8x128xf32>
    %mul3A_1800 = arith.mulf %broadcast_in_dim3A_120, %mul3A_1799 : vector<8x128xf32>
    %add3A_1801 = arith.addf %add3A_1796, %mul3A_1800 : vector<8x128xf32>
    %get3A_1802 = arith.constant 635 : index
    %get3A_1803 = memref.load %arg3[%get3A_1802] : memref<1108xf32, #tpu.memory_space<smem>>
    %mul3A_1804 = vector.broadcast %get3A_1803 : f32 to vector<8x128xf32>
    %mul3A_1805 = arith.mulf %broadcast_in_dim3A_123, %mul3A_1804 : vector<8x128xf32>
    %add3A_1806 = arith.addf %add3A_1801, %mul3A_1805 : vector<8x128xf32>
    %get3A_1807 = arith.constant 643 : index
    %get3A_1808 = memref.load %arg3[%get3A_1807] : memref<1108xf32, #tpu.memory_space<smem>>
    %mul3A_1809 = vector.broadcast %get3A_1808 : f32 to vector<8x128xf32>
    %mul3A_1810 = arith.mulf %broadcast_in_dim3A_126, %mul3A_1809 : vector<8x128xf32>
    %add3A_1811 = arith.addf %add3A_1806, %mul3A_1810 : vector<8x128xf32>
    %get3A_1812 = arith.constant 779 : index
    %get3A_1813 = memref.load %arg3[%get3A_1812] : memref<1108xf32, #tpu.memory_space<smem>>
    %add3A_1814 = vector.broadcast %get3A_1813 : f32 to vector<8x128xf32>
    %add3A_1815 = arith.addf %add3A_1811, %add3A_1814 : vector<8x128xf32>
    %broadcast_in_dim3A_1816 = vector.shape_cast %eq3A_47 : vector<64x128xi1> to vector<1x64x128xi1>
    %broadcast_in_dim3A_1817 = vector.shape_cast %eq3A_46 : vector<64x128xi1> to vector<1x64x128xi1>
    %broadcast_in_dim3A_1818 = vector.shape_cast %broadcast_in_dim3A_1817 : vector<1x64x128xi1> to vector<1x64x128xi1>
    %broadcast_in_dim3A_1819 = vector.broadcast %broadcast_in_dim3A_1818 : vector<1x64x128xi1> to vector<8x64x128xi1>
    %select_n3A_1820 = arith.select %broadcast_in_dim3A_1819, %log3A_350, %log3A_864 : vector<8x64x128xi1>, vector<8x64x128xf32>
    %jit3A_1821 = arith.constant 0.000000e+00 : f32
    %broadcast_in_dim3A_1822 = vector.shape_cast %broadcast_in_dim3A_1816 : vector<1x64x128xi1> to vector<1x64x128xi1>
    %broadcast_in_dim3A_1823 = vector.broadcast %broadcast_in_dim3A_1822 : vector<1x64x128xi1> to vector<8x64x128xi1>
    %broadcast_in_dim3A_1824 = vector.broadcast %jit3A_1821 : f32 to vector<8x64x128xf32>
    %select_n3A_1825 = arith.select %broadcast_in_dim3A_1823, %broadcast_in_dim3A_1824, %select_n3A_1820 : vector<8x64x128xi1>, vector<8x64x128xf32>
    %broadcast_in_dim3A_1826 = vector.shape_cast %add3A_1234 : vector<8x128xf32> to vector<8x1x128xf32>
    %mul3A_1827 = vector.broadcast %broadcast_in_dim3A_1826 : vector<8x1x128xf32> to vector<8x64x128xf32>
    %mul3A_1828 = arith.mulf %select_n3A_1825, %mul3A_1827 : vector<8x64x128xf32>
    %slice3A = vector.extract_strided_slice %mul3A_1828 {offsets = [0, 0, 0], sizes = [8, 64, 64], strides = [1, 1, 1]} : vector<8x64x128xf32> to vector<8x64x64xf32>
    %reduce_sum3A = arith.constant dense<0.000000e+00> : vector<8x64xf32>
    %reduce_sum3A_1829 = vector.multi_reduction <add>, %slice3A, %reduce_sum3A [2] : vector<8x64x64xf32> to vector<8x64xf32>
    %slice3A_1830 = vector.extract_strided_slice %mul3A_1828 {offsets = [0, 0, 64], sizes = [8, 64, 64], strides = [1, 1, 1]} : vector<8x64x128xf32> to vector<8x64x64xf32>
    %reduce_sum3A_1831 = arith.constant dense<0.000000e+00> : vector<8x64xf32>
    %reduce_sum3A_1832 = vector.multi_reduction <add>, %slice3A_1830, %reduce_sum3A_1831 [2] : vector<8x64x64xf32> to vector<8x64xf32>
    %concatenate3A = tpu.concatenate %reduce_sum3A_1829, %reduce_sum3A_1832 in 1 : vector<8x64xf32>, vector<8x64xf32> -> vector<8x128xf32>
    %get3A_1833 = arith.constant 0 : index
    %get3A_1834 = arith.constant 0 : index
    %get3A_1835 = arith.constant 0 : index
    %get3A_1836 = arith.constant 0 : index
    %get3A_1837 = vector.load %arg2[%get3A_1833, %get3A_1834, %get3A_1835, %get3A_1836] : memref<2x8x8x128xf32, #tpu.memory_space<vmem>>, vector<1x1x8x128xf32>
    %get3A_1838 = vector.shape_cast %get3A_1837 : vector<1x1x8x128xf32> to vector<8x128xf32>
    %add3A_1839 = arith.addf %concatenate3A, %get3A_1838 : vector<8x128xf32>
    %broadcast_in_dim3A_1840 = vector.shape_cast %eq3A_47 : vector<64x128xi1> to vector<1x64x128xi1>
    %broadcast_in_dim3A_1841 = vector.shape_cast %eq3A_46 : vector<64x128xi1> to vector<1x64x128xi1>
    %broadcast_in_dim3A_1842 = vector.shape_cast %broadcast_in_dim3A_1841 : vector<1x64x128xi1> to vector<1x64x128xi1>
    %broadcast_in_dim3A_1843 = vector.broadcast %broadcast_in_dim3A_1842 : vector<1x64x128xi1> to vector<8x64x128xi1>
    %select_n3A_1844 = arith.select %broadcast_in_dim3A_1843, %log3A_391, %log3A_905 : vector<8x64x128xi1>, vector<8x64x128xf32>
    %jit3A_1845 = arith.constant 0.000000e+00 : f32
    %broadcast_in_dim3A_1846 = vector.shape_cast %broadcast_in_dim3A_1840 : vector<1x64x128xi1> to vector<1x64x128xi1>
    %broadcast_in_dim3A_1847 = vector.broadcast %broadcast_in_dim3A_1846 : vector<1x64x128xi1> to vector<8x64x128xi1>
    %broadcast_in_dim3A_1848 = vector.broadcast %jit3A_1845 : f32 to vector<8x64x128xf32>
    %select_n3A_1849 = arith.select %broadcast_in_dim3A_1847, %broadcast_in_dim3A_1848, %select_n3A_1844 : vector<8x64x128xi1>, vector<8x64x128xf32>
    %broadcast_in_dim3A_1850 = vector.shape_cast %add3A_1317 : vector<8x128xf32> to vector<8x1x128xf32>
    %mul3A_1851 = vector.broadcast %broadcast_in_dim3A_1850 : vector<8x1x128xf32> to vector<8x64x128xf32>
    %mul3A_1852 = arith.mulf %select_n3A_1849, %mul3A_1851 : vector<8x64x128xf32>
    %slice3A_1853 = vector.extract_strided_slice %mul3A_1852 {offsets = [0, 0, 0], sizes = [8, 64, 64], strides = [1, 1, 1]} : vector<8x64x128xf32> to vector<8x64x64xf32>
    %reduce_sum3A_1854 = arith.constant dense<0.000000e+00> : vector<8x64xf32>
    %reduce_sum3A_1855 = vector.multi_reduction <add>, %slice3A_1853, %reduce_sum3A_1854 [2] : vector<8x64x64xf32> to vector<8x64xf32>
    %slice3A_1856 = vector.extract_strided_slice %mul3A_1852 {offsets = [0, 0, 64], sizes = [8, 64, 64], strides = [1, 1, 1]} : vector<8x64x128xf32> to vector<8x64x64xf32>
    %reduce_sum3A_1857 = arith.constant dense<0.000000e+00> : vector<8x64xf32>
    %reduce_sum3A_1858 = vector.multi_reduction <add>, %slice3A_1856, %reduce_sum3A_1857 [2] : vector<8x64x64xf32> to vector<8x64xf32>
    %concatenate3A_1859 = tpu.concatenate %reduce_sum3A_1855, %reduce_sum3A_1858 in 1 : vector<8x64xf32>, vector<8x64xf32> -> vector<8x128xf32>
    %get3A_1860 = arith.constant 0 : index
    %get3A_1861 = arith.constant 1 : index
    %get3A_1862 = arith.constant 0 : index
    %get3A_1863 = arith.constant 0 : index
    %get3A_1864 = vector.load %arg2[%get3A_1860, %get3A_1861, %get3A_1862, %get3A_1863] : memref<2x8x8x128xf32, #tpu.memory_space<vmem>>, vector<1x1x8x128xf32>
    %get3A_1865 = vector.shape_cast %get3A_1864 : vector<1x1x8x128xf32> to vector<8x128xf32>
    %add3A_1866 = arith.addf %concatenate3A_1859, %get3A_1865 : vector<8x128xf32>
    %broadcast_in_dim3A_1867 = vector.shape_cast %eq3A_47 : vector<64x128xi1> to vector<1x64x128xi1>
    %broadcast_in_dim3A_1868 = vector.shape_cast %eq3A_46 : vector<64x128xi1> to vector<1x64x128xi1>
    %broadcast_in_dim3A_1869 = vector.shape_cast %broadcast_in_dim3A_1868 : vector<1x64x128xi1> to vector<1x64x128xi1>
    %broadcast_in_dim3A_1870 = vector.broadcast %broadcast_in_dim3A_1869 : vector<1x64x128xi1> to vector<8x64x128xi1>
    %select_n3A_1871 = arith.select %broadcast_in_dim3A_1870, %log3A_432, %log3A_946 : vector<8x64x128xi1>, vector<8x64x128xf32>
    %jit3A_1872 = arith.constant 0.000000e+00 : f32
    %broadcast_in_dim3A_1873 = vector.shape_cast %broadcast_in_dim3A_1867 : vector<1x64x128xi1> to vector<1x64x128xi1>
    %broadcast_in_dim3A_1874 = vector.broadcast %broadcast_in_dim3A_1873 : vector<1x64x128xi1> to vector<8x64x128xi1>
    %broadcast_in_dim3A_1875 = vector.broadcast %jit3A_1872 : f32 to vector<8x64x128xf32>
    %select_n3A_1876 = arith.select %broadcast_in_dim3A_1874, %broadcast_in_dim3A_1875, %select_n3A_1871 : vector<8x64x128xi1>, vector<8x64x128xf32>
    %broadcast_in_dim3A_1877 = vector.shape_cast %add3A_1400 : vector<8x128xf32> to vector<8x1x128xf32>
    %mul3A_1878 = vector.broadcast %broadcast_in_dim3A_1877 : vector<8x1x128xf32> to vector<8x64x128xf32>
    %mul3A_1879 = arith.mulf %select_n3A_1876, %mul3A_1878 : vector<8x64x128xf32>
    %slice3A_1880 = vector.extract_strided_slice %mul3A_1879 {offsets = [0, 0, 0], sizes = [8, 64, 64], strides = [1, 1, 1]} : vector<8x64x128xf32> to vector<8x64x64xf32>
    %reduce_sum3A_1881 = arith.constant dense<0.000000e+00> : vector<8x64xf32>
    %reduce_sum3A_1882 = vector.multi_reduction <add>, %slice3A_1880, %reduce_sum3A_1881 [2] : vector<8x64x64xf32> to vector<8x64xf32>
    %slice3A_1883 = vector.extract_strided_slice %mul3A_1879 {offsets = [0, 0, 64], sizes = [8, 64, 64], strides = [1, 1, 1]} : vector<8x64x128xf32> to vector<8x64x64xf32>
    %reduce_sum3A_1884 = arith.constant dense<0.000000e+00> : vector<8x64xf32>
    %reduce_sum3A_1885 = vector.multi_reduction <add>, %slice3A_1883, %reduce_sum3A_1884 [2] : vector<8x64x64xf32> to vector<8x64xf32>
    %concatenate3A_1886 = tpu.concatenate %reduce_sum3A_1882, %reduce_sum3A_1885 in 1 : vector<8x64xf32>, vector<8x64xf32> -> vector<8x128xf32>
    %get3A_1887 = arith.constant 0 : index
    %get3A_1888 = arith.constant 2 : index
    %get3A_1889 = arith.constant 0 : index
    %get3A_1890 = arith.constant 0 : index
    %get3A_1891 = vector.load %arg2[%get3A_1887, %get3A_1888, %get3A_1889, %get3A_1890] : memref<2x8x8x128xf32, #tpu.memory_space<vmem>>, vector<1x1x8x128xf32>
    %get3A_1892 = vector.shape_cast %get3A_1891 : vector<1x1x8x128xf32> to vector<8x128xf32>
    %add3A_1893 = arith.addf %concatenate3A_1886, %get3A_1892 : vector<8x128xf32>
    %broadcast_in_dim3A_1894 = vector.shape_cast %eq3A_47 : vector<64x128xi1> to vector<1x64x128xi1>
    %broadcast_in_dim3A_1895 = vector.shape_cast %eq3A_46 : vector<64x128xi1> to vector<1x64x128xi1>
    %broadcast_in_dim3A_1896 = vector.shape_cast %broadcast_in_dim3A_1895 : vector<1x64x128xi1> to vector<1x64x128xi1>
    %broadcast_in_dim3A_1897 = vector.broadcast %broadcast_in_dim3A_1896 : vector<1x64x128xi1> to vector<8x64x128xi1>
    %select_n3A_1898 = arith.select %broadcast_in_dim3A_1897, %log3A_473, %log3A_987 : vector<8x64x128xi1>, vector<8x64x128xf32>
    %jit3A_1899 = arith.constant 0.000000e+00 : f32
    %broadcast_in_dim3A_1900 = vector.shape_cast %broadcast_in_dim3A_1894 : vector<1x64x128xi1> to vector<1x64x128xi1>
    %broadcast_in_dim3A_1901 = vector.broadcast %broadcast_in_dim3A_1900 : vector<1x64x128xi1> to vector<8x64x128xi1>
    %broadcast_in_dim3A_1902 = vector.broadcast %jit3A_1899 : f32 to vector<8x64x128xf32>
    %select_n3A_1903 = arith.select %broadcast_in_dim3A_1901, %broadcast_in_dim3A_1902, %select_n3A_1898 : vector<8x64x128xi1>, vector<8x64x128xf32>
    %broadcast_in_dim3A_1904 = vector.shape_cast %add3A_1483 : vector<8x128xf32> to vector<8x1x128xf32>
    %mul3A_1905 = vector.broadcast %broadcast_in_dim3A_1904 : vector<8x1x128xf32> to vector<8x64x128xf32>
    %mul3A_1906 = arith.mulf %select_n3A_1903, %mul3A_1905 : vector<8x64x128xf32>
    %slice3A_1907 = vector.extract_strided_slice %mul3A_1906 {offsets = [0, 0, 0], sizes = [8, 64, 64], strides = [1, 1, 1]} : vector<8x64x128xf32> to vector<8x64x64xf32>
    %reduce_sum3A_1908 = arith.constant dense<0.000000e+00> : vector<8x64xf32>
    %reduce_sum3A_1909 = vector.multi_reduction <add>, %slice3A_1907, %reduce_sum3A_1908 [2] : vector<8x64x64xf32> to vector<8x64xf32>
    %slice3A_1910 = vector.extract_strided_slice %mul3A_1906 {offsets = [0, 0, 64], sizes = [8, 64, 64], strides = [1, 1, 1]} : vector<8x64x128xf32> to vector<8x64x64xf32>
    %reduce_sum3A_1911 = arith.constant dense<0.000000e+00> : vector<8x64xf32>
    %reduce_sum3A_1912 = vector.multi_reduction <add>, %slice3A_1910, %reduce_sum3A_1911 [2] : vector<8x64x64xf32> to vector<8x64xf32>
    %concatenate3A_1913 = tpu.concatenate %reduce_sum3A_1909, %reduce_sum3A_1912 in 1 : vector<8x64xf32>, vector<8x64xf32> -> vector<8x128xf32>
    %get3A_1914 = arith.constant 0 : index
    %get3A_1915 = arith.constant 3 : index
    %get3A_1916 = arith.constant 0 : index
    %get3A_1917 = arith.constant 0 : index
    %get3A_1918 = vector.load %arg2[%get3A_1914, %get3A_1915, %get3A_1916, %get3A_1917] : memref<2x8x8x128xf32, #tpu.memory_space<vmem>>, vector<1x1x8x128xf32>
    %get3A_1919 = vector.shape_cast %get3A_1918 : vector<1x1x8x128xf32> to vector<8x128xf32>
    %add3A_1920 = arith.addf %concatenate3A_1913, %get3A_1919 : vector<8x128xf32>
    %broadcast_in_dim3A_1921 = vector.shape_cast %eq3A_47 : vector<64x128xi1> to vector<1x64x128xi1>
    %broadcast_in_dim3A_1922 = vector.shape_cast %eq3A_46 : vector<64x128xi1> to vector<1x64x128xi1>
    %broadcast_in_dim3A_1923 = vector.shape_cast %broadcast_in_dim3A_1922 : vector<1x64x128xi1> to vector<1x64x128xi1>
    %broadcast_in_dim3A_1924 = vector.broadcast %broadcast_in_dim3A_1923 : vector<1x64x128xi1> to vector<8x64x128xi1>
    %select_n3A_1925 = arith.select %broadcast_in_dim3A_1924, %log3A_514, %log3A_1028 : vector<8x64x128xi1>, vector<8x64x128xf32>
    %jit3A_1926 = arith.constant 0.000000e+00 : f32
    %broadcast_in_dim3A_1927 = vector.shape_cast %broadcast_in_dim3A_1921 : vector<1x64x128xi1> to vector<1x64x128xi1>
    %broadcast_in_dim3A_1928 = vector.broadcast %broadcast_in_dim3A_1927 : vector<1x64x128xi1> to vector<8x64x128xi1>
    %broadcast_in_dim3A_1929 = vector.broadcast %jit3A_1926 : f32 to vector<8x64x128xf32>
    %select_n3A_1930 = arith.select %broadcast_in_dim3A_1928, %broadcast_in_dim3A_1929, %select_n3A_1925 : vector<8x64x128xi1>, vector<8x64x128xf32>
    %broadcast_in_dim3A_1931 = vector.shape_cast %add3A_1566 : vector<8x128xf32> to vector<8x1x128xf32>
    %mul3A_1932 = vector.broadcast %broadcast_in_dim3A_1931 : vector<8x1x128xf32> to vector<8x64x128xf32>
    %mul3A_1933 = arith.mulf %select_n3A_1930, %mul3A_1932 : vector<8x64x128xf32>
    %slice3A_1934 = vector.extract_strided_slice %mul3A_1933 {offsets = [0, 0, 0], sizes = [8, 64, 64], strides = [1, 1, 1]} : vector<8x64x128xf32> to vector<8x64x64xf32>
    %reduce_sum3A_1935 = arith.constant dense<0.000000e+00> : vector<8x64xf32>
    %reduce_sum3A_1936 = vector.multi_reduction <add>, %slice3A_1934, %reduce_sum3A_1935 [2] : vector<8x64x64xf32> to vector<8x64xf32>
    %slice3A_1937 = vector.extract_strided_slice %mul3A_1933 {offsets = [0, 0, 64], sizes = [8, 64, 64], strides = [1, 1, 1]} : vector<8x64x128xf32> to vector<8x64x64xf32>
    %reduce_sum3A_1938 = arith.constant dense<0.000000e+00> : vector<8x64xf32>
    %reduce_sum3A_1939 = vector.multi_reduction <add>, %slice3A_1937, %reduce_sum3A_1938 [2] : vector<8x64x64xf32> to vector<8x64xf32>
    %concatenate3A_1940 = tpu.concatenate %reduce_sum3A_1936, %reduce_sum3A_1939 in 1 : vector<8x64xf32>, vector<8x64xf32> -> vector<8x128xf32>
    %get3A_1941 = arith.constant 0 : index
    %get3A_1942 = arith.constant 4 : index
    %get3A_1943 = arith.constant 0 : index
    %get3A_1944 = arith.constant 0 : index
    %get3A_1945 = vector.load %arg2[%get3A_1941, %get3A_1942, %get3A_1943, %get3A_1944] : memref<2x8x8x128xf32, #tpu.memory_space<vmem>>, vector<1x1x8x128xf32>
    %get3A_1946 = vector.shape_cast %get3A_1945 : vector<1x1x8x128xf32> to vector<8x128xf32>
    %add3A_1947 = arith.addf %concatenate3A_1940, %get3A_1946 : vector<8x128xf32>
    %broadcast_in_dim3A_1948 = vector.shape_cast %eq3A_47 : vector<64x128xi1> to vector<1x64x128xi1>
    %broadcast_in_dim3A_1949 = vector.shape_cast %eq3A_46 : vector<64x128xi1> to vector<1x64x128xi1>
    %broadcast_in_dim3A_1950 = vector.shape_cast %broadcast_in_dim3A_1949 : vector<1x64x128xi1> to vector<1x64x128xi1>
    %broadcast_in_dim3A_1951 = vector.broadcast %broadcast_in_dim3A_1950 : vector<1x64x128xi1> to vector<8x64x128xi1>
    %select_n3A_1952 = arith.select %broadcast_in_dim3A_1951, %log3A_555, %log3A_1069 : vector<8x64x128xi1>, vector<8x64x128xf32>
    %jit3A_1953 = arith.constant 0.000000e+00 : f32
    %broadcast_in_dim3A_1954 = vector.shape_cast %broadcast_in_dim3A_1948 : vector<1x64x128xi1> to vector<1x64x128xi1>
    %broadcast_in_dim3A_1955 = vector.broadcast %broadcast_in_dim3A_1954 : vector<1x64x128xi1> to vector<8x64x128xi1>
    %broadcast_in_dim3A_1956 = vector.broadcast %jit3A_1953 : f32 to vector<8x64x128xf32>
    %select_n3A_1957 = arith.select %broadcast_in_dim3A_1955, %broadcast_in_dim3A_1956, %select_n3A_1952 : vector<8x64x128xi1>, vector<8x64x128xf32>
    %broadcast_in_dim3A_1958 = vector.shape_cast %add3A_1649 : vector<8x128xf32> to vector<8x1x128xf32>
    %mul3A_1959 = vector.broadcast %broadcast_in_dim3A_1958 : vector<8x1x128xf32> to vector<8x64x128xf32>
    %mul3A_1960 = arith.mulf %select_n3A_1957, %mul3A_1959 : vector<8x64x128xf32>
    %slice3A_1961 = vector.extract_strided_slice %mul3A_1960 {offsets = [0, 0, 0], sizes = [8, 64, 64], strides = [1, 1, 1]} : vector<8x64x128xf32> to vector<8x64x64xf32>
    %reduce_sum3A_1962 = arith.constant dense<0.000000e+00> : vector<8x64xf32>
    %reduce_sum3A_1963 = vector.multi_reduction <add>, %slice3A_1961, %reduce_sum3A_1962 [2] : vector<8x64x64xf32> to vector<8x64xf32>
    %slice3A_1964 = vector.extract_strided_slice %mul3A_1960 {offsets = [0, 0, 64], sizes = [8, 64, 64], strides = [1, 1, 1]} : vector<8x64x128xf32> to vector<8x64x64xf32>
    %reduce_sum3A_1965 = arith.constant dense<0.000000e+00> : vector<8x64xf32>
    %reduce_sum3A_1966 = vector.multi_reduction <add>, %slice3A_1964, %reduce_sum3A_1965 [2] : vector<8x64x64xf32> to vector<8x64xf32>
    %concatenate3A_1967 = tpu.concatenate %reduce_sum3A_1963, %reduce_sum3A_1966 in 1 : vector<8x64xf32>, vector<8x64xf32> -> vector<8x128xf32>
    %get3A_1968 = arith.constant 0 : index
    %get3A_1969 = arith.constant 5 : index
    %get3A_1970 = arith.constant 0 : index
    %get3A_1971 = arith.constant 0 : index
    %get3A_1972 = vector.load %arg2[%get3A_1968, %get3A_1969, %get3A_1970, %get3A_1971] : memref<2x8x8x128xf32, #tpu.memory_space<vmem>>, vector<1x1x8x128xf32>
    %get3A_1973 = vector.shape_cast %get3A_1972 : vector<1x1x8x128xf32> to vector<8x128xf32>
    %add3A_1974 = arith.addf %concatenate3A_1967, %get3A_1973 : vector<8x128xf32>
    %broadcast_in_dim3A_1975 = vector.shape_cast %eq3A_47 : vector<64x128xi1> to vector<1x64x128xi1>
    %broadcast_in_dim3A_1976 = vector.shape_cast %eq3A_46 : vector<64x128xi1> to vector<1x64x128xi1>
    %broadcast_in_dim3A_1977 = vector.shape_cast %broadcast_in_dim3A_1976 : vector<1x64x128xi1> to vector<1x64x128xi1>
    %broadcast_in_dim3A_1978 = vector.broadcast %broadcast_in_dim3A_1977 : vector<1x64x128xi1> to vector<8x64x128xi1>
    %select_n3A_1979 = arith.select %broadcast_in_dim3A_1978, %log3A_596, %log3A_1110 : vector<8x64x128xi1>, vector<8x64x128xf32>
    %jit3A_1980 = arith.constant 0.000000e+00 : f32
    %broadcast_in_dim3A_1981 = vector.shape_cast %broadcast_in_dim3A_1975 : vector<1x64x128xi1> to vector<1x64x128xi1>
    %broadcast_in_dim3A_1982 = vector.broadcast %broadcast_in_dim3A_1981 : vector<1x64x128xi1> to vector<8x64x128xi1>
    %broadcast_in_dim3A_1983 = vector.broadcast %jit3A_1980 : f32 to vector<8x64x128xf32>
    %select_n3A_1984 = arith.select %broadcast_in_dim3A_1982, %broadcast_in_dim3A_1983, %select_n3A_1979 : vector<8x64x128xi1>, vector<8x64x128xf32>
    %broadcast_in_dim3A_1985 = vector.shape_cast %add3A_1732 : vector<8x128xf32> to vector<8x1x128xf32>
    %mul3A_1986 = vector.broadcast %broadcast_in_dim3A_1985 : vector<8x1x128xf32> to vector<8x64x128xf32>
    %mul3A_1987 = arith.mulf %select_n3A_1984, %mul3A_1986 : vector<8x64x128xf32>
    %slice3A_1988 = vector.extract_strided_slice %mul3A_1987 {offsets = [0, 0, 0], sizes = [8, 64, 64], strides = [1, 1, 1]} : vector<8x64x128xf32> to vector<8x64x64xf32>
    %reduce_sum3A_1989 = arith.constant dense<0.000000e+00> : vector<8x64xf32>
    %reduce_sum3A_1990 = vector.multi_reduction <add>, %slice3A_1988, %reduce_sum3A_1989 [2] : vector<8x64x64xf32> to vector<8x64xf32>
    %slice3A_1991 = vector.extract_strided_slice %mul3A_1987 {offsets = [0, 0, 64], sizes = [8, 64, 64], strides = [1, 1, 1]} : vector<8x64x128xf32> to vector<8x64x64xf32>
    %reduce_sum3A_1992 = arith.constant dense<0.000000e+00> : vector<8x64xf32>
    %reduce_sum3A_1993 = vector.multi_reduction <add>, %slice3A_1991, %reduce_sum3A_1992 [2] : vector<8x64x64xf32> to vector<8x64xf32>
    %concatenate3A_1994 = tpu.concatenate %reduce_sum3A_1990, %reduce_sum3A_1993 in 1 : vector<8x64xf32>, vector<8x64xf32> -> vector<8x128xf32>
    %get3A_1995 = arith.constant 0 : index
    %get3A_1996 = arith.constant 6 : index
    %get3A_1997 = arith.constant 0 : index
    %get3A_1998 = arith.constant 0 : index
    %get3A_1999 = vector.load %arg2[%get3A_1995, %get3A_1996, %get3A_1997, %get3A_1998] : memref<2x8x8x128xf32, #tpu.memory_space<vmem>>, vector<1x1x8x128xf32>
    %get3A_2000 = vector.shape_cast %get3A_1999 : vector<1x1x8x128xf32> to vector<8x128xf32>
    %add3A_2001 = arith.addf %concatenate3A_1994, %get3A_2000 : vector<8x128xf32>
    %broadcast_in_dim3A_2002 = vector.shape_cast %eq3A_47 : vector<64x128xi1> to vector<1x64x128xi1>
    %broadcast_in_dim3A_2003 = vector.shape_cast %eq3A_46 : vector<64x128xi1> to vector<1x64x128xi1>
    %broadcast_in_dim3A_2004 = vector.shape_cast %broadcast_in_dim3A_2003 : vector<1x64x128xi1> to vector<1x64x128xi1>
    %broadcast_in_dim3A_2005 = vector.broadcast %broadcast_in_dim3A_2004 : vector<1x64x128xi1> to vector<8x64x128xi1>
    %select_n3A_2006 = arith.select %broadcast_in_dim3A_2005, %log3A_637, %log3A_1151 : vector<8x64x128xi1>, vector<8x64x128xf32>
    %jit3A_2007 = arith.constant 0.000000e+00 : f32
    %broadcast_in_dim3A_2008 = vector.shape_cast %broadcast_in_dim3A_2002 : vector<1x64x128xi1> to vector<1x64x128xi1>
    %broadcast_in_dim3A_2009 = vector.broadcast %broadcast_in_dim3A_2008 : vector<1x64x128xi1> to vector<8x64x128xi1>
    %broadcast_in_dim3A_2010 = vector.broadcast %jit3A_2007 : f32 to vector<8x64x128xf32>
    %select_n3A_2011 = arith.select %broadcast_in_dim3A_2009, %broadcast_in_dim3A_2010, %select_n3A_2006 : vector<8x64x128xi1>, vector<8x64x128xf32>
    %broadcast_in_dim3A_2012 = vector.shape_cast %add3A_1815 : vector<8x128xf32> to vector<8x1x128xf32>
    %mul3A_2013 = vector.broadcast %broadcast_in_dim3A_2012 : vector<8x1x128xf32> to vector<8x64x128xf32>
    %mul3A_2014 = arith.mulf %select_n3A_2011, %mul3A_2013 : vector<8x64x128xf32>
    %slice3A_2015 = vector.extract_strided_slice %mul3A_2014 {offsets = [0, 0, 0], sizes = [8, 64, 64], strides = [1, 1, 1]} : vector<8x64x128xf32> to vector<8x64x64xf32>
    %reduce_sum3A_2016 = arith.constant dense<0.000000e+00> : vector<8x64xf32>
    %reduce_sum3A_2017 = vector.multi_reduction <add>, %slice3A_2015, %reduce_sum3A_2016 [2] : vector<8x64x64xf32> to vector<8x64xf32>
    %slice3A_2018 = vector.extract_strided_slice %mul3A_2014 {offsets = [0, 0, 64], sizes = [8, 64, 64], strides = [1, 1, 1]} : vector<8x64x128xf32> to vector<8x64x64xf32>
    %reduce_sum3A_2019 = arith.constant dense<0.000000e+00> : vector<8x64xf32>
    %reduce_sum3A_2020 = vector.multi_reduction <add>, %slice3A_2018, %reduce_sum3A_2019 [2] : vector<8x64x64xf32> to vector<8x64xf32>
    %concatenate3A_2021 = tpu.concatenate %reduce_sum3A_2017, %reduce_sum3A_2020 in 1 : vector<8x64xf32>, vector<8x64xf32> -> vector<8x128xf32>
    %get3A_2022 = arith.constant 0 : index
    %get3A_2023 = arith.constant 7 : index
    %get3A_2024 = arith.constant 0 : index
    %get3A_2025 = arith.constant 0 : index
    %get3A_2026 = vector.load %arg2[%get3A_2022, %get3A_2023, %get3A_2024, %get3A_2025] : memref<2x8x8x128xf32, #tpu.memory_space<vmem>>, vector<1x1x8x128xf32>
    %get3A_2027 = vector.shape_cast %get3A_2026 : vector<1x1x8x128xf32> to vector<8x128xf32>
    %add3A_2028 = arith.addf %concatenate3A_2021, %get3A_2027 : vector<8x128xf32>
    %get3A_2029 = arith.constant 788 : index
    %get3A_2030 = memref.load %arg3[%get3A_2029] : memref<1108xf32, #tpu.memory_space<smem>>
    %mul3A_2031 = vector.broadcast %get3A_2030 : f32 to vector<8x128xf32>
    %mul3A_2032 = arith.mulf %add3A_1839, %mul3A_2031 : vector<8x128xf32>
    %get3A_2033 = arith.constant 804 : index
    %get3A_2034 = memref.load %arg3[%get3A_2033] : memref<1108xf32, #tpu.memory_space<smem>>
    %mul3A_2035 = vector.broadcast %get3A_2034 : f32 to vector<8x128xf32>
    %mul3A_2036 = arith.mulf %add3A_1866, %mul3A_2035 : vector<8x128xf32>
    %add3A_2037 = arith.addf %mul3A_2032, %mul3A_2036 : vector<8x128xf32>
    %get3A_2038 = arith.constant 820 : index
    %get3A_2039 = memref.load %arg3[%get3A_2038] : memref<1108xf32, #tpu.memory_space<smem>>
    %mul3A_2040 = vector.broadcast %get3A_2039 : f32 to vector<8x128xf32>
    %mul3A_2041 = arith.mulf %add3A_1893, %mul3A_2040 : vector<8x128xf32>
    %add3A_2042 = arith.addf %add3A_2037, %mul3A_2041 : vector<8x128xf32>
    %get3A_2043 = arith.constant 836 : index
    %get3A_2044 = memref.load %arg3[%get3A_2043] : memref<1108xf32, #tpu.memory_space<smem>>
    %mul3A_2045 = vector.broadcast %get3A_2044 : f32 to vector<8x128xf32>
    %mul3A_2046 = arith.mulf %add3A_1920, %mul3A_2045 : vector<8x128xf32>
    %add3A_2047 = arith.addf %add3A_2042, %mul3A_2046 : vector<8x128xf32>
    %get3A_2048 = arith.constant 852 : index
    %get3A_2049 = memref.load %arg3[%get3A_2048] : memref<1108xf32, #tpu.memory_space<smem>>
    %mul3A_2050 = vector.broadcast %get3A_2049 : f32 to vector<8x128xf32>
    %mul3A_2051 = arith.mulf %add3A_1947, %mul3A_2050 : vector<8x128xf32>
    %add3A_2052 = arith.addf %add3A_2047, %mul3A_2051 : vector<8x128xf32>
    %get3A_2053 = arith.constant 868 : index
    %get3A_2054 = memref.load %arg3[%get3A_2053] : memref<1108xf32, #tpu.memory_space<smem>>
    %mul3A_2055 = vector.broadcast %get3A_2054 : f32 to vector<8x128xf32>
    %mul3A_2056 = arith.mulf %add3A_1974, %mul3A_2055 : vector<8x128xf32>
    %add3A_2057 = arith.addf %add3A_2052, %mul3A_2056 : vector<8x128xf32>
    %get3A_2058 = arith.constant 884 : index
    %get3A_2059 = memref.load %arg3[%get3A_2058] : memref<1108xf32, #tpu.memory_space<smem>>
    %mul3A_2060 = vector.broadcast %get3A_2059 : f32 to vector<8x128xf32>
    %mul3A_2061 = arith.mulf %add3A_2001, %mul3A_2060 : vector<8x128xf32>
    %add3A_2062 = arith.addf %add3A_2057, %mul3A_2061 : vector<8x128xf32>
    %get3A_2063 = arith.constant 900 : index
    %get3A_2064 = memref.load %arg3[%get3A_2063] : memref<1108xf32, #tpu.memory_space<smem>>
    %mul3A_2065 = vector.broadcast %get3A_2064 : f32 to vector<8x128xf32>
    %mul3A_2066 = arith.mulf %add3A_2028, %mul3A_2065 : vector<8x128xf32>
    %add3A_2067 = arith.addf %add3A_2062, %mul3A_2066 : vector<8x128xf32>
    %add3A_2068 = arith.addf %broadcast_in_dim3A, %add3A_2067 : vector<8x128xf32>
    %get3A_2069 = arith.constant 1044 : index
    %get3A_2070 = memref.load %arg3[%get3A_2069] : memref<1108xf32, #tpu.memory_space<smem>>
    %add3A_2071 = vector.broadcast %get3A_2070 : f32 to vector<8x128xf32>
    %add3A_2072 = arith.addf %add3A_2068, %add3A_2071 : vector<8x128xf32>
    %get3A_2073 = arith.constant 789 : index
    %get3A_2074 = memref.load %arg3[%get3A_2073] : memref<1108xf32, #tpu.memory_space<smem>>
    %mul3A_2075 = vector.broadcast %get3A_2074 : f32 to vector<8x128xf32>
    %mul3A_2076 = arith.mulf %add3A_1839, %mul3A_2075 : vector<8x128xf32>
    %get3A_2077 = arith.constant 805 : index
    %get3A_2078 = memref.load %arg3[%get3A_2077] : memref<1108xf32, #tpu.memory_space<smem>>
    %mul3A_2079 = vector.broadcast %get3A_2078 : f32 to vector<8x128xf32>
    %mul3A_2080 = arith.mulf %add3A_1866, %mul3A_2079 : vector<8x128xf32>
    %add3A_2081 = arith.addf %mul3A_2076, %mul3A_2080 : vector<8x128xf32>
    %get3A_2082 = arith.constant 821 : index
    %get3A_2083 = memref.load %arg3[%get3A_2082] : memref<1108xf32, #tpu.memory_space<smem>>
    %mul3A_2084 = vector.broadcast %get3A_2083 : f32 to vector<8x128xf32>
    %mul3A_2085 = arith.mulf %add3A_1893, %mul3A_2084 : vector<8x128xf32>
    %add3A_2086 = arith.addf %add3A_2081, %mul3A_2085 : vector<8x128xf32>
    %get3A_2087 = arith.constant 837 : index
    %get3A_2088 = memref.load %arg3[%get3A_2087] : memref<1108xf32, #tpu.memory_space<smem>>
    %mul3A_2089 = vector.broadcast %get3A_2088 : f32 to vector<8x128xf32>
    %mul3A_2090 = arith.mulf %add3A_1920, %mul3A_2089 : vector<8x128xf32>
    %add3A_2091 = arith.addf %add3A_2086, %mul3A_2090 : vector<8x128xf32>
    %get3A_2092 = arith.constant 853 : index
    %get3A_2093 = memref.load %arg3[%get3A_2092] : memref<1108xf32, #tpu.memory_space<smem>>
    %mul3A_2094 = vector.broadcast %get3A_2093 : f32 to vector<8x128xf32>
    %mul3A_2095 = arith.mulf %add3A_1947, %mul3A_2094 : vector<8x128xf32>
    %add3A_2096 = arith.addf %add3A_2091, %mul3A_2095 : vector<8x128xf32>
    %get3A_2097 = arith.constant 869 : index
    %get3A_2098 = memref.load %arg3[%get3A_2097] : memref<1108xf32, #tpu.memory_space<smem>>
    %mul3A_2099 = vector.broadcast %get3A_2098 : f32 to vector<8x128xf32>
    %mul3A_2100 = arith.mulf %add3A_1974, %mul3A_2099 : vector<8x128xf32>
    %add3A_2101 = arith.addf %add3A_2096, %mul3A_2100 : vector<8x128xf32>
    %get3A_2102 = arith.constant 885 : index
    %get3A_2103 = memref.load %arg3[%get3A_2102] : memref<1108xf32, #tpu.memory_space<smem>>
    %mul3A_2104 = vector.broadcast %get3A_2103 : f32 to vector<8x128xf32>
    %mul3A_2105 = arith.mulf %add3A_2001, %mul3A_2104 : vector<8x128xf32>
    %add3A_2106 = arith.addf %add3A_2101, %mul3A_2105 : vector<8x128xf32>
    %get3A_2107 = arith.constant 901 : index
    %get3A_2108 = memref.load %arg3[%get3A_2107] : memref<1108xf32, #tpu.memory_space<smem>>
    %mul3A_2109 = vector.broadcast %get3A_2108 : f32 to vector<8x128xf32>
    %mul3A_2110 = arith.mulf %add3A_2028, %mul3A_2109 : vector<8x128xf32>
    %add3A_2111 = arith.addf %add3A_2106, %mul3A_2110 : vector<8x128xf32>
    %add3A_2112 = arith.addf %broadcast_in_dim3A_84, %add3A_2111 : vector<8x128xf32>
    %get3A_2113 = arith.constant 1045 : index
    %get3A_2114 = memref.load %arg3[%get3A_2113] : memref<1108xf32, #tpu.memory_space<smem>>
    %add3A_2115 = vector.broadcast %get3A_2114 : f32 to vector<8x128xf32>
    %add3A_2116 = arith.addf %add3A_2112, %add3A_2115 : vector<8x128xf32>
    %get3A_2117 = arith.constant 790 : index
    %get3A_2118 = memref.load %arg3[%get3A_2117] : memref<1108xf32, #tpu.memory_space<smem>>
    %mul3A_2119 = vector.broadcast %get3A_2118 : f32 to vector<8x128xf32>
    %mul3A_2120 = arith.mulf %add3A_1839, %mul3A_2119 : vector<8x128xf32>
    %get3A_2121 = arith.constant 806 : index
    %get3A_2122 = memref.load %arg3[%get3A_2121] : memref<1108xf32, #tpu.memory_space<smem>>
    %mul3A_2123 = vector.broadcast %get3A_2122 : f32 to vector<8x128xf32>
    %mul3A_2124 = arith.mulf %add3A_1866, %mul3A_2123 : vector<8x128xf32>
    %add3A_2125 = arith.addf %mul3A_2120, %mul3A_2124 : vector<8x128xf32>
    %get3A_2126 = arith.constant 822 : index
    %get3A_2127 = memref.load %arg3[%get3A_2126] : memref<1108xf32, #tpu.memory_space<smem>>
    %mul3A_2128 = vector.broadcast %get3A_2127 : f32 to vector<8x128xf32>
    %mul3A_2129 = arith.mulf %add3A_1893, %mul3A_2128 : vector<8x128xf32>
    %add3A_2130 = arith.addf %add3A_2125, %mul3A_2129 : vector<8x128xf32>
    %get3A_2131 = arith.constant 838 : index
    %get3A_2132 = memref.load %arg3[%get3A_2131] : memref<1108xf32, #tpu.memory_space<smem>>
    %mul3A_2133 = vector.broadcast %get3A_2132 : f32 to vector<8x128xf32>
    %mul3A_2134 = arith.mulf %add3A_1920, %mul3A_2133 : vector<8x128xf32>
    %add3A_2135 = arith.addf %add3A_2130, %mul3A_2134 : vector<8x128xf32>
    %get3A_2136 = arith.constant 854 : index
    %get3A_2137 = memref.load %arg3[%get3A_2136] : memref<1108xf32, #tpu.memory_space<smem>>
    %mul3A_2138 = vector.broadcast %get3A_2137 : f32 to vector<8x128xf32>
    %mul3A_2139 = arith.mulf %add3A_1947, %mul3A_2138 : vector<8x128xf32>
    %add3A_2140 = arith.addf %add3A_2135, %mul3A_2139 : vector<8x128xf32>
    %get3A_2141 = arith.constant 870 : index
    %get3A_2142 = memref.load %arg3[%get3A_2141] : memref<1108xf32, #tpu.memory_space<smem>>
    %mul3A_2143 = vector.broadcast %get3A_2142 : f32 to vector<8x128xf32>
    %mul3A_2144 = arith.mulf %add3A_1974, %mul3A_2143 : vector<8x128xf32>
    %add3A_2145 = arith.addf %add3A_2140, %mul3A_2144 : vector<8x128xf32>
    %get3A_2146 = arith.constant 886 : index
    %get3A_2147 = memref.load %arg3[%get3A_2146] : memref<1108xf32, #tpu.memory_space<smem>>
    %mul3A_2148 = vector.broadcast %get3A_2147 : f32 to vector<8x128xf32>
    %mul3A_2149 = arith.mulf %add3A_2001, %mul3A_2148 : vector<8x128xf32>
    %add3A_2150 = arith.addf %add3A_2145, %mul3A_2149 : vector<8x128xf32>
    %get3A_2151 = arith.constant 902 : index
    %get3A_2152 = memref.load %arg3[%get3A_2151] : memref<1108xf32, #tpu.memory_space<smem>>
    %mul3A_2153 = vector.broadcast %get3A_2152 : f32 to vector<8x128xf32>
    %mul3A_2154 = arith.mulf %add3A_2028, %mul3A_2153 : vector<8x128xf32>
    %add3A_2155 = arith.addf %add3A_2150, %mul3A_2154 : vector<8x128xf32>
    %add3A_2156 = arith.addf %broadcast_in_dim3A_87, %add3A_2155 : vector<8x128xf32>
    %get3A_2157 = arith.constant 1046 : index
    %get3A_2158 = memref.load %arg3[%get3A_2157] : memref<1108xf32, #tpu.memory_space<smem>>
    %add3A_2159 = vector.broadcast %get3A_2158 : f32 to vector<8x128xf32>
    %add3A_2160 = arith.addf %add3A_2156, %add3A_2159 : vector<8x128xf32>
    %get3A_2161 = arith.constant 791 : index
    %get3A_2162 = memref.load %arg3[%get3A_2161] : memref<1108xf32, #tpu.memory_space<smem>>
    %mul3A_2163 = vector.broadcast %get3A_2162 : f32 to vector<8x128xf32>
    %mul3A_2164 = arith.mulf %add3A_1839, %mul3A_2163 : vector<8x128xf32>
    %get3A_2165 = arith.constant 807 : index
    %get3A_2166 = memref.load %arg3[%get3A_2165] : memref<1108xf32, #tpu.memory_space<smem>>
    %mul3A_2167 = vector.broadcast %get3A_2166 : f32 to vector<8x128xf32>
    %mul3A_2168 = arith.mulf %add3A_1866, %mul3A_2167 : vector<8x128xf32>
    %add3A_2169 = arith.addf %mul3A_2164, %mul3A_2168 : vector<8x128xf32>
    %get3A_2170 = arith.constant 823 : index
    %get3A_2171 = memref.load %arg3[%get3A_2170] : memref<1108xf32, #tpu.memory_space<smem>>
    %mul3A_2172 = vector.broadcast %get3A_2171 : f32 to vector<8x128xf32>
    %mul3A_2173 = arith.mulf %add3A_1893, %mul3A_2172 : vector<8x128xf32>
    %add3A_2174 = arith.addf %add3A_2169, %mul3A_2173 : vector<8x128xf32>
    %get3A_2175 = arith.constant 839 : index
    %get3A_2176 = memref.load %arg3[%get3A_2175] : memref<1108xf32, #tpu.memory_space<smem>>
    %mul3A_2177 = vector.broadcast %get3A_2176 : f32 to vector<8x128xf32>
    %mul3A_2178 = arith.mulf %add3A_1920, %mul3A_2177 : vector<8x128xf32>
    %add3A_2179 = arith.addf %add3A_2174, %mul3A_2178 : vector<8x128xf32>
    %get3A_2180 = arith.constant 855 : index
    %get3A_2181 = memref.load %arg3[%get3A_2180] : memref<1108xf32, #tpu.memory_space<smem>>
    %mul3A_2182 = vector.broadcast %get3A_2181 : f32 to vector<8x128xf32>
    %mul3A_2183 = arith.mulf %add3A_1947, %mul3A_2182 : vector<8x128xf32>
    %add3A_2184 = arith.addf %add3A_2179, %mul3A_2183 : vector<8x128xf32>
    %get3A_2185 = arith.constant 871 : index
    %get3A_2186 = memref.load %arg3[%get3A_2185] : memref<1108xf32, #tpu.memory_space<smem>>
    %mul3A_2187 = vector.broadcast %get3A_2186 : f32 to vector<8x128xf32>
    %mul3A_2188 = arith.mulf %add3A_1974, %mul3A_2187 : vector<8x128xf32>
    %add3A_2189 = arith.addf %add3A_2184, %mul3A_2188 : vector<8x128xf32>
    %get3A_2190 = arith.constant 887 : index
    %get3A_2191 = memref.load %arg3[%get3A_2190] : memref<1108xf32, #tpu.memory_space<smem>>
    %mul3A_2192 = vector.broadcast %get3A_2191 : f32 to vector<8x128xf32>
    %mul3A_2193 = arith.mulf %add3A_2001, %mul3A_2192 : vector<8x128xf32>
    %add3A_2194 = arith.addf %add3A_2189, %mul3A_2193 : vector<8x128xf32>
    %get3A_2195 = arith.constant 903 : index
    %get3A_2196 = memref.load %arg3[%get3A_2195] : memref<1108xf32, #tpu.memory_space<smem>>
    %mul3A_2197 = vector.broadcast %get3A_2196 : f32 to vector<8x128xf32>
    %mul3A_2198 = arith.mulf %add3A_2028, %mul3A_2197 : vector<8x128xf32>
    %add3A_2199 = arith.addf %add3A_2194, %mul3A_2198 : vector<8x128xf32>
    %add3A_2200 = arith.addf %broadcast_in_dim3A_90, %add3A_2199 : vector<8x128xf32>
    %get3A_2201 = arith.constant 1047 : index
    %get3A_2202 = memref.load %arg3[%get3A_2201] : memref<1108xf32, #tpu.memory_space<smem>>
    %add3A_2203 = vector.broadcast %get3A_2202 : f32 to vector<8x128xf32>
    %add3A_2204 = arith.addf %add3A_2200, %add3A_2203 : vector<8x128xf32>
    %get3A_2205 = arith.constant 792 : index
    %get3A_2206 = memref.load %arg3[%get3A_2205] : memref<1108xf32, #tpu.memory_space<smem>>
    %mul3A_2207 = vector.broadcast %get3A_2206 : f32 to vector<8x128xf32>
    %mul3A_2208 = arith.mulf %add3A_1839, %mul3A_2207 : vector<8x128xf32>
    %get3A_2209 = arith.constant 808 : index
    %get3A_2210 = memref.load %arg3[%get3A_2209] : memref<1108xf32, #tpu.memory_space<smem>>
    %mul3A_2211 = vector.broadcast %get3A_2210 : f32 to vector<8x128xf32>
    %mul3A_2212 = arith.mulf %add3A_1866, %mul3A_2211 : vector<8x128xf32>
    %add3A_2213 = arith.addf %mul3A_2208, %mul3A_2212 : vector<8x128xf32>
    %get3A_2214 = arith.constant 824 : index
    %get3A_2215 = memref.load %arg3[%get3A_2214] : memref<1108xf32, #tpu.memory_space<smem>>
    %mul3A_2216 = vector.broadcast %get3A_2215 : f32 to vector<8x128xf32>
    %mul3A_2217 = arith.mulf %add3A_1893, %mul3A_2216 : vector<8x128xf32>
    %add3A_2218 = arith.addf %add3A_2213, %mul3A_2217 : vector<8x128xf32>
    %get3A_2219 = arith.constant 840 : index
    %get3A_2220 = memref.load %arg3[%get3A_2219] : memref<1108xf32, #tpu.memory_space<smem>>
    %mul3A_2221 = vector.broadcast %get3A_2220 : f32 to vector<8x128xf32>
    %mul3A_2222 = arith.mulf %add3A_1920, %mul3A_2221 : vector<8x128xf32>
    %add3A_2223 = arith.addf %add3A_2218, %mul3A_2222 : vector<8x128xf32>
    %get3A_2224 = arith.constant 856 : index
    %get3A_2225 = memref.load %arg3[%get3A_2224] : memref<1108xf32, #tpu.memory_space<smem>>
    %mul3A_2226 = vector.broadcast %get3A_2225 : f32 to vector<8x128xf32>
    %mul3A_2227 = arith.mulf %add3A_1947, %mul3A_2226 : vector<8x128xf32>
    %add3A_2228 = arith.addf %add3A_2223, %mul3A_2227 : vector<8x128xf32>
    %get3A_2229 = arith.constant 872 : index
    %get3A_2230 = memref.load %arg3[%get3A_2229] : memref<1108xf32, #tpu.memory_space<smem>>
    %mul3A_2231 = vector.broadcast %get3A_2230 : f32 to vector<8x128xf32>
    %mul3A_2232 = arith.mulf %add3A_1974, %mul3A_2231 : vector<8x128xf32>
    %add3A_2233 = arith.addf %add3A_2228, %mul3A_2232 : vector<8x128xf32>
    %get3A_2234 = arith.constant 888 : index
    %get3A_2235 = memref.load %arg3[%get3A_2234] : memref<1108xf32, #tpu.memory_space<smem>>
    %mul3A_2236 = vector.broadcast %get3A_2235 : f32 to vector<8x128xf32>
    %mul3A_2237 = arith.mulf %add3A_2001, %mul3A_2236 : vector<8x128xf32>
    %add3A_2238 = arith.addf %add3A_2233, %mul3A_2237 : vector<8x128xf32>
    %get3A_2239 = arith.constant 904 : index
    %get3A_2240 = memref.load %arg3[%get3A_2239] : memref<1108xf32, #tpu.memory_space<smem>>
    %mul3A_2241 = vector.broadcast %get3A_2240 : f32 to vector<8x128xf32>
    %mul3A_2242 = arith.mulf %add3A_2028, %mul3A_2241 : vector<8x128xf32>
    %add3A_2243 = arith.addf %add3A_2238, %mul3A_2242 : vector<8x128xf32>
    %add3A_2244 = arith.addf %broadcast_in_dim3A_93, %add3A_2243 : vector<8x128xf32>
    %get3A_2245 = arith.constant 1048 : index
    %get3A_2246 = memref.load %arg3[%get3A_2245] : memref<1108xf32, #tpu.memory_space<smem>>
    %add3A_2247 = vector.broadcast %get3A_2246 : f32 to vector<8x128xf32>
    %add3A_2248 = arith.addf %add3A_2244, %add3A_2247 : vector<8x128xf32>
    %get3A_2249 = arith.constant 793 : index
    %get3A_2250 = memref.load %arg3[%get3A_2249] : memref<1108xf32, #tpu.memory_space<smem>>
    %mul3A_2251 = vector.broadcast %get3A_2250 : f32 to vector<8x128xf32>
    %mul3A_2252 = arith.mulf %add3A_1839, %mul3A_2251 : vector<8x128xf32>
    %get3A_2253 = arith.constant 809 : index
    %get3A_2254 = memref.load %arg3[%get3A_2253] : memref<1108xf32, #tpu.memory_space<smem>>
    %mul3A_2255 = vector.broadcast %get3A_2254 : f32 to vector<8x128xf32>
    %mul3A_2256 = arith.mulf %add3A_1866, %mul3A_2255 : vector<8x128xf32>
    %add3A_2257 = arith.addf %mul3A_2252, %mul3A_2256 : vector<8x128xf32>
    %get3A_2258 = arith.constant 825 : index
    %get3A_2259 = memref.load %arg3[%get3A_2258] : memref<1108xf32, #tpu.memory_space<smem>>
    %mul3A_2260 = vector.broadcast %get3A_2259 : f32 to vector<8x128xf32>
    %mul3A_2261 = arith.mulf %add3A_1893, %mul3A_2260 : vector<8x128xf32>
    %add3A_2262 = arith.addf %add3A_2257, %mul3A_2261 : vector<8x128xf32>
    %get3A_2263 = arith.constant 841 : index
    %get3A_2264 = memref.load %arg3[%get3A_2263] : memref<1108xf32, #tpu.memory_space<smem>>
    %mul3A_2265 = vector.broadcast %get3A_2264 : f32 to vector<8x128xf32>
    %mul3A_2266 = arith.mulf %add3A_1920, %mul3A_2265 : vector<8x128xf32>
    %add3A_2267 = arith.addf %add3A_2262, %mul3A_2266 : vector<8x128xf32>
    %get3A_2268 = arith.constant 857 : index
    %get3A_2269 = memref.load %arg3[%get3A_2268] : memref<1108xf32, #tpu.memory_space<smem>>
    %mul3A_2270 = vector.broadcast %get3A_2269 : f32 to vector<8x128xf32>
    %mul3A_2271 = arith.mulf %add3A_1947, %mul3A_2270 : vector<8x128xf32>
    %add3A_2272 = arith.addf %add3A_2267, %mul3A_2271 : vector<8x128xf32>
    %get3A_2273 = arith.constant 873 : index
    %get3A_2274 = memref.load %arg3[%get3A_2273] : memref<1108xf32, #tpu.memory_space<smem>>
    %mul3A_2275 = vector.broadcast %get3A_2274 : f32 to vector<8x128xf32>
    %mul3A_2276 = arith.mulf %add3A_1974, %mul3A_2275 : vector<8x128xf32>
    %add3A_2277 = arith.addf %add3A_2272, %mul3A_2276 : vector<8x128xf32>
    %get3A_2278 = arith.constant 889 : index
    %get3A_2279 = memref.load %arg3[%get3A_2278] : memref<1108xf32, #tpu.memory_space<smem>>
    %mul3A_2280 = vector.broadcast %get3A_2279 : f32 to vector<8x128xf32>
    %mul3A_2281 = arith.mulf %add3A_2001, %mul3A_2280 : vector<8x128xf32>
    %add3A_2282 = arith.addf %add3A_2277, %mul3A_2281 : vector<8x128xf32>
    %get3A_2283 = arith.constant 905 : index
    %get3A_2284 = memref.load %arg3[%get3A_2283] : memref<1108xf32, #tpu.memory_space<smem>>
    %mul3A_2285 = vector.broadcast %get3A_2284 : f32 to vector<8x128xf32>
    %mul3A_2286 = arith.mulf %add3A_2028, %mul3A_2285 : vector<8x128xf32>
    %add3A_2287 = arith.addf %add3A_2282, %mul3A_2286 : vector<8x128xf32>
    %add3A_2288 = arith.addf %broadcast_in_dim3A_96, %add3A_2287 : vector<8x128xf32>
    %get3A_2289 = arith.constant 1049 : index
    %get3A_2290 = memref.load %arg3[%get3A_2289] : memref<1108xf32, #tpu.memory_space<smem>>
    %add3A_2291 = vector.broadcast %get3A_2290 : f32 to vector<8x128xf32>
    %add3A_2292 = arith.addf %add3A_2288, %add3A_2291 : vector<8x128xf32>
    %get3A_2293 = arith.constant 794 : index
    %get3A_2294 = memref.load %arg3[%get3A_2293] : memref<1108xf32, #tpu.memory_space<smem>>
    %mul3A_2295 = vector.broadcast %get3A_2294 : f32 to vector<8x128xf32>
    %mul3A_2296 = arith.mulf %add3A_1839, %mul3A_2295 : vector<8x128xf32>
    %get3A_2297 = arith.constant 810 : index
    %get3A_2298 = memref.load %arg3[%get3A_2297] : memref<1108xf32, #tpu.memory_space<smem>>
    %mul3A_2299 = vector.broadcast %get3A_2298 : f32 to vector<8x128xf32>
    %mul3A_2300 = arith.mulf %add3A_1866, %mul3A_2299 : vector<8x128xf32>
    %add3A_2301 = arith.addf %mul3A_2296, %mul3A_2300 : vector<8x128xf32>
    %get3A_2302 = arith.constant 826 : index
    %get3A_2303 = memref.load %arg3[%get3A_2302] : memref<1108xf32, #tpu.memory_space<smem>>
    %mul3A_2304 = vector.broadcast %get3A_2303 : f32 to vector<8x128xf32>
    %mul3A_2305 = arith.mulf %add3A_1893, %mul3A_2304 : vector<8x128xf32>
    %add3A_2306 = arith.addf %add3A_2301, %mul3A_2305 : vector<8x128xf32>
    %get3A_2307 = arith.constant 842 : index
    %get3A_2308 = memref.load %arg3[%get3A_2307] : memref<1108xf32, #tpu.memory_space<smem>>
    %mul3A_2309 = vector.broadcast %get3A_2308 : f32 to vector<8x128xf32>
    %mul3A_2310 = arith.mulf %add3A_1920, %mul3A_2309 : vector<8x128xf32>
    %add3A_2311 = arith.addf %add3A_2306, %mul3A_2310 : vector<8x128xf32>
    %get3A_2312 = arith.constant 858 : index
    %get3A_2313 = memref.load %arg3[%get3A_2312] : memref<1108xf32, #tpu.memory_space<smem>>
    %mul3A_2314 = vector.broadcast %get3A_2313 : f32 to vector<8x128xf32>
    %mul3A_2315 = arith.mulf %add3A_1947, %mul3A_2314 : vector<8x128xf32>
    %add3A_2316 = arith.addf %add3A_2311, %mul3A_2315 : vector<8x128xf32>
    %get3A_2317 = arith.constant 874 : index
    %get3A_2318 = memref.load %arg3[%get3A_2317] : memref<1108xf32, #tpu.memory_space<smem>>
    %mul3A_2319 = vector.broadcast %get3A_2318 : f32 to vector<8x128xf32>
    %mul3A_2320 = arith.mulf %add3A_1974, %mul3A_2319 : vector<8x128xf32>
    %add3A_2321 = arith.addf %add3A_2316, %mul3A_2320 : vector<8x128xf32>
    %get3A_2322 = arith.constant 890 : index
    %get3A_2323 = memref.load %arg3[%get3A_2322] : memref<1108xf32, #tpu.memory_space<smem>>
    %mul3A_2324 = vector.broadcast %get3A_2323 : f32 to vector<8x128xf32>
    %mul3A_2325 = arith.mulf %add3A_2001, %mul3A_2324 : vector<8x128xf32>
    %add3A_2326 = arith.addf %add3A_2321, %mul3A_2325 : vector<8x128xf32>
    %get3A_2327 = arith.constant 906 : index
    %get3A_2328 = memref.load %arg3[%get3A_2327] : memref<1108xf32, #tpu.memory_space<smem>>
    %mul3A_2329 = vector.broadcast %get3A_2328 : f32 to vector<8x128xf32>
    %mul3A_2330 = arith.mulf %add3A_2028, %mul3A_2329 : vector<8x128xf32>
    %add3A_2331 = arith.addf %add3A_2326, %mul3A_2330 : vector<8x128xf32>
    %add3A_2332 = arith.addf %broadcast_in_dim3A_99, %add3A_2331 : vector<8x128xf32>
    %get3A_2333 = arith.constant 1050 : index
    %get3A_2334 = memref.load %arg3[%get3A_2333] : memref<1108xf32, #tpu.memory_space<smem>>
    %add3A_2335 = vector.broadcast %get3A_2334 : f32 to vector<8x128xf32>
    %add3A_2336 = arith.addf %add3A_2332, %add3A_2335 : vector<8x128xf32>
    %get3A_2337 = arith.constant 795 : index
    %get3A_2338 = memref.load %arg3[%get3A_2337] : memref<1108xf32, #tpu.memory_space<smem>>
    %mul3A_2339 = vector.broadcast %get3A_2338 : f32 to vector<8x128xf32>
    %mul3A_2340 = arith.mulf %add3A_1839, %mul3A_2339 : vector<8x128xf32>
    %get3A_2341 = arith.constant 811 : index
    %get3A_2342 = memref.load %arg3[%get3A_2341] : memref<1108xf32, #tpu.memory_space<smem>>
    %mul3A_2343 = vector.broadcast %get3A_2342 : f32 to vector<8x128xf32>
    %mul3A_2344 = arith.mulf %add3A_1866, %mul3A_2343 : vector<8x128xf32>
    %add3A_2345 = arith.addf %mul3A_2340, %mul3A_2344 : vector<8x128xf32>
    %get3A_2346 = arith.constant 827 : index
    %get3A_2347 = memref.load %arg3[%get3A_2346] : memref<1108xf32, #tpu.memory_space<smem>>
    %mul3A_2348 = vector.broadcast %get3A_2347 : f32 to vector<8x128xf32>
    %mul3A_2349 = arith.mulf %add3A_1893, %mul3A_2348 : vector<8x128xf32>
    %add3A_2350 = arith.addf %add3A_2345, %mul3A_2349 : vector<8x128xf32>
    %get3A_2351 = arith.constant 843 : index
    %get3A_2352 = memref.load %arg3[%get3A_2351] : memref<1108xf32, #tpu.memory_space<smem>>
    %mul3A_2353 = vector.broadcast %get3A_2352 : f32 to vector<8x128xf32>
    %mul3A_2354 = arith.mulf %add3A_1920, %mul3A_2353 : vector<8x128xf32>
    %add3A_2355 = arith.addf %add3A_2350, %mul3A_2354 : vector<8x128xf32>
    %get3A_2356 = arith.constant 859 : index
    %get3A_2357 = memref.load %arg3[%get3A_2356] : memref<1108xf32, #tpu.memory_space<smem>>
    %mul3A_2358 = vector.broadcast %get3A_2357 : f32 to vector<8x128xf32>
    %mul3A_2359 = arith.mulf %add3A_1947, %mul3A_2358 : vector<8x128xf32>
    %add3A_2360 = arith.addf %add3A_2355, %mul3A_2359 : vector<8x128xf32>
    %get3A_2361 = arith.constant 875 : index
    %get3A_2362 = memref.load %arg3[%get3A_2361] : memref<1108xf32, #tpu.memory_space<smem>>
    %mul3A_2363 = vector.broadcast %get3A_2362 : f32 to vector<8x128xf32>
    %mul3A_2364 = arith.mulf %add3A_1974, %mul3A_2363 : vector<8x128xf32>
    %add3A_2365 = arith.addf %add3A_2360, %mul3A_2364 : vector<8x128xf32>
    %get3A_2366 = arith.constant 891 : index
    %get3A_2367 = memref.load %arg3[%get3A_2366] : memref<1108xf32, #tpu.memory_space<smem>>
    %mul3A_2368 = vector.broadcast %get3A_2367 : f32 to vector<8x128xf32>
    %mul3A_2369 = arith.mulf %add3A_2001, %mul3A_2368 : vector<8x128xf32>
    %add3A_2370 = arith.addf %add3A_2365, %mul3A_2369 : vector<8x128xf32>
    %get3A_2371 = arith.constant 907 : index
    %get3A_2372 = memref.load %arg3[%get3A_2371] : memref<1108xf32, #tpu.memory_space<smem>>
    %mul3A_2373 = vector.broadcast %get3A_2372 : f32 to vector<8x128xf32>
    %mul3A_2374 = arith.mulf %add3A_2028, %mul3A_2373 : vector<8x128xf32>
    %add3A_2375 = arith.addf %add3A_2370, %mul3A_2374 : vector<8x128xf32>
    %add3A_2376 = arith.addf %broadcast_in_dim3A_102, %add3A_2375 : vector<8x128xf32>
    %get3A_2377 = arith.constant 1051 : index
    %get3A_2378 = memref.load %arg3[%get3A_2377] : memref<1108xf32, #tpu.memory_space<smem>>
    %add3A_2379 = vector.broadcast %get3A_2378 : f32 to vector<8x128xf32>
    %add3A_2380 = arith.addf %add3A_2376, %add3A_2379 : vector<8x128xf32>
    %get3A_2381 = arith.constant 796 : index
    %get3A_2382 = memref.load %arg3[%get3A_2381] : memref<1108xf32, #tpu.memory_space<smem>>
    %mul3A_2383 = vector.broadcast %get3A_2382 : f32 to vector<8x128xf32>
    %mul3A_2384 = arith.mulf %add3A_1839, %mul3A_2383 : vector<8x128xf32>
    %get3A_2385 = arith.constant 812 : index
    %get3A_2386 = memref.load %arg3[%get3A_2385] : memref<1108xf32, #tpu.memory_space<smem>>
    %mul3A_2387 = vector.broadcast %get3A_2386 : f32 to vector<8x128xf32>
    %mul3A_2388 = arith.mulf %add3A_1866, %mul3A_2387 : vector<8x128xf32>
    %add3A_2389 = arith.addf %mul3A_2384, %mul3A_2388 : vector<8x128xf32>
    %get3A_2390 = arith.constant 828 : index
    %get3A_2391 = memref.load %arg3[%get3A_2390] : memref<1108xf32, #tpu.memory_space<smem>>
    %mul3A_2392 = vector.broadcast %get3A_2391 : f32 to vector<8x128xf32>
    %mul3A_2393 = arith.mulf %add3A_1893, %mul3A_2392 : vector<8x128xf32>
    %add3A_2394 = arith.addf %add3A_2389, %mul3A_2393 : vector<8x128xf32>
    %get3A_2395 = arith.constant 844 : index
    %get3A_2396 = memref.load %arg3[%get3A_2395] : memref<1108xf32, #tpu.memory_space<smem>>
    %mul3A_2397 = vector.broadcast %get3A_2396 : f32 to vector<8x128xf32>
    %mul3A_2398 = arith.mulf %add3A_1920, %mul3A_2397 : vector<8x128xf32>
    %add3A_2399 = arith.addf %add3A_2394, %mul3A_2398 : vector<8x128xf32>
    %get3A_2400 = arith.constant 860 : index
    %get3A_2401 = memref.load %arg3[%get3A_2400] : memref<1108xf32, #tpu.memory_space<smem>>
    %mul3A_2402 = vector.broadcast %get3A_2401 : f32 to vector<8x128xf32>
    %mul3A_2403 = arith.mulf %add3A_1947, %mul3A_2402 : vector<8x128xf32>
    %add3A_2404 = arith.addf %add3A_2399, %mul3A_2403 : vector<8x128xf32>
    %get3A_2405 = arith.constant 876 : index
    %get3A_2406 = memref.load %arg3[%get3A_2405] : memref<1108xf32, #tpu.memory_space<smem>>
    %mul3A_2407 = vector.broadcast %get3A_2406 : f32 to vector<8x128xf32>
    %mul3A_2408 = arith.mulf %add3A_1974, %mul3A_2407 : vector<8x128xf32>
    %add3A_2409 = arith.addf %add3A_2404, %mul3A_2408 : vector<8x128xf32>
    %get3A_2410 = arith.constant 892 : index
    %get3A_2411 = memref.load %arg3[%get3A_2410] : memref<1108xf32, #tpu.memory_space<smem>>
    %mul3A_2412 = vector.broadcast %get3A_2411 : f32 to vector<8x128xf32>
    %mul3A_2413 = arith.mulf %add3A_2001, %mul3A_2412 : vector<8x128xf32>
    %add3A_2414 = arith.addf %add3A_2409, %mul3A_2413 : vector<8x128xf32>
    %get3A_2415 = arith.constant 908 : index
    %get3A_2416 = memref.load %arg3[%get3A_2415] : memref<1108xf32, #tpu.memory_space<smem>>
    %mul3A_2417 = vector.broadcast %get3A_2416 : f32 to vector<8x128xf32>
    %mul3A_2418 = arith.mulf %add3A_2028, %mul3A_2417 : vector<8x128xf32>
    %add3A_2419 = arith.addf %add3A_2414, %mul3A_2418 : vector<8x128xf32>
    %add3A_2420 = arith.addf %broadcast_in_dim3A_105, %add3A_2419 : vector<8x128xf32>
    %get3A_2421 = arith.constant 1052 : index
    %get3A_2422 = memref.load %arg3[%get3A_2421] : memref<1108xf32, #tpu.memory_space<smem>>
    %add3A_2423 = vector.broadcast %get3A_2422 : f32 to vector<8x128xf32>
    %add3A_2424 = arith.addf %add3A_2420, %add3A_2423 : vector<8x128xf32>
    %get3A_2425 = arith.constant 797 : index
    %get3A_2426 = memref.load %arg3[%get3A_2425] : memref<1108xf32, #tpu.memory_space<smem>>
    %mul3A_2427 = vector.broadcast %get3A_2426 : f32 to vector<8x128xf32>
    %mul3A_2428 = arith.mulf %add3A_1839, %mul3A_2427 : vector<8x128xf32>
    %get3A_2429 = arith.constant 813 : index
    %get3A_2430 = memref.load %arg3[%get3A_2429] : memref<1108xf32, #tpu.memory_space<smem>>
    %mul3A_2431 = vector.broadcast %get3A_2430 : f32 to vector<8x128xf32>
    %mul3A_2432 = arith.mulf %add3A_1866, %mul3A_2431 : vector<8x128xf32>
    %add3A_2433 = arith.addf %mul3A_2428, %mul3A_2432 : vector<8x128xf32>
    %get3A_2434 = arith.constant 829 : index
    %get3A_2435 = memref.load %arg3[%get3A_2434] : memref<1108xf32, #tpu.memory_space<smem>>
    %mul3A_2436 = vector.broadcast %get3A_2435 : f32 to vector<8x128xf32>
    %mul3A_2437 = arith.mulf %add3A_1893, %mul3A_2436 : vector<8x128xf32>
    %add3A_2438 = arith.addf %add3A_2433, %mul3A_2437 : vector<8x128xf32>
    %get3A_2439 = arith.constant 845 : index
    %get3A_2440 = memref.load %arg3[%get3A_2439] : memref<1108xf32, #tpu.memory_space<smem>>
    %mul3A_2441 = vector.broadcast %get3A_2440 : f32 to vector<8x128xf32>
    %mul3A_2442 = arith.mulf %add3A_1920, %mul3A_2441 : vector<8x128xf32>
    %add3A_2443 = arith.addf %add3A_2438, %mul3A_2442 : vector<8x128xf32>
    %get3A_2444 = arith.constant 861 : index
    %get3A_2445 = memref.load %arg3[%get3A_2444] : memref<1108xf32, #tpu.memory_space<smem>>
    %mul3A_2446 = vector.broadcast %get3A_2445 : f32 to vector<8x128xf32>
    %mul3A_2447 = arith.mulf %add3A_1947, %mul3A_2446 : vector<8x128xf32>
    %add3A_2448 = arith.addf %add3A_2443, %mul3A_2447 : vector<8x128xf32>
    %get3A_2449 = arith.constant 877 : index
    %get3A_2450 = memref.load %arg3[%get3A_2449] : memref<1108xf32, #tpu.memory_space<smem>>
    %mul3A_2451 = vector.broadcast %get3A_2450 : f32 to vector<8x128xf32>
    %mul3A_2452 = arith.mulf %add3A_1974, %mul3A_2451 : vector<8x128xf32>
    %add3A_2453 = arith.addf %add3A_2448, %mul3A_2452 : vector<8x128xf32>
    %get3A_2454 = arith.constant 893 : index
    %get3A_2455 = memref.load %arg3[%get3A_2454] : memref<1108xf32, #tpu.memory_space<smem>>
    %mul3A_2456 = vector.broadcast %get3A_2455 : f32 to vector<8x128xf32>
    %mul3A_2457 = arith.mulf %add3A_2001, %mul3A_2456 : vector<8x128xf32>
    %add3A_2458 = arith.addf %add3A_2453, %mul3A_2457 : vector<8x128xf32>
    %get3A_2459 = arith.constant 909 : index
    %get3A_2460 = memref.load %arg3[%get3A_2459] : memref<1108xf32, #tpu.memory_space<smem>>
    %mul3A_2461 = vector.broadcast %get3A_2460 : f32 to vector<8x128xf32>
    %mul3A_2462 = arith.mulf %add3A_2028, %mul3A_2461 : vector<8x128xf32>
    %add3A_2463 = arith.addf %add3A_2458, %mul3A_2462 : vector<8x128xf32>
    %add3A_2464 = arith.addf %broadcast_in_dim3A_108, %add3A_2463 : vector<8x128xf32>
    %get3A_2465 = arith.constant 1053 : index
    %get3A_2466 = memref.load %arg3[%get3A_2465] : memref<1108xf32, #tpu.memory_space<smem>>
    %add3A_2467 = vector.broadcast %get3A_2466 : f32 to vector<8x128xf32>
    %add3A_2468 = arith.addf %add3A_2464, %add3A_2467 : vector<8x128xf32>
    %get3A_2469 = arith.constant 798 : index
    %get3A_2470 = memref.load %arg3[%get3A_2469] : memref<1108xf32, #tpu.memory_space<smem>>
    %mul3A_2471 = vector.broadcast %get3A_2470 : f32 to vector<8x128xf32>
    %mul3A_2472 = arith.mulf %add3A_1839, %mul3A_2471 : vector<8x128xf32>
    %get3A_2473 = arith.constant 814 : index
    %get3A_2474 = memref.load %arg3[%get3A_2473] : memref<1108xf32, #tpu.memory_space<smem>>
    %mul3A_2475 = vector.broadcast %get3A_2474 : f32 to vector<8x128xf32>
    %mul3A_2476 = arith.mulf %add3A_1866, %mul3A_2475 : vector<8x128xf32>
    %add3A_2477 = arith.addf %mul3A_2472, %mul3A_2476 : vector<8x128xf32>
    %get3A_2478 = arith.constant 830 : index
    %get3A_2479 = memref.load %arg3[%get3A_2478] : memref<1108xf32, #tpu.memory_space<smem>>
    %mul3A_2480 = vector.broadcast %get3A_2479 : f32 to vector<8x128xf32>
    %mul3A_2481 = arith.mulf %add3A_1893, %mul3A_2480 : vector<8x128xf32>
    %add3A_2482 = arith.addf %add3A_2477, %mul3A_2481 : vector<8x128xf32>
    %get3A_2483 = arith.constant 846 : index
    %get3A_2484 = memref.load %arg3[%get3A_2483] : memref<1108xf32, #tpu.memory_space<smem>>
    %mul3A_2485 = vector.broadcast %get3A_2484 : f32 to vector<8x128xf32>
    %mul3A_2486 = arith.mulf %add3A_1920, %mul3A_2485 : vector<8x128xf32>
    %add3A_2487 = arith.addf %add3A_2482, %mul3A_2486 : vector<8x128xf32>
    %get3A_2488 = arith.constant 862 : index
    %get3A_2489 = memref.load %arg3[%get3A_2488] : memref<1108xf32, #tpu.memory_space<smem>>
    %mul3A_2490 = vector.broadcast %get3A_2489 : f32 to vector<8x128xf32>
    %mul3A_2491 = arith.mulf %add3A_1947, %mul3A_2490 : vector<8x128xf32>
    %add3A_2492 = arith.addf %add3A_2487, %mul3A_2491 : vector<8x128xf32>
    %get3A_2493 = arith.constant 878 : index
    %get3A_2494 = memref.load %arg3[%get3A_2493] : memref<1108xf32, #tpu.memory_space<smem>>
    %mul3A_2495 = vector.broadcast %get3A_2494 : f32 to vector<8x128xf32>
    %mul3A_2496 = arith.mulf %add3A_1974, %mul3A_2495 : vector<8x128xf32>
    %add3A_2497 = arith.addf %add3A_2492, %mul3A_2496 : vector<8x128xf32>
    %get3A_2498 = arith.constant 894 : index
    %get3A_2499 = memref.load %arg3[%get3A_2498] : memref<1108xf32, #tpu.memory_space<smem>>
    %mul3A_2500 = vector.broadcast %get3A_2499 : f32 to vector<8x128xf32>
    %mul3A_2501 = arith.mulf %add3A_2001, %mul3A_2500 : vector<8x128xf32>
    %add3A_2502 = arith.addf %add3A_2497, %mul3A_2501 : vector<8x128xf32>
    %get3A_2503 = arith.constant 910 : index
    %get3A_2504 = memref.load %arg3[%get3A_2503] : memref<1108xf32, #tpu.memory_space<smem>>
    %mul3A_2505 = vector.broadcast %get3A_2504 : f32 to vector<8x128xf32>
    %mul3A_2506 = arith.mulf %add3A_2028, %mul3A_2505 : vector<8x128xf32>
    %add3A_2507 = arith.addf %add3A_2502, %mul3A_2506 : vector<8x128xf32>
    %add3A_2508 = arith.addf %broadcast_in_dim3A_111, %add3A_2507 : vector<8x128xf32>
    %get3A_2509 = arith.constant 1054 : index
    %get3A_2510 = memref.load %arg3[%get3A_2509] : memref<1108xf32, #tpu.memory_space<smem>>
    %add3A_2511 = vector.broadcast %get3A_2510 : f32 to vector<8x128xf32>
    %add3A_2512 = arith.addf %add3A_2508, %add3A_2511 : vector<8x128xf32>
    %get3A_2513 = arith.constant 799 : index
    %get3A_2514 = memref.load %arg3[%get3A_2513] : memref<1108xf32, #tpu.memory_space<smem>>
    %mul3A_2515 = vector.broadcast %get3A_2514 : f32 to vector<8x128xf32>
    %mul3A_2516 = arith.mulf %add3A_1839, %mul3A_2515 : vector<8x128xf32>
    %get3A_2517 = arith.constant 815 : index
    %get3A_2518 = memref.load %arg3[%get3A_2517] : memref<1108xf32, #tpu.memory_space<smem>>
    %mul3A_2519 = vector.broadcast %get3A_2518 : f32 to vector<8x128xf32>
    %mul3A_2520 = arith.mulf %add3A_1866, %mul3A_2519 : vector<8x128xf32>
    %add3A_2521 = arith.addf %mul3A_2516, %mul3A_2520 : vector<8x128xf32>
    %get3A_2522 = arith.constant 831 : index
    %get3A_2523 = memref.load %arg3[%get3A_2522] : memref<1108xf32, #tpu.memory_space<smem>>
    %mul3A_2524 = vector.broadcast %get3A_2523 : f32 to vector<8x128xf32>
    %mul3A_2525 = arith.mulf %add3A_1893, %mul3A_2524 : vector<8x128xf32>
    %add3A_2526 = arith.addf %add3A_2521, %mul3A_2525 : vector<8x128xf32>
    %get3A_2527 = arith.constant 847 : index
    %get3A_2528 = memref.load %arg3[%get3A_2527] : memref<1108xf32, #tpu.memory_space<smem>>
    %mul3A_2529 = vector.broadcast %get3A_2528 : f32 to vector<8x128xf32>
    %mul3A_2530 = arith.mulf %add3A_1920, %mul3A_2529 : vector<8x128xf32>
    %add3A_2531 = arith.addf %add3A_2526, %mul3A_2530 : vector<8x128xf32>
    %get3A_2532 = arith.constant 863 : index
    %get3A_2533 = memref.load %arg3[%get3A_2532] : memref<1108xf32, #tpu.memory_space<smem>>
    %mul3A_2534 = vector.broadcast %get3A_2533 : f32 to vector<8x128xf32>
    %mul3A_2535 = arith.mulf %add3A_1947, %mul3A_2534 : vector<8x128xf32>
    %add3A_2536 = arith.addf %add3A_2531, %mul3A_2535 : vector<8x128xf32>
    %get3A_2537 = arith.constant 879 : index
    %get3A_2538 = memref.load %arg3[%get3A_2537] : memref<1108xf32, #tpu.memory_space<smem>>
    %mul3A_2539 = vector.broadcast %get3A_2538 : f32 to vector<8x128xf32>
    %mul3A_2540 = arith.mulf %add3A_1974, %mul3A_2539 : vector<8x128xf32>
    %add3A_2541 = arith.addf %add3A_2536, %mul3A_2540 : vector<8x128xf32>
    %get3A_2542 = arith.constant 895 : index
    %get3A_2543 = memref.load %arg3[%get3A_2542] : memref<1108xf32, #tpu.memory_space<smem>>
    %mul3A_2544 = vector.broadcast %get3A_2543 : f32 to vector<8x128xf32>
    %mul3A_2545 = arith.mulf %add3A_2001, %mul3A_2544 : vector<8x128xf32>
    %add3A_2546 = arith.addf %add3A_2541, %mul3A_2545 : vector<8x128xf32>
    %get3A_2547 = arith.constant 911 : index
    %get3A_2548 = memref.load %arg3[%get3A_2547] : memref<1108xf32, #tpu.memory_space<smem>>
    %mul3A_2549 = vector.broadcast %get3A_2548 : f32 to vector<8x128xf32>
    %mul3A_2550 = arith.mulf %add3A_2028, %mul3A_2549 : vector<8x128xf32>
    %add3A_2551 = arith.addf %add3A_2546, %mul3A_2550 : vector<8x128xf32>
    %add3A_2552 = arith.addf %broadcast_in_dim3A_114, %add3A_2551 : vector<8x128xf32>
    %get3A_2553 = arith.constant 1055 : index
    %get3A_2554 = memref.load %arg3[%get3A_2553] : memref<1108xf32, #tpu.memory_space<smem>>
    %add3A_2555 = vector.broadcast %get3A_2554 : f32 to vector<8x128xf32>
    %add3A_2556 = arith.addf %add3A_2552, %add3A_2555 : vector<8x128xf32>
    %get3A_2557 = arith.constant 800 : index
    %get3A_2558 = memref.load %arg3[%get3A_2557] : memref<1108xf32, #tpu.memory_space<smem>>
    %mul3A_2559 = vector.broadcast %get3A_2558 : f32 to vector<8x128xf32>
    %mul3A_2560 = arith.mulf %add3A_1839, %mul3A_2559 : vector<8x128xf32>
    %get3A_2561 = arith.constant 816 : index
    %get3A_2562 = memref.load %arg3[%get3A_2561] : memref<1108xf32, #tpu.memory_space<smem>>
    %mul3A_2563 = vector.broadcast %get3A_2562 : f32 to vector<8x128xf32>
    %mul3A_2564 = arith.mulf %add3A_1866, %mul3A_2563 : vector<8x128xf32>
    %add3A_2565 = arith.addf %mul3A_2560, %mul3A_2564 : vector<8x128xf32>
    %get3A_2566 = arith.constant 832 : index
    %get3A_2567 = memref.load %arg3[%get3A_2566] : memref<1108xf32, #tpu.memory_space<smem>>
    %mul3A_2568 = vector.broadcast %get3A_2567 : f32 to vector<8x128xf32>
    %mul3A_2569 = arith.mulf %add3A_1893, %mul3A_2568 : vector<8x128xf32>
    %add3A_2570 = arith.addf %add3A_2565, %mul3A_2569 : vector<8x128xf32>
    %get3A_2571 = arith.constant 848 : index
    %get3A_2572 = memref.load %arg3[%get3A_2571] : memref<1108xf32, #tpu.memory_space<smem>>
    %mul3A_2573 = vector.broadcast %get3A_2572 : f32 to vector<8x128xf32>
    %mul3A_2574 = arith.mulf %add3A_1920, %mul3A_2573 : vector<8x128xf32>
    %add3A_2575 = arith.addf %add3A_2570, %mul3A_2574 : vector<8x128xf32>
    %get3A_2576 = arith.constant 864 : index
    %get3A_2577 = memref.load %arg3[%get3A_2576] : memref<1108xf32, #tpu.memory_space<smem>>
    %mul3A_2578 = vector.broadcast %get3A_2577 : f32 to vector<8x128xf32>
    %mul3A_2579 = arith.mulf %add3A_1947, %mul3A_2578 : vector<8x128xf32>
    %add3A_2580 = arith.addf %add3A_2575, %mul3A_2579 : vector<8x128xf32>
    %get3A_2581 = arith.constant 880 : index
    %get3A_2582 = memref.load %arg3[%get3A_2581] : memref<1108xf32, #tpu.memory_space<smem>>
    %mul3A_2583 = vector.broadcast %get3A_2582 : f32 to vector<8x128xf32>
    %mul3A_2584 = arith.mulf %add3A_1974, %mul3A_2583 : vector<8x128xf32>
    %add3A_2585 = arith.addf %add3A_2580, %mul3A_2584 : vector<8x128xf32>
    %get3A_2586 = arith.constant 896 : index
    %get3A_2587 = memref.load %arg3[%get3A_2586] : memref<1108xf32, #tpu.memory_space<smem>>
    %mul3A_2588 = vector.broadcast %get3A_2587 : f32 to vector<8x128xf32>
    %mul3A_2589 = arith.mulf %add3A_2001, %mul3A_2588 : vector<8x128xf32>
    %add3A_2590 = arith.addf %add3A_2585, %mul3A_2589 : vector<8x128xf32>
    %get3A_2591 = arith.constant 912 : index
    %get3A_2592 = memref.load %arg3[%get3A_2591] : memref<1108xf32, #tpu.memory_space<smem>>
    %mul3A_2593 = vector.broadcast %get3A_2592 : f32 to vector<8x128xf32>
    %mul3A_2594 = arith.mulf %add3A_2028, %mul3A_2593 : vector<8x128xf32>
    %add3A_2595 = arith.addf %add3A_2590, %mul3A_2594 : vector<8x128xf32>
    %add3A_2596 = arith.addf %broadcast_in_dim3A_117, %add3A_2595 : vector<8x128xf32>
    %get3A_2597 = arith.constant 1056 : index
    %get3A_2598 = memref.load %arg3[%get3A_2597] : memref<1108xf32, #tpu.memory_space<smem>>
    %add3A_2599 = vector.broadcast %get3A_2598 : f32 to vector<8x128xf32>
    %add3A_2600 = arith.addf %add3A_2596, %add3A_2599 : vector<8x128xf32>
    %get3A_2601 = arith.constant 801 : index
    %get3A_2602 = memref.load %arg3[%get3A_2601] : memref<1108xf32, #tpu.memory_space<smem>>
    %mul3A_2603 = vector.broadcast %get3A_2602 : f32 to vector<8x128xf32>
    %mul3A_2604 = arith.mulf %add3A_1839, %mul3A_2603 : vector<8x128xf32>
    %get3A_2605 = arith.constant 817 : index
    %get3A_2606 = memref.load %arg3[%get3A_2605] : memref<1108xf32, #tpu.memory_space<smem>>
    %mul3A_2607 = vector.broadcast %get3A_2606 : f32 to vector<8x128xf32>
    %mul3A_2608 = arith.mulf %add3A_1866, %mul3A_2607 : vector<8x128xf32>
    %add3A_2609 = arith.addf %mul3A_2604, %mul3A_2608 : vector<8x128xf32>
    %get3A_2610 = arith.constant 833 : index
    %get3A_2611 = memref.load %arg3[%get3A_2610] : memref<1108xf32, #tpu.memory_space<smem>>
    %mul3A_2612 = vector.broadcast %get3A_2611 : f32 to vector<8x128xf32>
    %mul3A_2613 = arith.mulf %add3A_1893, %mul3A_2612 : vector<8x128xf32>
    %add3A_2614 = arith.addf %add3A_2609, %mul3A_2613 : vector<8x128xf32>
    %get3A_2615 = arith.constant 849 : index
    %get3A_2616 = memref.load %arg3[%get3A_2615] : memref<1108xf32, #tpu.memory_space<smem>>
    %mul3A_2617 = vector.broadcast %get3A_2616 : f32 to vector<8x128xf32>
    %mul3A_2618 = arith.mulf %add3A_1920, %mul3A_2617 : vector<8x128xf32>
    %add3A_2619 = arith.addf %add3A_2614, %mul3A_2618 : vector<8x128xf32>
    %get3A_2620 = arith.constant 865 : index
    %get3A_2621 = memref.load %arg3[%get3A_2620] : memref<1108xf32, #tpu.memory_space<smem>>
    %mul3A_2622 = vector.broadcast %get3A_2621 : f32 to vector<8x128xf32>
    %mul3A_2623 = arith.mulf %add3A_1947, %mul3A_2622 : vector<8x128xf32>
    %add3A_2624 = arith.addf %add3A_2619, %mul3A_2623 : vector<8x128xf32>
    %get3A_2625 = arith.constant 881 : index
    %get3A_2626 = memref.load %arg3[%get3A_2625] : memref<1108xf32, #tpu.memory_space<smem>>
    %mul3A_2627 = vector.broadcast %get3A_2626 : f32 to vector<8x128xf32>
    %mul3A_2628 = arith.mulf %add3A_1974, %mul3A_2627 : vector<8x128xf32>
    %add3A_2629 = arith.addf %add3A_2624, %mul3A_2628 : vector<8x128xf32>
    %get3A_2630 = arith.constant 897 : index
    %get3A_2631 = memref.load %arg3[%get3A_2630] : memref<1108xf32, #tpu.memory_space<smem>>
    %mul3A_2632 = vector.broadcast %get3A_2631 : f32 to vector<8x128xf32>
    %mul3A_2633 = arith.mulf %add3A_2001, %mul3A_2632 : vector<8x128xf32>
    %add3A_2634 = arith.addf %add3A_2629, %mul3A_2633 : vector<8x128xf32>
    %get3A_2635 = arith.constant 913 : index
    %get3A_2636 = memref.load %arg3[%get3A_2635] : memref<1108xf32, #tpu.memory_space<smem>>
    %mul3A_2637 = vector.broadcast %get3A_2636 : f32 to vector<8x128xf32>
    %mul3A_2638 = arith.mulf %add3A_2028, %mul3A_2637 : vector<8x128xf32>
    %add3A_2639 = arith.addf %add3A_2634, %mul3A_2638 : vector<8x128xf32>
    %add3A_2640 = arith.addf %broadcast_in_dim3A_120, %add3A_2639 : vector<8x128xf32>
    %get3A_2641 = arith.constant 1057 : index
    %get3A_2642 = memref.load %arg3[%get3A_2641] : memref<1108xf32, #tpu.memory_space<smem>>
    %add3A_2643 = vector.broadcast %get3A_2642 : f32 to vector<8x128xf32>
    %add3A_2644 = arith.addf %add3A_2640, %add3A_2643 : vector<8x128xf32>
    %get3A_2645 = arith.constant 802 : index
    %get3A_2646 = memref.load %arg3[%get3A_2645] : memref<1108xf32, #tpu.memory_space<smem>>
    %mul3A_2647 = vector.broadcast %get3A_2646 : f32 to vector<8x128xf32>
    %mul3A_2648 = arith.mulf %add3A_1839, %mul3A_2647 : vector<8x128xf32>
    %get3A_2649 = arith.constant 818 : index
    %get3A_2650 = memref.load %arg3[%get3A_2649] : memref<1108xf32, #tpu.memory_space<smem>>
    %mul3A_2651 = vector.broadcast %get3A_2650 : f32 to vector<8x128xf32>
    %mul3A_2652 = arith.mulf %add3A_1866, %mul3A_2651 : vector<8x128xf32>
    %add3A_2653 = arith.addf %mul3A_2648, %mul3A_2652 : vector<8x128xf32>
    %get3A_2654 = arith.constant 834 : index
    %get3A_2655 = memref.load %arg3[%get3A_2654] : memref<1108xf32, #tpu.memory_space<smem>>
    %mul3A_2656 = vector.broadcast %get3A_2655 : f32 to vector<8x128xf32>
    %mul3A_2657 = arith.mulf %add3A_1893, %mul3A_2656 : vector<8x128xf32>
    %add3A_2658 = arith.addf %add3A_2653, %mul3A_2657 : vector<8x128xf32>
    %get3A_2659 = arith.constant 850 : index
    %get3A_2660 = memref.load %arg3[%get3A_2659] : memref<1108xf32, #tpu.memory_space<smem>>
    %mul3A_2661 = vector.broadcast %get3A_2660 : f32 to vector<8x128xf32>
    %mul3A_2662 = arith.mulf %add3A_1920, %mul3A_2661 : vector<8x128xf32>
    %add3A_2663 = arith.addf %add3A_2658, %mul3A_2662 : vector<8x128xf32>
    %get3A_2664 = arith.constant 866 : index
    %get3A_2665 = memref.load %arg3[%get3A_2664] : memref<1108xf32, #tpu.memory_space<smem>>
    %mul3A_2666 = vector.broadcast %get3A_2665 : f32 to vector<8x128xf32>
    %mul3A_2667 = arith.mulf %add3A_1947, %mul3A_2666 : vector<8x128xf32>
    %add3A_2668 = arith.addf %add3A_2663, %mul3A_2667 : vector<8x128xf32>
    %get3A_2669 = arith.constant 882 : index
    %get3A_2670 = memref.load %arg3[%get3A_2669] : memref<1108xf32, #tpu.memory_space<smem>>
    %mul3A_2671 = vector.broadcast %get3A_2670 : f32 to vector<8x128xf32>
    %mul3A_2672 = arith.mulf %add3A_1974, %mul3A_2671 : vector<8x128xf32>
    %add3A_2673 = arith.addf %add3A_2668, %mul3A_2672 : vector<8x128xf32>
    %get3A_2674 = arith.constant 898 : index
    %get3A_2675 = memref.load %arg3[%get3A_2674] : memref<1108xf32, #tpu.memory_space<smem>>
    %mul3A_2676 = vector.broadcast %get3A_2675 : f32 to vector<8x128xf32>
    %mul3A_2677 = arith.mulf %add3A_2001, %mul3A_2676 : vector<8x128xf32>
    %add3A_2678 = arith.addf %add3A_2673, %mul3A_2677 : vector<8x128xf32>
    %get3A_2679 = arith.constant 914 : index
    %get3A_2680 = memref.load %arg3[%get3A_2679] : memref<1108xf32, #tpu.memory_space<smem>>
    %mul3A_2681 = vector.broadcast %get3A_2680 : f32 to vector<8x128xf32>
    %mul3A_2682 = arith.mulf %add3A_2028, %mul3A_2681 : vector<8x128xf32>
    %add3A_2683 = arith.addf %add3A_2678, %mul3A_2682 : vector<8x128xf32>
    %add3A_2684 = arith.addf %broadcast_in_dim3A_123, %add3A_2683 : vector<8x128xf32>
    %get3A_2685 = arith.constant 1058 : index
    %get3A_2686 = memref.load %arg3[%get3A_2685] : memref<1108xf32, #tpu.memory_space<smem>>
    %add3A_2687 = vector.broadcast %get3A_2686 : f32 to vector<8x128xf32>
    %add3A_2688 = arith.addf %add3A_2684, %add3A_2687 : vector<8x128xf32>
    %get3A_2689 = arith.constant 803 : index
    %get3A_2690 = memref.load %arg3[%get3A_2689] : memref<1108xf32, #tpu.memory_space<smem>>
    %mul3A_2691 = vector.broadcast %get3A_2690 : f32 to vector<8x128xf32>
    %mul3A_2692 = arith.mulf %add3A_1839, %mul3A_2691 : vector<8x128xf32>
    %get3A_2693 = arith.constant 819 : index
    %get3A_2694 = memref.load %arg3[%get3A_2693] : memref<1108xf32, #tpu.memory_space<smem>>
    %mul3A_2695 = vector.broadcast %get3A_2694 : f32 to vector<8x128xf32>
    %mul3A_2696 = arith.mulf %add3A_1866, %mul3A_2695 : vector<8x128xf32>
    %add3A_2697 = arith.addf %mul3A_2692, %mul3A_2696 : vector<8x128xf32>
    %get3A_2698 = arith.constant 835 : index
    %get3A_2699 = memref.load %arg3[%get3A_2698] : memref<1108xf32, #tpu.memory_space<smem>>
    %mul3A_2700 = vector.broadcast %get3A_2699 : f32 to vector<8x128xf32>
    %mul3A_2701 = arith.mulf %add3A_1893, %mul3A_2700 : vector<8x128xf32>
    %add3A_2702 = arith.addf %add3A_2697, %mul3A_2701 : vector<8x128xf32>
    %get3A_2703 = arith.constant 851 : index
    %get3A_2704 = memref.load %arg3[%get3A_2703] : memref<1108xf32, #tpu.memory_space<smem>>
    %mul3A_2705 = vector.broadcast %get3A_2704 : f32 to vector<8x128xf32>
    %mul3A_2706 = arith.mulf %add3A_1920, %mul3A_2705 : vector<8x128xf32>
    %add3A_2707 = arith.addf %add3A_2702, %mul3A_2706 : vector<8x128xf32>
    %get3A_2708 = arith.constant 867 : index
    %get3A_2709 = memref.load %arg3[%get3A_2708] : memref<1108xf32, #tpu.memory_space<smem>>
    %mul3A_2710 = vector.broadcast %get3A_2709 : f32 to vector<8x128xf32>
    %mul3A_2711 = arith.mulf %add3A_1947, %mul3A_2710 : vector<8x128xf32>
    %add3A_2712 = arith.addf %add3A_2707, %mul3A_2711 : vector<8x128xf32>
    %get3A_2713 = arith.constant 883 : index
    %get3A_2714 = memref.load %arg3[%get3A_2713] : memref<1108xf32, #tpu.memory_space<smem>>
    %mul3A_2715 = vector.broadcast %get3A_2714 : f32 to vector<8x128xf32>
    %mul3A_2716 = arith.mulf %add3A_1974, %mul3A_2715 : vector<8x128xf32>
    %add3A_2717 = arith.addf %add3A_2712, %mul3A_2716 : vector<8x128xf32>
    %get3A_2718 = arith.constant 899 : index
    %get3A_2719 = memref.load %arg3[%get3A_2718] : memref<1108xf32, #tpu.memory_space<smem>>
    %mul3A_2720 = vector.broadcast %get3A_2719 : f32 to vector<8x128xf32>
    %mul3A_2721 = arith.mulf %add3A_2001, %mul3A_2720 : vector<8x128xf32>
    %add3A_2722 = arith.addf %add3A_2717, %mul3A_2721 : vector<8x128xf32>
    %get3A_2723 = arith.constant 915 : index
    %get3A_2724 = memref.load %arg3[%get3A_2723] : memref<1108xf32, #tpu.memory_space<smem>>
    %mul3A_2725 = vector.broadcast %get3A_2724 : f32 to vector<8x128xf32>
    %mul3A_2726 = arith.mulf %add3A_2028, %mul3A_2725 : vector<8x128xf32>
    %add3A_2727 = arith.addf %add3A_2722, %mul3A_2726 : vector<8x128xf32>
    %add3A_2728 = arith.addf %broadcast_in_dim3A_126, %add3A_2727 : vector<8x128xf32>
    %get3A_2729 = arith.constant 1059 : index
    %get3A_2730 = memref.load %arg3[%get3A_2729] : memref<1108xf32, #tpu.memory_space<smem>>
    %add3A_2731 = vector.broadcast %get3A_2730 : f32 to vector<8x128xf32>
    %add3A_2732 = arith.addf %add3A_2728, %add3A_2731 : vector<8x128xf32>
    %get3A_2733 = arith.constant 72 : index
    %get3A_2734 = memref.load %arg3[%get3A_2733] : memref<1108xf32, #tpu.memory_space<smem>>
    %mul3A_2735 = vector.broadcast %get3A_2734 : f32 to vector<8x64x128xf32>
    %mul3A_2736 = arith.mulf %get3A_4, %mul3A_2735 : vector<8x64x128xf32>
    %get3A_2737 = arith.constant 78 : index
    %get3A_2738 = memref.load %arg3[%get3A_2737] : memref<1108xf32, #tpu.memory_space<smem>>
    %mul3A_2739 = vector.broadcast %get3A_2738 : f32 to vector<8x64x128xf32>
    %mul3A_2740 = arith.mulf %get3A_10, %mul3A_2739 : vector<8x64x128xf32>
    %add3A_2741 = arith.addf %mul3A_2736, %mul3A_2740 : vector<8x64x128xf32>
    %get3A_2742 = arith.constant 84 : index
    %get3A_2743 = memref.load %arg3[%get3A_2742] : memref<1108xf32, #tpu.memory_space<smem>>
    %mul3A_2744 = vector.broadcast %get3A_2743 : f32 to vector<8x64x128xf32>
    %mul3A_2745 = arith.mulf %get3A_16, %mul3A_2744 : vector<8x64x128xf32>
    %add3A_2746 = arith.addf %add3A_2741, %mul3A_2745 : vector<8x64x128xf32>
    %get3A_2747 = arith.constant 90 : index
    %get3A_2748 = memref.load %arg3[%get3A_2747] : memref<1108xf32, #tpu.memory_space<smem>>
    %mul3A_2749 = vector.broadcast %get3A_2748 : f32 to vector<8x64x128xf32>
    %mul3A_2750 = arith.mulf %get3A_22, %mul3A_2749 : vector<8x64x128xf32>
    %add3A_2751 = arith.addf %add3A_2746, %mul3A_2750 : vector<8x64x128xf32>
    %get3A_2752 = arith.constant 162 : index
    %get3A_2753 = memref.load %arg3[%get3A_2752] : memref<1108xf32, #tpu.memory_space<smem>>
    %add3A_2754 = vector.broadcast %get3A_2753 : f32 to vector<8x64x128xf32>
    %add3A_2755 = arith.addf %add3A_2751, %add3A_2754 : vector<8x64x128xf32>
    %exp3A_2756 = math.exp %add3A_2755 : vector<8x64x128xf32>
    %mul3A_2757 = arith.constant 5.000000e-01 : f32
    %mul3A_2758 = vector.broadcast %mul3A_2757 : f32 to vector<8x64x128xf32>
    %mul3A_2759 = arith.mulf %mul3A_2758, %exp3A_2756 : vector<8x64x128xf32>
    %add3A_2760 = arith.constant 5.000000e-01 : f32
    %add3A_2761 = vector.broadcast %add3A_2760 : f32 to vector<8x64x128xf32>
    %add3A_2762 = arith.addf %add3A_2761, %mul3A_2759 : vector<8x64x128xf32>
    %log3A_2763 = math.log %add3A_2762 : vector<8x64x128xf32>
    %get3A_2764 = arith.constant 73 : index
    %get3A_2765 = memref.load %arg3[%get3A_2764] : memref<1108xf32, #tpu.memory_space<smem>>
    %mul3A_2766 = vector.broadcast %get3A_2765 : f32 to vector<8x64x128xf32>
    %mul3A_2767 = arith.mulf %get3A_4, %mul3A_2766 : vector<8x64x128xf32>
    %get3A_2768 = arith.constant 79 : index
    %get3A_2769 = memref.load %arg3[%get3A_2768] : memref<1108xf32, #tpu.memory_space<smem>>
    %mul3A_2770 = vector.broadcast %get3A_2769 : f32 to vector<8x64x128xf32>
    %mul3A_2771 = arith.mulf %get3A_10, %mul3A_2770 : vector<8x64x128xf32>
    %add3A_2772 = arith.addf %mul3A_2767, %mul3A_2771 : vector<8x64x128xf32>
    %get3A_2773 = arith.constant 85 : index
    %get3A_2774 = memref.load %arg3[%get3A_2773] : memref<1108xf32, #tpu.memory_space<smem>>
    %mul3A_2775 = vector.broadcast %get3A_2774 : f32 to vector<8x64x128xf32>
    %mul3A_2776 = arith.mulf %get3A_16, %mul3A_2775 : vector<8x64x128xf32>
    %add3A_2777 = arith.addf %add3A_2772, %mul3A_2776 : vector<8x64x128xf32>
    %get3A_2778 = arith.constant 91 : index
    %get3A_2779 = memref.load %arg3[%get3A_2778] : memref<1108xf32, #tpu.memory_space<smem>>
    %mul3A_2780 = vector.broadcast %get3A_2779 : f32 to vector<8x64x128xf32>
    %mul3A_2781 = arith.mulf %get3A_22, %mul3A_2780 : vector<8x64x128xf32>
    %add3A_2782 = arith.addf %add3A_2777, %mul3A_2781 : vector<8x64x128xf32>
    %get3A_2783 = arith.constant 163 : index
    %get3A_2784 = memref.load %arg3[%get3A_2783] : memref<1108xf32, #tpu.memory_space<smem>>
    %add3A_2785 = vector.broadcast %get3A_2784 : f32 to vector<8x64x128xf32>
    %add3A_2786 = arith.addf %add3A_2782, %add3A_2785 : vector<8x64x128xf32>
    %exp3A_2787 = math.exp %add3A_2786 : vector<8x64x128xf32>
    %mul3A_2788 = arith.constant 5.000000e-01 : f32
    %mul3A_2789 = vector.broadcast %mul3A_2788 : f32 to vector<8x64x128xf32>
    %mul3A_2790 = arith.mulf %mul3A_2789, %exp3A_2787 : vector<8x64x128xf32>
    %add3A_2791 = arith.constant 5.000000e-01 : f32
    %add3A_2792 = vector.broadcast %add3A_2791 : f32 to vector<8x64x128xf32>
    %add3A_2793 = arith.addf %add3A_2792, %mul3A_2790 : vector<8x64x128xf32>
    %log3A_2794 = math.log %add3A_2793 : vector<8x64x128xf32>
    %get3A_2795 = arith.constant 74 : index
    %get3A_2796 = memref.load %arg3[%get3A_2795] : memref<1108xf32, #tpu.memory_space<smem>>
    %mul3A_2797 = vector.broadcast %get3A_2796 : f32 to vector<8x64x128xf32>
    %mul3A_2798 = arith.mulf %get3A_4, %mul3A_2797 : vector<8x64x128xf32>
    %get3A_2799 = arith.constant 80 : index
    %get3A_2800 = memref.load %arg3[%get3A_2799] : memref<1108xf32, #tpu.memory_space<smem>>
    %mul3A_2801 = vector.broadcast %get3A_2800 : f32 to vector<8x64x128xf32>
    %mul3A_2802 = arith.mulf %get3A_10, %mul3A_2801 : vector<8x64x128xf32>
    %add3A_2803 = arith.addf %mul3A_2798, %mul3A_2802 : vector<8x64x128xf32>
    %get3A_2804 = arith.constant 86 : index
    %get3A_2805 = memref.load %arg3[%get3A_2804] : memref<1108xf32, #tpu.memory_space<smem>>
    %mul3A_2806 = vector.broadcast %get3A_2805 : f32 to vector<8x64x128xf32>
    %mul3A_2807 = arith.mulf %get3A_16, %mul3A_2806 : vector<8x64x128xf32>
    %add3A_2808 = arith.addf %add3A_2803, %mul3A_2807 : vector<8x64x128xf32>
    %get3A_2809 = arith.constant 92 : index
    %get3A_2810 = memref.load %arg3[%get3A_2809] : memref<1108xf32, #tpu.memory_space<smem>>
    %mul3A_2811 = vector.broadcast %get3A_2810 : f32 to vector<8x64x128xf32>
    %mul3A_2812 = arith.mulf %get3A_22, %mul3A_2811 : vector<8x64x128xf32>
    %add3A_2813 = arith.addf %add3A_2808, %mul3A_2812 : vector<8x64x128xf32>
    %get3A_2814 = arith.constant 164 : index
    %get3A_2815 = memref.load %arg3[%get3A_2814] : memref<1108xf32, #tpu.memory_space<smem>>
    %add3A_2816 = vector.broadcast %get3A_2815 : f32 to vector<8x64x128xf32>
    %add3A_2817 = arith.addf %add3A_2813, %add3A_2816 : vector<8x64x128xf32>
    %exp3A_2818 = math.exp %add3A_2817 : vector<8x64x128xf32>
    %mul3A_2819 = arith.constant 5.000000e-01 : f32
    %mul3A_2820 = vector.broadcast %mul3A_2819 : f32 to vector<8x64x128xf32>
    %mul3A_2821 = arith.mulf %mul3A_2820, %exp3A_2818 : vector<8x64x128xf32>
    %add3A_2822 = arith.constant 5.000000e-01 : f32
    %add3A_2823 = vector.broadcast %add3A_2822 : f32 to vector<8x64x128xf32>
    %add3A_2824 = arith.addf %add3A_2823, %mul3A_2821 : vector<8x64x128xf32>
    %log3A_2825 = math.log %add3A_2824 : vector<8x64x128xf32>
    %get3A_2826 = arith.constant 75 : index
    %get3A_2827 = memref.load %arg3[%get3A_2826] : memref<1108xf32, #tpu.memory_space<smem>>
    %mul3A_2828 = vector.broadcast %get3A_2827 : f32 to vector<8x64x128xf32>
    %mul3A_2829 = arith.mulf %get3A_4, %mul3A_2828 : vector<8x64x128xf32>
    %get3A_2830 = arith.constant 81 : index
    %get3A_2831 = memref.load %arg3[%get3A_2830] : memref<1108xf32, #tpu.memory_space<smem>>
    %mul3A_2832 = vector.broadcast %get3A_2831 : f32 to vector<8x64x128xf32>
    %mul3A_2833 = arith.mulf %get3A_10, %mul3A_2832 : vector<8x64x128xf32>
    %add3A_2834 = arith.addf %mul3A_2829, %mul3A_2833 : vector<8x64x128xf32>
    %get3A_2835 = arith.constant 87 : index
    %get3A_2836 = memref.load %arg3[%get3A_2835] : memref<1108xf32, #tpu.memory_space<smem>>
    %mul3A_2837 = vector.broadcast %get3A_2836 : f32 to vector<8x64x128xf32>
    %mul3A_2838 = arith.mulf %get3A_16, %mul3A_2837 : vector<8x64x128xf32>
    %add3A_2839 = arith.addf %add3A_2834, %mul3A_2838 : vector<8x64x128xf32>
    %get3A_2840 = arith.constant 93 : index
    %get3A_2841 = memref.load %arg3[%get3A_2840] : memref<1108xf32, #tpu.memory_space<smem>>
    %mul3A_2842 = vector.broadcast %get3A_2841 : f32 to vector<8x64x128xf32>
    %mul3A_2843 = arith.mulf %get3A_22, %mul3A_2842 : vector<8x64x128xf32>
    %add3A_2844 = arith.addf %add3A_2839, %mul3A_2843 : vector<8x64x128xf32>
    %get3A_2845 = arith.constant 165 : index
    %get3A_2846 = memref.load %arg3[%get3A_2845] : memref<1108xf32, #tpu.memory_space<smem>>
    %add3A_2847 = vector.broadcast %get3A_2846 : f32 to vector<8x64x128xf32>
    %add3A_2848 = arith.addf %add3A_2844, %add3A_2847 : vector<8x64x128xf32>
    %exp3A_2849 = math.exp %add3A_2848 : vector<8x64x128xf32>
    %mul3A_2850 = arith.constant 5.000000e-01 : f32
    %mul3A_2851 = vector.broadcast %mul3A_2850 : f32 to vector<8x64x128xf32>
    %mul3A_2852 = arith.mulf %mul3A_2851, %exp3A_2849 : vector<8x64x128xf32>
    %add3A_2853 = arith.constant 5.000000e-01 : f32
    %add3A_2854 = vector.broadcast %add3A_2853 : f32 to vector<8x64x128xf32>
    %add3A_2855 = arith.addf %add3A_2854, %mul3A_2852 : vector<8x64x128xf32>
    %log3A_2856 = math.log %add3A_2855 : vector<8x64x128xf32>
    %get3A_2857 = arith.constant 76 : index
    %get3A_2858 = memref.load %arg3[%get3A_2857] : memref<1108xf32, #tpu.memory_space<smem>>
    %mul3A_2859 = vector.broadcast %get3A_2858 : f32 to vector<8x64x128xf32>
    %mul3A_2860 = arith.mulf %get3A_4, %mul3A_2859 : vector<8x64x128xf32>
    %get3A_2861 = arith.constant 82 : index
    %get3A_2862 = memref.load %arg3[%get3A_2861] : memref<1108xf32, #tpu.memory_space<smem>>
    %mul3A_2863 = vector.broadcast %get3A_2862 : f32 to vector<8x64x128xf32>
    %mul3A_2864 = arith.mulf %get3A_10, %mul3A_2863 : vector<8x64x128xf32>
    %add3A_2865 = arith.addf %mul3A_2860, %mul3A_2864 : vector<8x64x128xf32>
    %get3A_2866 = arith.constant 88 : index
    %get3A_2867 = memref.load %arg3[%get3A_2866] : memref<1108xf32, #tpu.memory_space<smem>>
    %mul3A_2868 = vector.broadcast %get3A_2867 : f32 to vector<8x64x128xf32>
    %mul3A_2869 = arith.mulf %get3A_16, %mul3A_2868 : vector<8x64x128xf32>
    %add3A_2870 = arith.addf %add3A_2865, %mul3A_2869 : vector<8x64x128xf32>
    %get3A_2871 = arith.constant 94 : index
    %get3A_2872 = memref.load %arg3[%get3A_2871] : memref<1108xf32, #tpu.memory_space<smem>>
    %mul3A_2873 = vector.broadcast %get3A_2872 : f32 to vector<8x64x128xf32>
    %mul3A_2874 = arith.mulf %get3A_22, %mul3A_2873 : vector<8x64x128xf32>
    %add3A_2875 = arith.addf %add3A_2870, %mul3A_2874 : vector<8x64x128xf32>
    %get3A_2876 = arith.constant 166 : index
    %get3A_2877 = memref.load %arg3[%get3A_2876] : memref<1108xf32, #tpu.memory_space<smem>>
    %add3A_2878 = vector.broadcast %get3A_2877 : f32 to vector<8x64x128xf32>
    %add3A_2879 = arith.addf %add3A_2875, %add3A_2878 : vector<8x64x128xf32>
    %exp3A_2880 = math.exp %add3A_2879 : vector<8x64x128xf32>
    %mul3A_2881 = arith.constant 5.000000e-01 : f32
    %mul3A_2882 = vector.broadcast %mul3A_2881 : f32 to vector<8x64x128xf32>
    %mul3A_2883 = arith.mulf %mul3A_2882, %exp3A_2880 : vector<8x64x128xf32>
    %add3A_2884 = arith.constant 5.000000e-01 : f32
    %add3A_2885 = vector.broadcast %add3A_2884 : f32 to vector<8x64x128xf32>
    %add3A_2886 = arith.addf %add3A_2885, %mul3A_2883 : vector<8x64x128xf32>
    %log3A_2887 = math.log %add3A_2886 : vector<8x64x128xf32>
    %get3A_2888 = arith.constant 77 : index
    %get3A_2889 = memref.load %arg3[%get3A_2888] : memref<1108xf32, #tpu.memory_space<smem>>
    %mul3A_2890 = vector.broadcast %get3A_2889 : f32 to vector<8x64x128xf32>
    %mul3A_2891 = arith.mulf %get3A_4, %mul3A_2890 : vector<8x64x128xf32>
    %get3A_2892 = arith.constant 83 : index
    %get3A_2893 = memref.load %arg3[%get3A_2892] : memref<1108xf32, #tpu.memory_space<smem>>
    %mul3A_2894 = vector.broadcast %get3A_2893 : f32 to vector<8x64x128xf32>
    %mul3A_2895 = arith.mulf %get3A_10, %mul3A_2894 : vector<8x64x128xf32>
    %add3A_2896 = arith.addf %mul3A_2891, %mul3A_2895 : vector<8x64x128xf32>
    %get3A_2897 = arith.constant 89 : index
    %get3A_2898 = memref.load %arg3[%get3A_2897] : memref<1108xf32, #tpu.memory_space<smem>>
    %mul3A_2899 = vector.broadcast %get3A_2898 : f32 to vector<8x64x128xf32>
    %mul3A_2900 = arith.mulf %get3A_16, %mul3A_2899 : vector<8x64x128xf32>
    %add3A_2901 = arith.addf %add3A_2896, %mul3A_2900 : vector<8x64x128xf32>
    %get3A_2902 = arith.constant 95 : index
    %get3A_2903 = memref.load %arg3[%get3A_2902] : memref<1108xf32, #tpu.memory_space<smem>>
    %mul3A_2904 = vector.broadcast %get3A_2903 : f32 to vector<8x64x128xf32>
    %mul3A_2905 = arith.mulf %get3A_22, %mul3A_2904 : vector<8x64x128xf32>
    %add3A_2906 = arith.addf %add3A_2901, %mul3A_2905 : vector<8x64x128xf32>
    %get3A_2907 = arith.constant 167 : index
    %get3A_2908 = memref.load %arg3[%get3A_2907] : memref<1108xf32, #tpu.memory_space<smem>>
    %add3A_2909 = vector.broadcast %get3A_2908 : f32 to vector<8x64x128xf32>
    %add3A_2910 = arith.addf %add3A_2906, %add3A_2909 : vector<8x64x128xf32>
    %exp3A_2911 = math.exp %add3A_2910 : vector<8x64x128xf32>
    %mul3A_2912 = arith.constant 5.000000e-01 : f32
    %mul3A_2913 = vector.broadcast %mul3A_2912 : f32 to vector<8x64x128xf32>
    %mul3A_2914 = arith.mulf %mul3A_2913, %exp3A_2911 : vector<8x64x128xf32>
    %add3A_2915 = arith.constant 5.000000e-01 : f32
    %add3A_2916 = vector.broadcast %add3A_2915 : f32 to vector<8x64x128xf32>
    %add3A_2917 = arith.addf %add3A_2916, %mul3A_2914 : vector<8x64x128xf32>
    %log3A_2918 = math.log %add3A_2917 : vector<8x64x128xf32>
    %get3A_2919 = arith.constant 324 : index
    %get3A_2920 = memref.load %arg3[%get3A_2919] : memref<1108xf32, #tpu.memory_space<smem>>
    %mul3A_2921 = vector.broadcast %get3A_2920 : f32 to vector<8x64x128xf32>
    %mul3A_2922 = arith.mulf %log3A_2763, %mul3A_2921 : vector<8x64x128xf32>
    %get3A_2923 = arith.constant 332 : index
    %get3A_2924 = memref.load %arg3[%get3A_2923] : memref<1108xf32, #tpu.memory_space<smem>>
    %mul3A_2925 = vector.broadcast %get3A_2924 : f32 to vector<8x64x128xf32>
    %mul3A_2926 = arith.mulf %log3A_2794, %mul3A_2925 : vector<8x64x128xf32>
    %add3A_2927 = arith.addf %mul3A_2922, %mul3A_2926 : vector<8x64x128xf32>
    %get3A_2928 = arith.constant 340 : index
    %get3A_2929 = memref.load %arg3[%get3A_2928] : memref<1108xf32, #tpu.memory_space<smem>>
    %mul3A_2930 = vector.broadcast %get3A_2929 : f32 to vector<8x64x128xf32>
    %mul3A_2931 = arith.mulf %log3A_2825, %mul3A_2930 : vector<8x64x128xf32>
    %add3A_2932 = arith.addf %add3A_2927, %mul3A_2931 : vector<8x64x128xf32>
    %get3A_2933 = arith.constant 348 : index
    %get3A_2934 = memref.load %arg3[%get3A_2933] : memref<1108xf32, #tpu.memory_space<smem>>
    %mul3A_2935 = vector.broadcast %get3A_2934 : f32 to vector<8x64x128xf32>
    %mul3A_2936 = arith.mulf %log3A_2856, %mul3A_2935 : vector<8x64x128xf32>
    %add3A_2937 = arith.addf %add3A_2932, %mul3A_2936 : vector<8x64x128xf32>
    %get3A_2938 = arith.constant 356 : index
    %get3A_2939 = memref.load %arg3[%get3A_2938] : memref<1108xf32, #tpu.memory_space<smem>>
    %mul3A_2940 = vector.broadcast %get3A_2939 : f32 to vector<8x64x128xf32>
    %mul3A_2941 = arith.mulf %log3A_2887, %mul3A_2940 : vector<8x64x128xf32>
    %add3A_2942 = arith.addf %add3A_2937, %mul3A_2941 : vector<8x64x128xf32>
    %get3A_2943 = arith.constant 364 : index
    %get3A_2944 = memref.load %arg3[%get3A_2943] : memref<1108xf32, #tpu.memory_space<smem>>
    %mul3A_2945 = vector.broadcast %get3A_2944 : f32 to vector<8x64x128xf32>
    %mul3A_2946 = arith.mulf %log3A_2918, %mul3A_2945 : vector<8x64x128xf32>
    %add3A_2947 = arith.addf %add3A_2942, %mul3A_2946 : vector<8x64x128xf32>
    %get3A_2948 = arith.constant 492 : index
    %get3A_2949 = memref.load %arg3[%get3A_2948] : memref<1108xf32, #tpu.memory_space<smem>>
    %add3A_2950 = vector.broadcast %get3A_2949 : f32 to vector<8x64x128xf32>
    %add3A_2951 = arith.addf %add3A_2947, %add3A_2950 : vector<8x64x128xf32>
    %exp3A_2952 = math.exp %add3A_2951 : vector<8x64x128xf32>
    %mul3A_2953 = arith.constant 5.000000e-01 : f32
    %mul3A_2954 = vector.broadcast %mul3A_2953 : f32 to vector<8x64x128xf32>
    %mul3A_2955 = arith.mulf %mul3A_2954, %exp3A_2952 : vector<8x64x128xf32>
    %add3A_2956 = arith.constant 5.000000e-01 : f32
    %add3A_2957 = vector.broadcast %add3A_2956 : f32 to vector<8x64x128xf32>
    %add3A_2958 = arith.addf %add3A_2957, %mul3A_2955 : vector<8x64x128xf32>
    %log3A_2959 = math.log %add3A_2958 : vector<8x64x128xf32>
    %get3A_2960 = arith.constant 325 : index
    %get3A_2961 = memref.load %arg3[%get3A_2960] : memref<1108xf32, #tpu.memory_space<smem>>
    %mul3A_2962 = vector.broadcast %get3A_2961 : f32 to vector<8x64x128xf32>
    %mul3A_2963 = arith.mulf %log3A_2763, %mul3A_2962 : vector<8x64x128xf32>
    %get3A_2964 = arith.constant 333 : index
    %get3A_2965 = memref.load %arg3[%get3A_2964] : memref<1108xf32, #tpu.memory_space<smem>>
    %mul3A_2966 = vector.broadcast %get3A_2965 : f32 to vector<8x64x128xf32>
    %mul3A_2967 = arith.mulf %log3A_2794, %mul3A_2966 : vector<8x64x128xf32>
    %add3A_2968 = arith.addf %mul3A_2963, %mul3A_2967 : vector<8x64x128xf32>
    %get3A_2969 = arith.constant 341 : index
    %get3A_2970 = memref.load %arg3[%get3A_2969] : memref<1108xf32, #tpu.memory_space<smem>>
    %mul3A_2971 = vector.broadcast %get3A_2970 : f32 to vector<8x64x128xf32>
    %mul3A_2972 = arith.mulf %log3A_2825, %mul3A_2971 : vector<8x64x128xf32>
    %add3A_2973 = arith.addf %add3A_2968, %mul3A_2972 : vector<8x64x128xf32>
    %get3A_2974 = arith.constant 349 : index
    %get3A_2975 = memref.load %arg3[%get3A_2974] : memref<1108xf32, #tpu.memory_space<smem>>
    %mul3A_2976 = vector.broadcast %get3A_2975 : f32 to vector<8x64x128xf32>
    %mul3A_2977 = arith.mulf %log3A_2856, %mul3A_2976 : vector<8x64x128xf32>
    %add3A_2978 = arith.addf %add3A_2973, %mul3A_2977 : vector<8x64x128xf32>
    %get3A_2979 = arith.constant 357 : index
    %get3A_2980 = memref.load %arg3[%get3A_2979] : memref<1108xf32, #tpu.memory_space<smem>>
    %mul3A_2981 = vector.broadcast %get3A_2980 : f32 to vector<8x64x128xf32>
    %mul3A_2982 = arith.mulf %log3A_2887, %mul3A_2981 : vector<8x64x128xf32>
    %add3A_2983 = arith.addf %add3A_2978, %mul3A_2982 : vector<8x64x128xf32>
    %get3A_2984 = arith.constant 365 : index
    %get3A_2985 = memref.load %arg3[%get3A_2984] : memref<1108xf32, #tpu.memory_space<smem>>
    %mul3A_2986 = vector.broadcast %get3A_2985 : f32 to vector<8x64x128xf32>
    %mul3A_2987 = arith.mulf %log3A_2918, %mul3A_2986 : vector<8x64x128xf32>
    %add3A_2988 = arith.addf %add3A_2983, %mul3A_2987 : vector<8x64x128xf32>
    %get3A_2989 = arith.constant 493 : index
    %get3A_2990 = memref.load %arg3[%get3A_2989] : memref<1108xf32, #tpu.memory_space<smem>>
    %add3A_2991 = vector.broadcast %get3A_2990 : f32 to vector<8x64x128xf32>
    %add3A_2992 = arith.addf %add3A_2988, %add3A_2991 : vector<8x64x128xf32>
    %exp3A_2993 = math.exp %add3A_2992 : vector<8x64x128xf32>
    %mul3A_2994 = arith.constant 5.000000e-01 : f32
    %mul3A_2995 = vector.broadcast %mul3A_2994 : f32 to vector<8x64x128xf32>
    %mul3A_2996 = arith.mulf %mul3A_2995, %exp3A_2993 : vector<8x64x128xf32>
    %add3A_2997 = arith.constant 5.000000e-01 : f32
    %add3A_2998 = vector.broadcast %add3A_2997 : f32 to vector<8x64x128xf32>
    %add3A_2999 = arith.addf %add3A_2998, %mul3A_2996 : vector<8x64x128xf32>
    %log3A_3000 = math.log %add3A_2999 : vector<8x64x128xf32>
    %get3A_3001 = arith.constant 326 : index
    %get3A_3002 = memref.load %arg3[%get3A_3001] : memref<1108xf32, #tpu.memory_space<smem>>
    %mul3A_3003 = vector.broadcast %get3A_3002 : f32 to vector<8x64x128xf32>
    %mul3A_3004 = arith.mulf %log3A_2763, %mul3A_3003 : vector<8x64x128xf32>
    %get3A_3005 = arith.constant 334 : index
    %get3A_3006 = memref.load %arg3[%get3A_3005] : memref<1108xf32, #tpu.memory_space<smem>>
    %mul3A_3007 = vector.broadcast %get3A_3006 : f32 to vector<8x64x128xf32>
    %mul3A_3008 = arith.mulf %log3A_2794, %mul3A_3007 : vector<8x64x128xf32>
    %add3A_3009 = arith.addf %mul3A_3004, %mul3A_3008 : vector<8x64x128xf32>
    %get3A_3010 = arith.constant 342 : index
    %get3A_3011 = memref.load %arg3[%get3A_3010] : memref<1108xf32, #tpu.memory_space<smem>>
    %mul3A_3012 = vector.broadcast %get3A_3011 : f32 to vector<8x64x128xf32>
    %mul3A_3013 = arith.mulf %log3A_2825, %mul3A_3012 : vector<8x64x128xf32>
    %add3A_3014 = arith.addf %add3A_3009, %mul3A_3013 : vector<8x64x128xf32>
    %get3A_3015 = arith.constant 350 : index
    %get3A_3016 = memref.load %arg3[%get3A_3015] : memref<1108xf32, #tpu.memory_space<smem>>
    %mul3A_3017 = vector.broadcast %get3A_3016 : f32 to vector<8x64x128xf32>
    %mul3A_3018 = arith.mulf %log3A_2856, %mul3A_3017 : vector<8x64x128xf32>
    %add3A_3019 = arith.addf %add3A_3014, %mul3A_3018 : vector<8x64x128xf32>
    %get3A_3020 = arith.constant 358 : index
    %get3A_3021 = memref.load %arg3[%get3A_3020] : memref<1108xf32, #tpu.memory_space<smem>>
    %mul3A_3022 = vector.broadcast %get3A_3021 : f32 to vector<8x64x128xf32>
    %mul3A_3023 = arith.mulf %log3A_2887, %mul3A_3022 : vector<8x64x128xf32>
    %add3A_3024 = arith.addf %add3A_3019, %mul3A_3023 : vector<8x64x128xf32>
    %get3A_3025 = arith.constant 366 : index
    %get3A_3026 = memref.load %arg3[%get3A_3025] : memref<1108xf32, #tpu.memory_space<smem>>
    %mul3A_3027 = vector.broadcast %get3A_3026 : f32 to vector<8x64x128xf32>
    %mul3A_3028 = arith.mulf %log3A_2918, %mul3A_3027 : vector<8x64x128xf32>
    %add3A_3029 = arith.addf %add3A_3024, %mul3A_3028 : vector<8x64x128xf32>
    %get3A_3030 = arith.constant 494 : index
    %get3A_3031 = memref.load %arg3[%get3A_3030] : memref<1108xf32, #tpu.memory_space<smem>>
    %add3A_3032 = vector.broadcast %get3A_3031 : f32 to vector<8x64x128xf32>
    %add3A_3033 = arith.addf %add3A_3029, %add3A_3032 : vector<8x64x128xf32>
    %exp3A_3034 = math.exp %add3A_3033 : vector<8x64x128xf32>
    %mul3A_3035 = arith.constant 5.000000e-01 : f32
    %mul3A_3036 = vector.broadcast %mul3A_3035 : f32 to vector<8x64x128xf32>
    %mul3A_3037 = arith.mulf %mul3A_3036, %exp3A_3034 : vector<8x64x128xf32>
    %add3A_3038 = arith.constant 5.000000e-01 : f32
    %add3A_3039 = vector.broadcast %add3A_3038 : f32 to vector<8x64x128xf32>
    %add3A_3040 = arith.addf %add3A_3039, %mul3A_3037 : vector<8x64x128xf32>
    %log3A_3041 = math.log %add3A_3040 : vector<8x64x128xf32>
    %get3A_3042 = arith.constant 327 : index
    %get3A_3043 = memref.load %arg3[%get3A_3042] : memref<1108xf32, #tpu.memory_space<smem>>
    %mul3A_3044 = vector.broadcast %get3A_3043 : f32 to vector<8x64x128xf32>
    %mul3A_3045 = arith.mulf %log3A_2763, %mul3A_3044 : vector<8x64x128xf32>
    %get3A_3046 = arith.constant 335 : index
    %get3A_3047 = memref.load %arg3[%get3A_3046] : memref<1108xf32, #tpu.memory_space<smem>>
    %mul3A_3048 = vector.broadcast %get3A_3047 : f32 to vector<8x64x128xf32>
    %mul3A_3049 = arith.mulf %log3A_2794, %mul3A_3048 : vector<8x64x128xf32>
    %add3A_3050 = arith.addf %mul3A_3045, %mul3A_3049 : vector<8x64x128xf32>
    %get3A_3051 = arith.constant 343 : index
    %get3A_3052 = memref.load %arg3[%get3A_3051] : memref<1108xf32, #tpu.memory_space<smem>>
    %mul3A_3053 = vector.broadcast %get3A_3052 : f32 to vector<8x64x128xf32>
    %mul3A_3054 = arith.mulf %log3A_2825, %mul3A_3053 : vector<8x64x128xf32>
    %add3A_3055 = arith.addf %add3A_3050, %mul3A_3054 : vector<8x64x128xf32>
    %get3A_3056 = arith.constant 351 : index
    %get3A_3057 = memref.load %arg3[%get3A_3056] : memref<1108xf32, #tpu.memory_space<smem>>
    %mul3A_3058 = vector.broadcast %get3A_3057 : f32 to vector<8x64x128xf32>
    %mul3A_3059 = arith.mulf %log3A_2856, %mul3A_3058 : vector<8x64x128xf32>
    %add3A_3060 = arith.addf %add3A_3055, %mul3A_3059 : vector<8x64x128xf32>
    %get3A_3061 = arith.constant 359 : index
    %get3A_3062 = memref.load %arg3[%get3A_3061] : memref<1108xf32, #tpu.memory_space<smem>>
    %mul3A_3063 = vector.broadcast %get3A_3062 : f32 to vector<8x64x128xf32>
    %mul3A_3064 = arith.mulf %log3A_2887, %mul3A_3063 : vector<8x64x128xf32>
    %add3A_3065 = arith.addf %add3A_3060, %mul3A_3064 : vector<8x64x128xf32>
    %get3A_3066 = arith.constant 367 : index
    %get3A_3067 = memref.load %arg3[%get3A_3066] : memref<1108xf32, #tpu.memory_space<smem>>
    %mul3A_3068 = vector.broadcast %get3A_3067 : f32 to vector<8x64x128xf32>
    %mul3A_3069 = arith.mulf %log3A_2918, %mul3A_3068 : vector<8x64x128xf32>
    %add3A_3070 = arith.addf %add3A_3065, %mul3A_3069 : vector<8x64x128xf32>
    %get3A_3071 = arith.constant 495 : index
    %get3A_3072 = memref.load %arg3[%get3A_3071] : memref<1108xf32, #tpu.memory_space<smem>>
    %add3A_3073 = vector.broadcast %get3A_3072 : f32 to vector<8x64x128xf32>
    %add3A_3074 = arith.addf %add3A_3070, %add3A_3073 : vector<8x64x128xf32>
    %exp3A_3075 = math.exp %add3A_3074 : vector<8x64x128xf32>
    %mul3A_3076 = arith.constant 5.000000e-01 : f32
    %mul3A_3077 = vector.broadcast %mul3A_3076 : f32 to vector<8x64x128xf32>
    %mul3A_3078 = arith.mulf %mul3A_3077, %exp3A_3075 : vector<8x64x128xf32>
    %add3A_3079 = arith.constant 5.000000e-01 : f32
    %add3A_3080 = vector.broadcast %add3A_3079 : f32 to vector<8x64x128xf32>
    %add3A_3081 = arith.addf %add3A_3080, %mul3A_3078 : vector<8x64x128xf32>
    %log3A_3082 = math.log %add3A_3081 : vector<8x64x128xf32>
    %get3A_3083 = arith.constant 328 : index
    %get3A_3084 = memref.load %arg3[%get3A_3083] : memref<1108xf32, #tpu.memory_space<smem>>
    %mul3A_3085 = vector.broadcast %get3A_3084 : f32 to vector<8x64x128xf32>
    %mul3A_3086 = arith.mulf %log3A_2763, %mul3A_3085 : vector<8x64x128xf32>
    %get3A_3087 = arith.constant 336 : index
    %get3A_3088 = memref.load %arg3[%get3A_3087] : memref<1108xf32, #tpu.memory_space<smem>>
    %mul3A_3089 = vector.broadcast %get3A_3088 : f32 to vector<8x64x128xf32>
    %mul3A_3090 = arith.mulf %log3A_2794, %mul3A_3089 : vector<8x64x128xf32>
    %add3A_3091 = arith.addf %mul3A_3086, %mul3A_3090 : vector<8x64x128xf32>
    %get3A_3092 = arith.constant 344 : index
    %get3A_3093 = memref.load %arg3[%get3A_3092] : memref<1108xf32, #tpu.memory_space<smem>>
    %mul3A_3094 = vector.broadcast %get3A_3093 : f32 to vector<8x64x128xf32>
    %mul3A_3095 = arith.mulf %log3A_2825, %mul3A_3094 : vector<8x64x128xf32>
    %add3A_3096 = arith.addf %add3A_3091, %mul3A_3095 : vector<8x64x128xf32>
    %get3A_3097 = arith.constant 352 : index
    %get3A_3098 = memref.load %arg3[%get3A_3097] : memref<1108xf32, #tpu.memory_space<smem>>
    %mul3A_3099 = vector.broadcast %get3A_3098 : f32 to vector<8x64x128xf32>
    %mul3A_3100 = arith.mulf %log3A_2856, %mul3A_3099 : vector<8x64x128xf32>
    %add3A_3101 = arith.addf %add3A_3096, %mul3A_3100 : vector<8x64x128xf32>
    %get3A_3102 = arith.constant 360 : index
    %get3A_3103 = memref.load %arg3[%get3A_3102] : memref<1108xf32, #tpu.memory_space<smem>>
    %mul3A_3104 = vector.broadcast %get3A_3103 : f32 to vector<8x64x128xf32>
    %mul3A_3105 = arith.mulf %log3A_2887, %mul3A_3104 : vector<8x64x128xf32>
    %add3A_3106 = arith.addf %add3A_3101, %mul3A_3105 : vector<8x64x128xf32>
    %get3A_3107 = arith.constant 368 : index
    %get3A_3108 = memref.load %arg3[%get3A_3107] : memref<1108xf32, #tpu.memory_space<smem>>
    %mul3A_3109 = vector.broadcast %get3A_3108 : f32 to vector<8x64x128xf32>
    %mul3A_3110 = arith.mulf %log3A_2918, %mul3A_3109 : vector<8x64x128xf32>
    %add3A_3111 = arith.addf %add3A_3106, %mul3A_3110 : vector<8x64x128xf32>
    %get3A_3112 = arith.constant 496 : index
    %get3A_3113 = memref.load %arg3[%get3A_3112] : memref<1108xf32, #tpu.memory_space<smem>>
    %add3A_3114 = vector.broadcast %get3A_3113 : f32 to vector<8x64x128xf32>
    %add3A_3115 = arith.addf %add3A_3111, %add3A_3114 : vector<8x64x128xf32>
    %exp3A_3116 = math.exp %add3A_3115 : vector<8x64x128xf32>
    %mul3A_3117 = arith.constant 5.000000e-01 : f32
    %mul3A_3118 = vector.broadcast %mul3A_3117 : f32 to vector<8x64x128xf32>
    %mul3A_3119 = arith.mulf %mul3A_3118, %exp3A_3116 : vector<8x64x128xf32>
    %add3A_3120 = arith.constant 5.000000e-01 : f32
    %add3A_3121 = vector.broadcast %add3A_3120 : f32 to vector<8x64x128xf32>
    %add3A_3122 = arith.addf %add3A_3121, %mul3A_3119 : vector<8x64x128xf32>
    %log3A_3123 = math.log %add3A_3122 : vector<8x64x128xf32>
    %get3A_3124 = arith.constant 329 : index
    %get3A_3125 = memref.load %arg3[%get3A_3124] : memref<1108xf32, #tpu.memory_space<smem>>
    %mul3A_3126 = vector.broadcast %get3A_3125 : f32 to vector<8x64x128xf32>
    %mul3A_3127 = arith.mulf %log3A_2763, %mul3A_3126 : vector<8x64x128xf32>
    %get3A_3128 = arith.constant 337 : index
    %get3A_3129 = memref.load %arg3[%get3A_3128] : memref<1108xf32, #tpu.memory_space<smem>>
    %mul3A_3130 = vector.broadcast %get3A_3129 : f32 to vector<8x64x128xf32>
    %mul3A_3131 = arith.mulf %log3A_2794, %mul3A_3130 : vector<8x64x128xf32>
    %add3A_3132 = arith.addf %mul3A_3127, %mul3A_3131 : vector<8x64x128xf32>
    %get3A_3133 = arith.constant 345 : index
    %get3A_3134 = memref.load %arg3[%get3A_3133] : memref<1108xf32, #tpu.memory_space<smem>>
    %mul3A_3135 = vector.broadcast %get3A_3134 : f32 to vector<8x64x128xf32>
    %mul3A_3136 = arith.mulf %log3A_2825, %mul3A_3135 : vector<8x64x128xf32>
    %add3A_3137 = arith.addf %add3A_3132, %mul3A_3136 : vector<8x64x128xf32>
    %get3A_3138 = arith.constant 353 : index
    %get3A_3139 = memref.load %arg3[%get3A_3138] : memref<1108xf32, #tpu.memory_space<smem>>
    %mul3A_3140 = vector.broadcast %get3A_3139 : f32 to vector<8x64x128xf32>
    %mul3A_3141 = arith.mulf %log3A_2856, %mul3A_3140 : vector<8x64x128xf32>
    %add3A_3142 = arith.addf %add3A_3137, %mul3A_3141 : vector<8x64x128xf32>
    %get3A_3143 = arith.constant 361 : index
    %get3A_3144 = memref.load %arg3[%get3A_3143] : memref<1108xf32, #tpu.memory_space<smem>>
    %mul3A_3145 = vector.broadcast %get3A_3144 : f32 to vector<8x64x128xf32>
    %mul3A_3146 = arith.mulf %log3A_2887, %mul3A_3145 : vector<8x64x128xf32>
    %add3A_3147 = arith.addf %add3A_3142, %mul3A_3146 : vector<8x64x128xf32>
    %get3A_3148 = arith.constant 369 : index
    %get3A_3149 = memref.load %arg3[%get3A_3148] : memref<1108xf32, #tpu.memory_space<smem>>
    %mul3A_3150 = vector.broadcast %get3A_3149 : f32 to vector<8x64x128xf32>
    %mul3A_3151 = arith.mulf %log3A_2918, %mul3A_3150 : vector<8x64x128xf32>
    %add3A_3152 = arith.addf %add3A_3147, %mul3A_3151 : vector<8x64x128xf32>
    %get3A_3153 = arith.constant 497 : index
    %get3A_3154 = memref.load %arg3[%get3A_3153] : memref<1108xf32, #tpu.memory_space<smem>>
    %add3A_3155 = vector.broadcast %get3A_3154 : f32 to vector<8x64x128xf32>
    %add3A_3156 = arith.addf %add3A_3152, %add3A_3155 : vector<8x64x128xf32>
    %exp3A_3157 = math.exp %add3A_3156 : vector<8x64x128xf32>
    %mul3A_3158 = arith.constant 5.000000e-01 : f32
    %mul3A_3159 = vector.broadcast %mul3A_3158 : f32 to vector<8x64x128xf32>
    %mul3A_3160 = arith.mulf %mul3A_3159, %exp3A_3157 : vector<8x64x128xf32>
    %add3A_3161 = arith.constant 5.000000e-01 : f32
    %add3A_3162 = vector.broadcast %add3A_3161 : f32 to vector<8x64x128xf32>
    %add3A_3163 = arith.addf %add3A_3162, %mul3A_3160 : vector<8x64x128xf32>
    %log3A_3164 = math.log %add3A_3163 : vector<8x64x128xf32>
    %get3A_3165 = arith.constant 330 : index
    %get3A_3166 = memref.load %arg3[%get3A_3165] : memref<1108xf32, #tpu.memory_space<smem>>
    %mul3A_3167 = vector.broadcast %get3A_3166 : f32 to vector<8x64x128xf32>
    %mul3A_3168 = arith.mulf %log3A_2763, %mul3A_3167 : vector<8x64x128xf32>
    %get3A_3169 = arith.constant 338 : index
    %get3A_3170 = memref.load %arg3[%get3A_3169] : memref<1108xf32, #tpu.memory_space<smem>>
    %mul3A_3171 = vector.broadcast %get3A_3170 : f32 to vector<8x64x128xf32>
    %mul3A_3172 = arith.mulf %log3A_2794, %mul3A_3171 : vector<8x64x128xf32>
    %add3A_3173 = arith.addf %mul3A_3168, %mul3A_3172 : vector<8x64x128xf32>
    %get3A_3174 = arith.constant 346 : index
    %get3A_3175 = memref.load %arg3[%get3A_3174] : memref<1108xf32, #tpu.memory_space<smem>>
    %mul3A_3176 = vector.broadcast %get3A_3175 : f32 to vector<8x64x128xf32>
    %mul3A_3177 = arith.mulf %log3A_2825, %mul3A_3176 : vector<8x64x128xf32>
    %add3A_3178 = arith.addf %add3A_3173, %mul3A_3177 : vector<8x64x128xf32>
    %get3A_3179 = arith.constant 354 : index
    %get3A_3180 = memref.load %arg3[%get3A_3179] : memref<1108xf32, #tpu.memory_space<smem>>
    %mul3A_3181 = vector.broadcast %get3A_3180 : f32 to vector<8x64x128xf32>
    %mul3A_3182 = arith.mulf %log3A_2856, %mul3A_3181 : vector<8x64x128xf32>
    %add3A_3183 = arith.addf %add3A_3178, %mul3A_3182 : vector<8x64x128xf32>
    %get3A_3184 = arith.constant 362 : index
    %get3A_3185 = memref.load %arg3[%get3A_3184] : memref<1108xf32, #tpu.memory_space<smem>>
    %mul3A_3186 = vector.broadcast %get3A_3185 : f32 to vector<8x64x128xf32>
    %mul3A_3187 = arith.mulf %log3A_2887, %mul3A_3186 : vector<8x64x128xf32>
    %add3A_3188 = arith.addf %add3A_3183, %mul3A_3187 : vector<8x64x128xf32>
    %get3A_3189 = arith.constant 370 : index
    %get3A_3190 = memref.load %arg3[%get3A_3189] : memref<1108xf32, #tpu.memory_space<smem>>
    %mul3A_3191 = vector.broadcast %get3A_3190 : f32 to vector<8x64x128xf32>
    %mul3A_3192 = arith.mulf %log3A_2918, %mul3A_3191 : vector<8x64x128xf32>
    %add3A_3193 = arith.addf %add3A_3188, %mul3A_3192 : vector<8x64x128xf32>
    %get3A_3194 = arith.constant 498 : index
    %get3A_3195 = memref.load %arg3[%get3A_3194] : memref<1108xf32, #tpu.memory_space<smem>>
    %add3A_3196 = vector.broadcast %get3A_3195 : f32 to vector<8x64x128xf32>
    %add3A_3197 = arith.addf %add3A_3193, %add3A_3196 : vector<8x64x128xf32>
    %exp3A_3198 = math.exp %add3A_3197 : vector<8x64x128xf32>
    %mul3A_3199 = arith.constant 5.000000e-01 : f32
    %mul3A_3200 = vector.broadcast %mul3A_3199 : f32 to vector<8x64x128xf32>
    %mul3A_3201 = arith.mulf %mul3A_3200, %exp3A_3198 : vector<8x64x128xf32>
    %add3A_3202 = arith.constant 5.000000e-01 : f32
    %add3A_3203 = vector.broadcast %add3A_3202 : f32 to vector<8x64x128xf32>
    %add3A_3204 = arith.addf %add3A_3203, %mul3A_3201 : vector<8x64x128xf32>
    %log3A_3205 = math.log %add3A_3204 : vector<8x64x128xf32>
    %get3A_3206 = arith.constant 331 : index
    %get3A_3207 = memref.load %arg3[%get3A_3206] : memref<1108xf32, #tpu.memory_space<smem>>
    %mul3A_3208 = vector.broadcast %get3A_3207 : f32 to vector<8x64x128xf32>
    %mul3A_3209 = arith.mulf %log3A_2763, %mul3A_3208 : vector<8x64x128xf32>
    %get3A_3210 = arith.constant 339 : index
    %get3A_3211 = memref.load %arg3[%get3A_3210] : memref<1108xf32, #tpu.memory_space<smem>>
    %mul3A_3212 = vector.broadcast %get3A_3211 : f32 to vector<8x64x128xf32>
    %mul3A_3213 = arith.mulf %log3A_2794, %mul3A_3212 : vector<8x64x128xf32>
    %add3A_3214 = arith.addf %mul3A_3209, %mul3A_3213 : vector<8x64x128xf32>
    %get3A_3215 = arith.constant 347 : index
    %get3A_3216 = memref.load %arg3[%get3A_3215] : memref<1108xf32, #tpu.memory_space<smem>>
    %mul3A_3217 = vector.broadcast %get3A_3216 : f32 to vector<8x64x128xf32>
    %mul3A_3218 = arith.mulf %log3A_2825, %mul3A_3217 : vector<8x64x128xf32>
    %add3A_3219 = arith.addf %add3A_3214, %mul3A_3218 : vector<8x64x128xf32>
    %get3A_3220 = arith.constant 355 : index
    %get3A_3221 = memref.load %arg3[%get3A_3220] : memref<1108xf32, #tpu.memory_space<smem>>
    %mul3A_3222 = vector.broadcast %get3A_3221 : f32 to vector<8x64x128xf32>
    %mul3A_3223 = arith.mulf %log3A_2856, %mul3A_3222 : vector<8x64x128xf32>
    %add3A_3224 = arith.addf %add3A_3219, %mul3A_3223 : vector<8x64x128xf32>
    %get3A_3225 = arith.constant 363 : index
    %get3A_3226 = memref.load %arg3[%get3A_3225] : memref<1108xf32, #tpu.memory_space<smem>>
    %mul3A_3227 = vector.broadcast %get3A_3226 : f32 to vector<8x64x128xf32>
    %mul3A_3228 = arith.mulf %log3A_2887, %mul3A_3227 : vector<8x64x128xf32>
    %add3A_3229 = arith.addf %add3A_3224, %mul3A_3228 : vector<8x64x128xf32>
    %get3A_3230 = arith.constant 371 : index
    %get3A_3231 = memref.load %arg3[%get3A_3230] : memref<1108xf32, #tpu.memory_space<smem>>
    %mul3A_3232 = vector.broadcast %get3A_3231 : f32 to vector<8x64x128xf32>
    %mul3A_3233 = arith.mulf %log3A_2918, %mul3A_3232 : vector<8x64x128xf32>
    %add3A_3234 = arith.addf %add3A_3229, %mul3A_3233 : vector<8x64x128xf32>
    %get3A_3235 = arith.constant 499 : index
    %get3A_3236 = memref.load %arg3[%get3A_3235] : memref<1108xf32, #tpu.memory_space<smem>>
    %add3A_3237 = vector.broadcast %get3A_3236 : f32 to vector<8x64x128xf32>
    %add3A_3238 = arith.addf %add3A_3234, %add3A_3237 : vector<8x64x128xf32>
    %exp3A_3239 = math.exp %add3A_3238 : vector<8x64x128xf32>
    %mul3A_3240 = arith.constant 5.000000e-01 : f32
    %mul3A_3241 = vector.broadcast %mul3A_3240 : f32 to vector<8x64x128xf32>
    %mul3A_3242 = arith.mulf %mul3A_3241, %exp3A_3239 : vector<8x64x128xf32>
    %add3A_3243 = arith.constant 5.000000e-01 : f32
    %add3A_3244 = vector.broadcast %add3A_3243 : f32 to vector<8x64x128xf32>
    %add3A_3245 = arith.addf %add3A_3244, %mul3A_3242 : vector<8x64x128xf32>
    %log3A_3246 = math.log %add3A_3245 : vector<8x64x128xf32>
    %get3A_3247 = arith.constant 96 : index
    %get3A_3248 = memref.load %arg3[%get3A_3247] : memref<1108xf32, #tpu.memory_space<smem>>
    %mul3A_3249 = vector.broadcast %get3A_3248 : f32 to vector<8x64x128xf32>
    %mul3A_3250 = arith.mulf %get3A_4, %mul3A_3249 : vector<8x64x128xf32>
    %get3A_3251 = arith.constant 102 : index
    %get3A_3252 = memref.load %arg3[%get3A_3251] : memref<1108xf32, #tpu.memory_space<smem>>
    %mul3A_3253 = vector.broadcast %get3A_3252 : f32 to vector<8x64x128xf32>
    %mul3A_3254 = arith.mulf %get3A_10, %mul3A_3253 : vector<8x64x128xf32>
    %add3A_3255 = arith.addf %mul3A_3250, %mul3A_3254 : vector<8x64x128xf32>
    %get3A_3256 = arith.constant 108 : index
    %get3A_3257 = memref.load %arg3[%get3A_3256] : memref<1108xf32, #tpu.memory_space<smem>>
    %mul3A_3258 = vector.broadcast %get3A_3257 : f32 to vector<8x64x128xf32>
    %mul3A_3259 = arith.mulf %get3A_16, %mul3A_3258 : vector<8x64x128xf32>
    %add3A_3260 = arith.addf %add3A_3255, %mul3A_3259 : vector<8x64x128xf32>
    %get3A_3261 = arith.constant 114 : index
    %get3A_3262 = memref.load %arg3[%get3A_3261] : memref<1108xf32, #tpu.memory_space<smem>>
    %mul3A_3263 = vector.broadcast %get3A_3262 : f32 to vector<8x64x128xf32>
    %mul3A_3264 = arith.mulf %get3A_22, %mul3A_3263 : vector<8x64x128xf32>
    %add3A_3265 = arith.addf %add3A_3260, %mul3A_3264 : vector<8x64x128xf32>
    %get3A_3266 = arith.constant 168 : index
    %get3A_3267 = memref.load %arg3[%get3A_3266] : memref<1108xf32, #tpu.memory_space<smem>>
    %add3A_3268 = vector.broadcast %get3A_3267 : f32 to vector<8x64x128xf32>
    %add3A_3269 = arith.addf %add3A_3265, %add3A_3268 : vector<8x64x128xf32>
    %exp3A_3270 = math.exp %add3A_3269 : vector<8x64x128xf32>
    %mul3A_3271 = arith.constant 5.000000e-01 : f32
    %mul3A_3272 = vector.broadcast %mul3A_3271 : f32 to vector<8x64x128xf32>
    %mul3A_3273 = arith.mulf %mul3A_3272, %exp3A_3270 : vector<8x64x128xf32>
    %add3A_3274 = arith.constant 5.000000e-01 : f32
    %add3A_3275 = vector.broadcast %add3A_3274 : f32 to vector<8x64x128xf32>
    %add3A_3276 = arith.addf %add3A_3275, %mul3A_3273 : vector<8x64x128xf32>
    %log3A_3277 = math.log %add3A_3276 : vector<8x64x128xf32>
    %get3A_3278 = arith.constant 97 : index
    %get3A_3279 = memref.load %arg3[%get3A_3278] : memref<1108xf32, #tpu.memory_space<smem>>
    %mul3A_3280 = vector.broadcast %get3A_3279 : f32 to vector<8x64x128xf32>
    %mul3A_3281 = arith.mulf %get3A_4, %mul3A_3280 : vector<8x64x128xf32>
    %get3A_3282 = arith.constant 103 : index
    %get3A_3283 = memref.load %arg3[%get3A_3282] : memref<1108xf32, #tpu.memory_space<smem>>
    %mul3A_3284 = vector.broadcast %get3A_3283 : f32 to vector<8x64x128xf32>
    %mul3A_3285 = arith.mulf %get3A_10, %mul3A_3284 : vector<8x64x128xf32>
    %add3A_3286 = arith.addf %mul3A_3281, %mul3A_3285 : vector<8x64x128xf32>
    %get3A_3287 = arith.constant 109 : index
    %get3A_3288 = memref.load %arg3[%get3A_3287] : memref<1108xf32, #tpu.memory_space<smem>>
    %mul3A_3289 = vector.broadcast %get3A_3288 : f32 to vector<8x64x128xf32>
    %mul3A_3290 = arith.mulf %get3A_16, %mul3A_3289 : vector<8x64x128xf32>
    %add3A_3291 = arith.addf %add3A_3286, %mul3A_3290 : vector<8x64x128xf32>
    %get3A_3292 = arith.constant 115 : index
    %get3A_3293 = memref.load %arg3[%get3A_3292] : memref<1108xf32, #tpu.memory_space<smem>>
    %mul3A_3294 = vector.broadcast %get3A_3293 : f32 to vector<8x64x128xf32>
    %mul3A_3295 = arith.mulf %get3A_22, %mul3A_3294 : vector<8x64x128xf32>
    %add3A_3296 = arith.addf %add3A_3291, %mul3A_3295 : vector<8x64x128xf32>
    %get3A_3297 = arith.constant 169 : index
    %get3A_3298 = memref.load %arg3[%get3A_3297] : memref<1108xf32, #tpu.memory_space<smem>>
    %add3A_3299 = vector.broadcast %get3A_3298 : f32 to vector<8x64x128xf32>
    %add3A_3300 = arith.addf %add3A_3296, %add3A_3299 : vector<8x64x128xf32>
    %exp3A_3301 = math.exp %add3A_3300 : vector<8x64x128xf32>
    %mul3A_3302 = arith.constant 5.000000e-01 : f32
    %mul3A_3303 = vector.broadcast %mul3A_3302 : f32 to vector<8x64x128xf32>
    %mul3A_3304 = arith.mulf %mul3A_3303, %exp3A_3301 : vector<8x64x128xf32>
    %add3A_3305 = arith.constant 5.000000e-01 : f32
    %add3A_3306 = vector.broadcast %add3A_3305 : f32 to vector<8x64x128xf32>
    %add3A_3307 = arith.addf %add3A_3306, %mul3A_3304 : vector<8x64x128xf32>
    %log3A_3308 = math.log %add3A_3307 : vector<8x64x128xf32>
    %get3A_3309 = arith.constant 98 : index
    %get3A_3310 = memref.load %arg3[%get3A_3309] : memref<1108xf32, #tpu.memory_space<smem>>
    %mul3A_3311 = vector.broadcast %get3A_3310 : f32 to vector<8x64x128xf32>
    %mul3A_3312 = arith.mulf %get3A_4, %mul3A_3311 : vector<8x64x128xf32>
    %get3A_3313 = arith.constant 104 : index
    %get3A_3314 = memref.load %arg3[%get3A_3313] : memref<1108xf32, #tpu.memory_space<smem>>
    %mul3A_3315 = vector.broadcast %get3A_3314 : f32 to vector<8x64x128xf32>
    %mul3A_3316 = arith.mulf %get3A_10, %mul3A_3315 : vector<8x64x128xf32>
    %add3A_3317 = arith.addf %mul3A_3312, %mul3A_3316 : vector<8x64x128xf32>
    %get3A_3318 = arith.constant 110 : index
    %get3A_3319 = memref.load %arg3[%get3A_3318] : memref<1108xf32, #tpu.memory_space<smem>>
    %mul3A_3320 = vector.broadcast %get3A_3319 : f32 to vector<8x64x128xf32>
    %mul3A_3321 = arith.mulf %get3A_16, %mul3A_3320 : vector<8x64x128xf32>
    %add3A_3322 = arith.addf %add3A_3317, %mul3A_3321 : vector<8x64x128xf32>
    %get3A_3323 = arith.constant 116 : index
    %get3A_3324 = memref.load %arg3[%get3A_3323] : memref<1108xf32, #tpu.memory_space<smem>>
    %mul3A_3325 = vector.broadcast %get3A_3324 : f32 to vector<8x64x128xf32>
    %mul3A_3326 = arith.mulf %get3A_22, %mul3A_3325 : vector<8x64x128xf32>
    %add3A_3327 = arith.addf %add3A_3322, %mul3A_3326 : vector<8x64x128xf32>
    %get3A_3328 = arith.constant 170 : index
    %get3A_3329 = memref.load %arg3[%get3A_3328] : memref<1108xf32, #tpu.memory_space<smem>>
    %add3A_3330 = vector.broadcast %get3A_3329 : f32 to vector<8x64x128xf32>
    %add3A_3331 = arith.addf %add3A_3327, %add3A_3330 : vector<8x64x128xf32>
    %exp3A_3332 = math.exp %add3A_3331 : vector<8x64x128xf32>
    %mul3A_3333 = arith.constant 5.000000e-01 : f32
    %mul3A_3334 = vector.broadcast %mul3A_3333 : f32 to vector<8x64x128xf32>
    %mul3A_3335 = arith.mulf %mul3A_3334, %exp3A_3332 : vector<8x64x128xf32>
    %add3A_3336 = arith.constant 5.000000e-01 : f32
    %add3A_3337 = vector.broadcast %add3A_3336 : f32 to vector<8x64x128xf32>
    %add3A_3338 = arith.addf %add3A_3337, %mul3A_3335 : vector<8x64x128xf32>
    %log3A_3339 = math.log %add3A_3338 : vector<8x64x128xf32>
    %get3A_3340 = arith.constant 99 : index
    %get3A_3341 = memref.load %arg3[%get3A_3340] : memref<1108xf32, #tpu.memory_space<smem>>
    %mul3A_3342 = vector.broadcast %get3A_3341 : f32 to vector<8x64x128xf32>
    %mul3A_3343 = arith.mulf %get3A_4, %mul3A_3342 : vector<8x64x128xf32>
    %get3A_3344 = arith.constant 105 : index
    %get3A_3345 = memref.load %arg3[%get3A_3344] : memref<1108xf32, #tpu.memory_space<smem>>
    %mul3A_3346 = vector.broadcast %get3A_3345 : f32 to vector<8x64x128xf32>
    %mul3A_3347 = arith.mulf %get3A_10, %mul3A_3346 : vector<8x64x128xf32>
    %add3A_3348 = arith.addf %mul3A_3343, %mul3A_3347 : vector<8x64x128xf32>
    %get3A_3349 = arith.constant 111 : index
    %get3A_3350 = memref.load %arg3[%get3A_3349] : memref<1108xf32, #tpu.memory_space<smem>>
    %mul3A_3351 = vector.broadcast %get3A_3350 : f32 to vector<8x64x128xf32>
    %mul3A_3352 = arith.mulf %get3A_16, %mul3A_3351 : vector<8x64x128xf32>
    %add3A_3353 = arith.addf %add3A_3348, %mul3A_3352 : vector<8x64x128xf32>
    %get3A_3354 = arith.constant 117 : index
    %get3A_3355 = memref.load %arg3[%get3A_3354] : memref<1108xf32, #tpu.memory_space<smem>>
    %mul3A_3356 = vector.broadcast %get3A_3355 : f32 to vector<8x64x128xf32>
    %mul3A_3357 = arith.mulf %get3A_22, %mul3A_3356 : vector<8x64x128xf32>
    %add3A_3358 = arith.addf %add3A_3353, %mul3A_3357 : vector<8x64x128xf32>
    %get3A_3359 = arith.constant 171 : index
    %get3A_3360 = memref.load %arg3[%get3A_3359] : memref<1108xf32, #tpu.memory_space<smem>>
    %add3A_3361 = vector.broadcast %get3A_3360 : f32 to vector<8x64x128xf32>
    %add3A_3362 = arith.addf %add3A_3358, %add3A_3361 : vector<8x64x128xf32>
    %exp3A_3363 = math.exp %add3A_3362 : vector<8x64x128xf32>
    %mul3A_3364 = arith.constant 5.000000e-01 : f32
    %mul3A_3365 = vector.broadcast %mul3A_3364 : f32 to vector<8x64x128xf32>
    %mul3A_3366 = arith.mulf %mul3A_3365, %exp3A_3363 : vector<8x64x128xf32>
    %add3A_3367 = arith.constant 5.000000e-01 : f32
    %add3A_3368 = vector.broadcast %add3A_3367 : f32 to vector<8x64x128xf32>
    %add3A_3369 = arith.addf %add3A_3368, %mul3A_3366 : vector<8x64x128xf32>
    %log3A_3370 = math.log %add3A_3369 : vector<8x64x128xf32>
    %get3A_3371 = arith.constant 100 : index
    %get3A_3372 = memref.load %arg3[%get3A_3371] : memref<1108xf32, #tpu.memory_space<smem>>
    %mul3A_3373 = vector.broadcast %get3A_3372 : f32 to vector<8x64x128xf32>
    %mul3A_3374 = arith.mulf %get3A_4, %mul3A_3373 : vector<8x64x128xf32>
    %get3A_3375 = arith.constant 106 : index
    %get3A_3376 = memref.load %arg3[%get3A_3375] : memref<1108xf32, #tpu.memory_space<smem>>
    %mul3A_3377 = vector.broadcast %get3A_3376 : f32 to vector<8x64x128xf32>
    %mul3A_3378 = arith.mulf %get3A_10, %mul3A_3377 : vector<8x64x128xf32>
    %add3A_3379 = arith.addf %mul3A_3374, %mul3A_3378 : vector<8x64x128xf32>
    %get3A_3380 = arith.constant 112 : index
    %get3A_3381 = memref.load %arg3[%get3A_3380] : memref<1108xf32, #tpu.memory_space<smem>>
    %mul3A_3382 = vector.broadcast %get3A_3381 : f32 to vector<8x64x128xf32>
    %mul3A_3383 = arith.mulf %get3A_16, %mul3A_3382 : vector<8x64x128xf32>
    %add3A_3384 = arith.addf %add3A_3379, %mul3A_3383 : vector<8x64x128xf32>
    %get3A_3385 = arith.constant 118 : index
    %get3A_3386 = memref.load %arg3[%get3A_3385] : memref<1108xf32, #tpu.memory_space<smem>>
    %mul3A_3387 = vector.broadcast %get3A_3386 : f32 to vector<8x64x128xf32>
    %mul3A_3388 = arith.mulf %get3A_22, %mul3A_3387 : vector<8x64x128xf32>
    %add3A_3389 = arith.addf %add3A_3384, %mul3A_3388 : vector<8x64x128xf32>
    %get3A_3390 = arith.constant 172 : index
    %get3A_3391 = memref.load %arg3[%get3A_3390] : memref<1108xf32, #tpu.memory_space<smem>>
    %add3A_3392 = vector.broadcast %get3A_3391 : f32 to vector<8x64x128xf32>
    %add3A_3393 = arith.addf %add3A_3389, %add3A_3392 : vector<8x64x128xf32>
    %exp3A_3394 = math.exp %add3A_3393 : vector<8x64x128xf32>
    %mul3A_3395 = arith.constant 5.000000e-01 : f32
    %mul3A_3396 = vector.broadcast %mul3A_3395 : f32 to vector<8x64x128xf32>
    %mul3A_3397 = arith.mulf %mul3A_3396, %exp3A_3394 : vector<8x64x128xf32>
    %add3A_3398 = arith.constant 5.000000e-01 : f32
    %add3A_3399 = vector.broadcast %add3A_3398 : f32 to vector<8x64x128xf32>
    %add3A_3400 = arith.addf %add3A_3399, %mul3A_3397 : vector<8x64x128xf32>
    %log3A_3401 = math.log %add3A_3400 : vector<8x64x128xf32>
    %get3A_3402 = arith.constant 101 : index
    %get3A_3403 = memref.load %arg3[%get3A_3402] : memref<1108xf32, #tpu.memory_space<smem>>
    %mul3A_3404 = vector.broadcast %get3A_3403 : f32 to vector<8x64x128xf32>
    %mul3A_3405 = arith.mulf %get3A_4, %mul3A_3404 : vector<8x64x128xf32>
    %get3A_3406 = arith.constant 107 : index
    %get3A_3407 = memref.load %arg3[%get3A_3406] : memref<1108xf32, #tpu.memory_space<smem>>
    %mul3A_3408 = vector.broadcast %get3A_3407 : f32 to vector<8x64x128xf32>
    %mul3A_3409 = arith.mulf %get3A_10, %mul3A_3408 : vector<8x64x128xf32>
    %add3A_3410 = arith.addf %mul3A_3405, %mul3A_3409 : vector<8x64x128xf32>
    %get3A_3411 = arith.constant 113 : index
    %get3A_3412 = memref.load %arg3[%get3A_3411] : memref<1108xf32, #tpu.memory_space<smem>>
    %mul3A_3413 = vector.broadcast %get3A_3412 : f32 to vector<8x64x128xf32>
    %mul3A_3414 = arith.mulf %get3A_16, %mul3A_3413 : vector<8x64x128xf32>
    %add3A_3415 = arith.addf %add3A_3410, %mul3A_3414 : vector<8x64x128xf32>
    %get3A_3416 = arith.constant 119 : index
    %get3A_3417 = memref.load %arg3[%get3A_3416] : memref<1108xf32, #tpu.memory_space<smem>>
    %mul3A_3418 = vector.broadcast %get3A_3417 : f32 to vector<8x64x128xf32>
    %mul3A_3419 = arith.mulf %get3A_22, %mul3A_3418 : vector<8x64x128xf32>
    %add3A_3420 = arith.addf %add3A_3415, %mul3A_3419 : vector<8x64x128xf32>
    %get3A_3421 = arith.constant 173 : index
    %get3A_3422 = memref.load %arg3[%get3A_3421] : memref<1108xf32, #tpu.memory_space<smem>>
    %add3A_3423 = vector.broadcast %get3A_3422 : f32 to vector<8x64x128xf32>
    %add3A_3424 = arith.addf %add3A_3420, %add3A_3423 : vector<8x64x128xf32>
    %exp3A_3425 = math.exp %add3A_3424 : vector<8x64x128xf32>
    %mul3A_3426 = arith.constant 5.000000e-01 : f32
    %mul3A_3427 = vector.broadcast %mul3A_3426 : f32 to vector<8x64x128xf32>
    %mul3A_3428 = arith.mulf %mul3A_3427, %exp3A_3425 : vector<8x64x128xf32>
    %add3A_3429 = arith.constant 5.000000e-01 : f32
    %add3A_3430 = vector.broadcast %add3A_3429 : f32 to vector<8x64x128xf32>
    %add3A_3431 = arith.addf %add3A_3430, %mul3A_3428 : vector<8x64x128xf32>
    %log3A_3432 = math.log %add3A_3431 : vector<8x64x128xf32>
    %get3A_3433 = arith.constant 372 : index
    %get3A_3434 = memref.load %arg3[%get3A_3433] : memref<1108xf32, #tpu.memory_space<smem>>
    %mul3A_3435 = vector.broadcast %get3A_3434 : f32 to vector<8x64x128xf32>
    %mul3A_3436 = arith.mulf %log3A_3277, %mul3A_3435 : vector<8x64x128xf32>
    %get3A_3437 = arith.constant 380 : index
    %get3A_3438 = memref.load %arg3[%get3A_3437] : memref<1108xf32, #tpu.memory_space<smem>>
    %mul3A_3439 = vector.broadcast %get3A_3438 : f32 to vector<8x64x128xf32>
    %mul3A_3440 = arith.mulf %log3A_3308, %mul3A_3439 : vector<8x64x128xf32>
    %add3A_3441 = arith.addf %mul3A_3436, %mul3A_3440 : vector<8x64x128xf32>
    %get3A_3442 = arith.constant 388 : index
    %get3A_3443 = memref.load %arg3[%get3A_3442] : memref<1108xf32, #tpu.memory_space<smem>>
    %mul3A_3444 = vector.broadcast %get3A_3443 : f32 to vector<8x64x128xf32>
    %mul3A_3445 = arith.mulf %log3A_3339, %mul3A_3444 : vector<8x64x128xf32>
    %add3A_3446 = arith.addf %add3A_3441, %mul3A_3445 : vector<8x64x128xf32>
    %get3A_3447 = arith.constant 396 : index
    %get3A_3448 = memref.load %arg3[%get3A_3447] : memref<1108xf32, #tpu.memory_space<smem>>
    %mul3A_3449 = vector.broadcast %get3A_3448 : f32 to vector<8x64x128xf32>
    %mul3A_3450 = arith.mulf %log3A_3370, %mul3A_3449 : vector<8x64x128xf32>
    %add3A_3451 = arith.addf %add3A_3446, %mul3A_3450 : vector<8x64x128xf32>
    %get3A_3452 = arith.constant 404 : index
    %get3A_3453 = memref.load %arg3[%get3A_3452] : memref<1108xf32, #tpu.memory_space<smem>>
    %mul3A_3454 = vector.broadcast %get3A_3453 : f32 to vector<8x64x128xf32>
    %mul3A_3455 = arith.mulf %log3A_3401, %mul3A_3454 : vector<8x64x128xf32>
    %add3A_3456 = arith.addf %add3A_3451, %mul3A_3455 : vector<8x64x128xf32>
    %get3A_3457 = arith.constant 412 : index
    %get3A_3458 = memref.load %arg3[%get3A_3457] : memref<1108xf32, #tpu.memory_space<smem>>
    %mul3A_3459 = vector.broadcast %get3A_3458 : f32 to vector<8x64x128xf32>
    %mul3A_3460 = arith.mulf %log3A_3432, %mul3A_3459 : vector<8x64x128xf32>
    %add3A_3461 = arith.addf %add3A_3456, %mul3A_3460 : vector<8x64x128xf32>
    %get3A_3462 = arith.constant 500 : index
    %get3A_3463 = memref.load %arg3[%get3A_3462] : memref<1108xf32, #tpu.memory_space<smem>>
    %add3A_3464 = vector.broadcast %get3A_3463 : f32 to vector<8x64x128xf32>
    %add3A_3465 = arith.addf %add3A_3461, %add3A_3464 : vector<8x64x128xf32>
    %exp3A_3466 = math.exp %add3A_3465 : vector<8x64x128xf32>
    %mul3A_3467 = arith.constant 5.000000e-01 : f32
    %mul3A_3468 = vector.broadcast %mul3A_3467 : f32 to vector<8x64x128xf32>
    %mul3A_3469 = arith.mulf %mul3A_3468, %exp3A_3466 : vector<8x64x128xf32>
    %add3A_3470 = arith.constant 5.000000e-01 : f32
    %add3A_3471 = vector.broadcast %add3A_3470 : f32 to vector<8x64x128xf32>
    %add3A_3472 = arith.addf %add3A_3471, %mul3A_3469 : vector<8x64x128xf32>
    %log3A_3473 = math.log %add3A_3472 : vector<8x64x128xf32>
    %get3A_3474 = arith.constant 373 : index
    %get3A_3475 = memref.load %arg3[%get3A_3474] : memref<1108xf32, #tpu.memory_space<smem>>
    %mul3A_3476 = vector.broadcast %get3A_3475 : f32 to vector<8x64x128xf32>
    %mul3A_3477 = arith.mulf %log3A_3277, %mul3A_3476 : vector<8x64x128xf32>
    %get3A_3478 = arith.constant 381 : index
    %get3A_3479 = memref.load %arg3[%get3A_3478] : memref<1108xf32, #tpu.memory_space<smem>>
    %mul3A_3480 = vector.broadcast %get3A_3479 : f32 to vector<8x64x128xf32>
    %mul3A_3481 = arith.mulf %log3A_3308, %mul3A_3480 : vector<8x64x128xf32>
    %add3A_3482 = arith.addf %mul3A_3477, %mul3A_3481 : vector<8x64x128xf32>
    %get3A_3483 = arith.constant 389 : index
    %get3A_3484 = memref.load %arg3[%get3A_3483] : memref<1108xf32, #tpu.memory_space<smem>>
    %mul3A_3485 = vector.broadcast %get3A_3484 : f32 to vector<8x64x128xf32>
    %mul3A_3486 = arith.mulf %log3A_3339, %mul3A_3485 : vector<8x64x128xf32>
    %add3A_3487 = arith.addf %add3A_3482, %mul3A_3486 : vector<8x64x128xf32>
    %get3A_3488 = arith.constant 397 : index
    %get3A_3489 = memref.load %arg3[%get3A_3488] : memref<1108xf32, #tpu.memory_space<smem>>
    %mul3A_3490 = vector.broadcast %get3A_3489 : f32 to vector<8x64x128xf32>
    %mul3A_3491 = arith.mulf %log3A_3370, %mul3A_3490 : vector<8x64x128xf32>
    %add3A_3492 = arith.addf %add3A_3487, %mul3A_3491 : vector<8x64x128xf32>
    %get3A_3493 = arith.constant 405 : index
    %get3A_3494 = memref.load %arg3[%get3A_3493] : memref<1108xf32, #tpu.memory_space<smem>>
    %mul3A_3495 = vector.broadcast %get3A_3494 : f32 to vector<8x64x128xf32>
    %mul3A_3496 = arith.mulf %log3A_3401, %mul3A_3495 : vector<8x64x128xf32>
    %add3A_3497 = arith.addf %add3A_3492, %mul3A_3496 : vector<8x64x128xf32>
    %get3A_3498 = arith.constant 413 : index
    %get3A_3499 = memref.load %arg3[%get3A_3498] : memref<1108xf32, #tpu.memory_space<smem>>
    %mul3A_3500 = vector.broadcast %get3A_3499 : f32 to vector<8x64x128xf32>
    %mul3A_3501 = arith.mulf %log3A_3432, %mul3A_3500 : vector<8x64x128xf32>
    %add3A_3502 = arith.addf %add3A_3497, %mul3A_3501 : vector<8x64x128xf32>
    %get3A_3503 = arith.constant 501 : index
    %get3A_3504 = memref.load %arg3[%get3A_3503] : memref<1108xf32, #tpu.memory_space<smem>>
    %add3A_3505 = vector.broadcast %get3A_3504 : f32 to vector<8x64x128xf32>
    %add3A_3506 = arith.addf %add3A_3502, %add3A_3505 : vector<8x64x128xf32>
    %exp3A_3507 = math.exp %add3A_3506 : vector<8x64x128xf32>
    %mul3A_3508 = arith.constant 5.000000e-01 : f32
    %mul3A_3509 = vector.broadcast %mul3A_3508 : f32 to vector<8x64x128xf32>
    %mul3A_3510 = arith.mulf %mul3A_3509, %exp3A_3507 : vector<8x64x128xf32>
    %add3A_3511 = arith.constant 5.000000e-01 : f32
    %add3A_3512 = vector.broadcast %add3A_3511 : f32 to vector<8x64x128xf32>
    %add3A_3513 = arith.addf %add3A_3512, %mul3A_3510 : vector<8x64x128xf32>
    %log3A_3514 = math.log %add3A_3513 : vector<8x64x128xf32>
    %get3A_3515 = arith.constant 374 : index
    %get3A_3516 = memref.load %arg3[%get3A_3515] : memref<1108xf32, #tpu.memory_space<smem>>
    %mul3A_3517 = vector.broadcast %get3A_3516 : f32 to vector<8x64x128xf32>
    %mul3A_3518 = arith.mulf %log3A_3277, %mul3A_3517 : vector<8x64x128xf32>
    %get3A_3519 = arith.constant 382 : index
    %get3A_3520 = memref.load %arg3[%get3A_3519] : memref<1108xf32, #tpu.memory_space<smem>>
    %mul3A_3521 = vector.broadcast %get3A_3520 : f32 to vector<8x64x128xf32>
    %mul3A_3522 = arith.mulf %log3A_3308, %mul3A_3521 : vector<8x64x128xf32>
    %add3A_3523 = arith.addf %mul3A_3518, %mul3A_3522 : vector<8x64x128xf32>
    %get3A_3524 = arith.constant 390 : index
    %get3A_3525 = memref.load %arg3[%get3A_3524] : memref<1108xf32, #tpu.memory_space<smem>>
    %mul3A_3526 = vector.broadcast %get3A_3525 : f32 to vector<8x64x128xf32>
    %mul3A_3527 = arith.mulf %log3A_3339, %mul3A_3526 : vector<8x64x128xf32>
    %add3A_3528 = arith.addf %add3A_3523, %mul3A_3527 : vector<8x64x128xf32>
    %get3A_3529 = arith.constant 398 : index
    %get3A_3530 = memref.load %arg3[%get3A_3529] : memref<1108xf32, #tpu.memory_space<smem>>
    %mul3A_3531 = vector.broadcast %get3A_3530 : f32 to vector<8x64x128xf32>
    %mul3A_3532 = arith.mulf %log3A_3370, %mul3A_3531 : vector<8x64x128xf32>
    %add3A_3533 = arith.addf %add3A_3528, %mul3A_3532 : vector<8x64x128xf32>
    %get3A_3534 = arith.constant 406 : index
    %get3A_3535 = memref.load %arg3[%get3A_3534] : memref<1108xf32, #tpu.memory_space<smem>>
    %mul3A_3536 = vector.broadcast %get3A_3535 : f32 to vector<8x64x128xf32>
    %mul3A_3537 = arith.mulf %log3A_3401, %mul3A_3536 : vector<8x64x128xf32>
    %add3A_3538 = arith.addf %add3A_3533, %mul3A_3537 : vector<8x64x128xf32>
    %get3A_3539 = arith.constant 414 : index
    %get3A_3540 = memref.load %arg3[%get3A_3539] : memref<1108xf32, #tpu.memory_space<smem>>
    %mul3A_3541 = vector.broadcast %get3A_3540 : f32 to vector<8x64x128xf32>
    %mul3A_3542 = arith.mulf %log3A_3432, %mul3A_3541 : vector<8x64x128xf32>
    %add3A_3543 = arith.addf %add3A_3538, %mul3A_3542 : vector<8x64x128xf32>
    %get3A_3544 = arith.constant 502 : index
    %get3A_3545 = memref.load %arg3[%get3A_3544] : memref<1108xf32, #tpu.memory_space<smem>>
    %add3A_3546 = vector.broadcast %get3A_3545 : f32 to vector<8x64x128xf32>
    %add3A_3547 = arith.addf %add3A_3543, %add3A_3546 : vector<8x64x128xf32>
    %exp3A_3548 = math.exp %add3A_3547 : vector<8x64x128xf32>
    %mul3A_3549 = arith.constant 5.000000e-01 : f32
    %mul3A_3550 = vector.broadcast %mul3A_3549 : f32 to vector<8x64x128xf32>
    %mul3A_3551 = arith.mulf %mul3A_3550, %exp3A_3548 : vector<8x64x128xf32>
    %add3A_3552 = arith.constant 5.000000e-01 : f32
    %add3A_3553 = vector.broadcast %add3A_3552 : f32 to vector<8x64x128xf32>
    %add3A_3554 = arith.addf %add3A_3553, %mul3A_3551 : vector<8x64x128xf32>
    %log3A_3555 = math.log %add3A_3554 : vector<8x64x128xf32>
    %get3A_3556 = arith.constant 375 : index
    %get3A_3557 = memref.load %arg3[%get3A_3556] : memref<1108xf32, #tpu.memory_space<smem>>
    %mul3A_3558 = vector.broadcast %get3A_3557 : f32 to vector<8x64x128xf32>
    %mul3A_3559 = arith.mulf %log3A_3277, %mul3A_3558 : vector<8x64x128xf32>
    %get3A_3560 = arith.constant 383 : index
    %get3A_3561 = memref.load %arg3[%get3A_3560] : memref<1108xf32, #tpu.memory_space<smem>>
    %mul3A_3562 = vector.broadcast %get3A_3561 : f32 to vector<8x64x128xf32>
    %mul3A_3563 = arith.mulf %log3A_3308, %mul3A_3562 : vector<8x64x128xf32>
    %add3A_3564 = arith.addf %mul3A_3559, %mul3A_3563 : vector<8x64x128xf32>
    %get3A_3565 = arith.constant 391 : index
    %get3A_3566 = memref.load %arg3[%get3A_3565] : memref<1108xf32, #tpu.memory_space<smem>>
    %mul3A_3567 = vector.broadcast %get3A_3566 : f32 to vector<8x64x128xf32>
    %mul3A_3568 = arith.mulf %log3A_3339, %mul3A_3567 : vector<8x64x128xf32>
    %add3A_3569 = arith.addf %add3A_3564, %mul3A_3568 : vector<8x64x128xf32>
    %get3A_3570 = arith.constant 399 : index
    %get3A_3571 = memref.load %arg3[%get3A_3570] : memref<1108xf32, #tpu.memory_space<smem>>
    %mul3A_3572 = vector.broadcast %get3A_3571 : f32 to vector<8x64x128xf32>
    %mul3A_3573 = arith.mulf %log3A_3370, %mul3A_3572 : vector<8x64x128xf32>
    %add3A_3574 = arith.addf %add3A_3569, %mul3A_3573 : vector<8x64x128xf32>
    %get3A_3575 = arith.constant 407 : index
    %get3A_3576 = memref.load %arg3[%get3A_3575] : memref<1108xf32, #tpu.memory_space<smem>>
    %mul3A_3577 = vector.broadcast %get3A_3576 : f32 to vector<8x64x128xf32>
    %mul3A_3578 = arith.mulf %log3A_3401, %mul3A_3577 : vector<8x64x128xf32>
    %add3A_3579 = arith.addf %add3A_3574, %mul3A_3578 : vector<8x64x128xf32>
    %get3A_3580 = arith.constant 415 : index
    %get3A_3581 = memref.load %arg3[%get3A_3580] : memref<1108xf32, #tpu.memory_space<smem>>
    %mul3A_3582 = vector.broadcast %get3A_3581 : f32 to vector<8x64x128xf32>
    %mul3A_3583 = arith.mulf %log3A_3432, %mul3A_3582 : vector<8x64x128xf32>
    %add3A_3584 = arith.addf %add3A_3579, %mul3A_3583 : vector<8x64x128xf32>
    %get3A_3585 = arith.constant 503 : index
    %get3A_3586 = memref.load %arg3[%get3A_3585] : memref<1108xf32, #tpu.memory_space<smem>>
    %add3A_3587 = vector.broadcast %get3A_3586 : f32 to vector<8x64x128xf32>
    %add3A_3588 = arith.addf %add3A_3584, %add3A_3587 : vector<8x64x128xf32>
    %exp3A_3589 = math.exp %add3A_3588 : vector<8x64x128xf32>
    %mul3A_3590 = arith.constant 5.000000e-01 : f32
    %mul3A_3591 = vector.broadcast %mul3A_3590 : f32 to vector<8x64x128xf32>
    %mul3A_3592 = arith.mulf %mul3A_3591, %exp3A_3589 : vector<8x64x128xf32>
    %add3A_3593 = arith.constant 5.000000e-01 : f32
    %add3A_3594 = vector.broadcast %add3A_3593 : f32 to vector<8x64x128xf32>
    %add3A_3595 = arith.addf %add3A_3594, %mul3A_3592 : vector<8x64x128xf32>
    %log3A_3596 = math.log %add3A_3595 : vector<8x64x128xf32>
    %get3A_3597 = arith.constant 376 : index
    %get3A_3598 = memref.load %arg3[%get3A_3597] : memref<1108xf32, #tpu.memory_space<smem>>
    %mul3A_3599 = vector.broadcast %get3A_3598 : f32 to vector<8x64x128xf32>
    %mul3A_3600 = arith.mulf %log3A_3277, %mul3A_3599 : vector<8x64x128xf32>
    %get3A_3601 = arith.constant 384 : index
    %get3A_3602 = memref.load %arg3[%get3A_3601] : memref<1108xf32, #tpu.memory_space<smem>>
    %mul3A_3603 = vector.broadcast %get3A_3602 : f32 to vector<8x64x128xf32>
    %mul3A_3604 = arith.mulf %log3A_3308, %mul3A_3603 : vector<8x64x128xf32>
    %add3A_3605 = arith.addf %mul3A_3600, %mul3A_3604 : vector<8x64x128xf32>
    %get3A_3606 = arith.constant 392 : index
    %get3A_3607 = memref.load %arg3[%get3A_3606] : memref<1108xf32, #tpu.memory_space<smem>>
    %mul3A_3608 = vector.broadcast %get3A_3607 : f32 to vector<8x64x128xf32>
    %mul3A_3609 = arith.mulf %log3A_3339, %mul3A_3608 : vector<8x64x128xf32>
    %add3A_3610 = arith.addf %add3A_3605, %mul3A_3609 : vector<8x64x128xf32>
    %get3A_3611 = arith.constant 400 : index
    %get3A_3612 = memref.load %arg3[%get3A_3611] : memref<1108xf32, #tpu.memory_space<smem>>
    %mul3A_3613 = vector.broadcast %get3A_3612 : f32 to vector<8x64x128xf32>
    %mul3A_3614 = arith.mulf %log3A_3370, %mul3A_3613 : vector<8x64x128xf32>
    %add3A_3615 = arith.addf %add3A_3610, %mul3A_3614 : vector<8x64x128xf32>
    %get3A_3616 = arith.constant 408 : index
    %get3A_3617 = memref.load %arg3[%get3A_3616] : memref<1108xf32, #tpu.memory_space<smem>>
    %mul3A_3618 = vector.broadcast %get3A_3617 : f32 to vector<8x64x128xf32>
    %mul3A_3619 = arith.mulf %log3A_3401, %mul3A_3618 : vector<8x64x128xf32>
    %add3A_3620 = arith.addf %add3A_3615, %mul3A_3619 : vector<8x64x128xf32>
    %get3A_3621 = arith.constant 416 : index
    %get3A_3622 = memref.load %arg3[%get3A_3621] : memref<1108xf32, #tpu.memory_space<smem>>
    %mul3A_3623 = vector.broadcast %get3A_3622 : f32 to vector<8x64x128xf32>
    %mul3A_3624 = arith.mulf %log3A_3432, %mul3A_3623 : vector<8x64x128xf32>
    %add3A_3625 = arith.addf %add3A_3620, %mul3A_3624 : vector<8x64x128xf32>
    %get3A_3626 = arith.constant 504 : index
    %get3A_3627 = memref.load %arg3[%get3A_3626] : memref<1108xf32, #tpu.memory_space<smem>>
    %add3A_3628 = vector.broadcast %get3A_3627 : f32 to vector<8x64x128xf32>
    %add3A_3629 = arith.addf %add3A_3625, %add3A_3628 : vector<8x64x128xf32>
    %exp3A_3630 = math.exp %add3A_3629 : vector<8x64x128xf32>
    %mul3A_3631 = arith.constant 5.000000e-01 : f32
    %mul3A_3632 = vector.broadcast %mul3A_3631 : f32 to vector<8x64x128xf32>
    %mul3A_3633 = arith.mulf %mul3A_3632, %exp3A_3630 : vector<8x64x128xf32>
    %add3A_3634 = arith.constant 5.000000e-01 : f32
    %add3A_3635 = vector.broadcast %add3A_3634 : f32 to vector<8x64x128xf32>
    %add3A_3636 = arith.addf %add3A_3635, %mul3A_3633 : vector<8x64x128xf32>
    %log3A_3637 = math.log %add3A_3636 : vector<8x64x128xf32>
    %get3A_3638 = arith.constant 377 : index
    %get3A_3639 = memref.load %arg3[%get3A_3638] : memref<1108xf32, #tpu.memory_space<smem>>
    %mul3A_3640 = vector.broadcast %get3A_3639 : f32 to vector<8x64x128xf32>
    %mul3A_3641 = arith.mulf %log3A_3277, %mul3A_3640 : vector<8x64x128xf32>
    %get3A_3642 = arith.constant 385 : index
    %get3A_3643 = memref.load %arg3[%get3A_3642] : memref<1108xf32, #tpu.memory_space<smem>>
    %mul3A_3644 = vector.broadcast %get3A_3643 : f32 to vector<8x64x128xf32>
    %mul3A_3645 = arith.mulf %log3A_3308, %mul3A_3644 : vector<8x64x128xf32>
    %add3A_3646 = arith.addf %mul3A_3641, %mul3A_3645 : vector<8x64x128xf32>
    %get3A_3647 = arith.constant 393 : index
    %get3A_3648 = memref.load %arg3[%get3A_3647] : memref<1108xf32, #tpu.memory_space<smem>>
    %mul3A_3649 = vector.broadcast %get3A_3648 : f32 to vector<8x64x128xf32>
    %mul3A_3650 = arith.mulf %log3A_3339, %mul3A_3649 : vector<8x64x128xf32>
    %add3A_3651 = arith.addf %add3A_3646, %mul3A_3650 : vector<8x64x128xf32>
    %get3A_3652 = arith.constant 401 : index
    %get3A_3653 = memref.load %arg3[%get3A_3652] : memref<1108xf32, #tpu.memory_space<smem>>
    %mul3A_3654 = vector.broadcast %get3A_3653 : f32 to vector<8x64x128xf32>
    %mul3A_3655 = arith.mulf %log3A_3370, %mul3A_3654 : vector<8x64x128xf32>
    %add3A_3656 = arith.addf %add3A_3651, %mul3A_3655 : vector<8x64x128xf32>
    %get3A_3657 = arith.constant 409 : index
    %get3A_3658 = memref.load %arg3[%get3A_3657] : memref<1108xf32, #tpu.memory_space<smem>>
    %mul3A_3659 = vector.broadcast %get3A_3658 : f32 to vector<8x64x128xf32>
    %mul3A_3660 = arith.mulf %log3A_3401, %mul3A_3659 : vector<8x64x128xf32>
    %add3A_3661 = arith.addf %add3A_3656, %mul3A_3660 : vector<8x64x128xf32>
    %get3A_3662 = arith.constant 417 : index
    %get3A_3663 = memref.load %arg3[%get3A_3662] : memref<1108xf32, #tpu.memory_space<smem>>
    %mul3A_3664 = vector.broadcast %get3A_3663 : f32 to vector<8x64x128xf32>
    %mul3A_3665 = arith.mulf %log3A_3432, %mul3A_3664 : vector<8x64x128xf32>
    %add3A_3666 = arith.addf %add3A_3661, %mul3A_3665 : vector<8x64x128xf32>
    %get3A_3667 = arith.constant 505 : index
    %get3A_3668 = memref.load %arg3[%get3A_3667] : memref<1108xf32, #tpu.memory_space<smem>>
    %add3A_3669 = vector.broadcast %get3A_3668 : f32 to vector<8x64x128xf32>
    %add3A_3670 = arith.addf %add3A_3666, %add3A_3669 : vector<8x64x128xf32>
    %exp3A_3671 = math.exp %add3A_3670 : vector<8x64x128xf32>
    %mul3A_3672 = arith.constant 5.000000e-01 : f32
    %mul3A_3673 = vector.broadcast %mul3A_3672 : f32 to vector<8x64x128xf32>
    %mul3A_3674 = arith.mulf %mul3A_3673, %exp3A_3671 : vector<8x64x128xf32>
    %add3A_3675 = arith.constant 5.000000e-01 : f32
    %add3A_3676 = vector.broadcast %add3A_3675 : f32 to vector<8x64x128xf32>
    %add3A_3677 = arith.addf %add3A_3676, %mul3A_3674 : vector<8x64x128xf32>
    %log3A_3678 = math.log %add3A_3677 : vector<8x64x128xf32>
    %get3A_3679 = arith.constant 378 : index
    %get3A_3680 = memref.load %arg3[%get3A_3679] : memref<1108xf32, #tpu.memory_space<smem>>
    %mul3A_3681 = vector.broadcast %get3A_3680 : f32 to vector<8x64x128xf32>
    %mul3A_3682 = arith.mulf %log3A_3277, %mul3A_3681 : vector<8x64x128xf32>
    %get3A_3683 = arith.constant 386 : index
    %get3A_3684 = memref.load %arg3[%get3A_3683] : memref<1108xf32, #tpu.memory_space<smem>>
    %mul3A_3685 = vector.broadcast %get3A_3684 : f32 to vector<8x64x128xf32>
    %mul3A_3686 = arith.mulf %log3A_3308, %mul3A_3685 : vector<8x64x128xf32>
    %add3A_3687 = arith.addf %mul3A_3682, %mul3A_3686 : vector<8x64x128xf32>
    %get3A_3688 = arith.constant 394 : index
    %get3A_3689 = memref.load %arg3[%get3A_3688] : memref<1108xf32, #tpu.memory_space<smem>>
    %mul3A_3690 = vector.broadcast %get3A_3689 : f32 to vector<8x64x128xf32>
    %mul3A_3691 = arith.mulf %log3A_3339, %mul3A_3690 : vector<8x64x128xf32>
    %add3A_3692 = arith.addf %add3A_3687, %mul3A_3691 : vector<8x64x128xf32>
    %get3A_3693 = arith.constant 402 : index
    %get3A_3694 = memref.load %arg3[%get3A_3693] : memref<1108xf32, #tpu.memory_space<smem>>
    %mul3A_3695 = vector.broadcast %get3A_3694 : f32 to vector<8x64x128xf32>
    %mul3A_3696 = arith.mulf %log3A_3370, %mul3A_3695 : vector<8x64x128xf32>
    %add3A_3697 = arith.addf %add3A_3692, %mul3A_3696 : vector<8x64x128xf32>
    %get3A_3698 = arith.constant 410 : index
    %get3A_3699 = memref.load %arg3[%get3A_3698] : memref<1108xf32, #tpu.memory_space<smem>>
    %mul3A_3700 = vector.broadcast %get3A_3699 : f32 to vector<8x64x128xf32>
    %mul3A_3701 = arith.mulf %log3A_3401, %mul3A_3700 : vector<8x64x128xf32>
    %add3A_3702 = arith.addf %add3A_3697, %mul3A_3701 : vector<8x64x128xf32>
    %get3A_3703 = arith.constant 418 : index
    %get3A_3704 = memref.load %arg3[%get3A_3703] : memref<1108xf32, #tpu.memory_space<smem>>
    %mul3A_3705 = vector.broadcast %get3A_3704 : f32 to vector<8x64x128xf32>
    %mul3A_3706 = arith.mulf %log3A_3432, %mul3A_3705 : vector<8x64x128xf32>
    %add3A_3707 = arith.addf %add3A_3702, %mul3A_3706 : vector<8x64x128xf32>
    %get3A_3708 = arith.constant 506 : index
    %get3A_3709 = memref.load %arg3[%get3A_3708] : memref<1108xf32, #tpu.memory_space<smem>>
    %add3A_3710 = vector.broadcast %get3A_3709 : f32 to vector<8x64x128xf32>
    %add3A_3711 = arith.addf %add3A_3707, %add3A_3710 : vector<8x64x128xf32>
    %exp3A_3712 = math.exp %add3A_3711 : vector<8x64x128xf32>
    %mul3A_3713 = arith.constant 5.000000e-01 : f32
    %mul3A_3714 = vector.broadcast %mul3A_3713 : f32 to vector<8x64x128xf32>
    %mul3A_3715 = arith.mulf %mul3A_3714, %exp3A_3712 : vector<8x64x128xf32>
    %add3A_3716 = arith.constant 5.000000e-01 : f32
    %add3A_3717 = vector.broadcast %add3A_3716 : f32 to vector<8x64x128xf32>
    %add3A_3718 = arith.addf %add3A_3717, %mul3A_3715 : vector<8x64x128xf32>
    %log3A_3719 = math.log %add3A_3718 : vector<8x64x128xf32>
    %get3A_3720 = arith.constant 379 : index
    %get3A_3721 = memref.load %arg3[%get3A_3720] : memref<1108xf32, #tpu.memory_space<smem>>
    %mul3A_3722 = vector.broadcast %get3A_3721 : f32 to vector<8x64x128xf32>
    %mul3A_3723 = arith.mulf %log3A_3277, %mul3A_3722 : vector<8x64x128xf32>
    %get3A_3724 = arith.constant 387 : index
    %get3A_3725 = memref.load %arg3[%get3A_3724] : memref<1108xf32, #tpu.memory_space<smem>>
    %mul3A_3726 = vector.broadcast %get3A_3725 : f32 to vector<8x64x128xf32>
    %mul3A_3727 = arith.mulf %log3A_3308, %mul3A_3726 : vector<8x64x128xf32>
    %add3A_3728 = arith.addf %mul3A_3723, %mul3A_3727 : vector<8x64x128xf32>
    %get3A_3729 = arith.constant 395 : index
    %get3A_3730 = memref.load %arg3[%get3A_3729] : memref<1108xf32, #tpu.memory_space<smem>>
    %mul3A_3731 = vector.broadcast %get3A_3730 : f32 to vector<8x64x128xf32>
    %mul3A_3732 = arith.mulf %log3A_3339, %mul3A_3731 : vector<8x64x128xf32>
    %add3A_3733 = arith.addf %add3A_3728, %mul3A_3732 : vector<8x64x128xf32>
    %get3A_3734 = arith.constant 403 : index
    %get3A_3735 = memref.load %arg3[%get3A_3734] : memref<1108xf32, #tpu.memory_space<smem>>
    %mul3A_3736 = vector.broadcast %get3A_3735 : f32 to vector<8x64x128xf32>
    %mul3A_3737 = arith.mulf %log3A_3370, %mul3A_3736 : vector<8x64x128xf32>
    %add3A_3738 = arith.addf %add3A_3733, %mul3A_3737 : vector<8x64x128xf32>
    %get3A_3739 = arith.constant 411 : index
    %get3A_3740 = memref.load %arg3[%get3A_3739] : memref<1108xf32, #tpu.memory_space<smem>>
    %mul3A_3741 = vector.broadcast %get3A_3740 : f32 to vector<8x64x128xf32>
    %mul3A_3742 = arith.mulf %log3A_3401, %mul3A_3741 : vector<8x64x128xf32>
    %add3A_3743 = arith.addf %add3A_3738, %mul3A_3742 : vector<8x64x128xf32>
    %get3A_3744 = arith.constant 419 : index
    %get3A_3745 = memref.load %arg3[%get3A_3744] : memref<1108xf32, #tpu.memory_space<smem>>
    %mul3A_3746 = vector.broadcast %get3A_3745 : f32 to vector<8x64x128xf32>
    %mul3A_3747 = arith.mulf %log3A_3432, %mul3A_3746 : vector<8x64x128xf32>
    %add3A_3748 = arith.addf %add3A_3743, %mul3A_3747 : vector<8x64x128xf32>
    %get3A_3749 = arith.constant 507 : index
    %get3A_3750 = memref.load %arg3[%get3A_3749] : memref<1108xf32, #tpu.memory_space<smem>>
    %add3A_3751 = vector.broadcast %get3A_3750 : f32 to vector<8x64x128xf32>
    %add3A_3752 = arith.addf %add3A_3748, %add3A_3751 : vector<8x64x128xf32>
    %exp3A_3753 = math.exp %add3A_3752 : vector<8x64x128xf32>
    %mul3A_3754 = arith.constant 5.000000e-01 : f32
    %mul3A_3755 = vector.broadcast %mul3A_3754 : f32 to vector<8x64x128xf32>
    %mul3A_3756 = arith.mulf %mul3A_3755, %exp3A_3753 : vector<8x64x128xf32>
    %add3A_3757 = arith.constant 5.000000e-01 : f32
    %add3A_3758 = vector.broadcast %add3A_3757 : f32 to vector<8x64x128xf32>
    %add3A_3759 = arith.addf %add3A_3758, %mul3A_3756 : vector<8x64x128xf32>
    %log3A_3760 = math.log %add3A_3759 : vector<8x64x128xf32>
    %get3A_3761 = arith.constant 644 : index
    %get3A_3762 = memref.load %arg3[%get3A_3761] : memref<1108xf32, #tpu.memory_space<smem>>
    %mul3A_3763 = vector.broadcast %get3A_3762 : f32 to vector<8x128xf32>
    %mul3A_3764 = arith.mulf %add3A_2072, %mul3A_3763 : vector<8x128xf32>
    %get3A_3765 = arith.constant 652 : index
    %get3A_3766 = memref.load %arg3[%get3A_3765] : memref<1108xf32, #tpu.memory_space<smem>>
    %mul3A_3767 = vector.broadcast %get3A_3766 : f32 to vector<8x128xf32>
    %mul3A_3768 = arith.mulf %add3A_2116, %mul3A_3767 : vector<8x128xf32>
    %add3A_3769 = arith.addf %mul3A_3764, %mul3A_3768 : vector<8x128xf32>
    %get3A_3770 = arith.constant 660 : index
    %get3A_3771 = memref.load %arg3[%get3A_3770] : memref<1108xf32, #tpu.memory_space<smem>>
    %mul3A_3772 = vector.broadcast %get3A_3771 : f32 to vector<8x128xf32>
    %mul3A_3773 = arith.mulf %add3A_2160, %mul3A_3772 : vector<8x128xf32>
    %add3A_3774 = arith.addf %add3A_3769, %mul3A_3773 : vector<8x128xf32>
    %get3A_3775 = arith.constant 668 : index
    %get3A_3776 = memref.load %arg3[%get3A_3775] : memref<1108xf32, #tpu.memory_space<smem>>
    %mul3A_3777 = vector.broadcast %get3A_3776 : f32 to vector<8x128xf32>
    %mul3A_3778 = arith.mulf %add3A_2204, %mul3A_3777 : vector<8x128xf32>
    %add3A_3779 = arith.addf %add3A_3774, %mul3A_3778 : vector<8x128xf32>
    %get3A_3780 = arith.constant 676 : index
    %get3A_3781 = memref.load %arg3[%get3A_3780] : memref<1108xf32, #tpu.memory_space<smem>>
    %mul3A_3782 = vector.broadcast %get3A_3781 : f32 to vector<8x128xf32>
    %mul3A_3783 = arith.mulf %add3A_2248, %mul3A_3782 : vector<8x128xf32>
    %add3A_3784 = arith.addf %add3A_3779, %mul3A_3783 : vector<8x128xf32>
    %get3A_3785 = arith.constant 684 : index
    %get3A_3786 = memref.load %arg3[%get3A_3785] : memref<1108xf32, #tpu.memory_space<smem>>
    %mul3A_3787 = vector.broadcast %get3A_3786 : f32 to vector<8x128xf32>
    %mul3A_3788 = arith.mulf %add3A_2292, %mul3A_3787 : vector<8x128xf32>
    %add3A_3789 = arith.addf %add3A_3784, %mul3A_3788 : vector<8x128xf32>
    %get3A_3790 = arith.constant 692 : index
    %get3A_3791 = memref.load %arg3[%get3A_3790] : memref<1108xf32, #tpu.memory_space<smem>>
    %mul3A_3792 = vector.broadcast %get3A_3791 : f32 to vector<8x128xf32>
    %mul3A_3793 = arith.mulf %add3A_2336, %mul3A_3792 : vector<8x128xf32>
    %add3A_3794 = arith.addf %add3A_3789, %mul3A_3793 : vector<8x128xf32>
    %get3A_3795 = arith.constant 700 : index
    %get3A_3796 = memref.load %arg3[%get3A_3795] : memref<1108xf32, #tpu.memory_space<smem>>
    %mul3A_3797 = vector.broadcast %get3A_3796 : f32 to vector<8x128xf32>
    %mul3A_3798 = arith.mulf %add3A_2380, %mul3A_3797 : vector<8x128xf32>
    %add3A_3799 = arith.addf %add3A_3794, %mul3A_3798 : vector<8x128xf32>
    %get3A_3800 = arith.constant 708 : index
    %get3A_3801 = memref.load %arg3[%get3A_3800] : memref<1108xf32, #tpu.memory_space<smem>>
    %mul3A_3802 = vector.broadcast %get3A_3801 : f32 to vector<8x128xf32>
    %mul3A_3803 = arith.mulf %add3A_2424, %mul3A_3802 : vector<8x128xf32>
    %add3A_3804 = arith.addf %add3A_3799, %mul3A_3803 : vector<8x128xf32>
    %get3A_3805 = arith.constant 716 : index
    %get3A_3806 = memref.load %arg3[%get3A_3805] : memref<1108xf32, #tpu.memory_space<smem>>
    %mul3A_3807 = vector.broadcast %get3A_3806 : f32 to vector<8x128xf32>
    %mul3A_3808 = arith.mulf %add3A_2468, %mul3A_3807 : vector<8x128xf32>
    %add3A_3809 = arith.addf %add3A_3804, %mul3A_3808 : vector<8x128xf32>
    %get3A_3810 = arith.constant 724 : index
    %get3A_3811 = memref.load %arg3[%get3A_3810] : memref<1108xf32, #tpu.memory_space<smem>>
    %mul3A_3812 = vector.broadcast %get3A_3811 : f32 to vector<8x128xf32>
    %mul3A_3813 = arith.mulf %add3A_2512, %mul3A_3812 : vector<8x128xf32>
    %add3A_3814 = arith.addf %add3A_3809, %mul3A_3813 : vector<8x128xf32>
    %get3A_3815 = arith.constant 732 : index
    %get3A_3816 = memref.load %arg3[%get3A_3815] : memref<1108xf32, #tpu.memory_space<smem>>
    %mul3A_3817 = vector.broadcast %get3A_3816 : f32 to vector<8x128xf32>
    %mul3A_3818 = arith.mulf %add3A_2556, %mul3A_3817 : vector<8x128xf32>
    %add3A_3819 = arith.addf %add3A_3814, %mul3A_3818 : vector<8x128xf32>
    %get3A_3820 = arith.constant 740 : index
    %get3A_3821 = memref.load %arg3[%get3A_3820] : memref<1108xf32, #tpu.memory_space<smem>>
    %mul3A_3822 = vector.broadcast %get3A_3821 : f32 to vector<8x128xf32>
    %mul3A_3823 = arith.mulf %add3A_2600, %mul3A_3822 : vector<8x128xf32>
    %add3A_3824 = arith.addf %add3A_3819, %mul3A_3823 : vector<8x128xf32>
    %get3A_3825 = arith.constant 748 : index
    %get3A_3826 = memref.load %arg3[%get3A_3825] : memref<1108xf32, #tpu.memory_space<smem>>
    %mul3A_3827 = vector.broadcast %get3A_3826 : f32 to vector<8x128xf32>
    %mul3A_3828 = arith.mulf %add3A_2644, %mul3A_3827 : vector<8x128xf32>
    %add3A_3829 = arith.addf %add3A_3824, %mul3A_3828 : vector<8x128xf32>
    %get3A_3830 = arith.constant 756 : index
    %get3A_3831 = memref.load %arg3[%get3A_3830] : memref<1108xf32, #tpu.memory_space<smem>>
    %mul3A_3832 = vector.broadcast %get3A_3831 : f32 to vector<8x128xf32>
    %mul3A_3833 = arith.mulf %add3A_2688, %mul3A_3832 : vector<8x128xf32>
    %add3A_3834 = arith.addf %add3A_3829, %mul3A_3833 : vector<8x128xf32>
    %get3A_3835 = arith.constant 764 : index
    %get3A_3836 = memref.load %arg3[%get3A_3835] : memref<1108xf32, #tpu.memory_space<smem>>
    %mul3A_3837 = vector.broadcast %get3A_3836 : f32 to vector<8x128xf32>
    %mul3A_3838 = arith.mulf %add3A_2732, %mul3A_3837 : vector<8x128xf32>
    %add3A_3839 = arith.addf %add3A_3834, %mul3A_3838 : vector<8x128xf32>
    %get3A_3840 = arith.constant 780 : index
    %get3A_3841 = memref.load %arg3[%get3A_3840] : memref<1108xf32, #tpu.memory_space<smem>>
    %add3A_3842 = vector.broadcast %get3A_3841 : f32 to vector<8x128xf32>
    %add3A_3843 = arith.addf %add3A_3839, %add3A_3842 : vector<8x128xf32>
    %get3A_3844 = arith.constant 645 : index
    %get3A_3845 = memref.load %arg3[%get3A_3844] : memref<1108xf32, #tpu.memory_space<smem>>
    %mul3A_3846 = vector.broadcast %get3A_3845 : f32 to vector<8x128xf32>
    %mul3A_3847 = arith.mulf %add3A_2072, %mul3A_3846 : vector<8x128xf32>
    %get3A_3848 = arith.constant 653 : index
    %get3A_3849 = memref.load %arg3[%get3A_3848] : memref<1108xf32, #tpu.memory_space<smem>>
    %mul3A_3850 = vector.broadcast %get3A_3849 : f32 to vector<8x128xf32>
    %mul3A_3851 = arith.mulf %add3A_2116, %mul3A_3850 : vector<8x128xf32>
    %add3A_3852 = arith.addf %mul3A_3847, %mul3A_3851 : vector<8x128xf32>
    %get3A_3853 = arith.constant 661 : index
    %get3A_3854 = memref.load %arg3[%get3A_3853] : memref<1108xf32, #tpu.memory_space<smem>>
    %mul3A_3855 = vector.broadcast %get3A_3854 : f32 to vector<8x128xf32>
    %mul3A_3856 = arith.mulf %add3A_2160, %mul3A_3855 : vector<8x128xf32>
    %add3A_3857 = arith.addf %add3A_3852, %mul3A_3856 : vector<8x128xf32>
    %get3A_3858 = arith.constant 669 : index
    %get3A_3859 = memref.load %arg3[%get3A_3858] : memref<1108xf32, #tpu.memory_space<smem>>
    %mul3A_3860 = vector.broadcast %get3A_3859 : f32 to vector<8x128xf32>
    %mul3A_3861 = arith.mulf %add3A_2204, %mul3A_3860 : vector<8x128xf32>
    %add3A_3862 = arith.addf %add3A_3857, %mul3A_3861 : vector<8x128xf32>
    %get3A_3863 = arith.constant 677 : index
    %get3A_3864 = memref.load %arg3[%get3A_3863] : memref<1108xf32, #tpu.memory_space<smem>>
    %mul3A_3865 = vector.broadcast %get3A_3864 : f32 to vector<8x128xf32>
    %mul3A_3866 = arith.mulf %add3A_2248, %mul3A_3865 : vector<8x128xf32>
    %add3A_3867 = arith.addf %add3A_3862, %mul3A_3866 : vector<8x128xf32>
    %get3A_3868 = arith.constant 685 : index
    %get3A_3869 = memref.load %arg3[%get3A_3868] : memref<1108xf32, #tpu.memory_space<smem>>
    %mul3A_3870 = vector.broadcast %get3A_3869 : f32 to vector<8x128xf32>
    %mul3A_3871 = arith.mulf %add3A_2292, %mul3A_3870 : vector<8x128xf32>
    %add3A_3872 = arith.addf %add3A_3867, %mul3A_3871 : vector<8x128xf32>
    %get3A_3873 = arith.constant 693 : index
    %get3A_3874 = memref.load %arg3[%get3A_3873] : memref<1108xf32, #tpu.memory_space<smem>>
    %mul3A_3875 = vector.broadcast %get3A_3874 : f32 to vector<8x128xf32>
    %mul3A_3876 = arith.mulf %add3A_2336, %mul3A_3875 : vector<8x128xf32>
    %add3A_3877 = arith.addf %add3A_3872, %mul3A_3876 : vector<8x128xf32>
    %get3A_3878 = arith.constant 701 : index
    %get3A_3879 = memref.load %arg3[%get3A_3878] : memref<1108xf32, #tpu.memory_space<smem>>
    %mul3A_3880 = vector.broadcast %get3A_3879 : f32 to vector<8x128xf32>
    %mul3A_3881 = arith.mulf %add3A_2380, %mul3A_3880 : vector<8x128xf32>
    %add3A_3882 = arith.addf %add3A_3877, %mul3A_3881 : vector<8x128xf32>
    %get3A_3883 = arith.constant 709 : index
    %get3A_3884 = memref.load %arg3[%get3A_3883] : memref<1108xf32, #tpu.memory_space<smem>>
    %mul3A_3885 = vector.broadcast %get3A_3884 : f32 to vector<8x128xf32>
    %mul3A_3886 = arith.mulf %add3A_2424, %mul3A_3885 : vector<8x128xf32>
    %add3A_3887 = arith.addf %add3A_3882, %mul3A_3886 : vector<8x128xf32>
    %get3A_3888 = arith.constant 717 : index
    %get3A_3889 = memref.load %arg3[%get3A_3888] : memref<1108xf32, #tpu.memory_space<smem>>
    %mul3A_3890 = vector.broadcast %get3A_3889 : f32 to vector<8x128xf32>
    %mul3A_3891 = arith.mulf %add3A_2468, %mul3A_3890 : vector<8x128xf32>
    %add3A_3892 = arith.addf %add3A_3887, %mul3A_3891 : vector<8x128xf32>
    %get3A_3893 = arith.constant 725 : index
    %get3A_3894 = memref.load %arg3[%get3A_3893] : memref<1108xf32, #tpu.memory_space<smem>>
    %mul3A_3895 = vector.broadcast %get3A_3894 : f32 to vector<8x128xf32>
    %mul3A_3896 = arith.mulf %add3A_2512, %mul3A_3895 : vector<8x128xf32>
    %add3A_3897 = arith.addf %add3A_3892, %mul3A_3896 : vector<8x128xf32>
    %get3A_3898 = arith.constant 733 : index
    %get3A_3899 = memref.load %arg3[%get3A_3898] : memref<1108xf32, #tpu.memory_space<smem>>
    %mul3A_3900 = vector.broadcast %get3A_3899 : f32 to vector<8x128xf32>
    %mul3A_3901 = arith.mulf %add3A_2556, %mul3A_3900 : vector<8x128xf32>
    %add3A_3902 = arith.addf %add3A_3897, %mul3A_3901 : vector<8x128xf32>
    %get3A_3903 = arith.constant 741 : index
    %get3A_3904 = memref.load %arg3[%get3A_3903] : memref<1108xf32, #tpu.memory_space<smem>>
    %mul3A_3905 = vector.broadcast %get3A_3904 : f32 to vector<8x128xf32>
    %mul3A_3906 = arith.mulf %add3A_2600, %mul3A_3905 : vector<8x128xf32>
    %add3A_3907 = arith.addf %add3A_3902, %mul3A_3906 : vector<8x128xf32>
    %get3A_3908 = arith.constant 749 : index
    %get3A_3909 = memref.load %arg3[%get3A_3908] : memref<1108xf32, #tpu.memory_space<smem>>
    %mul3A_3910 = vector.broadcast %get3A_3909 : f32 to vector<8x128xf32>
    %mul3A_3911 = arith.mulf %add3A_2644, %mul3A_3910 : vector<8x128xf32>
    %add3A_3912 = arith.addf %add3A_3907, %mul3A_3911 : vector<8x128xf32>
    %get3A_3913 = arith.constant 757 : index
    %get3A_3914 = memref.load %arg3[%get3A_3913] : memref<1108xf32, #tpu.memory_space<smem>>
    %mul3A_3915 = vector.broadcast %get3A_3914 : f32 to vector<8x128xf32>
    %mul3A_3916 = arith.mulf %add3A_2688, %mul3A_3915 : vector<8x128xf32>
    %add3A_3917 = arith.addf %add3A_3912, %mul3A_3916 : vector<8x128xf32>
    %get3A_3918 = arith.constant 765 : index
    %get3A_3919 = memref.load %arg3[%get3A_3918] : memref<1108xf32, #tpu.memory_space<smem>>
    %mul3A_3920 = vector.broadcast %get3A_3919 : f32 to vector<8x128xf32>
    %mul3A_3921 = arith.mulf %add3A_2732, %mul3A_3920 : vector<8x128xf32>
    %add3A_3922 = arith.addf %add3A_3917, %mul3A_3921 : vector<8x128xf32>
    %get3A_3923 = arith.constant 781 : index
    %get3A_3924 = memref.load %arg3[%get3A_3923] : memref<1108xf32, #tpu.memory_space<smem>>
    %add3A_3925 = vector.broadcast %get3A_3924 : f32 to vector<8x128xf32>
    %add3A_3926 = arith.addf %add3A_3922, %add3A_3925 : vector<8x128xf32>
    %get3A_3927 = arith.constant 646 : index
    %get3A_3928 = memref.load %arg3[%get3A_3927] : memref<1108xf32, #tpu.memory_space<smem>>
    %mul3A_3929 = vector.broadcast %get3A_3928 : f32 to vector<8x128xf32>
    %mul3A_3930 = arith.mulf %add3A_2072, %mul3A_3929 : vector<8x128xf32>
    %get3A_3931 = arith.constant 654 : index
    %get3A_3932 = memref.load %arg3[%get3A_3931] : memref<1108xf32, #tpu.memory_space<smem>>
    %mul3A_3933 = vector.broadcast %get3A_3932 : f32 to vector<8x128xf32>
    %mul3A_3934 = arith.mulf %add3A_2116, %mul3A_3933 : vector<8x128xf32>
    %add3A_3935 = arith.addf %mul3A_3930, %mul3A_3934 : vector<8x128xf32>
    %get3A_3936 = arith.constant 662 : index
    %get3A_3937 = memref.load %arg3[%get3A_3936] : memref<1108xf32, #tpu.memory_space<smem>>
    %mul3A_3938 = vector.broadcast %get3A_3937 : f32 to vector<8x128xf32>
    %mul3A_3939 = arith.mulf %add3A_2160, %mul3A_3938 : vector<8x128xf32>
    %add3A_3940 = arith.addf %add3A_3935, %mul3A_3939 : vector<8x128xf32>
    %get3A_3941 = arith.constant 670 : index
    %get3A_3942 = memref.load %arg3[%get3A_3941] : memref<1108xf32, #tpu.memory_space<smem>>
    %mul3A_3943 = vector.broadcast %get3A_3942 : f32 to vector<8x128xf32>
    %mul3A_3944 = arith.mulf %add3A_2204, %mul3A_3943 : vector<8x128xf32>
    %add3A_3945 = arith.addf %add3A_3940, %mul3A_3944 : vector<8x128xf32>
    %get3A_3946 = arith.constant 678 : index
    %get3A_3947 = memref.load %arg3[%get3A_3946] : memref<1108xf32, #tpu.memory_space<smem>>
    %mul3A_3948 = vector.broadcast %get3A_3947 : f32 to vector<8x128xf32>
    %mul3A_3949 = arith.mulf %add3A_2248, %mul3A_3948 : vector<8x128xf32>
    %add3A_3950 = arith.addf %add3A_3945, %mul3A_3949 : vector<8x128xf32>
    %get3A_3951 = arith.constant 686 : index
    %get3A_3952 = memref.load %arg3[%get3A_3951] : memref<1108xf32, #tpu.memory_space<smem>>
    %mul3A_3953 = vector.broadcast %get3A_3952 : f32 to vector<8x128xf32>
    %mul3A_3954 = arith.mulf %add3A_2292, %mul3A_3953 : vector<8x128xf32>
    %add3A_3955 = arith.addf %add3A_3950, %mul3A_3954 : vector<8x128xf32>
    %get3A_3956 = arith.constant 694 : index
    %get3A_3957 = memref.load %arg3[%get3A_3956] : memref<1108xf32, #tpu.memory_space<smem>>
    %mul3A_3958 = vector.broadcast %get3A_3957 : f32 to vector<8x128xf32>
    %mul3A_3959 = arith.mulf %add3A_2336, %mul3A_3958 : vector<8x128xf32>
    %add3A_3960 = arith.addf %add3A_3955, %mul3A_3959 : vector<8x128xf32>
    %get3A_3961 = arith.constant 702 : index
    %get3A_3962 = memref.load %arg3[%get3A_3961] : memref<1108xf32, #tpu.memory_space<smem>>
    %mul3A_3963 = vector.broadcast %get3A_3962 : f32 to vector<8x128xf32>
    %mul3A_3964 = arith.mulf %add3A_2380, %mul3A_3963 : vector<8x128xf32>
    %add3A_3965 = arith.addf %add3A_3960, %mul3A_3964 : vector<8x128xf32>
    %get3A_3966 = arith.constant 710 : index
    %get3A_3967 = memref.load %arg3[%get3A_3966] : memref<1108xf32, #tpu.memory_space<smem>>
    %mul3A_3968 = vector.broadcast %get3A_3967 : f32 to vector<8x128xf32>
    %mul3A_3969 = arith.mulf %add3A_2424, %mul3A_3968 : vector<8x128xf32>
    %add3A_3970 = arith.addf %add3A_3965, %mul3A_3969 : vector<8x128xf32>
    %get3A_3971 = arith.constant 718 : index
    %get3A_3972 = memref.load %arg3[%get3A_3971] : memref<1108xf32, #tpu.memory_space<smem>>
    %mul3A_3973 = vector.broadcast %get3A_3972 : f32 to vector<8x128xf32>
    %mul3A_3974 = arith.mulf %add3A_2468, %mul3A_3973 : vector<8x128xf32>
    %add3A_3975 = arith.addf %add3A_3970, %mul3A_3974 : vector<8x128xf32>
    %get3A_3976 = arith.constant 726 : index
    %get3A_3977 = memref.load %arg3[%get3A_3976] : memref<1108xf32, #tpu.memory_space<smem>>
    %mul3A_3978 = vector.broadcast %get3A_3977 : f32 to vector<8x128xf32>
    %mul3A_3979 = arith.mulf %add3A_2512, %mul3A_3978 : vector<8x128xf32>
    %add3A_3980 = arith.addf %add3A_3975, %mul3A_3979 : vector<8x128xf32>
    %get3A_3981 = arith.constant 734 : index
    %get3A_3982 = memref.load %arg3[%get3A_3981] : memref<1108xf32, #tpu.memory_space<smem>>
    %mul3A_3983 = vector.broadcast %get3A_3982 : f32 to vector<8x128xf32>
    %mul3A_3984 = arith.mulf %add3A_2556, %mul3A_3983 : vector<8x128xf32>
    %add3A_3985 = arith.addf %add3A_3980, %mul3A_3984 : vector<8x128xf32>
    %get3A_3986 = arith.constant 742 : index
    %get3A_3987 = memref.load %arg3[%get3A_3986] : memref<1108xf32, #tpu.memory_space<smem>>
    %mul3A_3988 = vector.broadcast %get3A_3987 : f32 to vector<8x128xf32>
    %mul3A_3989 = arith.mulf %add3A_2600, %mul3A_3988 : vector<8x128xf32>
    %add3A_3990 = arith.addf %add3A_3985, %mul3A_3989 : vector<8x128xf32>
    %get3A_3991 = arith.constant 750 : index
    %get3A_3992 = memref.load %arg3[%get3A_3991] : memref<1108xf32, #tpu.memory_space<smem>>
    %mul3A_3993 = vector.broadcast %get3A_3992 : f32 to vector<8x128xf32>
    %mul3A_3994 = arith.mulf %add3A_2644, %mul3A_3993 : vector<8x128xf32>
    %add3A_3995 = arith.addf %add3A_3990, %mul3A_3994 : vector<8x128xf32>
    %get3A_3996 = arith.constant 758 : index
    %get3A_3997 = memref.load %arg3[%get3A_3996] : memref<1108xf32, #tpu.memory_space<smem>>
    %mul3A_3998 = vector.broadcast %get3A_3997 : f32 to vector<8x128xf32>
    %mul3A_3999 = arith.mulf %add3A_2688, %mul3A_3998 : vector<8x128xf32>
    %add3A_4000 = arith.addf %add3A_3995, %mul3A_3999 : vector<8x128xf32>
    %get3A_4001 = arith.constant 766 : index
    %get3A_4002 = memref.load %arg3[%get3A_4001] : memref<1108xf32, #tpu.memory_space<smem>>
    %mul3A_4003 = vector.broadcast %get3A_4002 : f32 to vector<8x128xf32>
    %mul3A_4004 = arith.mulf %add3A_2732, %mul3A_4003 : vector<8x128xf32>
    %add3A_4005 = arith.addf %add3A_4000, %mul3A_4004 : vector<8x128xf32>
    %get3A_4006 = arith.constant 782 : index
    %get3A_4007 = memref.load %arg3[%get3A_4006] : memref<1108xf32, #tpu.memory_space<smem>>
    %add3A_4008 = vector.broadcast %get3A_4007 : f32 to vector<8x128xf32>
    %add3A_4009 = arith.addf %add3A_4005, %add3A_4008 : vector<8x128xf32>
    %get3A_4010 = arith.constant 647 : index
    %get3A_4011 = memref.load %arg3[%get3A_4010] : memref<1108xf32, #tpu.memory_space<smem>>
    %mul3A_4012 = vector.broadcast %get3A_4011 : f32 to vector<8x128xf32>
    %mul3A_4013 = arith.mulf %add3A_2072, %mul3A_4012 : vector<8x128xf32>
    %get3A_4014 = arith.constant 655 : index
    %get3A_4015 = memref.load %arg3[%get3A_4014] : memref<1108xf32, #tpu.memory_space<smem>>
    %mul3A_4016 = vector.broadcast %get3A_4015 : f32 to vector<8x128xf32>
    %mul3A_4017 = arith.mulf %add3A_2116, %mul3A_4016 : vector<8x128xf32>
    %add3A_4018 = arith.addf %mul3A_4013, %mul3A_4017 : vector<8x128xf32>
    %get3A_4019 = arith.constant 663 : index
    %get3A_4020 = memref.load %arg3[%get3A_4019] : memref<1108xf32, #tpu.memory_space<smem>>
    %mul3A_4021 = vector.broadcast %get3A_4020 : f32 to vector<8x128xf32>
    %mul3A_4022 = arith.mulf %add3A_2160, %mul3A_4021 : vector<8x128xf32>
    %add3A_4023 = arith.addf %add3A_4018, %mul3A_4022 : vector<8x128xf32>
    %get3A_4024 = arith.constant 671 : index
    %get3A_4025 = memref.load %arg3[%get3A_4024] : memref<1108xf32, #tpu.memory_space<smem>>
    %mul3A_4026 = vector.broadcast %get3A_4025 : f32 to vector<8x128xf32>
    %mul3A_4027 = arith.mulf %add3A_2204, %mul3A_4026 : vector<8x128xf32>
    %add3A_4028 = arith.addf %add3A_4023, %mul3A_4027 : vector<8x128xf32>
    %get3A_4029 = arith.constant 679 : index
    %get3A_4030 = memref.load %arg3[%get3A_4029] : memref<1108xf32, #tpu.memory_space<smem>>
    %mul3A_4031 = vector.broadcast %get3A_4030 : f32 to vector<8x128xf32>
    %mul3A_4032 = arith.mulf %add3A_2248, %mul3A_4031 : vector<8x128xf32>
    %add3A_4033 = arith.addf %add3A_4028, %mul3A_4032 : vector<8x128xf32>
    %get3A_4034 = arith.constant 687 : index
    %get3A_4035 = memref.load %arg3[%get3A_4034] : memref<1108xf32, #tpu.memory_space<smem>>
    %mul3A_4036 = vector.broadcast %get3A_4035 : f32 to vector<8x128xf32>
    %mul3A_4037 = arith.mulf %add3A_2292, %mul3A_4036 : vector<8x128xf32>
    %add3A_4038 = arith.addf %add3A_4033, %mul3A_4037 : vector<8x128xf32>
    %get3A_4039 = arith.constant 695 : index
    %get3A_4040 = memref.load %arg3[%get3A_4039] : memref<1108xf32, #tpu.memory_space<smem>>
    %mul3A_4041 = vector.broadcast %get3A_4040 : f32 to vector<8x128xf32>
    %mul3A_4042 = arith.mulf %add3A_2336, %mul3A_4041 : vector<8x128xf32>
    %add3A_4043 = arith.addf %add3A_4038, %mul3A_4042 : vector<8x128xf32>
    %get3A_4044 = arith.constant 703 : index
    %get3A_4045 = memref.load %arg3[%get3A_4044] : memref<1108xf32, #tpu.memory_space<smem>>
    %mul3A_4046 = vector.broadcast %get3A_4045 : f32 to vector<8x128xf32>
    %mul3A_4047 = arith.mulf %add3A_2380, %mul3A_4046 : vector<8x128xf32>
    %add3A_4048 = arith.addf %add3A_4043, %mul3A_4047 : vector<8x128xf32>
    %get3A_4049 = arith.constant 711 : index
    %get3A_4050 = memref.load %arg3[%get3A_4049] : memref<1108xf32, #tpu.memory_space<smem>>
    %mul3A_4051 = vector.broadcast %get3A_4050 : f32 to vector<8x128xf32>
    %mul3A_4052 = arith.mulf %add3A_2424, %mul3A_4051 : vector<8x128xf32>
    %add3A_4053 = arith.addf %add3A_4048, %mul3A_4052 : vector<8x128xf32>
    %get3A_4054 = arith.constant 719 : index
    %get3A_4055 = memref.load %arg3[%get3A_4054] : memref<1108xf32, #tpu.memory_space<smem>>
    %mul3A_4056 = vector.broadcast %get3A_4055 : f32 to vector<8x128xf32>
    %mul3A_4057 = arith.mulf %add3A_2468, %mul3A_4056 : vector<8x128xf32>
    %add3A_4058 = arith.addf %add3A_4053, %mul3A_4057 : vector<8x128xf32>
    %get3A_4059 = arith.constant 727 : index
    %get3A_4060 = memref.load %arg3[%get3A_4059] : memref<1108xf32, #tpu.memory_space<smem>>
    %mul3A_4061 = vector.broadcast %get3A_4060 : f32 to vector<8x128xf32>
    %mul3A_4062 = arith.mulf %add3A_2512, %mul3A_4061 : vector<8x128xf32>
    %add3A_4063 = arith.addf %add3A_4058, %mul3A_4062 : vector<8x128xf32>
    %get3A_4064 = arith.constant 735 : index
    %get3A_4065 = memref.load %arg3[%get3A_4064] : memref<1108xf32, #tpu.memory_space<smem>>
    %mul3A_4066 = vector.broadcast %get3A_4065 : f32 to vector<8x128xf32>
    %mul3A_4067 = arith.mulf %add3A_2556, %mul3A_4066 : vector<8x128xf32>
    %add3A_4068 = arith.addf %add3A_4063, %mul3A_4067 : vector<8x128xf32>
    %get3A_4069 = arith.constant 743 : index
    %get3A_4070 = memref.load %arg3[%get3A_4069] : memref<1108xf32, #tpu.memory_space<smem>>
    %mul3A_4071 = vector.broadcast %get3A_4070 : f32 to vector<8x128xf32>
    %mul3A_4072 = arith.mulf %add3A_2600, %mul3A_4071 : vector<8x128xf32>
    %add3A_4073 = arith.addf %add3A_4068, %mul3A_4072 : vector<8x128xf32>
    %get3A_4074 = arith.constant 751 : index
    %get3A_4075 = memref.load %arg3[%get3A_4074] : memref<1108xf32, #tpu.memory_space<smem>>
    %mul3A_4076 = vector.broadcast %get3A_4075 : f32 to vector<8x128xf32>
    %mul3A_4077 = arith.mulf %add3A_2644, %mul3A_4076 : vector<8x128xf32>
    %add3A_4078 = arith.addf %add3A_4073, %mul3A_4077 : vector<8x128xf32>
    %get3A_4079 = arith.constant 759 : index
    %get3A_4080 = memref.load %arg3[%get3A_4079] : memref<1108xf32, #tpu.memory_space<smem>>
    %mul3A_4081 = vector.broadcast %get3A_4080 : f32 to vector<8x128xf32>
    %mul3A_4082 = arith.mulf %add3A_2688, %mul3A_4081 : vector<8x128xf32>
    %add3A_4083 = arith.addf %add3A_4078, %mul3A_4082 : vector<8x128xf32>
    %get3A_4084 = arith.constant 767 : index
    %get3A_4085 = memref.load %arg3[%get3A_4084] : memref<1108xf32, #tpu.memory_space<smem>>
    %mul3A_4086 = vector.broadcast %get3A_4085 : f32 to vector<8x128xf32>
    %mul3A_4087 = arith.mulf %add3A_2732, %mul3A_4086 : vector<8x128xf32>
    %add3A_4088 = arith.addf %add3A_4083, %mul3A_4087 : vector<8x128xf32>
    %get3A_4089 = arith.constant 783 : index
    %get3A_4090 = memref.load %arg3[%get3A_4089] : memref<1108xf32, #tpu.memory_space<smem>>
    %add3A_4091 = vector.broadcast %get3A_4090 : f32 to vector<8x128xf32>
    %add3A_4092 = arith.addf %add3A_4088, %add3A_4091 : vector<8x128xf32>
    %get3A_4093 = arith.constant 648 : index
    %get3A_4094 = memref.load %arg3[%get3A_4093] : memref<1108xf32, #tpu.memory_space<smem>>
    %mul3A_4095 = vector.broadcast %get3A_4094 : f32 to vector<8x128xf32>
    %mul3A_4096 = arith.mulf %add3A_2072, %mul3A_4095 : vector<8x128xf32>
    %get3A_4097 = arith.constant 656 : index
    %get3A_4098 = memref.load %arg3[%get3A_4097] : memref<1108xf32, #tpu.memory_space<smem>>
    %mul3A_4099 = vector.broadcast %get3A_4098 : f32 to vector<8x128xf32>
    %mul3A_4100 = arith.mulf %add3A_2116, %mul3A_4099 : vector<8x128xf32>
    %add3A_4101 = arith.addf %mul3A_4096, %mul3A_4100 : vector<8x128xf32>
    %get3A_4102 = arith.constant 664 : index
    %get3A_4103 = memref.load %arg3[%get3A_4102] : memref<1108xf32, #tpu.memory_space<smem>>
    %mul3A_4104 = vector.broadcast %get3A_4103 : f32 to vector<8x128xf32>
    %mul3A_4105 = arith.mulf %add3A_2160, %mul3A_4104 : vector<8x128xf32>
    %add3A_4106 = arith.addf %add3A_4101, %mul3A_4105 : vector<8x128xf32>
    %get3A_4107 = arith.constant 672 : index
    %get3A_4108 = memref.load %arg3[%get3A_4107] : memref<1108xf32, #tpu.memory_space<smem>>
    %mul3A_4109 = vector.broadcast %get3A_4108 : f32 to vector<8x128xf32>
    %mul3A_4110 = arith.mulf %add3A_2204, %mul3A_4109 : vector<8x128xf32>
    %add3A_4111 = arith.addf %add3A_4106, %mul3A_4110 : vector<8x128xf32>
    %get3A_4112 = arith.constant 680 : index
    %get3A_4113 = memref.load %arg3[%get3A_4112] : memref<1108xf32, #tpu.memory_space<smem>>
    %mul3A_4114 = vector.broadcast %get3A_4113 : f32 to vector<8x128xf32>
    %mul3A_4115 = arith.mulf %add3A_2248, %mul3A_4114 : vector<8x128xf32>
    %add3A_4116 = arith.addf %add3A_4111, %mul3A_4115 : vector<8x128xf32>
    %get3A_4117 = arith.constant 688 : index
    %get3A_4118 = memref.load %arg3[%get3A_4117] : memref<1108xf32, #tpu.memory_space<smem>>
    %mul3A_4119 = vector.broadcast %get3A_4118 : f32 to vector<8x128xf32>
    %mul3A_4120 = arith.mulf %add3A_2292, %mul3A_4119 : vector<8x128xf32>
    %add3A_4121 = arith.addf %add3A_4116, %mul3A_4120 : vector<8x128xf32>
    %get3A_4122 = arith.constant 696 : index
    %get3A_4123 = memref.load %arg3[%get3A_4122] : memref<1108xf32, #tpu.memory_space<smem>>
    %mul3A_4124 = vector.broadcast %get3A_4123 : f32 to vector<8x128xf32>
    %mul3A_4125 = arith.mulf %add3A_2336, %mul3A_4124 : vector<8x128xf32>
    %add3A_4126 = arith.addf %add3A_4121, %mul3A_4125 : vector<8x128xf32>
    %get3A_4127 = arith.constant 704 : index
    %get3A_4128 = memref.load %arg3[%get3A_4127] : memref<1108xf32, #tpu.memory_space<smem>>
    %mul3A_4129 = vector.broadcast %get3A_4128 : f32 to vector<8x128xf32>
    %mul3A_4130 = arith.mulf %add3A_2380, %mul3A_4129 : vector<8x128xf32>
    %add3A_4131 = arith.addf %add3A_4126, %mul3A_4130 : vector<8x128xf32>
    %get3A_4132 = arith.constant 712 : index
    %get3A_4133 = memref.load %arg3[%get3A_4132] : memref<1108xf32, #tpu.memory_space<smem>>
    %mul3A_4134 = vector.broadcast %get3A_4133 : f32 to vector<8x128xf32>
    %mul3A_4135 = arith.mulf %add3A_2424, %mul3A_4134 : vector<8x128xf32>
    %add3A_4136 = arith.addf %add3A_4131, %mul3A_4135 : vector<8x128xf32>
    %get3A_4137 = arith.constant 720 : index
    %get3A_4138 = memref.load %arg3[%get3A_4137] : memref<1108xf32, #tpu.memory_space<smem>>
    %mul3A_4139 = vector.broadcast %get3A_4138 : f32 to vector<8x128xf32>
    %mul3A_4140 = arith.mulf %add3A_2468, %mul3A_4139 : vector<8x128xf32>
    %add3A_4141 = arith.addf %add3A_4136, %mul3A_4140 : vector<8x128xf32>
    %get3A_4142 = arith.constant 728 : index
    %get3A_4143 = memref.load %arg3[%get3A_4142] : memref<1108xf32, #tpu.memory_space<smem>>
    %mul3A_4144 = vector.broadcast %get3A_4143 : f32 to vector<8x128xf32>
    %mul3A_4145 = arith.mulf %add3A_2512, %mul3A_4144 : vector<8x128xf32>
    %add3A_4146 = arith.addf %add3A_4141, %mul3A_4145 : vector<8x128xf32>
    %get3A_4147 = arith.constant 736 : index
    %get3A_4148 = memref.load %arg3[%get3A_4147] : memref<1108xf32, #tpu.memory_space<smem>>
    %mul3A_4149 = vector.broadcast %get3A_4148 : f32 to vector<8x128xf32>
    %mul3A_4150 = arith.mulf %add3A_2556, %mul3A_4149 : vector<8x128xf32>
    %add3A_4151 = arith.addf %add3A_4146, %mul3A_4150 : vector<8x128xf32>
    %get3A_4152 = arith.constant 744 : index
    %get3A_4153 = memref.load %arg3[%get3A_4152] : memref<1108xf32, #tpu.memory_space<smem>>
    %mul3A_4154 = vector.broadcast %get3A_4153 : f32 to vector<8x128xf32>
    %mul3A_4155 = arith.mulf %add3A_2600, %mul3A_4154 : vector<8x128xf32>
    %add3A_4156 = arith.addf %add3A_4151, %mul3A_4155 : vector<8x128xf32>
    %get3A_4157 = arith.constant 752 : index
    %get3A_4158 = memref.load %arg3[%get3A_4157] : memref<1108xf32, #tpu.memory_space<smem>>
    %mul3A_4159 = vector.broadcast %get3A_4158 : f32 to vector<8x128xf32>
    %mul3A_4160 = arith.mulf %add3A_2644, %mul3A_4159 : vector<8x128xf32>
    %add3A_4161 = arith.addf %add3A_4156, %mul3A_4160 : vector<8x128xf32>
    %get3A_4162 = arith.constant 760 : index
    %get3A_4163 = memref.load %arg3[%get3A_4162] : memref<1108xf32, #tpu.memory_space<smem>>
    %mul3A_4164 = vector.broadcast %get3A_4163 : f32 to vector<8x128xf32>
    %mul3A_4165 = arith.mulf %add3A_2688, %mul3A_4164 : vector<8x128xf32>
    %add3A_4166 = arith.addf %add3A_4161, %mul3A_4165 : vector<8x128xf32>
    %get3A_4167 = arith.constant 768 : index
    %get3A_4168 = memref.load %arg3[%get3A_4167] : memref<1108xf32, #tpu.memory_space<smem>>
    %mul3A_4169 = vector.broadcast %get3A_4168 : f32 to vector<8x128xf32>
    %mul3A_4170 = arith.mulf %add3A_2732, %mul3A_4169 : vector<8x128xf32>
    %add3A_4171 = arith.addf %add3A_4166, %mul3A_4170 : vector<8x128xf32>
    %get3A_4172 = arith.constant 784 : index
    %get3A_4173 = memref.load %arg3[%get3A_4172] : memref<1108xf32, #tpu.memory_space<smem>>
    %add3A_4174 = vector.broadcast %get3A_4173 : f32 to vector<8x128xf32>
    %add3A_4175 = arith.addf %add3A_4171, %add3A_4174 : vector<8x128xf32>
    %get3A_4176 = arith.constant 649 : index
    %get3A_4177 = memref.load %arg3[%get3A_4176] : memref<1108xf32, #tpu.memory_space<smem>>
    %mul3A_4178 = vector.broadcast %get3A_4177 : f32 to vector<8x128xf32>
    %mul3A_4179 = arith.mulf %add3A_2072, %mul3A_4178 : vector<8x128xf32>
    %get3A_4180 = arith.constant 657 : index
    %get3A_4181 = memref.load %arg3[%get3A_4180] : memref<1108xf32, #tpu.memory_space<smem>>
    %mul3A_4182 = vector.broadcast %get3A_4181 : f32 to vector<8x128xf32>
    %mul3A_4183 = arith.mulf %add3A_2116, %mul3A_4182 : vector<8x128xf32>
    %add3A_4184 = arith.addf %mul3A_4179, %mul3A_4183 : vector<8x128xf32>
    %get3A_4185 = arith.constant 665 : index
    %get3A_4186 = memref.load %arg3[%get3A_4185] : memref<1108xf32, #tpu.memory_space<smem>>
    %mul3A_4187 = vector.broadcast %get3A_4186 : f32 to vector<8x128xf32>
    %mul3A_4188 = arith.mulf %add3A_2160, %mul3A_4187 : vector<8x128xf32>
    %add3A_4189 = arith.addf %add3A_4184, %mul3A_4188 : vector<8x128xf32>
    %get3A_4190 = arith.constant 673 : index
    %get3A_4191 = memref.load %arg3[%get3A_4190] : memref<1108xf32, #tpu.memory_space<smem>>
    %mul3A_4192 = vector.broadcast %get3A_4191 : f32 to vector<8x128xf32>
    %mul3A_4193 = arith.mulf %add3A_2204, %mul3A_4192 : vector<8x128xf32>
    %add3A_4194 = arith.addf %add3A_4189, %mul3A_4193 : vector<8x128xf32>
    %get3A_4195 = arith.constant 681 : index
    %get3A_4196 = memref.load %arg3[%get3A_4195] : memref<1108xf32, #tpu.memory_space<smem>>
    %mul3A_4197 = vector.broadcast %get3A_4196 : f32 to vector<8x128xf32>
    %mul3A_4198 = arith.mulf %add3A_2248, %mul3A_4197 : vector<8x128xf32>
    %add3A_4199 = arith.addf %add3A_4194, %mul3A_4198 : vector<8x128xf32>
    %get3A_4200 = arith.constant 689 : index
    %get3A_4201 = memref.load %arg3[%get3A_4200] : memref<1108xf32, #tpu.memory_space<smem>>
    %mul3A_4202 = vector.broadcast %get3A_4201 : f32 to vector<8x128xf32>
    %mul3A_4203 = arith.mulf %add3A_2292, %mul3A_4202 : vector<8x128xf32>
    %add3A_4204 = arith.addf %add3A_4199, %mul3A_4203 : vector<8x128xf32>
    %get3A_4205 = arith.constant 697 : index
    %get3A_4206 = memref.load %arg3[%get3A_4205] : memref<1108xf32, #tpu.memory_space<smem>>
    %mul3A_4207 = vector.broadcast %get3A_4206 : f32 to vector<8x128xf32>
    %mul3A_4208 = arith.mulf %add3A_2336, %mul3A_4207 : vector<8x128xf32>
    %add3A_4209 = arith.addf %add3A_4204, %mul3A_4208 : vector<8x128xf32>
    %get3A_4210 = arith.constant 705 : index
    %get3A_4211 = memref.load %arg3[%get3A_4210] : memref<1108xf32, #tpu.memory_space<smem>>
    %mul3A_4212 = vector.broadcast %get3A_4211 : f32 to vector<8x128xf32>
    %mul3A_4213 = arith.mulf %add3A_2380, %mul3A_4212 : vector<8x128xf32>
    %add3A_4214 = arith.addf %add3A_4209, %mul3A_4213 : vector<8x128xf32>
    %get3A_4215 = arith.constant 713 : index
    %get3A_4216 = memref.load %arg3[%get3A_4215] : memref<1108xf32, #tpu.memory_space<smem>>
    %mul3A_4217 = vector.broadcast %get3A_4216 : f32 to vector<8x128xf32>
    %mul3A_4218 = arith.mulf %add3A_2424, %mul3A_4217 : vector<8x128xf32>
    %add3A_4219 = arith.addf %add3A_4214, %mul3A_4218 : vector<8x128xf32>
    %get3A_4220 = arith.constant 721 : index
    %get3A_4221 = memref.load %arg3[%get3A_4220] : memref<1108xf32, #tpu.memory_space<smem>>
    %mul3A_4222 = vector.broadcast %get3A_4221 : f32 to vector<8x128xf32>
    %mul3A_4223 = arith.mulf %add3A_2468, %mul3A_4222 : vector<8x128xf32>
    %add3A_4224 = arith.addf %add3A_4219, %mul3A_4223 : vector<8x128xf32>
    %get3A_4225 = arith.constant 729 : index
    %get3A_4226 = memref.load %arg3[%get3A_4225] : memref<1108xf32, #tpu.memory_space<smem>>
    %mul3A_4227 = vector.broadcast %get3A_4226 : f32 to vector<8x128xf32>
    %mul3A_4228 = arith.mulf %add3A_2512, %mul3A_4227 : vector<8x128xf32>
    %add3A_4229 = arith.addf %add3A_4224, %mul3A_4228 : vector<8x128xf32>
    %get3A_4230 = arith.constant 737 : index
    %get3A_4231 = memref.load %arg3[%get3A_4230] : memref<1108xf32, #tpu.memory_space<smem>>
    %mul3A_4232 = vector.broadcast %get3A_4231 : f32 to vector<8x128xf32>
    %mul3A_4233 = arith.mulf %add3A_2556, %mul3A_4232 : vector<8x128xf32>
    %add3A_4234 = arith.addf %add3A_4229, %mul3A_4233 : vector<8x128xf32>
    %get3A_4235 = arith.constant 745 : index
    %get3A_4236 = memref.load %arg3[%get3A_4235] : memref<1108xf32, #tpu.memory_space<smem>>
    %mul3A_4237 = vector.broadcast %get3A_4236 : f32 to vector<8x128xf32>
    %mul3A_4238 = arith.mulf %add3A_2600, %mul3A_4237 : vector<8x128xf32>
    %add3A_4239 = arith.addf %add3A_4234, %mul3A_4238 : vector<8x128xf32>
    %get3A_4240 = arith.constant 753 : index
    %get3A_4241 = memref.load %arg3[%get3A_4240] : memref<1108xf32, #tpu.memory_space<smem>>
    %mul3A_4242 = vector.broadcast %get3A_4241 : f32 to vector<8x128xf32>
    %mul3A_4243 = arith.mulf %add3A_2644, %mul3A_4242 : vector<8x128xf32>
    %add3A_4244 = arith.addf %add3A_4239, %mul3A_4243 : vector<8x128xf32>
    %get3A_4245 = arith.constant 761 : index
    %get3A_4246 = memref.load %arg3[%get3A_4245] : memref<1108xf32, #tpu.memory_space<smem>>
    %mul3A_4247 = vector.broadcast %get3A_4246 : f32 to vector<8x128xf32>
    %mul3A_4248 = arith.mulf %add3A_2688, %mul3A_4247 : vector<8x128xf32>
    %add3A_4249 = arith.addf %add3A_4244, %mul3A_4248 : vector<8x128xf32>
    %get3A_4250 = arith.constant 769 : index
    %get3A_4251 = memref.load %arg3[%get3A_4250] : memref<1108xf32, #tpu.memory_space<smem>>
    %mul3A_4252 = vector.broadcast %get3A_4251 : f32 to vector<8x128xf32>
    %mul3A_4253 = arith.mulf %add3A_2732, %mul3A_4252 : vector<8x128xf32>
    %add3A_4254 = arith.addf %add3A_4249, %mul3A_4253 : vector<8x128xf32>
    %get3A_4255 = arith.constant 785 : index
    %get3A_4256 = memref.load %arg3[%get3A_4255] : memref<1108xf32, #tpu.memory_space<smem>>
    %add3A_4257 = vector.broadcast %get3A_4256 : f32 to vector<8x128xf32>
    %add3A_4258 = arith.addf %add3A_4254, %add3A_4257 : vector<8x128xf32>
    %get3A_4259 = arith.constant 650 : index
    %get3A_4260 = memref.load %arg3[%get3A_4259] : memref<1108xf32, #tpu.memory_space<smem>>
    %mul3A_4261 = vector.broadcast %get3A_4260 : f32 to vector<8x128xf32>
    %mul3A_4262 = arith.mulf %add3A_2072, %mul3A_4261 : vector<8x128xf32>
    %get3A_4263 = arith.constant 658 : index
    %get3A_4264 = memref.load %arg3[%get3A_4263] : memref<1108xf32, #tpu.memory_space<smem>>
    %mul3A_4265 = vector.broadcast %get3A_4264 : f32 to vector<8x128xf32>
    %mul3A_4266 = arith.mulf %add3A_2116, %mul3A_4265 : vector<8x128xf32>
    %add3A_4267 = arith.addf %mul3A_4262, %mul3A_4266 : vector<8x128xf32>
    %get3A_4268 = arith.constant 666 : index
    %get3A_4269 = memref.load %arg3[%get3A_4268] : memref<1108xf32, #tpu.memory_space<smem>>
    %mul3A_4270 = vector.broadcast %get3A_4269 : f32 to vector<8x128xf32>
    %mul3A_4271 = arith.mulf %add3A_2160, %mul3A_4270 : vector<8x128xf32>
    %add3A_4272 = arith.addf %add3A_4267, %mul3A_4271 : vector<8x128xf32>
    %get3A_4273 = arith.constant 674 : index
    %get3A_4274 = memref.load %arg3[%get3A_4273] : memref<1108xf32, #tpu.memory_space<smem>>
    %mul3A_4275 = vector.broadcast %get3A_4274 : f32 to vector<8x128xf32>
    %mul3A_4276 = arith.mulf %add3A_2204, %mul3A_4275 : vector<8x128xf32>
    %add3A_4277 = arith.addf %add3A_4272, %mul3A_4276 : vector<8x128xf32>
    %get3A_4278 = arith.constant 682 : index
    %get3A_4279 = memref.load %arg3[%get3A_4278] : memref<1108xf32, #tpu.memory_space<smem>>
    %mul3A_4280 = vector.broadcast %get3A_4279 : f32 to vector<8x128xf32>
    %mul3A_4281 = arith.mulf %add3A_2248, %mul3A_4280 : vector<8x128xf32>
    %add3A_4282 = arith.addf %add3A_4277, %mul3A_4281 : vector<8x128xf32>
    %get3A_4283 = arith.constant 690 : index
    %get3A_4284 = memref.load %arg3[%get3A_4283] : memref<1108xf32, #tpu.memory_space<smem>>
    %mul3A_4285 = vector.broadcast %get3A_4284 : f32 to vector<8x128xf32>
    %mul3A_4286 = arith.mulf %add3A_2292, %mul3A_4285 : vector<8x128xf32>
    %add3A_4287 = arith.addf %add3A_4282, %mul3A_4286 : vector<8x128xf32>
    %get3A_4288 = arith.constant 698 : index
    %get3A_4289 = memref.load %arg3[%get3A_4288] : memref<1108xf32, #tpu.memory_space<smem>>
    %mul3A_4290 = vector.broadcast %get3A_4289 : f32 to vector<8x128xf32>
    %mul3A_4291 = arith.mulf %add3A_2336, %mul3A_4290 : vector<8x128xf32>
    %add3A_4292 = arith.addf %add3A_4287, %mul3A_4291 : vector<8x128xf32>
    %get3A_4293 = arith.constant 706 : index
    %get3A_4294 = memref.load %arg3[%get3A_4293] : memref<1108xf32, #tpu.memory_space<smem>>
    %mul3A_4295 = vector.broadcast %get3A_4294 : f32 to vector<8x128xf32>
    %mul3A_4296 = arith.mulf %add3A_2380, %mul3A_4295 : vector<8x128xf32>
    %add3A_4297 = arith.addf %add3A_4292, %mul3A_4296 : vector<8x128xf32>
    %get3A_4298 = arith.constant 714 : index
    %get3A_4299 = memref.load %arg3[%get3A_4298] : memref<1108xf32, #tpu.memory_space<smem>>
    %mul3A_4300 = vector.broadcast %get3A_4299 : f32 to vector<8x128xf32>
    %mul3A_4301 = arith.mulf %add3A_2424, %mul3A_4300 : vector<8x128xf32>
    %add3A_4302 = arith.addf %add3A_4297, %mul3A_4301 : vector<8x128xf32>
    %get3A_4303 = arith.constant 722 : index
    %get3A_4304 = memref.load %arg3[%get3A_4303] : memref<1108xf32, #tpu.memory_space<smem>>
    %mul3A_4305 = vector.broadcast %get3A_4304 : f32 to vector<8x128xf32>
    %mul3A_4306 = arith.mulf %add3A_2468, %mul3A_4305 : vector<8x128xf32>
    %add3A_4307 = arith.addf %add3A_4302, %mul3A_4306 : vector<8x128xf32>
    %get3A_4308 = arith.constant 730 : index
    %get3A_4309 = memref.load %arg3[%get3A_4308] : memref<1108xf32, #tpu.memory_space<smem>>
    %mul3A_4310 = vector.broadcast %get3A_4309 : f32 to vector<8x128xf32>
    %mul3A_4311 = arith.mulf %add3A_2512, %mul3A_4310 : vector<8x128xf32>
    %add3A_4312 = arith.addf %add3A_4307, %mul3A_4311 : vector<8x128xf32>
    %get3A_4313 = arith.constant 738 : index
    %get3A_4314 = memref.load %arg3[%get3A_4313] : memref<1108xf32, #tpu.memory_space<smem>>
    %mul3A_4315 = vector.broadcast %get3A_4314 : f32 to vector<8x128xf32>
    %mul3A_4316 = arith.mulf %add3A_2556, %mul3A_4315 : vector<8x128xf32>
    %add3A_4317 = arith.addf %add3A_4312, %mul3A_4316 : vector<8x128xf32>
    %get3A_4318 = arith.constant 746 : index
    %get3A_4319 = memref.load %arg3[%get3A_4318] : memref<1108xf32, #tpu.memory_space<smem>>
    %mul3A_4320 = vector.broadcast %get3A_4319 : f32 to vector<8x128xf32>
    %mul3A_4321 = arith.mulf %add3A_2600, %mul3A_4320 : vector<8x128xf32>
    %add3A_4322 = arith.addf %add3A_4317, %mul3A_4321 : vector<8x128xf32>
    %get3A_4323 = arith.constant 754 : index
    %get3A_4324 = memref.load %arg3[%get3A_4323] : memref<1108xf32, #tpu.memory_space<smem>>
    %mul3A_4325 = vector.broadcast %get3A_4324 : f32 to vector<8x128xf32>
    %mul3A_4326 = arith.mulf %add3A_2644, %mul3A_4325 : vector<8x128xf32>
    %add3A_4327 = arith.addf %add3A_4322, %mul3A_4326 : vector<8x128xf32>
    %get3A_4328 = arith.constant 762 : index
    %get3A_4329 = memref.load %arg3[%get3A_4328] : memref<1108xf32, #tpu.memory_space<smem>>
    %mul3A_4330 = vector.broadcast %get3A_4329 : f32 to vector<8x128xf32>
    %mul3A_4331 = arith.mulf %add3A_2688, %mul3A_4330 : vector<8x128xf32>
    %add3A_4332 = arith.addf %add3A_4327, %mul3A_4331 : vector<8x128xf32>
    %get3A_4333 = arith.constant 770 : index
    %get3A_4334 = memref.load %arg3[%get3A_4333] : memref<1108xf32, #tpu.memory_space<smem>>
    %mul3A_4335 = vector.broadcast %get3A_4334 : f32 to vector<8x128xf32>
    %mul3A_4336 = arith.mulf %add3A_2732, %mul3A_4335 : vector<8x128xf32>
    %add3A_4337 = arith.addf %add3A_4332, %mul3A_4336 : vector<8x128xf32>
    %get3A_4338 = arith.constant 786 : index
    %get3A_4339 = memref.load %arg3[%get3A_4338] : memref<1108xf32, #tpu.memory_space<smem>>
    %add3A_4340 = vector.broadcast %get3A_4339 : f32 to vector<8x128xf32>
    %add3A_4341 = arith.addf %add3A_4337, %add3A_4340 : vector<8x128xf32>
    %get3A_4342 = arith.constant 651 : index
    %get3A_4343 = memref.load %arg3[%get3A_4342] : memref<1108xf32, #tpu.memory_space<smem>>
    %mul3A_4344 = vector.broadcast %get3A_4343 : f32 to vector<8x128xf32>
    %mul3A_4345 = arith.mulf %add3A_2072, %mul3A_4344 : vector<8x128xf32>
    %get3A_4346 = arith.constant 659 : index
    %get3A_4347 = memref.load %arg3[%get3A_4346] : memref<1108xf32, #tpu.memory_space<smem>>
    %mul3A_4348 = vector.broadcast %get3A_4347 : f32 to vector<8x128xf32>
    %mul3A_4349 = arith.mulf %add3A_2116, %mul3A_4348 : vector<8x128xf32>
    %add3A_4350 = arith.addf %mul3A_4345, %mul3A_4349 : vector<8x128xf32>
    %get3A_4351 = arith.constant 667 : index
    %get3A_4352 = memref.load %arg3[%get3A_4351] : memref<1108xf32, #tpu.memory_space<smem>>
    %mul3A_4353 = vector.broadcast %get3A_4352 : f32 to vector<8x128xf32>
    %mul3A_4354 = arith.mulf %add3A_2160, %mul3A_4353 : vector<8x128xf32>
    %add3A_4355 = arith.addf %add3A_4350, %mul3A_4354 : vector<8x128xf32>
    %get3A_4356 = arith.constant 675 : index
    %get3A_4357 = memref.load %arg3[%get3A_4356] : memref<1108xf32, #tpu.memory_space<smem>>
    %mul3A_4358 = vector.broadcast %get3A_4357 : f32 to vector<8x128xf32>
    %mul3A_4359 = arith.mulf %add3A_2204, %mul3A_4358 : vector<8x128xf32>
    %add3A_4360 = arith.addf %add3A_4355, %mul3A_4359 : vector<8x128xf32>
    %get3A_4361 = arith.constant 683 : index
    %get3A_4362 = memref.load %arg3[%get3A_4361] : memref<1108xf32, #tpu.memory_space<smem>>
    %mul3A_4363 = vector.broadcast %get3A_4362 : f32 to vector<8x128xf32>
    %mul3A_4364 = arith.mulf %add3A_2248, %mul3A_4363 : vector<8x128xf32>
    %add3A_4365 = arith.addf %add3A_4360, %mul3A_4364 : vector<8x128xf32>
    %get3A_4366 = arith.constant 691 : index
    %get3A_4367 = memref.load %arg3[%get3A_4366] : memref<1108xf32, #tpu.memory_space<smem>>
    %mul3A_4368 = vector.broadcast %get3A_4367 : f32 to vector<8x128xf32>
    %mul3A_4369 = arith.mulf %add3A_2292, %mul3A_4368 : vector<8x128xf32>
    %add3A_4370 = arith.addf %add3A_4365, %mul3A_4369 : vector<8x128xf32>
    %get3A_4371 = arith.constant 699 : index
    %get3A_4372 = memref.load %arg3[%get3A_4371] : memref<1108xf32, #tpu.memory_space<smem>>
    %mul3A_4373 = vector.broadcast %get3A_4372 : f32 to vector<8x128xf32>
    %mul3A_4374 = arith.mulf %add3A_2336, %mul3A_4373 : vector<8x128xf32>
    %add3A_4375 = arith.addf %add3A_4370, %mul3A_4374 : vector<8x128xf32>
    %get3A_4376 = arith.constant 707 : index
    %get3A_4377 = memref.load %arg3[%get3A_4376] : memref<1108xf32, #tpu.memory_space<smem>>
    %mul3A_4378 = vector.broadcast %get3A_4377 : f32 to vector<8x128xf32>
    %mul3A_4379 = arith.mulf %add3A_2380, %mul3A_4378 : vector<8x128xf32>
    %add3A_4380 = arith.addf %add3A_4375, %mul3A_4379 : vector<8x128xf32>
    %get3A_4381 = arith.constant 715 : index
    %get3A_4382 = memref.load %arg3[%get3A_4381] : memref<1108xf32, #tpu.memory_space<smem>>
    %mul3A_4383 = vector.broadcast %get3A_4382 : f32 to vector<8x128xf32>
    %mul3A_4384 = arith.mulf %add3A_2424, %mul3A_4383 : vector<8x128xf32>
    %add3A_4385 = arith.addf %add3A_4380, %mul3A_4384 : vector<8x128xf32>
    %get3A_4386 = arith.constant 723 : index
    %get3A_4387 = memref.load %arg3[%get3A_4386] : memref<1108xf32, #tpu.memory_space<smem>>
    %mul3A_4388 = vector.broadcast %get3A_4387 : f32 to vector<8x128xf32>
    %mul3A_4389 = arith.mulf %add3A_2468, %mul3A_4388 : vector<8x128xf32>
    %add3A_4390 = arith.addf %add3A_4385, %mul3A_4389 : vector<8x128xf32>
    %get3A_4391 = arith.constant 731 : index
    %get3A_4392 = memref.load %arg3[%get3A_4391] : memref<1108xf32, #tpu.memory_space<smem>>
    %mul3A_4393 = vector.broadcast %get3A_4392 : f32 to vector<8x128xf32>
    %mul3A_4394 = arith.mulf %add3A_2512, %mul3A_4393 : vector<8x128xf32>
    %add3A_4395 = arith.addf %add3A_4390, %mul3A_4394 : vector<8x128xf32>
    %get3A_4396 = arith.constant 739 : index
    %get3A_4397 = memref.load %arg3[%get3A_4396] : memref<1108xf32, #tpu.memory_space<smem>>
    %mul3A_4398 = vector.broadcast %get3A_4397 : f32 to vector<8x128xf32>
    %mul3A_4399 = arith.mulf %add3A_2556, %mul3A_4398 : vector<8x128xf32>
    %add3A_4400 = arith.addf %add3A_4395, %mul3A_4399 : vector<8x128xf32>
    %get3A_4401 = arith.constant 747 : index
    %get3A_4402 = memref.load %arg3[%get3A_4401] : memref<1108xf32, #tpu.memory_space<smem>>
    %mul3A_4403 = vector.broadcast %get3A_4402 : f32 to vector<8x128xf32>
    %mul3A_4404 = arith.mulf %add3A_2600, %mul3A_4403 : vector<8x128xf32>
    %add3A_4405 = arith.addf %add3A_4400, %mul3A_4404 : vector<8x128xf32>
    %get3A_4406 = arith.constant 755 : index
    %get3A_4407 = memref.load %arg3[%get3A_4406] : memref<1108xf32, #tpu.memory_space<smem>>
    %mul3A_4408 = vector.broadcast %get3A_4407 : f32 to vector<8x128xf32>
    %mul3A_4409 = arith.mulf %add3A_2644, %mul3A_4408 : vector<8x128xf32>
    %add3A_4410 = arith.addf %add3A_4405, %mul3A_4409 : vector<8x128xf32>
    %get3A_4411 = arith.constant 763 : index
    %get3A_4412 = memref.load %arg3[%get3A_4411] : memref<1108xf32, #tpu.memory_space<smem>>
    %mul3A_4413 = vector.broadcast %get3A_4412 : f32 to vector<8x128xf32>
    %mul3A_4414 = arith.mulf %add3A_2688, %mul3A_4413 : vector<8x128xf32>
    %add3A_4415 = arith.addf %add3A_4410, %mul3A_4414 : vector<8x128xf32>
    %get3A_4416 = arith.constant 771 : index
    %get3A_4417 = memref.load %arg3[%get3A_4416] : memref<1108xf32, #tpu.memory_space<smem>>
    %mul3A_4418 = vector.broadcast %get3A_4417 : f32 to vector<8x128xf32>
    %mul3A_4419 = arith.mulf %add3A_2732, %mul3A_4418 : vector<8x128xf32>
    %add3A_4420 = arith.addf %add3A_4415, %mul3A_4419 : vector<8x128xf32>
    %get3A_4421 = arith.constant 787 : index
    %get3A_4422 = memref.load %arg3[%get3A_4421] : memref<1108xf32, #tpu.memory_space<smem>>
    %add3A_4423 = vector.broadcast %get3A_4422 : f32 to vector<8x128xf32>
    %add3A_4424 = arith.addf %add3A_4420, %add3A_4423 : vector<8x128xf32>
    %broadcast_in_dim3A_4425 = vector.shape_cast %eq3A_47 : vector<64x128xi1> to vector<1x64x128xi1>
    %broadcast_in_dim3A_4426 = vector.shape_cast %eq3A_46 : vector<64x128xi1> to vector<1x64x128xi1>
    %broadcast_in_dim3A_4427 = vector.shape_cast %broadcast_in_dim3A_4426 : vector<1x64x128xi1> to vector<1x64x128xi1>
    %broadcast_in_dim3A_4428 = vector.broadcast %broadcast_in_dim3A_4427 : vector<1x64x128xi1> to vector<8x64x128xi1>
    %select_n3A_4429 = arith.select %broadcast_in_dim3A_4428, %log3A_2959, %log3A_3473 : vector<8x64x128xi1>, vector<8x64x128xf32>
    %jit3A_4430 = arith.constant 0.000000e+00 : f32
    %broadcast_in_dim3A_4431 = vector.shape_cast %broadcast_in_dim3A_4425 : vector<1x64x128xi1> to vector<1x64x128xi1>
    %broadcast_in_dim3A_4432 = vector.broadcast %broadcast_in_dim3A_4431 : vector<1x64x128xi1> to vector<8x64x128xi1>
    %broadcast_in_dim3A_4433 = vector.broadcast %jit3A_4430 : f32 to vector<8x64x128xf32>
    %select_n3A_4434 = arith.select %broadcast_in_dim3A_4432, %broadcast_in_dim3A_4433, %select_n3A_4429 : vector<8x64x128xi1>, vector<8x64x128xf32>
    %broadcast_in_dim3A_4435 = vector.shape_cast %add3A_3843 : vector<8x128xf32> to vector<8x1x128xf32>
    %mul3A_4436 = vector.broadcast %broadcast_in_dim3A_4435 : vector<8x1x128xf32> to vector<8x64x128xf32>
    %mul3A_4437 = arith.mulf %select_n3A_4434, %mul3A_4436 : vector<8x64x128xf32>
    %slice3A_4438 = vector.extract_strided_slice %mul3A_4437 {offsets = [0, 0, 0], sizes = [8, 64, 64], strides = [1, 1, 1]} : vector<8x64x128xf32> to vector<8x64x64xf32>
    %reduce_sum3A_4439 = arith.constant dense<0.000000e+00> : vector<8x64xf32>
    %reduce_sum3A_4440 = vector.multi_reduction <add>, %slice3A_4438, %reduce_sum3A_4439 [2] : vector<8x64x64xf32> to vector<8x64xf32>
    %slice3A_4441 = vector.extract_strided_slice %mul3A_4437 {offsets = [0, 0, 64], sizes = [8, 64, 64], strides = [1, 1, 1]} : vector<8x64x128xf32> to vector<8x64x64xf32>
    %reduce_sum3A_4442 = arith.constant dense<0.000000e+00> : vector<8x64xf32>
    %reduce_sum3A_4443 = vector.multi_reduction <add>, %slice3A_4441, %reduce_sum3A_4442 [2] : vector<8x64x64xf32> to vector<8x64xf32>
    %concatenate3A_4444 = tpu.concatenate %reduce_sum3A_4440, %reduce_sum3A_4443 in 1 : vector<8x64xf32>, vector<8x64xf32> -> vector<8x128xf32>
    %get3A_4445 = arith.constant 1 : index
    %get3A_4446 = arith.constant 0 : index
    %get3A_4447 = arith.constant 0 : index
    %get3A_4448 = arith.constant 0 : index
    %get3A_4449 = vector.load %arg2[%get3A_4445, %get3A_4446, %get3A_4447, %get3A_4448] : memref<2x8x8x128xf32, #tpu.memory_space<vmem>>, vector<1x1x8x128xf32>
    %get3A_4450 = vector.shape_cast %get3A_4449 : vector<1x1x8x128xf32> to vector<8x128xf32>
    %add3A_4451 = arith.addf %concatenate3A_4444, %get3A_4450 : vector<8x128xf32>
    %broadcast_in_dim3A_4452 = vector.shape_cast %eq3A_47 : vector<64x128xi1> to vector<1x64x128xi1>
    %broadcast_in_dim3A_4453 = vector.shape_cast %eq3A_46 : vector<64x128xi1> to vector<1x64x128xi1>
    %broadcast_in_dim3A_4454 = vector.shape_cast %broadcast_in_dim3A_4453 : vector<1x64x128xi1> to vector<1x64x128xi1>
    %broadcast_in_dim3A_4455 = vector.broadcast %broadcast_in_dim3A_4454 : vector<1x64x128xi1> to vector<8x64x128xi1>
    %select_n3A_4456 = arith.select %broadcast_in_dim3A_4455, %log3A_3000, %log3A_3514 : vector<8x64x128xi1>, vector<8x64x128xf32>
    %jit3A_4457 = arith.constant 0.000000e+00 : f32
    %broadcast_in_dim3A_4458 = vector.shape_cast %broadcast_in_dim3A_4452 : vector<1x64x128xi1> to vector<1x64x128xi1>
    %broadcast_in_dim3A_4459 = vector.broadcast %broadcast_in_dim3A_4458 : vector<1x64x128xi1> to vector<8x64x128xi1>
    %broadcast_in_dim3A_4460 = vector.broadcast %jit3A_4457 : f32 to vector<8x64x128xf32>
    %select_n3A_4461 = arith.select %broadcast_in_dim3A_4459, %broadcast_in_dim3A_4460, %select_n3A_4456 : vector<8x64x128xi1>, vector<8x64x128xf32>
    %broadcast_in_dim3A_4462 = vector.shape_cast %add3A_3926 : vector<8x128xf32> to vector<8x1x128xf32>
    %mul3A_4463 = vector.broadcast %broadcast_in_dim3A_4462 : vector<8x1x128xf32> to vector<8x64x128xf32>
    %mul3A_4464 = arith.mulf %select_n3A_4461, %mul3A_4463 : vector<8x64x128xf32>
    %slice3A_4465 = vector.extract_strided_slice %mul3A_4464 {offsets = [0, 0, 0], sizes = [8, 64, 64], strides = [1, 1, 1]} : vector<8x64x128xf32> to vector<8x64x64xf32>
    %reduce_sum3A_4466 = arith.constant dense<0.000000e+00> : vector<8x64xf32>
    %reduce_sum3A_4467 = vector.multi_reduction <add>, %slice3A_4465, %reduce_sum3A_4466 [2] : vector<8x64x64xf32> to vector<8x64xf32>
    %slice3A_4468 = vector.extract_strided_slice %mul3A_4464 {offsets = [0, 0, 64], sizes = [8, 64, 64], strides = [1, 1, 1]} : vector<8x64x128xf32> to vector<8x64x64xf32>
    %reduce_sum3A_4469 = arith.constant dense<0.000000e+00> : vector<8x64xf32>
    %reduce_sum3A_4470 = vector.multi_reduction <add>, %slice3A_4468, %reduce_sum3A_4469 [2] : vector<8x64x64xf32> to vector<8x64xf32>
    %concatenate3A_4471 = tpu.concatenate %reduce_sum3A_4467, %reduce_sum3A_4470 in 1 : vector<8x64xf32>, vector<8x64xf32> -> vector<8x128xf32>
    %get3A_4472 = arith.constant 1 : index
    %get3A_4473 = arith.constant 1 : index
    %get3A_4474 = arith.constant 0 : index
    %get3A_4475 = arith.constant 0 : index
    %get3A_4476 = vector.load %arg2[%get3A_4472, %get3A_4473, %get3A_4474, %get3A_4475] : memref<2x8x8x128xf32, #tpu.memory_space<vmem>>, vector<1x1x8x128xf32>
    %get3A_4477 = vector.shape_cast %get3A_4476 : vector<1x1x8x128xf32> to vector<8x128xf32>
    %add3A_4478 = arith.addf %concatenate3A_4471, %get3A_4477 : vector<8x128xf32>
    %broadcast_in_dim3A_4479 = vector.shape_cast %eq3A_47 : vector<64x128xi1> to vector<1x64x128xi1>
    %broadcast_in_dim3A_4480 = vector.shape_cast %eq3A_46 : vector<64x128xi1> to vector<1x64x128xi1>
    %broadcast_in_dim3A_4481 = vector.shape_cast %broadcast_in_dim3A_4480 : vector<1x64x128xi1> to vector<1x64x128xi1>
    %broadcast_in_dim3A_4482 = vector.broadcast %broadcast_in_dim3A_4481 : vector<1x64x128xi1> to vector<8x64x128xi1>
    %select_n3A_4483 = arith.select %broadcast_in_dim3A_4482, %log3A_3041, %log3A_3555 : vector<8x64x128xi1>, vector<8x64x128xf32>
    %jit3A_4484 = arith.constant 0.000000e+00 : f32
    %broadcast_in_dim3A_4485 = vector.shape_cast %broadcast_in_dim3A_4479 : vector<1x64x128xi1> to vector<1x64x128xi1>
    %broadcast_in_dim3A_4486 = vector.broadcast %broadcast_in_dim3A_4485 : vector<1x64x128xi1> to vector<8x64x128xi1>
    %broadcast_in_dim3A_4487 = vector.broadcast %jit3A_4484 : f32 to vector<8x64x128xf32>
    %select_n3A_4488 = arith.select %broadcast_in_dim3A_4486, %broadcast_in_dim3A_4487, %select_n3A_4483 : vector<8x64x128xi1>, vector<8x64x128xf32>
    %broadcast_in_dim3A_4489 = vector.shape_cast %add3A_4009 : vector<8x128xf32> to vector<8x1x128xf32>
    %mul3A_4490 = vector.broadcast %broadcast_in_dim3A_4489 : vector<8x1x128xf32> to vector<8x64x128xf32>
    %mul3A_4491 = arith.mulf %select_n3A_4488, %mul3A_4490 : vector<8x64x128xf32>
    %slice3A_4492 = vector.extract_strided_slice %mul3A_4491 {offsets = [0, 0, 0], sizes = [8, 64, 64], strides = [1, 1, 1]} : vector<8x64x128xf32> to vector<8x64x64xf32>
    %reduce_sum3A_4493 = arith.constant dense<0.000000e+00> : vector<8x64xf32>
    %reduce_sum3A_4494 = vector.multi_reduction <add>, %slice3A_4492, %reduce_sum3A_4493 [2] : vector<8x64x64xf32> to vector<8x64xf32>
    %slice3A_4495 = vector.extract_strided_slice %mul3A_4491 {offsets = [0, 0, 64], sizes = [8, 64, 64], strides = [1, 1, 1]} : vector<8x64x128xf32> to vector<8x64x64xf32>
    %reduce_sum3A_4496 = arith.constant dense<0.000000e+00> : vector<8x64xf32>
    %reduce_sum3A_4497 = vector.multi_reduction <add>, %slice3A_4495, %reduce_sum3A_4496 [2] : vector<8x64x64xf32> to vector<8x64xf32>
    %concatenate3A_4498 = tpu.concatenate %reduce_sum3A_4494, %reduce_sum3A_4497 in 1 : vector<8x64xf32>, vector<8x64xf32> -> vector<8x128xf32>
    %get3A_4499 = arith.constant 1 : index
    %get3A_4500 = arith.constant 2 : index
    %get3A_4501 = arith.constant 0 : index
    %get3A_4502 = arith.constant 0 : index
    %get3A_4503 = vector.load %arg2[%get3A_4499, %get3A_4500, %get3A_4501, %get3A_4502] : memref<2x8x8x128xf32, #tpu.memory_space<vmem>>, vector<1x1x8x128xf32>
    %get3A_4504 = vector.shape_cast %get3A_4503 : vector<1x1x8x128xf32> to vector<8x128xf32>
    %add3A_4505 = arith.addf %concatenate3A_4498, %get3A_4504 : vector<8x128xf32>
    %broadcast_in_dim3A_4506 = vector.shape_cast %eq3A_47 : vector<64x128xi1> to vector<1x64x128xi1>
    %broadcast_in_dim3A_4507 = vector.shape_cast %eq3A_46 : vector<64x128xi1> to vector<1x64x128xi1>
    %broadcast_in_dim3A_4508 = vector.shape_cast %broadcast_in_dim3A_4507 : vector<1x64x128xi1> to vector<1x64x128xi1>
    %broadcast_in_dim3A_4509 = vector.broadcast %broadcast_in_dim3A_4508 : vector<1x64x128xi1> to vector<8x64x128xi1>
    %select_n3A_4510 = arith.select %broadcast_in_dim3A_4509, %log3A_3082, %log3A_3596 : vector<8x64x128xi1>, vector<8x64x128xf32>
    %jit3A_4511 = arith.constant 0.000000e+00 : f32
    %broadcast_in_dim3A_4512 = vector.shape_cast %broadcast_in_dim3A_4506 : vector<1x64x128xi1> to vector<1x64x128xi1>
    %broadcast_in_dim3A_4513 = vector.broadcast %broadcast_in_dim3A_4512 : vector<1x64x128xi1> to vector<8x64x128xi1>
    %broadcast_in_dim3A_4514 = vector.broadcast %jit3A_4511 : f32 to vector<8x64x128xf32>
    %select_n3A_4515 = arith.select %broadcast_in_dim3A_4513, %broadcast_in_dim3A_4514, %select_n3A_4510 : vector<8x64x128xi1>, vector<8x64x128xf32>
    %broadcast_in_dim3A_4516 = vector.shape_cast %add3A_4092 : vector<8x128xf32> to vector<8x1x128xf32>
    %mul3A_4517 = vector.broadcast %broadcast_in_dim3A_4516 : vector<8x1x128xf32> to vector<8x64x128xf32>
    %mul3A_4518 = arith.mulf %select_n3A_4515, %mul3A_4517 : vector<8x64x128xf32>
    %slice3A_4519 = vector.extract_strided_slice %mul3A_4518 {offsets = [0, 0, 0], sizes = [8, 64, 64], strides = [1, 1, 1]} : vector<8x64x128xf32> to vector<8x64x64xf32>
    %reduce_sum3A_4520 = arith.constant dense<0.000000e+00> : vector<8x64xf32>
    %reduce_sum3A_4521 = vector.multi_reduction <add>, %slice3A_4519, %reduce_sum3A_4520 [2] : vector<8x64x64xf32> to vector<8x64xf32>
    %slice3A_4522 = vector.extract_strided_slice %mul3A_4518 {offsets = [0, 0, 64], sizes = [8, 64, 64], strides = [1, 1, 1]} : vector<8x64x128xf32> to vector<8x64x64xf32>
    %reduce_sum3A_4523 = arith.constant dense<0.000000e+00> : vector<8x64xf32>
    %reduce_sum3A_4524 = vector.multi_reduction <add>, %slice3A_4522, %reduce_sum3A_4523 [2] : vector<8x64x64xf32> to vector<8x64xf32>
    %concatenate3A_4525 = tpu.concatenate %reduce_sum3A_4521, %reduce_sum3A_4524 in 1 : vector<8x64xf32>, vector<8x64xf32> -> vector<8x128xf32>
    %get3A_4526 = arith.constant 1 : index
    %get3A_4527 = arith.constant 3 : index
    %get3A_4528 = arith.constant 0 : index
    %get3A_4529 = arith.constant 0 : index
    %get3A_4530 = vector.load %arg2[%get3A_4526, %get3A_4527, %get3A_4528, %get3A_4529] : memref<2x8x8x128xf32, #tpu.memory_space<vmem>>, vector<1x1x8x128xf32>
    %get3A_4531 = vector.shape_cast %get3A_4530 : vector<1x1x8x128xf32> to vector<8x128xf32>
    %add3A_4532 = arith.addf %concatenate3A_4525, %get3A_4531 : vector<8x128xf32>
    %broadcast_in_dim3A_4533 = vector.shape_cast %eq3A_47 : vector<64x128xi1> to vector<1x64x128xi1>
    %broadcast_in_dim3A_4534 = vector.shape_cast %eq3A_46 : vector<64x128xi1> to vector<1x64x128xi1>
    %broadcast_in_dim3A_4535 = vector.shape_cast %broadcast_in_dim3A_4534 : vector<1x64x128xi1> to vector<1x64x128xi1>
    %broadcast_in_dim3A_4536 = vector.broadcast %broadcast_in_dim3A_4535 : vector<1x64x128xi1> to vector<8x64x128xi1>
    %select_n3A_4537 = arith.select %broadcast_in_dim3A_4536, %log3A_3123, %log3A_3637 : vector<8x64x128xi1>, vector<8x64x128xf32>
    %jit3A_4538 = arith.constant 0.000000e+00 : f32
    %broadcast_in_dim3A_4539 = vector.shape_cast %broadcast_in_dim3A_4533 : vector<1x64x128xi1> to vector<1x64x128xi1>
    %broadcast_in_dim3A_4540 = vector.broadcast %broadcast_in_dim3A_4539 : vector<1x64x128xi1> to vector<8x64x128xi1>
    %broadcast_in_dim3A_4541 = vector.broadcast %jit3A_4538 : f32 to vector<8x64x128xf32>
    %select_n3A_4542 = arith.select %broadcast_in_dim3A_4540, %broadcast_in_dim3A_4541, %select_n3A_4537 : vector<8x64x128xi1>, vector<8x64x128xf32>
    %broadcast_in_dim3A_4543 = vector.shape_cast %add3A_4175 : vector<8x128xf32> to vector<8x1x128xf32>
    %mul3A_4544 = vector.broadcast %broadcast_in_dim3A_4543 : vector<8x1x128xf32> to vector<8x64x128xf32>
    %mul3A_4545 = arith.mulf %select_n3A_4542, %mul3A_4544 : vector<8x64x128xf32>
    %slice3A_4546 = vector.extract_strided_slice %mul3A_4545 {offsets = [0, 0, 0], sizes = [8, 64, 64], strides = [1, 1, 1]} : vector<8x64x128xf32> to vector<8x64x64xf32>
    %reduce_sum3A_4547 = arith.constant dense<0.000000e+00> : vector<8x64xf32>
    %reduce_sum3A_4548 = vector.multi_reduction <add>, %slice3A_4546, %reduce_sum3A_4547 [2] : vector<8x64x64xf32> to vector<8x64xf32>
    %slice3A_4549 = vector.extract_strided_slice %mul3A_4545 {offsets = [0, 0, 64], sizes = [8, 64, 64], strides = [1, 1, 1]} : vector<8x64x128xf32> to vector<8x64x64xf32>
    %reduce_sum3A_4550 = arith.constant dense<0.000000e+00> : vector<8x64xf32>
    %reduce_sum3A_4551 = vector.multi_reduction <add>, %slice3A_4549, %reduce_sum3A_4550 [2] : vector<8x64x64xf32> to vector<8x64xf32>
    %concatenate3A_4552 = tpu.concatenate %reduce_sum3A_4548, %reduce_sum3A_4551 in 1 : vector<8x64xf32>, vector<8x64xf32> -> vector<8x128xf32>
    %get3A_4553 = arith.constant 1 : index
    %get3A_4554 = arith.constant 4 : index
    %get3A_4555 = arith.constant 0 : index
    %get3A_4556 = arith.constant 0 : index
    %get3A_4557 = vector.load %arg2[%get3A_4553, %get3A_4554, %get3A_4555, %get3A_4556] : memref<2x8x8x128xf32, #tpu.memory_space<vmem>>, vector<1x1x8x128xf32>
    %get3A_4558 = vector.shape_cast %get3A_4557 : vector<1x1x8x128xf32> to vector<8x128xf32>
    %add3A_4559 = arith.addf %concatenate3A_4552, %get3A_4558 : vector<8x128xf32>
    %broadcast_in_dim3A_4560 = vector.shape_cast %eq3A_47 : vector<64x128xi1> to vector<1x64x128xi1>
    %broadcast_in_dim3A_4561 = vector.shape_cast %eq3A_46 : vector<64x128xi1> to vector<1x64x128xi1>
    %broadcast_in_dim3A_4562 = vector.shape_cast %broadcast_in_dim3A_4561 : vector<1x64x128xi1> to vector<1x64x128xi1>
    %broadcast_in_dim3A_4563 = vector.broadcast %broadcast_in_dim3A_4562 : vector<1x64x128xi1> to vector<8x64x128xi1>
    %select_n3A_4564 = arith.select %broadcast_in_dim3A_4563, %log3A_3164, %log3A_3678 : vector<8x64x128xi1>, vector<8x64x128xf32>
    %jit3A_4565 = arith.constant 0.000000e+00 : f32
    %broadcast_in_dim3A_4566 = vector.shape_cast %broadcast_in_dim3A_4560 : vector<1x64x128xi1> to vector<1x64x128xi1>
    %broadcast_in_dim3A_4567 = vector.broadcast %broadcast_in_dim3A_4566 : vector<1x64x128xi1> to vector<8x64x128xi1>
    %broadcast_in_dim3A_4568 = vector.broadcast %jit3A_4565 : f32 to vector<8x64x128xf32>
    %select_n3A_4569 = arith.select %broadcast_in_dim3A_4567, %broadcast_in_dim3A_4568, %select_n3A_4564 : vector<8x64x128xi1>, vector<8x64x128xf32>
    %broadcast_in_dim3A_4570 = vector.shape_cast %add3A_4258 : vector<8x128xf32> to vector<8x1x128xf32>
    %mul3A_4571 = vector.broadcast %broadcast_in_dim3A_4570 : vector<8x1x128xf32> to vector<8x64x128xf32>
    %mul3A_4572 = arith.mulf %select_n3A_4569, %mul3A_4571 : vector<8x64x128xf32>
    %slice3A_4573 = vector.extract_strided_slice %mul3A_4572 {offsets = [0, 0, 0], sizes = [8, 64, 64], strides = [1, 1, 1]} : vector<8x64x128xf32> to vector<8x64x64xf32>
    %reduce_sum3A_4574 = arith.constant dense<0.000000e+00> : vector<8x64xf32>
    %reduce_sum3A_4575 = vector.multi_reduction <add>, %slice3A_4573, %reduce_sum3A_4574 [2] : vector<8x64x64xf32> to vector<8x64xf32>
    %slice3A_4576 = vector.extract_strided_slice %mul3A_4572 {offsets = [0, 0, 64], sizes = [8, 64, 64], strides = [1, 1, 1]} : vector<8x64x128xf32> to vector<8x64x64xf32>
    %reduce_sum3A_4577 = arith.constant dense<0.000000e+00> : vector<8x64xf32>
    %reduce_sum3A_4578 = vector.multi_reduction <add>, %slice3A_4576, %reduce_sum3A_4577 [2] : vector<8x64x64xf32> to vector<8x64xf32>
    %concatenate3A_4579 = tpu.concatenate %reduce_sum3A_4575, %reduce_sum3A_4578 in 1 : vector<8x64xf32>, vector<8x64xf32> -> vector<8x128xf32>
    %get3A_4580 = arith.constant 1 : index
    %get3A_4581 = arith.constant 5 : index
    %get3A_4582 = arith.constant 0 : index
    %get3A_4583 = arith.constant 0 : index
    %get3A_4584 = vector.load %arg2[%get3A_4580, %get3A_4581, %get3A_4582, %get3A_4583] : memref<2x8x8x128xf32, #tpu.memory_space<vmem>>, vector<1x1x8x128xf32>
    %get3A_4585 = vector.shape_cast %get3A_4584 : vector<1x1x8x128xf32> to vector<8x128xf32>
    %add3A_4586 = arith.addf %concatenate3A_4579, %get3A_4585 : vector<8x128xf32>
    %broadcast_in_dim3A_4587 = vector.shape_cast %eq3A_47 : vector<64x128xi1> to vector<1x64x128xi1>
    %broadcast_in_dim3A_4588 = vector.shape_cast %eq3A_46 : vector<64x128xi1> to vector<1x64x128xi1>
    %broadcast_in_dim3A_4589 = vector.shape_cast %broadcast_in_dim3A_4588 : vector<1x64x128xi1> to vector<1x64x128xi1>
    %broadcast_in_dim3A_4590 = vector.broadcast %broadcast_in_dim3A_4589 : vector<1x64x128xi1> to vector<8x64x128xi1>
    %select_n3A_4591 = arith.select %broadcast_in_dim3A_4590, %log3A_3205, %log3A_3719 : vector<8x64x128xi1>, vector<8x64x128xf32>
    %jit3A_4592 = arith.constant 0.000000e+00 : f32
    %broadcast_in_dim3A_4593 = vector.shape_cast %broadcast_in_dim3A_4587 : vector<1x64x128xi1> to vector<1x64x128xi1>
    %broadcast_in_dim3A_4594 = vector.broadcast %broadcast_in_dim3A_4593 : vector<1x64x128xi1> to vector<8x64x128xi1>
    %broadcast_in_dim3A_4595 = vector.broadcast %jit3A_4592 : f32 to vector<8x64x128xf32>
    %select_n3A_4596 = arith.select %broadcast_in_dim3A_4594, %broadcast_in_dim3A_4595, %select_n3A_4591 : vector<8x64x128xi1>, vector<8x64x128xf32>
    %broadcast_in_dim3A_4597 = vector.shape_cast %add3A_4341 : vector<8x128xf32> to vector<8x1x128xf32>
    %mul3A_4598 = vector.broadcast %broadcast_in_dim3A_4597 : vector<8x1x128xf32> to vector<8x64x128xf32>
    %mul3A_4599 = arith.mulf %select_n3A_4596, %mul3A_4598 : vector<8x64x128xf32>
    %slice3A_4600 = vector.extract_strided_slice %mul3A_4599 {offsets = [0, 0, 0], sizes = [8, 64, 64], strides = [1, 1, 1]} : vector<8x64x128xf32> to vector<8x64x64xf32>
    %reduce_sum3A_4601 = arith.constant dense<0.000000e+00> : vector<8x64xf32>
    %reduce_sum3A_4602 = vector.multi_reduction <add>, %slice3A_4600, %reduce_sum3A_4601 [2] : vector<8x64x64xf32> to vector<8x64xf32>
    %slice3A_4603 = vector.extract_strided_slice %mul3A_4599 {offsets = [0, 0, 64], sizes = [8, 64, 64], strides = [1, 1, 1]} : vector<8x64x128xf32> to vector<8x64x64xf32>
    %reduce_sum3A_4604 = arith.constant dense<0.000000e+00> : vector<8x64xf32>
    %reduce_sum3A_4605 = vector.multi_reduction <add>, %slice3A_4603, %reduce_sum3A_4604 [2] : vector<8x64x64xf32> to vector<8x64xf32>
    %concatenate3A_4606 = tpu.concatenate %reduce_sum3A_4602, %reduce_sum3A_4605 in 1 : vector<8x64xf32>, vector<8x64xf32> -> vector<8x128xf32>
    %get3A_4607 = arith.constant 1 : index
    %get3A_4608 = arith.constant 6 : index
    %get3A_4609 = arith.constant 0 : index
    %get3A_4610 = arith.constant 0 : index
    %get3A_4611 = vector.load %arg2[%get3A_4607, %get3A_4608, %get3A_4609, %get3A_4610] : memref<2x8x8x128xf32, #tpu.memory_space<vmem>>, vector<1x1x8x128xf32>
    %get3A_4612 = vector.shape_cast %get3A_4611 : vector<1x1x8x128xf32> to vector<8x128xf32>
    %add3A_4613 = arith.addf %concatenate3A_4606, %get3A_4612 : vector<8x128xf32>
    %broadcast_in_dim3A_4614 = vector.shape_cast %eq3A_47 : vector<64x128xi1> to vector<1x64x128xi1>
    %broadcast_in_dim3A_4615 = vector.shape_cast %eq3A_46 : vector<64x128xi1> to vector<1x64x128xi1>
    %broadcast_in_dim3A_4616 = vector.shape_cast %broadcast_in_dim3A_4615 : vector<1x64x128xi1> to vector<1x64x128xi1>
    %broadcast_in_dim3A_4617 = vector.broadcast %broadcast_in_dim3A_4616 : vector<1x64x128xi1> to vector<8x64x128xi1>
    %select_n3A_4618 = arith.select %broadcast_in_dim3A_4617, %log3A_3246, %log3A_3760 : vector<8x64x128xi1>, vector<8x64x128xf32>
    %jit3A_4619 = arith.constant 0.000000e+00 : f32
    %broadcast_in_dim3A_4620 = vector.shape_cast %broadcast_in_dim3A_4614 : vector<1x64x128xi1> to vector<1x64x128xi1>
    %broadcast_in_dim3A_4621 = vector.broadcast %broadcast_in_dim3A_4620 : vector<1x64x128xi1> to vector<8x64x128xi1>
    %broadcast_in_dim3A_4622 = vector.broadcast %jit3A_4619 : f32 to vector<8x64x128xf32>
    %select_n3A_4623 = arith.select %broadcast_in_dim3A_4621, %broadcast_in_dim3A_4622, %select_n3A_4618 : vector<8x64x128xi1>, vector<8x64x128xf32>
    %broadcast_in_dim3A_4624 = vector.shape_cast %add3A_4424 : vector<8x128xf32> to vector<8x1x128xf32>
    %mul3A_4625 = vector.broadcast %broadcast_in_dim3A_4624 : vector<8x1x128xf32> to vector<8x64x128xf32>
    %mul3A_4626 = arith.mulf %select_n3A_4623, %mul3A_4625 : vector<8x64x128xf32>
    %slice3A_4627 = vector.extract_strided_slice %mul3A_4626 {offsets = [0, 0, 0], sizes = [8, 64, 64], strides = [1, 1, 1]} : vector<8x64x128xf32> to vector<8x64x64xf32>
    %reduce_sum3A_4628 = arith.constant dense<0.000000e+00> : vector<8x64xf32>
    %reduce_sum3A_4629 = vector.multi_reduction <add>, %slice3A_4627, %reduce_sum3A_4628 [2] : vector<8x64x64xf32> to vector<8x64xf32>
    %slice3A_4630 = vector.extract_strided_slice %mul3A_4626 {offsets = [0, 0, 64], sizes = [8, 64, 64], strides = [1, 1, 1]} : vector<8x64x128xf32> to vector<8x64x64xf32>
    %reduce_sum3A_4631 = arith.constant dense<0.000000e+00> : vector<8x64xf32>
    %reduce_sum3A_4632 = vector.multi_reduction <add>, %slice3A_4630, %reduce_sum3A_4631 [2] : vector<8x64x64xf32> to vector<8x64xf32>
    %concatenate3A_4633 = tpu.concatenate %reduce_sum3A_4629, %reduce_sum3A_4632 in 1 : vector<8x64xf32>, vector<8x64xf32> -> vector<8x128xf32>
    %get3A_4634 = arith.constant 1 : index
    %get3A_4635 = arith.constant 7 : index
    %get3A_4636 = arith.constant 0 : index
    %get3A_4637 = arith.constant 0 : index
    %get3A_4638 = vector.load %arg2[%get3A_4634, %get3A_4635, %get3A_4636, %get3A_4637] : memref<2x8x8x128xf32, #tpu.memory_space<vmem>>, vector<1x1x8x128xf32>
    %get3A_4639 = vector.shape_cast %get3A_4638 : vector<1x1x8x128xf32> to vector<8x128xf32>
    %add3A_4640 = arith.addf %concatenate3A_4633, %get3A_4639 : vector<8x128xf32>
    %get3A_4641 = arith.constant 916 : index
    %get3A_4642 = memref.load %arg3[%get3A_4641] : memref<1108xf32, #tpu.memory_space<smem>>
    %mul3A_4643 = vector.broadcast %get3A_4642 : f32 to vector<8x128xf32>
    %mul3A_4644 = arith.mulf %add3A_4451, %mul3A_4643 : vector<8x128xf32>
    %get3A_4645 = arith.constant 932 : index
    %get3A_4646 = memref.load %arg3[%get3A_4645] : memref<1108xf32, #tpu.memory_space<smem>>
    %mul3A_4647 = vector.broadcast %get3A_4646 : f32 to vector<8x128xf32>
    %mul3A_4648 = arith.mulf %add3A_4478, %mul3A_4647 : vector<8x128xf32>
    %add3A_4649 = arith.addf %mul3A_4644, %mul3A_4648 : vector<8x128xf32>
    %get3A_4650 = arith.constant 948 : index
    %get3A_4651 = memref.load %arg3[%get3A_4650] : memref<1108xf32, #tpu.memory_space<smem>>
    %mul3A_4652 = vector.broadcast %get3A_4651 : f32 to vector<8x128xf32>
    %mul3A_4653 = arith.mulf %add3A_4505, %mul3A_4652 : vector<8x128xf32>
    %add3A_4654 = arith.addf %add3A_4649, %mul3A_4653 : vector<8x128xf32>
    %get3A_4655 = arith.constant 964 : index
    %get3A_4656 = memref.load %arg3[%get3A_4655] : memref<1108xf32, #tpu.memory_space<smem>>
    %mul3A_4657 = vector.broadcast %get3A_4656 : f32 to vector<8x128xf32>
    %mul3A_4658 = arith.mulf %add3A_4532, %mul3A_4657 : vector<8x128xf32>
    %add3A_4659 = arith.addf %add3A_4654, %mul3A_4658 : vector<8x128xf32>
    %get3A_4660 = arith.constant 980 : index
    %get3A_4661 = memref.load %arg3[%get3A_4660] : memref<1108xf32, #tpu.memory_space<smem>>
    %mul3A_4662 = vector.broadcast %get3A_4661 : f32 to vector<8x128xf32>
    %mul3A_4663 = arith.mulf %add3A_4559, %mul3A_4662 : vector<8x128xf32>
    %add3A_4664 = arith.addf %add3A_4659, %mul3A_4663 : vector<8x128xf32>
    %get3A_4665 = arith.constant 996 : index
    %get3A_4666 = memref.load %arg3[%get3A_4665] : memref<1108xf32, #tpu.memory_space<smem>>
    %mul3A_4667 = vector.broadcast %get3A_4666 : f32 to vector<8x128xf32>
    %mul3A_4668 = arith.mulf %add3A_4586, %mul3A_4667 : vector<8x128xf32>
    %add3A_4669 = arith.addf %add3A_4664, %mul3A_4668 : vector<8x128xf32>
    %get3A_4670 = arith.constant 1012 : index
    %get3A_4671 = memref.load %arg3[%get3A_4670] : memref<1108xf32, #tpu.memory_space<smem>>
    %mul3A_4672 = vector.broadcast %get3A_4671 : f32 to vector<8x128xf32>
    %mul3A_4673 = arith.mulf %add3A_4613, %mul3A_4672 : vector<8x128xf32>
    %add3A_4674 = arith.addf %add3A_4669, %mul3A_4673 : vector<8x128xf32>
    %get3A_4675 = arith.constant 1028 : index
    %get3A_4676 = memref.load %arg3[%get3A_4675] : memref<1108xf32, #tpu.memory_space<smem>>
    %mul3A_4677 = vector.broadcast %get3A_4676 : f32 to vector<8x128xf32>
    %mul3A_4678 = arith.mulf %add3A_4640, %mul3A_4677 : vector<8x128xf32>
    %add3A_4679 = arith.addf %add3A_4674, %mul3A_4678 : vector<8x128xf32>
    %add3A_4680 = arith.addf %add3A_2072, %add3A_4679 : vector<8x128xf32>
    %get3A_4681 = arith.constant 1060 : index
    %get3A_4682 = memref.load %arg3[%get3A_4681] : memref<1108xf32, #tpu.memory_space<smem>>
    %add3A_4683 = vector.broadcast %get3A_4682 : f32 to vector<8x128xf32>
    %add3A_4684 = arith.addf %add3A_4680, %add3A_4683 : vector<8x128xf32>
    %get3A_4685 = arith.constant 917 : index
    %get3A_4686 = memref.load %arg3[%get3A_4685] : memref<1108xf32, #tpu.memory_space<smem>>
    %mul3A_4687 = vector.broadcast %get3A_4686 : f32 to vector<8x128xf32>
    %mul3A_4688 = arith.mulf %add3A_4451, %mul3A_4687 : vector<8x128xf32>
    %get3A_4689 = arith.constant 933 : index
    %get3A_4690 = memref.load %arg3[%get3A_4689] : memref<1108xf32, #tpu.memory_space<smem>>
    %mul3A_4691 = vector.broadcast %get3A_4690 : f32 to vector<8x128xf32>
    %mul3A_4692 = arith.mulf %add3A_4478, %mul3A_4691 : vector<8x128xf32>
    %add3A_4693 = arith.addf %mul3A_4688, %mul3A_4692 : vector<8x128xf32>
    %get3A_4694 = arith.constant 949 : index
    %get3A_4695 = memref.load %arg3[%get3A_4694] : memref<1108xf32, #tpu.memory_space<smem>>
    %mul3A_4696 = vector.broadcast %get3A_4695 : f32 to vector<8x128xf32>
    %mul3A_4697 = arith.mulf %add3A_4505, %mul3A_4696 : vector<8x128xf32>
    %add3A_4698 = arith.addf %add3A_4693, %mul3A_4697 : vector<8x128xf32>
    %get3A_4699 = arith.constant 965 : index
    %get3A_4700 = memref.load %arg3[%get3A_4699] : memref<1108xf32, #tpu.memory_space<smem>>
    %mul3A_4701 = vector.broadcast %get3A_4700 : f32 to vector<8x128xf32>
    %mul3A_4702 = arith.mulf %add3A_4532, %mul3A_4701 : vector<8x128xf32>
    %add3A_4703 = arith.addf %add3A_4698, %mul3A_4702 : vector<8x128xf32>
    %get3A_4704 = arith.constant 981 : index
    %get3A_4705 = memref.load %arg3[%get3A_4704] : memref<1108xf32, #tpu.memory_space<smem>>
    %mul3A_4706 = vector.broadcast %get3A_4705 : f32 to vector<8x128xf32>
    %mul3A_4707 = arith.mulf %add3A_4559, %mul3A_4706 : vector<8x128xf32>
    %add3A_4708 = arith.addf %add3A_4703, %mul3A_4707 : vector<8x128xf32>
    %get3A_4709 = arith.constant 997 : index
    %get3A_4710 = memref.load %arg3[%get3A_4709] : memref<1108xf32, #tpu.memory_space<smem>>
    %mul3A_4711 = vector.broadcast %get3A_4710 : f32 to vector<8x128xf32>
    %mul3A_4712 = arith.mulf %add3A_4586, %mul3A_4711 : vector<8x128xf32>
    %add3A_4713 = arith.addf %add3A_4708, %mul3A_4712 : vector<8x128xf32>
    %get3A_4714 = arith.constant 1013 : index
    %get3A_4715 = memref.load %arg3[%get3A_4714] : memref<1108xf32, #tpu.memory_space<smem>>
    %mul3A_4716 = vector.broadcast %get3A_4715 : f32 to vector<8x128xf32>
    %mul3A_4717 = arith.mulf %add3A_4613, %mul3A_4716 : vector<8x128xf32>
    %add3A_4718 = arith.addf %add3A_4713, %mul3A_4717 : vector<8x128xf32>
    %get3A_4719 = arith.constant 1029 : index
    %get3A_4720 = memref.load %arg3[%get3A_4719] : memref<1108xf32, #tpu.memory_space<smem>>
    %mul3A_4721 = vector.broadcast %get3A_4720 : f32 to vector<8x128xf32>
    %mul3A_4722 = arith.mulf %add3A_4640, %mul3A_4721 : vector<8x128xf32>
    %add3A_4723 = arith.addf %add3A_4718, %mul3A_4722 : vector<8x128xf32>
    %add3A_4724 = arith.addf %add3A_2116, %add3A_4723 : vector<8x128xf32>
    %get3A_4725 = arith.constant 1061 : index
    %get3A_4726 = memref.load %arg3[%get3A_4725] : memref<1108xf32, #tpu.memory_space<smem>>
    %add3A_4727 = vector.broadcast %get3A_4726 : f32 to vector<8x128xf32>
    %add3A_4728 = arith.addf %add3A_4724, %add3A_4727 : vector<8x128xf32>
    %get3A_4729 = arith.constant 918 : index
    %get3A_4730 = memref.load %arg3[%get3A_4729] : memref<1108xf32, #tpu.memory_space<smem>>
    %mul3A_4731 = vector.broadcast %get3A_4730 : f32 to vector<8x128xf32>
    %mul3A_4732 = arith.mulf %add3A_4451, %mul3A_4731 : vector<8x128xf32>
    %get3A_4733 = arith.constant 934 : index
    %get3A_4734 = memref.load %arg3[%get3A_4733] : memref<1108xf32, #tpu.memory_space<smem>>
    %mul3A_4735 = vector.broadcast %get3A_4734 : f32 to vector<8x128xf32>
    %mul3A_4736 = arith.mulf %add3A_4478, %mul3A_4735 : vector<8x128xf32>
    %add3A_4737 = arith.addf %mul3A_4732, %mul3A_4736 : vector<8x128xf32>
    %get3A_4738 = arith.constant 950 : index
    %get3A_4739 = memref.load %arg3[%get3A_4738] : memref<1108xf32, #tpu.memory_space<smem>>
    %mul3A_4740 = vector.broadcast %get3A_4739 : f32 to vector<8x128xf32>
    %mul3A_4741 = arith.mulf %add3A_4505, %mul3A_4740 : vector<8x128xf32>
    %add3A_4742 = arith.addf %add3A_4737, %mul3A_4741 : vector<8x128xf32>
    %get3A_4743 = arith.constant 966 : index
    %get3A_4744 = memref.load %arg3[%get3A_4743] : memref<1108xf32, #tpu.memory_space<smem>>
    %mul3A_4745 = vector.broadcast %get3A_4744 : f32 to vector<8x128xf32>
    %mul3A_4746 = arith.mulf %add3A_4532, %mul3A_4745 : vector<8x128xf32>
    %add3A_4747 = arith.addf %add3A_4742, %mul3A_4746 : vector<8x128xf32>
    %get3A_4748 = arith.constant 982 : index
    %get3A_4749 = memref.load %arg3[%get3A_4748] : memref<1108xf32, #tpu.memory_space<smem>>
    %mul3A_4750 = vector.broadcast %get3A_4749 : f32 to vector<8x128xf32>
    %mul3A_4751 = arith.mulf %add3A_4559, %mul3A_4750 : vector<8x128xf32>
    %add3A_4752 = arith.addf %add3A_4747, %mul3A_4751 : vector<8x128xf32>
    %get3A_4753 = arith.constant 998 : index
    %get3A_4754 = memref.load %arg3[%get3A_4753] : memref<1108xf32, #tpu.memory_space<smem>>
    %mul3A_4755 = vector.broadcast %get3A_4754 : f32 to vector<8x128xf32>
    %mul3A_4756 = arith.mulf %add3A_4586, %mul3A_4755 : vector<8x128xf32>
    %add3A_4757 = arith.addf %add3A_4752, %mul3A_4756 : vector<8x128xf32>
    %get3A_4758 = arith.constant 1014 : index
    %get3A_4759 = memref.load %arg3[%get3A_4758] : memref<1108xf32, #tpu.memory_space<smem>>
    %mul3A_4760 = vector.broadcast %get3A_4759 : f32 to vector<8x128xf32>
    %mul3A_4761 = arith.mulf %add3A_4613, %mul3A_4760 : vector<8x128xf32>
    %add3A_4762 = arith.addf %add3A_4757, %mul3A_4761 : vector<8x128xf32>
    %get3A_4763 = arith.constant 1030 : index
    %get3A_4764 = memref.load %arg3[%get3A_4763] : memref<1108xf32, #tpu.memory_space<smem>>
    %mul3A_4765 = vector.broadcast %get3A_4764 : f32 to vector<8x128xf32>
    %mul3A_4766 = arith.mulf %add3A_4640, %mul3A_4765 : vector<8x128xf32>
    %add3A_4767 = arith.addf %add3A_4762, %mul3A_4766 : vector<8x128xf32>
    %add3A_4768 = arith.addf %add3A_2160, %add3A_4767 : vector<8x128xf32>
    %get3A_4769 = arith.constant 1062 : index
    %get3A_4770 = memref.load %arg3[%get3A_4769] : memref<1108xf32, #tpu.memory_space<smem>>
    %add3A_4771 = vector.broadcast %get3A_4770 : f32 to vector<8x128xf32>
    %add3A_4772 = arith.addf %add3A_4768, %add3A_4771 : vector<8x128xf32>
    %get3A_4773 = arith.constant 919 : index
    %get3A_4774 = memref.load %arg3[%get3A_4773] : memref<1108xf32, #tpu.memory_space<smem>>
    %mul3A_4775 = vector.broadcast %get3A_4774 : f32 to vector<8x128xf32>
    %mul3A_4776 = arith.mulf %add3A_4451, %mul3A_4775 : vector<8x128xf32>
    %get3A_4777 = arith.constant 935 : index
    %get3A_4778 = memref.load %arg3[%get3A_4777] : memref<1108xf32, #tpu.memory_space<smem>>
    %mul3A_4779 = vector.broadcast %get3A_4778 : f32 to vector<8x128xf32>
    %mul3A_4780 = arith.mulf %add3A_4478, %mul3A_4779 : vector<8x128xf32>
    %add3A_4781 = arith.addf %mul3A_4776, %mul3A_4780 : vector<8x128xf32>
    %get3A_4782 = arith.constant 951 : index
    %get3A_4783 = memref.load %arg3[%get3A_4782] : memref<1108xf32, #tpu.memory_space<smem>>
    %mul3A_4784 = vector.broadcast %get3A_4783 : f32 to vector<8x128xf32>
    %mul3A_4785 = arith.mulf %add3A_4505, %mul3A_4784 : vector<8x128xf32>
    %add3A_4786 = arith.addf %add3A_4781, %mul3A_4785 : vector<8x128xf32>
    %get3A_4787 = arith.constant 967 : index
    %get3A_4788 = memref.load %arg3[%get3A_4787] : memref<1108xf32, #tpu.memory_space<smem>>
    %mul3A_4789 = vector.broadcast %get3A_4788 : f32 to vector<8x128xf32>
    %mul3A_4790 = arith.mulf %add3A_4532, %mul3A_4789 : vector<8x128xf32>
    %add3A_4791 = arith.addf %add3A_4786, %mul3A_4790 : vector<8x128xf32>
    %get3A_4792 = arith.constant 983 : index
    %get3A_4793 = memref.load %arg3[%get3A_4792] : memref<1108xf32, #tpu.memory_space<smem>>
    %mul3A_4794 = vector.broadcast %get3A_4793 : f32 to vector<8x128xf32>
    %mul3A_4795 = arith.mulf %add3A_4559, %mul3A_4794 : vector<8x128xf32>
    %add3A_4796 = arith.addf %add3A_4791, %mul3A_4795 : vector<8x128xf32>
    %get3A_4797 = arith.constant 999 : index
    %get3A_4798 = memref.load %arg3[%get3A_4797] : memref<1108xf32, #tpu.memory_space<smem>>
    %mul3A_4799 = vector.broadcast %get3A_4798 : f32 to vector<8x128xf32>
    %mul3A_4800 = arith.mulf %add3A_4586, %mul3A_4799 : vector<8x128xf32>
    %add3A_4801 = arith.addf %add3A_4796, %mul3A_4800 : vector<8x128xf32>
    %get3A_4802 = arith.constant 1015 : index
    %get3A_4803 = memref.load %arg3[%get3A_4802] : memref<1108xf32, #tpu.memory_space<smem>>
    %mul3A_4804 = vector.broadcast %get3A_4803 : f32 to vector<8x128xf32>
    %mul3A_4805 = arith.mulf %add3A_4613, %mul3A_4804 : vector<8x128xf32>
    %add3A_4806 = arith.addf %add3A_4801, %mul3A_4805 : vector<8x128xf32>
    %get3A_4807 = arith.constant 1031 : index
    %get3A_4808 = memref.load %arg3[%get3A_4807] : memref<1108xf32, #tpu.memory_space<smem>>
    %mul3A_4809 = vector.broadcast %get3A_4808 : f32 to vector<8x128xf32>
    %mul3A_4810 = arith.mulf %add3A_4640, %mul3A_4809 : vector<8x128xf32>
    %add3A_4811 = arith.addf %add3A_4806, %mul3A_4810 : vector<8x128xf32>
    %add3A_4812 = arith.addf %add3A_2204, %add3A_4811 : vector<8x128xf32>
    %get3A_4813 = arith.constant 1063 : index
    %get3A_4814 = memref.load %arg3[%get3A_4813] : memref<1108xf32, #tpu.memory_space<smem>>
    %add3A_4815 = vector.broadcast %get3A_4814 : f32 to vector<8x128xf32>
    %add3A_4816 = arith.addf %add3A_4812, %add3A_4815 : vector<8x128xf32>
    %get3A_4817 = arith.constant 920 : index
    %get3A_4818 = memref.load %arg3[%get3A_4817] : memref<1108xf32, #tpu.memory_space<smem>>
    %mul3A_4819 = vector.broadcast %get3A_4818 : f32 to vector<8x128xf32>
    %mul3A_4820 = arith.mulf %add3A_4451, %mul3A_4819 : vector<8x128xf32>
    %get3A_4821 = arith.constant 936 : index
    %get3A_4822 = memref.load %arg3[%get3A_4821] : memref<1108xf32, #tpu.memory_space<smem>>
    %mul3A_4823 = vector.broadcast %get3A_4822 : f32 to vector<8x128xf32>
    %mul3A_4824 = arith.mulf %add3A_4478, %mul3A_4823 : vector<8x128xf32>
    %add3A_4825 = arith.addf %mul3A_4820, %mul3A_4824 : vector<8x128xf32>
    %get3A_4826 = arith.constant 952 : index
    %get3A_4827 = memref.load %arg3[%get3A_4826] : memref<1108xf32, #tpu.memory_space<smem>>
    %mul3A_4828 = vector.broadcast %get3A_4827 : f32 to vector<8x128xf32>
    %mul3A_4829 = arith.mulf %add3A_4505, %mul3A_4828 : vector<8x128xf32>
    %add3A_4830 = arith.addf %add3A_4825, %mul3A_4829 : vector<8x128xf32>
    %get3A_4831 = arith.constant 968 : index
    %get3A_4832 = memref.load %arg3[%get3A_4831] : memref<1108xf32, #tpu.memory_space<smem>>
    %mul3A_4833 = vector.broadcast %get3A_4832 : f32 to vector<8x128xf32>
    %mul3A_4834 = arith.mulf %add3A_4532, %mul3A_4833 : vector<8x128xf32>
    %add3A_4835 = arith.addf %add3A_4830, %mul3A_4834 : vector<8x128xf32>
    %get3A_4836 = arith.constant 984 : index
    %get3A_4837 = memref.load %arg3[%get3A_4836] : memref<1108xf32, #tpu.memory_space<smem>>
    %mul3A_4838 = vector.broadcast %get3A_4837 : f32 to vector<8x128xf32>
    %mul3A_4839 = arith.mulf %add3A_4559, %mul3A_4838 : vector<8x128xf32>
    %add3A_4840 = arith.addf %add3A_4835, %mul3A_4839 : vector<8x128xf32>
    %get3A_4841 = arith.constant 1000 : index
    %get3A_4842 = memref.load %arg3[%get3A_4841] : memref<1108xf32, #tpu.memory_space<smem>>
    %mul3A_4843 = vector.broadcast %get3A_4842 : f32 to vector<8x128xf32>
    %mul3A_4844 = arith.mulf %add3A_4586, %mul3A_4843 : vector<8x128xf32>
    %add3A_4845 = arith.addf %add3A_4840, %mul3A_4844 : vector<8x128xf32>
    %get3A_4846 = arith.constant 1016 : index
    %get3A_4847 = memref.load %arg3[%get3A_4846] : memref<1108xf32, #tpu.memory_space<smem>>
    %mul3A_4848 = vector.broadcast %get3A_4847 : f32 to vector<8x128xf32>
    %mul3A_4849 = arith.mulf %add3A_4613, %mul3A_4848 : vector<8x128xf32>
    %add3A_4850 = arith.addf %add3A_4845, %mul3A_4849 : vector<8x128xf32>
    %get3A_4851 = arith.constant 1032 : index
    %get3A_4852 = memref.load %arg3[%get3A_4851] : memref<1108xf32, #tpu.memory_space<smem>>
    %mul3A_4853 = vector.broadcast %get3A_4852 : f32 to vector<8x128xf32>
    %mul3A_4854 = arith.mulf %add3A_4640, %mul3A_4853 : vector<8x128xf32>
    %add3A_4855 = arith.addf %add3A_4850, %mul3A_4854 : vector<8x128xf32>
    %add3A_4856 = arith.addf %add3A_2248, %add3A_4855 : vector<8x128xf32>
    %get3A_4857 = arith.constant 1064 : index
    %get3A_4858 = memref.load %arg3[%get3A_4857] : memref<1108xf32, #tpu.memory_space<smem>>
    %add3A_4859 = vector.broadcast %get3A_4858 : f32 to vector<8x128xf32>
    %add3A_4860 = arith.addf %add3A_4856, %add3A_4859 : vector<8x128xf32>
    %get3A_4861 = arith.constant 921 : index
    %get3A_4862 = memref.load %arg3[%get3A_4861] : memref<1108xf32, #tpu.memory_space<smem>>
    %mul3A_4863 = vector.broadcast %get3A_4862 : f32 to vector<8x128xf32>
    %mul3A_4864 = arith.mulf %add3A_4451, %mul3A_4863 : vector<8x128xf32>
    %get3A_4865 = arith.constant 937 : index
    %get3A_4866 = memref.load %arg3[%get3A_4865] : memref<1108xf32, #tpu.memory_space<smem>>
    %mul3A_4867 = vector.broadcast %get3A_4866 : f32 to vector<8x128xf32>
    %mul3A_4868 = arith.mulf %add3A_4478, %mul3A_4867 : vector<8x128xf32>
    %add3A_4869 = arith.addf %mul3A_4864, %mul3A_4868 : vector<8x128xf32>
    %get3A_4870 = arith.constant 953 : index
    %get3A_4871 = memref.load %arg3[%get3A_4870] : memref<1108xf32, #tpu.memory_space<smem>>
    %mul3A_4872 = vector.broadcast %get3A_4871 : f32 to vector<8x128xf32>
    %mul3A_4873 = arith.mulf %add3A_4505, %mul3A_4872 : vector<8x128xf32>
    %add3A_4874 = arith.addf %add3A_4869, %mul3A_4873 : vector<8x128xf32>
    %get3A_4875 = arith.constant 969 : index
    %get3A_4876 = memref.load %arg3[%get3A_4875] : memref<1108xf32, #tpu.memory_space<smem>>
    %mul3A_4877 = vector.broadcast %get3A_4876 : f32 to vector<8x128xf32>
    %mul3A_4878 = arith.mulf %add3A_4532, %mul3A_4877 : vector<8x128xf32>
    %add3A_4879 = arith.addf %add3A_4874, %mul3A_4878 : vector<8x128xf32>
    %get3A_4880 = arith.constant 985 : index
    %get3A_4881 = memref.load %arg3[%get3A_4880] : memref<1108xf32, #tpu.memory_space<smem>>
    %mul3A_4882 = vector.broadcast %get3A_4881 : f32 to vector<8x128xf32>
    %mul3A_4883 = arith.mulf %add3A_4559, %mul3A_4882 : vector<8x128xf32>
    %add3A_4884 = arith.addf %add3A_4879, %mul3A_4883 : vector<8x128xf32>
    %get3A_4885 = arith.constant 1001 : index
    %get3A_4886 = memref.load %arg3[%get3A_4885] : memref<1108xf32, #tpu.memory_space<smem>>
    %mul3A_4887 = vector.broadcast %get3A_4886 : f32 to vector<8x128xf32>
    %mul3A_4888 = arith.mulf %add3A_4586, %mul3A_4887 : vector<8x128xf32>
    %add3A_4889 = arith.addf %add3A_4884, %mul3A_4888 : vector<8x128xf32>
    %get3A_4890 = arith.constant 1017 : index
    %get3A_4891 = memref.load %arg3[%get3A_4890] : memref<1108xf32, #tpu.memory_space<smem>>
    %mul3A_4892 = vector.broadcast %get3A_4891 : f32 to vector<8x128xf32>
    %mul3A_4893 = arith.mulf %add3A_4613, %mul3A_4892 : vector<8x128xf32>
    %add3A_4894 = arith.addf %add3A_4889, %mul3A_4893 : vector<8x128xf32>
    %get3A_4895 = arith.constant 1033 : index
    %get3A_4896 = memref.load %arg3[%get3A_4895] : memref<1108xf32, #tpu.memory_space<smem>>
    %mul3A_4897 = vector.broadcast %get3A_4896 : f32 to vector<8x128xf32>
    %mul3A_4898 = arith.mulf %add3A_4640, %mul3A_4897 : vector<8x128xf32>
    %add3A_4899 = arith.addf %add3A_4894, %mul3A_4898 : vector<8x128xf32>
    %add3A_4900 = arith.addf %add3A_2292, %add3A_4899 : vector<8x128xf32>
    %get3A_4901 = arith.constant 1065 : index
    %get3A_4902 = memref.load %arg3[%get3A_4901] : memref<1108xf32, #tpu.memory_space<smem>>
    %add3A_4903 = vector.broadcast %get3A_4902 : f32 to vector<8x128xf32>
    %add3A_4904 = arith.addf %add3A_4900, %add3A_4903 : vector<8x128xf32>
    %get3A_4905 = arith.constant 922 : index
    %get3A_4906 = memref.load %arg3[%get3A_4905] : memref<1108xf32, #tpu.memory_space<smem>>
    %mul3A_4907 = vector.broadcast %get3A_4906 : f32 to vector<8x128xf32>
    %mul3A_4908 = arith.mulf %add3A_4451, %mul3A_4907 : vector<8x128xf32>
    %get3A_4909 = arith.constant 938 : index
    %get3A_4910 = memref.load %arg3[%get3A_4909] : memref<1108xf32, #tpu.memory_space<smem>>
    %mul3A_4911 = vector.broadcast %get3A_4910 : f32 to vector<8x128xf32>
    %mul3A_4912 = arith.mulf %add3A_4478, %mul3A_4911 : vector<8x128xf32>
    %add3A_4913 = arith.addf %mul3A_4908, %mul3A_4912 : vector<8x128xf32>
    %get3A_4914 = arith.constant 954 : index
    %get3A_4915 = memref.load %arg3[%get3A_4914] : memref<1108xf32, #tpu.memory_space<smem>>
    %mul3A_4916 = vector.broadcast %get3A_4915 : f32 to vector<8x128xf32>
    %mul3A_4917 = arith.mulf %add3A_4505, %mul3A_4916 : vector<8x128xf32>
    %add3A_4918 = arith.addf %add3A_4913, %mul3A_4917 : vector<8x128xf32>
    %get3A_4919 = arith.constant 970 : index
    %get3A_4920 = memref.load %arg3[%get3A_4919] : memref<1108xf32, #tpu.memory_space<smem>>
    %mul3A_4921 = vector.broadcast %get3A_4920 : f32 to vector<8x128xf32>
    %mul3A_4922 = arith.mulf %add3A_4532, %mul3A_4921 : vector<8x128xf32>
    %add3A_4923 = arith.addf %add3A_4918, %mul3A_4922 : vector<8x128xf32>
    %get3A_4924 = arith.constant 986 : index
    %get3A_4925 = memref.load %arg3[%get3A_4924] : memref<1108xf32, #tpu.memory_space<smem>>
    %mul3A_4926 = vector.broadcast %get3A_4925 : f32 to vector<8x128xf32>
    %mul3A_4927 = arith.mulf %add3A_4559, %mul3A_4926 : vector<8x128xf32>
    %add3A_4928 = arith.addf %add3A_4923, %mul3A_4927 : vector<8x128xf32>
    %get3A_4929 = arith.constant 1002 : index
    %get3A_4930 = memref.load %arg3[%get3A_4929] : memref<1108xf32, #tpu.memory_space<smem>>
    %mul3A_4931 = vector.broadcast %get3A_4930 : f32 to vector<8x128xf32>
    %mul3A_4932 = arith.mulf %add3A_4586, %mul3A_4931 : vector<8x128xf32>
    %add3A_4933 = arith.addf %add3A_4928, %mul3A_4932 : vector<8x128xf32>
    %get3A_4934 = arith.constant 1018 : index
    %get3A_4935 = memref.load %arg3[%get3A_4934] : memref<1108xf32, #tpu.memory_space<smem>>
    %mul3A_4936 = vector.broadcast %get3A_4935 : f32 to vector<8x128xf32>
    %mul3A_4937 = arith.mulf %add3A_4613, %mul3A_4936 : vector<8x128xf32>
    %add3A_4938 = arith.addf %add3A_4933, %mul3A_4937 : vector<8x128xf32>
    %get3A_4939 = arith.constant 1034 : index
    %get3A_4940 = memref.load %arg3[%get3A_4939] : memref<1108xf32, #tpu.memory_space<smem>>
    %mul3A_4941 = vector.broadcast %get3A_4940 : f32 to vector<8x128xf32>
    %mul3A_4942 = arith.mulf %add3A_4640, %mul3A_4941 : vector<8x128xf32>
    %add3A_4943 = arith.addf %add3A_4938, %mul3A_4942 : vector<8x128xf32>
    %add3A_4944 = arith.addf %add3A_2336, %add3A_4943 : vector<8x128xf32>
    %get3A_4945 = arith.constant 1066 : index
    %get3A_4946 = memref.load %arg3[%get3A_4945] : memref<1108xf32, #tpu.memory_space<smem>>
    %add3A_4947 = vector.broadcast %get3A_4946 : f32 to vector<8x128xf32>
    %add3A_4948 = arith.addf %add3A_4944, %add3A_4947 : vector<8x128xf32>
    %get3A_4949 = arith.constant 923 : index
    %get3A_4950 = memref.load %arg3[%get3A_4949] : memref<1108xf32, #tpu.memory_space<smem>>
    %mul3A_4951 = vector.broadcast %get3A_4950 : f32 to vector<8x128xf32>
    %mul3A_4952 = arith.mulf %add3A_4451, %mul3A_4951 : vector<8x128xf32>
    %get3A_4953 = arith.constant 939 : index
    %get3A_4954 = memref.load %arg3[%get3A_4953] : memref<1108xf32, #tpu.memory_space<smem>>
    %mul3A_4955 = vector.broadcast %get3A_4954 : f32 to vector<8x128xf32>
    %mul3A_4956 = arith.mulf %add3A_4478, %mul3A_4955 : vector<8x128xf32>
    %add3A_4957 = arith.addf %mul3A_4952, %mul3A_4956 : vector<8x128xf32>
    %get3A_4958 = arith.constant 955 : index
    %get3A_4959 = memref.load %arg3[%get3A_4958] : memref<1108xf32, #tpu.memory_space<smem>>
    %mul3A_4960 = vector.broadcast %get3A_4959 : f32 to vector<8x128xf32>
    %mul3A_4961 = arith.mulf %add3A_4505, %mul3A_4960 : vector<8x128xf32>
    %add3A_4962 = arith.addf %add3A_4957, %mul3A_4961 : vector<8x128xf32>
    %get3A_4963 = arith.constant 971 : index
    %get3A_4964 = memref.load %arg3[%get3A_4963] : memref<1108xf32, #tpu.memory_space<smem>>
    %mul3A_4965 = vector.broadcast %get3A_4964 : f32 to vector<8x128xf32>
    %mul3A_4966 = arith.mulf %add3A_4532, %mul3A_4965 : vector<8x128xf32>
    %add3A_4967 = arith.addf %add3A_4962, %mul3A_4966 : vector<8x128xf32>
    %get3A_4968 = arith.constant 987 : index
    %get3A_4969 = memref.load %arg3[%get3A_4968] : memref<1108xf32, #tpu.memory_space<smem>>
    %mul3A_4970 = vector.broadcast %get3A_4969 : f32 to vector<8x128xf32>
    %mul3A_4971 = arith.mulf %add3A_4559, %mul3A_4970 : vector<8x128xf32>
    %add3A_4972 = arith.addf %add3A_4967, %mul3A_4971 : vector<8x128xf32>
    %get3A_4973 = arith.constant 1003 : index
    %get3A_4974 = memref.load %arg3[%get3A_4973] : memref<1108xf32, #tpu.memory_space<smem>>
    %mul3A_4975 = vector.broadcast %get3A_4974 : f32 to vector<8x128xf32>
    %mul3A_4976 = arith.mulf %add3A_4586, %mul3A_4975 : vector<8x128xf32>
    %add3A_4977 = arith.addf %add3A_4972, %mul3A_4976 : vector<8x128xf32>
    %get3A_4978 = arith.constant 1019 : index
    %get3A_4979 = memref.load %arg3[%get3A_4978] : memref<1108xf32, #tpu.memory_space<smem>>
    %mul3A_4980 = vector.broadcast %get3A_4979 : f32 to vector<8x128xf32>
    %mul3A_4981 = arith.mulf %add3A_4613, %mul3A_4980 : vector<8x128xf32>
    %add3A_4982 = arith.addf %add3A_4977, %mul3A_4981 : vector<8x128xf32>
    %get3A_4983 = arith.constant 1035 : index
    %get3A_4984 = memref.load %arg3[%get3A_4983] : memref<1108xf32, #tpu.memory_space<smem>>
    %mul3A_4985 = vector.broadcast %get3A_4984 : f32 to vector<8x128xf32>
    %mul3A_4986 = arith.mulf %add3A_4640, %mul3A_4985 : vector<8x128xf32>
    %add3A_4987 = arith.addf %add3A_4982, %mul3A_4986 : vector<8x128xf32>
    %add3A_4988 = arith.addf %add3A_2380, %add3A_4987 : vector<8x128xf32>
    %get3A_4989 = arith.constant 1067 : index
    %get3A_4990 = memref.load %arg3[%get3A_4989] : memref<1108xf32, #tpu.memory_space<smem>>
    %add3A_4991 = vector.broadcast %get3A_4990 : f32 to vector<8x128xf32>
    %add3A_4992 = arith.addf %add3A_4988, %add3A_4991 : vector<8x128xf32>
    %get3A_4993 = arith.constant 924 : index
    %get3A_4994 = memref.load %arg3[%get3A_4993] : memref<1108xf32, #tpu.memory_space<smem>>
    %mul3A_4995 = vector.broadcast %get3A_4994 : f32 to vector<8x128xf32>
    %mul3A_4996 = arith.mulf %add3A_4451, %mul3A_4995 : vector<8x128xf32>
    %get3A_4997 = arith.constant 940 : index
    %get3A_4998 = memref.load %arg3[%get3A_4997] : memref<1108xf32, #tpu.memory_space<smem>>
    %mul3A_4999 = vector.broadcast %get3A_4998 : f32 to vector<8x128xf32>
    %mul3A_5000 = arith.mulf %add3A_4478, %mul3A_4999 : vector<8x128xf32>
    %add3A_5001 = arith.addf %mul3A_4996, %mul3A_5000 : vector<8x128xf32>
    %get3A_5002 = arith.constant 956 : index
    %get3A_5003 = memref.load %arg3[%get3A_5002] : memref<1108xf32, #tpu.memory_space<smem>>
    %mul3A_5004 = vector.broadcast %get3A_5003 : f32 to vector<8x128xf32>
    %mul3A_5005 = arith.mulf %add3A_4505, %mul3A_5004 : vector<8x128xf32>
    %add3A_5006 = arith.addf %add3A_5001, %mul3A_5005 : vector<8x128xf32>
    %get3A_5007 = arith.constant 972 : index
    %get3A_5008 = memref.load %arg3[%get3A_5007] : memref<1108xf32, #tpu.memory_space<smem>>
    %mul3A_5009 = vector.broadcast %get3A_5008 : f32 to vector<8x128xf32>
    %mul3A_5010 = arith.mulf %add3A_4532, %mul3A_5009 : vector<8x128xf32>
    %add3A_5011 = arith.addf %add3A_5006, %mul3A_5010 : vector<8x128xf32>
    %get3A_5012 = arith.constant 988 : index
    %get3A_5013 = memref.load %arg3[%get3A_5012] : memref<1108xf32, #tpu.memory_space<smem>>
    %mul3A_5014 = vector.broadcast %get3A_5013 : f32 to vector<8x128xf32>
    %mul3A_5015 = arith.mulf %add3A_4559, %mul3A_5014 : vector<8x128xf32>
    %add3A_5016 = arith.addf %add3A_5011, %mul3A_5015 : vector<8x128xf32>
    %get3A_5017 = arith.constant 1004 : index
    %get3A_5018 = memref.load %arg3[%get3A_5017] : memref<1108xf32, #tpu.memory_space<smem>>
    %mul3A_5019 = vector.broadcast %get3A_5018 : f32 to vector<8x128xf32>
    %mul3A_5020 = arith.mulf %add3A_4586, %mul3A_5019 : vector<8x128xf32>
    %add3A_5021 = arith.addf %add3A_5016, %mul3A_5020 : vector<8x128xf32>
    %get3A_5022 = arith.constant 1020 : index
    %get3A_5023 = memref.load %arg3[%get3A_5022] : memref<1108xf32, #tpu.memory_space<smem>>
    %mul3A_5024 = vector.broadcast %get3A_5023 : f32 to vector<8x128xf32>
    %mul3A_5025 = arith.mulf %add3A_4613, %mul3A_5024 : vector<8x128xf32>
    %add3A_5026 = arith.addf %add3A_5021, %mul3A_5025 : vector<8x128xf32>
    %get3A_5027 = arith.constant 1036 : index
    %get3A_5028 = memref.load %arg3[%get3A_5027] : memref<1108xf32, #tpu.memory_space<smem>>
    %mul3A_5029 = vector.broadcast %get3A_5028 : f32 to vector<8x128xf32>
    %mul3A_5030 = arith.mulf %add3A_4640, %mul3A_5029 : vector<8x128xf32>
    %add3A_5031 = arith.addf %add3A_5026, %mul3A_5030 : vector<8x128xf32>
    %add3A_5032 = arith.addf %add3A_2424, %add3A_5031 : vector<8x128xf32>
    %get3A_5033 = arith.constant 1068 : index
    %get3A_5034 = memref.load %arg3[%get3A_5033] : memref<1108xf32, #tpu.memory_space<smem>>
    %add3A_5035 = vector.broadcast %get3A_5034 : f32 to vector<8x128xf32>
    %add3A_5036 = arith.addf %add3A_5032, %add3A_5035 : vector<8x128xf32>
    %get3A_5037 = arith.constant 925 : index
    %get3A_5038 = memref.load %arg3[%get3A_5037] : memref<1108xf32, #tpu.memory_space<smem>>
    %mul3A_5039 = vector.broadcast %get3A_5038 : f32 to vector<8x128xf32>
    %mul3A_5040 = arith.mulf %add3A_4451, %mul3A_5039 : vector<8x128xf32>
    %get3A_5041 = arith.constant 941 : index
    %get3A_5042 = memref.load %arg3[%get3A_5041] : memref<1108xf32, #tpu.memory_space<smem>>
    %mul3A_5043 = vector.broadcast %get3A_5042 : f32 to vector<8x128xf32>
    %mul3A_5044 = arith.mulf %add3A_4478, %mul3A_5043 : vector<8x128xf32>
    %add3A_5045 = arith.addf %mul3A_5040, %mul3A_5044 : vector<8x128xf32>
    %get3A_5046 = arith.constant 957 : index
    %get3A_5047 = memref.load %arg3[%get3A_5046] : memref<1108xf32, #tpu.memory_space<smem>>
    %mul3A_5048 = vector.broadcast %get3A_5047 : f32 to vector<8x128xf32>
    %mul3A_5049 = arith.mulf %add3A_4505, %mul3A_5048 : vector<8x128xf32>
    %add3A_5050 = arith.addf %add3A_5045, %mul3A_5049 : vector<8x128xf32>
    %get3A_5051 = arith.constant 973 : index
    %get3A_5052 = memref.load %arg3[%get3A_5051] : memref<1108xf32, #tpu.memory_space<smem>>
    %mul3A_5053 = vector.broadcast %get3A_5052 : f32 to vector<8x128xf32>
    %mul3A_5054 = arith.mulf %add3A_4532, %mul3A_5053 : vector<8x128xf32>
    %add3A_5055 = arith.addf %add3A_5050, %mul3A_5054 : vector<8x128xf32>
    %get3A_5056 = arith.constant 989 : index
    %get3A_5057 = memref.load %arg3[%get3A_5056] : memref<1108xf32, #tpu.memory_space<smem>>
    %mul3A_5058 = vector.broadcast %get3A_5057 : f32 to vector<8x128xf32>
    %mul3A_5059 = arith.mulf %add3A_4559, %mul3A_5058 : vector<8x128xf32>
    %add3A_5060 = arith.addf %add3A_5055, %mul3A_5059 : vector<8x128xf32>
    %get3A_5061 = arith.constant 1005 : index
    %get3A_5062 = memref.load %arg3[%get3A_5061] : memref<1108xf32, #tpu.memory_space<smem>>
    %mul3A_5063 = vector.broadcast %get3A_5062 : f32 to vector<8x128xf32>
    %mul3A_5064 = arith.mulf %add3A_4586, %mul3A_5063 : vector<8x128xf32>
    %add3A_5065 = arith.addf %add3A_5060, %mul3A_5064 : vector<8x128xf32>
    %get3A_5066 = arith.constant 1021 : index
    %get3A_5067 = memref.load %arg3[%get3A_5066] : memref<1108xf32, #tpu.memory_space<smem>>
    %mul3A_5068 = vector.broadcast %get3A_5067 : f32 to vector<8x128xf32>
    %mul3A_5069 = arith.mulf %add3A_4613, %mul3A_5068 : vector<8x128xf32>
    %add3A_5070 = arith.addf %add3A_5065, %mul3A_5069 : vector<8x128xf32>
    %get3A_5071 = arith.constant 1037 : index
    %get3A_5072 = memref.load %arg3[%get3A_5071] : memref<1108xf32, #tpu.memory_space<smem>>
    %mul3A_5073 = vector.broadcast %get3A_5072 : f32 to vector<8x128xf32>
    %mul3A_5074 = arith.mulf %add3A_4640, %mul3A_5073 : vector<8x128xf32>
    %add3A_5075 = arith.addf %add3A_5070, %mul3A_5074 : vector<8x128xf32>
    %add3A_5076 = arith.addf %add3A_2468, %add3A_5075 : vector<8x128xf32>
    %get3A_5077 = arith.constant 1069 : index
    %get3A_5078 = memref.load %arg3[%get3A_5077] : memref<1108xf32, #tpu.memory_space<smem>>
    %add3A_5079 = vector.broadcast %get3A_5078 : f32 to vector<8x128xf32>
    %add3A_5080 = arith.addf %add3A_5076, %add3A_5079 : vector<8x128xf32>
    %get3A_5081 = arith.constant 926 : index
    %get3A_5082 = memref.load %arg3[%get3A_5081] : memref<1108xf32, #tpu.memory_space<smem>>
    %mul3A_5083 = vector.broadcast %get3A_5082 : f32 to vector<8x128xf32>
    %mul3A_5084 = arith.mulf %add3A_4451, %mul3A_5083 : vector<8x128xf32>
    %get3A_5085 = arith.constant 942 : index
    %get3A_5086 = memref.load %arg3[%get3A_5085] : memref<1108xf32, #tpu.memory_space<smem>>
    %mul3A_5087 = vector.broadcast %get3A_5086 : f32 to vector<8x128xf32>
    %mul3A_5088 = arith.mulf %add3A_4478, %mul3A_5087 : vector<8x128xf32>
    %add3A_5089 = arith.addf %mul3A_5084, %mul3A_5088 : vector<8x128xf32>
    %get3A_5090 = arith.constant 958 : index
    %get3A_5091 = memref.load %arg3[%get3A_5090] : memref<1108xf32, #tpu.memory_space<smem>>
    %mul3A_5092 = vector.broadcast %get3A_5091 : f32 to vector<8x128xf32>
    %mul3A_5093 = arith.mulf %add3A_4505, %mul3A_5092 : vector<8x128xf32>
    %add3A_5094 = arith.addf %add3A_5089, %mul3A_5093 : vector<8x128xf32>
    %get3A_5095 = arith.constant 974 : index
    %get3A_5096 = memref.load %arg3[%get3A_5095] : memref<1108xf32, #tpu.memory_space<smem>>
    %mul3A_5097 = vector.broadcast %get3A_5096 : f32 to vector<8x128xf32>
    %mul3A_5098 = arith.mulf %add3A_4532, %mul3A_5097 : vector<8x128xf32>
    %add3A_5099 = arith.addf %add3A_5094, %mul3A_5098 : vector<8x128xf32>
    %get3A_5100 = arith.constant 990 : index
    %get3A_5101 = memref.load %arg3[%get3A_5100] : memref<1108xf32, #tpu.memory_space<smem>>
    %mul3A_5102 = vector.broadcast %get3A_5101 : f32 to vector<8x128xf32>
    %mul3A_5103 = arith.mulf %add3A_4559, %mul3A_5102 : vector<8x128xf32>
    %add3A_5104 = arith.addf %add3A_5099, %mul3A_5103 : vector<8x128xf32>
    %get3A_5105 = arith.constant 1006 : index
    %get3A_5106 = memref.load %arg3[%get3A_5105] : memref<1108xf32, #tpu.memory_space<smem>>
    %mul3A_5107 = vector.broadcast %get3A_5106 : f32 to vector<8x128xf32>
    %mul3A_5108 = arith.mulf %add3A_4586, %mul3A_5107 : vector<8x128xf32>
    %add3A_5109 = arith.addf %add3A_5104, %mul3A_5108 : vector<8x128xf32>
    %get3A_5110 = arith.constant 1022 : index
    %get3A_5111 = memref.load %arg3[%get3A_5110] : memref<1108xf32, #tpu.memory_space<smem>>
    %mul3A_5112 = vector.broadcast %get3A_5111 : f32 to vector<8x128xf32>
    %mul3A_5113 = arith.mulf %add3A_4613, %mul3A_5112 : vector<8x128xf32>
    %add3A_5114 = arith.addf %add3A_5109, %mul3A_5113 : vector<8x128xf32>
    %get3A_5115 = arith.constant 1038 : index
    %get3A_5116 = memref.load %arg3[%get3A_5115] : memref<1108xf32, #tpu.memory_space<smem>>
    %mul3A_5117 = vector.broadcast %get3A_5116 : f32 to vector<8x128xf32>
    %mul3A_5118 = arith.mulf %add3A_4640, %mul3A_5117 : vector<8x128xf32>
    %add3A_5119 = arith.addf %add3A_5114, %mul3A_5118 : vector<8x128xf32>
    %add3A_5120 = arith.addf %add3A_2512, %add3A_5119 : vector<8x128xf32>
    %get3A_5121 = arith.constant 1070 : index
    %get3A_5122 = memref.load %arg3[%get3A_5121] : memref<1108xf32, #tpu.memory_space<smem>>
    %add3A_5123 = vector.broadcast %get3A_5122 : f32 to vector<8x128xf32>
    %add3A_5124 = arith.addf %add3A_5120, %add3A_5123 : vector<8x128xf32>
    %get3A_5125 = arith.constant 927 : index
    %get3A_5126 = memref.load %arg3[%get3A_5125] : memref<1108xf32, #tpu.memory_space<smem>>
    %mul3A_5127 = vector.broadcast %get3A_5126 : f32 to vector<8x128xf32>
    %mul3A_5128 = arith.mulf %add3A_4451, %mul3A_5127 : vector<8x128xf32>
    %get3A_5129 = arith.constant 943 : index
    %get3A_5130 = memref.load %arg3[%get3A_5129] : memref<1108xf32, #tpu.memory_space<smem>>
    %mul3A_5131 = vector.broadcast %get3A_5130 : f32 to vector<8x128xf32>
    %mul3A_5132 = arith.mulf %add3A_4478, %mul3A_5131 : vector<8x128xf32>
    %add3A_5133 = arith.addf %mul3A_5128, %mul3A_5132 : vector<8x128xf32>
    %get3A_5134 = arith.constant 959 : index
    %get3A_5135 = memref.load %arg3[%get3A_5134] : memref<1108xf32, #tpu.memory_space<smem>>
    %mul3A_5136 = vector.broadcast %get3A_5135 : f32 to vector<8x128xf32>
    %mul3A_5137 = arith.mulf %add3A_4505, %mul3A_5136 : vector<8x128xf32>
    %add3A_5138 = arith.addf %add3A_5133, %mul3A_5137 : vector<8x128xf32>
    %get3A_5139 = arith.constant 975 : index
    %get3A_5140 = memref.load %arg3[%get3A_5139] : memref<1108xf32, #tpu.memory_space<smem>>
    %mul3A_5141 = vector.broadcast %get3A_5140 : f32 to vector<8x128xf32>
    %mul3A_5142 = arith.mulf %add3A_4532, %mul3A_5141 : vector<8x128xf32>
    %add3A_5143 = arith.addf %add3A_5138, %mul3A_5142 : vector<8x128xf32>
    %get3A_5144 = arith.constant 991 : index
    %get3A_5145 = memref.load %arg3[%get3A_5144] : memref<1108xf32, #tpu.memory_space<smem>>
    %mul3A_5146 = vector.broadcast %get3A_5145 : f32 to vector<8x128xf32>
    %mul3A_5147 = arith.mulf %add3A_4559, %mul3A_5146 : vector<8x128xf32>
    %add3A_5148 = arith.addf %add3A_5143, %mul3A_5147 : vector<8x128xf32>
    %get3A_5149 = arith.constant 1007 : index
    %get3A_5150 = memref.load %arg3[%get3A_5149] : memref<1108xf32, #tpu.memory_space<smem>>
    %mul3A_5151 = vector.broadcast %get3A_5150 : f32 to vector<8x128xf32>
    %mul3A_5152 = arith.mulf %add3A_4586, %mul3A_5151 : vector<8x128xf32>
    %add3A_5153 = arith.addf %add3A_5148, %mul3A_5152 : vector<8x128xf32>
    %get3A_5154 = arith.constant 1023 : index
    %get3A_5155 = memref.load %arg3[%get3A_5154] : memref<1108xf32, #tpu.memory_space<smem>>
    %mul3A_5156 = vector.broadcast %get3A_5155 : f32 to vector<8x128xf32>
    %mul3A_5157 = arith.mulf %add3A_4613, %mul3A_5156 : vector<8x128xf32>
    %add3A_5158 = arith.addf %add3A_5153, %mul3A_5157 : vector<8x128xf32>
    %get3A_5159 = arith.constant 1039 : index
    %get3A_5160 = memref.load %arg3[%get3A_5159] : memref<1108xf32, #tpu.memory_space<smem>>
    %mul3A_5161 = vector.broadcast %get3A_5160 : f32 to vector<8x128xf32>
    %mul3A_5162 = arith.mulf %add3A_4640, %mul3A_5161 : vector<8x128xf32>
    %add3A_5163 = arith.addf %add3A_5158, %mul3A_5162 : vector<8x128xf32>
    %add3A_5164 = arith.addf %add3A_2556, %add3A_5163 : vector<8x128xf32>
    %get3A_5165 = arith.constant 1071 : index
    %get3A_5166 = memref.load %arg3[%get3A_5165] : memref<1108xf32, #tpu.memory_space<smem>>
    %add3A_5167 = vector.broadcast %get3A_5166 : f32 to vector<8x128xf32>
    %add3A_5168 = arith.addf %add3A_5164, %add3A_5167 : vector<8x128xf32>
    %get3A_5169 = arith.constant 928 : index
    %get3A_5170 = memref.load %arg3[%get3A_5169] : memref<1108xf32, #tpu.memory_space<smem>>
    %mul3A_5171 = vector.broadcast %get3A_5170 : f32 to vector<8x128xf32>
    %mul3A_5172 = arith.mulf %add3A_4451, %mul3A_5171 : vector<8x128xf32>
    %get3A_5173 = arith.constant 944 : index
    %get3A_5174 = memref.load %arg3[%get3A_5173] : memref<1108xf32, #tpu.memory_space<smem>>
    %mul3A_5175 = vector.broadcast %get3A_5174 : f32 to vector<8x128xf32>
    %mul3A_5176 = arith.mulf %add3A_4478, %mul3A_5175 : vector<8x128xf32>
    %add3A_5177 = arith.addf %mul3A_5172, %mul3A_5176 : vector<8x128xf32>
    %get3A_5178 = arith.constant 960 : index
    %get3A_5179 = memref.load %arg3[%get3A_5178] : memref<1108xf32, #tpu.memory_space<smem>>
    %mul3A_5180 = vector.broadcast %get3A_5179 : f32 to vector<8x128xf32>
    %mul3A_5181 = arith.mulf %add3A_4505, %mul3A_5180 : vector<8x128xf32>
    %add3A_5182 = arith.addf %add3A_5177, %mul3A_5181 : vector<8x128xf32>
    %get3A_5183 = arith.constant 976 : index
    %get3A_5184 = memref.load %arg3[%get3A_5183] : memref<1108xf32, #tpu.memory_space<smem>>
    %mul3A_5185 = vector.broadcast %get3A_5184 : f32 to vector<8x128xf32>
    %mul3A_5186 = arith.mulf %add3A_4532, %mul3A_5185 : vector<8x128xf32>
    %add3A_5187 = arith.addf %add3A_5182, %mul3A_5186 : vector<8x128xf32>
    %get3A_5188 = arith.constant 992 : index
    %get3A_5189 = memref.load %arg3[%get3A_5188] : memref<1108xf32, #tpu.memory_space<smem>>
    %mul3A_5190 = vector.broadcast %get3A_5189 : f32 to vector<8x128xf32>
    %mul3A_5191 = arith.mulf %add3A_4559, %mul3A_5190 : vector<8x128xf32>
    %add3A_5192 = arith.addf %add3A_5187, %mul3A_5191 : vector<8x128xf32>
    %get3A_5193 = arith.constant 1008 : index
    %get3A_5194 = memref.load %arg3[%get3A_5193] : memref<1108xf32, #tpu.memory_space<smem>>
    %mul3A_5195 = vector.broadcast %get3A_5194 : f32 to vector<8x128xf32>
    %mul3A_5196 = arith.mulf %add3A_4586, %mul3A_5195 : vector<8x128xf32>
    %add3A_5197 = arith.addf %add3A_5192, %mul3A_5196 : vector<8x128xf32>
    %get3A_5198 = arith.constant 1024 : index
    %get3A_5199 = memref.load %arg3[%get3A_5198] : memref<1108xf32, #tpu.memory_space<smem>>
    %mul3A_5200 = vector.broadcast %get3A_5199 : f32 to vector<8x128xf32>
    %mul3A_5201 = arith.mulf %add3A_4613, %mul3A_5200 : vector<8x128xf32>
    %add3A_5202 = arith.addf %add3A_5197, %mul3A_5201 : vector<8x128xf32>
    %get3A_5203 = arith.constant 1040 : index
    %get3A_5204 = memref.load %arg3[%get3A_5203] : memref<1108xf32, #tpu.memory_space<smem>>
    %mul3A_5205 = vector.broadcast %get3A_5204 : f32 to vector<8x128xf32>
    %mul3A_5206 = arith.mulf %add3A_4640, %mul3A_5205 : vector<8x128xf32>
    %add3A_5207 = arith.addf %add3A_5202, %mul3A_5206 : vector<8x128xf32>
    %add3A_5208 = arith.addf %add3A_2600, %add3A_5207 : vector<8x128xf32>
    %get3A_5209 = arith.constant 1072 : index
    %get3A_5210 = memref.load %arg3[%get3A_5209] : memref<1108xf32, #tpu.memory_space<smem>>
    %add3A_5211 = vector.broadcast %get3A_5210 : f32 to vector<8x128xf32>
    %add3A_5212 = arith.addf %add3A_5208, %add3A_5211 : vector<8x128xf32>
    %get3A_5213 = arith.constant 929 : index
    %get3A_5214 = memref.load %arg3[%get3A_5213] : memref<1108xf32, #tpu.memory_space<smem>>
    %mul3A_5215 = vector.broadcast %get3A_5214 : f32 to vector<8x128xf32>
    %mul3A_5216 = arith.mulf %add3A_4451, %mul3A_5215 : vector<8x128xf32>
    %get3A_5217 = arith.constant 945 : index
    %get3A_5218 = memref.load %arg3[%get3A_5217] : memref<1108xf32, #tpu.memory_space<smem>>
    %mul3A_5219 = vector.broadcast %get3A_5218 : f32 to vector<8x128xf32>
    %mul3A_5220 = arith.mulf %add3A_4478, %mul3A_5219 : vector<8x128xf32>
    %add3A_5221 = arith.addf %mul3A_5216, %mul3A_5220 : vector<8x128xf32>
    %get3A_5222 = arith.constant 961 : index
    %get3A_5223 = memref.load %arg3[%get3A_5222] : memref<1108xf32, #tpu.memory_space<smem>>
    %mul3A_5224 = vector.broadcast %get3A_5223 : f32 to vector<8x128xf32>
    %mul3A_5225 = arith.mulf %add3A_4505, %mul3A_5224 : vector<8x128xf32>
    %add3A_5226 = arith.addf %add3A_5221, %mul3A_5225 : vector<8x128xf32>
    %get3A_5227 = arith.constant 977 : index
    %get3A_5228 = memref.load %arg3[%get3A_5227] : memref<1108xf32, #tpu.memory_space<smem>>
    %mul3A_5229 = vector.broadcast %get3A_5228 : f32 to vector<8x128xf32>
    %mul3A_5230 = arith.mulf %add3A_4532, %mul3A_5229 : vector<8x128xf32>
    %add3A_5231 = arith.addf %add3A_5226, %mul3A_5230 : vector<8x128xf32>
    %get3A_5232 = arith.constant 993 : index
    %get3A_5233 = memref.load %arg3[%get3A_5232] : memref<1108xf32, #tpu.memory_space<smem>>
    %mul3A_5234 = vector.broadcast %get3A_5233 : f32 to vector<8x128xf32>
    %mul3A_5235 = arith.mulf %add3A_4559, %mul3A_5234 : vector<8x128xf32>
    %add3A_5236 = arith.addf %add3A_5231, %mul3A_5235 : vector<8x128xf32>
    %get3A_5237 = arith.constant 1009 : index
    %get3A_5238 = memref.load %arg3[%get3A_5237] : memref<1108xf32, #tpu.memory_space<smem>>
    %mul3A_5239 = vector.broadcast %get3A_5238 : f32 to vector<8x128xf32>
    %mul3A_5240 = arith.mulf %add3A_4586, %mul3A_5239 : vector<8x128xf32>
    %add3A_5241 = arith.addf %add3A_5236, %mul3A_5240 : vector<8x128xf32>
    %get3A_5242 = arith.constant 1025 : index
    %get3A_5243 = memref.load %arg3[%get3A_5242] : memref<1108xf32, #tpu.memory_space<smem>>
    %mul3A_5244 = vector.broadcast %get3A_5243 : f32 to vector<8x128xf32>
    %mul3A_5245 = arith.mulf %add3A_4613, %mul3A_5244 : vector<8x128xf32>
    %add3A_5246 = arith.addf %add3A_5241, %mul3A_5245 : vector<8x128xf32>
    %get3A_5247 = arith.constant 1041 : index
    %get3A_5248 = memref.load %arg3[%get3A_5247] : memref<1108xf32, #tpu.memory_space<smem>>
    %mul3A_5249 = vector.broadcast %get3A_5248 : f32 to vector<8x128xf32>
    %mul3A_5250 = arith.mulf %add3A_4640, %mul3A_5249 : vector<8x128xf32>
    %add3A_5251 = arith.addf %add3A_5246, %mul3A_5250 : vector<8x128xf32>
    %add3A_5252 = arith.addf %add3A_2644, %add3A_5251 : vector<8x128xf32>
    %get3A_5253 = arith.constant 1073 : index
    %get3A_5254 = memref.load %arg3[%get3A_5253] : memref<1108xf32, #tpu.memory_space<smem>>
    %add3A_5255 = vector.broadcast %get3A_5254 : f32 to vector<8x128xf32>
    %add3A_5256 = arith.addf %add3A_5252, %add3A_5255 : vector<8x128xf32>
    %get3A_5257 = arith.constant 930 : index
    %get3A_5258 = memref.load %arg3[%get3A_5257] : memref<1108xf32, #tpu.memory_space<smem>>
    %mul3A_5259 = vector.broadcast %get3A_5258 : f32 to vector<8x128xf32>
    %mul3A_5260 = arith.mulf %add3A_4451, %mul3A_5259 : vector<8x128xf32>
    %get3A_5261 = arith.constant 946 : index
    %get3A_5262 = memref.load %arg3[%get3A_5261] : memref<1108xf32, #tpu.memory_space<smem>>
    %mul3A_5263 = vector.broadcast %get3A_5262 : f32 to vector<8x128xf32>
    %mul3A_5264 = arith.mulf %add3A_4478, %mul3A_5263 : vector<8x128xf32>
    %add3A_5265 = arith.addf %mul3A_5260, %mul3A_5264 : vector<8x128xf32>
    %get3A_5266 = arith.constant 962 : index
    %get3A_5267 = memref.load %arg3[%get3A_5266] : memref<1108xf32, #tpu.memory_space<smem>>
    %mul3A_5268 = vector.broadcast %get3A_5267 : f32 to vector<8x128xf32>
    %mul3A_5269 = arith.mulf %add3A_4505, %mul3A_5268 : vector<8x128xf32>
    %add3A_5270 = arith.addf %add3A_5265, %mul3A_5269 : vector<8x128xf32>
    %get3A_5271 = arith.constant 978 : index
    %get3A_5272 = memref.load %arg3[%get3A_5271] : memref<1108xf32, #tpu.memory_space<smem>>
    %mul3A_5273 = vector.broadcast %get3A_5272 : f32 to vector<8x128xf32>
    %mul3A_5274 = arith.mulf %add3A_4532, %mul3A_5273 : vector<8x128xf32>
    %add3A_5275 = arith.addf %add3A_5270, %mul3A_5274 : vector<8x128xf32>
    %get3A_5276 = arith.constant 994 : index
    %get3A_5277 = memref.load %arg3[%get3A_5276] : memref<1108xf32, #tpu.memory_space<smem>>
    %mul3A_5278 = vector.broadcast %get3A_5277 : f32 to vector<8x128xf32>
    %mul3A_5279 = arith.mulf %add3A_4559, %mul3A_5278 : vector<8x128xf32>
    %add3A_5280 = arith.addf %add3A_5275, %mul3A_5279 : vector<8x128xf32>
    %get3A_5281 = arith.constant 1010 : index
    %get3A_5282 = memref.load %arg3[%get3A_5281] : memref<1108xf32, #tpu.memory_space<smem>>
    %mul3A_5283 = vector.broadcast %get3A_5282 : f32 to vector<8x128xf32>
    %mul3A_5284 = arith.mulf %add3A_4586, %mul3A_5283 : vector<8x128xf32>
    %add3A_5285 = arith.addf %add3A_5280, %mul3A_5284 : vector<8x128xf32>
    %get3A_5286 = arith.constant 1026 : index
    %get3A_5287 = memref.load %arg3[%get3A_5286] : memref<1108xf32, #tpu.memory_space<smem>>
    %mul3A_5288 = vector.broadcast %get3A_5287 : f32 to vector<8x128xf32>
    %mul3A_5289 = arith.mulf %add3A_4613, %mul3A_5288 : vector<8x128xf32>
    %add3A_5290 = arith.addf %add3A_5285, %mul3A_5289 : vector<8x128xf32>
    %get3A_5291 = arith.constant 1042 : index
    %get3A_5292 = memref.load %arg3[%get3A_5291] : memref<1108xf32, #tpu.memory_space<smem>>
    %mul3A_5293 = vector.broadcast %get3A_5292 : f32 to vector<8x128xf32>
    %mul3A_5294 = arith.mulf %add3A_4640, %mul3A_5293 : vector<8x128xf32>
    %add3A_5295 = arith.addf %add3A_5290, %mul3A_5294 : vector<8x128xf32>
    %add3A_5296 = arith.addf %add3A_2688, %add3A_5295 : vector<8x128xf32>
    %get3A_5297 = arith.constant 1074 : index
    %get3A_5298 = memref.load %arg3[%get3A_5297] : memref<1108xf32, #tpu.memory_space<smem>>
    %add3A_5299 = vector.broadcast %get3A_5298 : f32 to vector<8x128xf32>
    %add3A_5300 = arith.addf %add3A_5296, %add3A_5299 : vector<8x128xf32>
    %get3A_5301 = arith.constant 931 : index
    %get3A_5302 = memref.load %arg3[%get3A_5301] : memref<1108xf32, #tpu.memory_space<smem>>
    %mul3A_5303 = vector.broadcast %get3A_5302 : f32 to vector<8x128xf32>
    %mul3A_5304 = arith.mulf %add3A_4451, %mul3A_5303 : vector<8x128xf32>
    %get3A_5305 = arith.constant 947 : index
    %get3A_5306 = memref.load %arg3[%get3A_5305] : memref<1108xf32, #tpu.memory_space<smem>>
    %mul3A_5307 = vector.broadcast %get3A_5306 : f32 to vector<8x128xf32>
    %mul3A_5308 = arith.mulf %add3A_4478, %mul3A_5307 : vector<8x128xf32>
    %add3A_5309 = arith.addf %mul3A_5304, %mul3A_5308 : vector<8x128xf32>
    %get3A_5310 = arith.constant 963 : index
    %get3A_5311 = memref.load %arg3[%get3A_5310] : memref<1108xf32, #tpu.memory_space<smem>>
    %mul3A_5312 = vector.broadcast %get3A_5311 : f32 to vector<8x128xf32>
    %mul3A_5313 = arith.mulf %add3A_4505, %mul3A_5312 : vector<8x128xf32>
    %add3A_5314 = arith.addf %add3A_5309, %mul3A_5313 : vector<8x128xf32>
    %get3A_5315 = arith.constant 979 : index
    %get3A_5316 = memref.load %arg3[%get3A_5315] : memref<1108xf32, #tpu.memory_space<smem>>
    %mul3A_5317 = vector.broadcast %get3A_5316 : f32 to vector<8x128xf32>
    %mul3A_5318 = arith.mulf %add3A_4532, %mul3A_5317 : vector<8x128xf32>
    %add3A_5319 = arith.addf %add3A_5314, %mul3A_5318 : vector<8x128xf32>
    %get3A_5320 = arith.constant 995 : index
    %get3A_5321 = memref.load %arg3[%get3A_5320] : memref<1108xf32, #tpu.memory_space<smem>>
    %mul3A_5322 = vector.broadcast %get3A_5321 : f32 to vector<8x128xf32>
    %mul3A_5323 = arith.mulf %add3A_4559, %mul3A_5322 : vector<8x128xf32>
    %add3A_5324 = arith.addf %add3A_5319, %mul3A_5323 : vector<8x128xf32>
    %get3A_5325 = arith.constant 1011 : index
    %get3A_5326 = memref.load %arg3[%get3A_5325] : memref<1108xf32, #tpu.memory_space<smem>>
    %mul3A_5327 = vector.broadcast %get3A_5326 : f32 to vector<8x128xf32>
    %mul3A_5328 = arith.mulf %add3A_4586, %mul3A_5327 : vector<8x128xf32>
    %add3A_5329 = arith.addf %add3A_5324, %mul3A_5328 : vector<8x128xf32>
    %get3A_5330 = arith.constant 1027 : index
    %get3A_5331 = memref.load %arg3[%get3A_5330] : memref<1108xf32, #tpu.memory_space<smem>>
    %mul3A_5332 = vector.broadcast %get3A_5331 : f32 to vector<8x128xf32>
    %mul3A_5333 = arith.mulf %add3A_4613, %mul3A_5332 : vector<8x128xf32>
    %add3A_5334 = arith.addf %add3A_5329, %mul3A_5333 : vector<8x128xf32>
    %get3A_5335 = arith.constant 1043 : index
    %get3A_5336 = memref.load %arg3[%get3A_5335] : memref<1108xf32, #tpu.memory_space<smem>>
    %mul3A_5337 = vector.broadcast %get3A_5336 : f32 to vector<8x128xf32>
    %mul3A_5338 = arith.mulf %add3A_4640, %mul3A_5337 : vector<8x128xf32>
    %add3A_5339 = arith.addf %add3A_5334, %mul3A_5338 : vector<8x128xf32>
    %add3A_5340 = arith.addf %add3A_2732, %add3A_5339 : vector<8x128xf32>
    %get3A_5341 = arith.constant 1075 : index
    %get3A_5342 = memref.load %arg3[%get3A_5341] : memref<1108xf32, #tpu.memory_space<smem>>
    %add3A_5343 = vector.broadcast %get3A_5342 : f32 to vector<8x128xf32>
    %add3A_5344 = arith.addf %add3A_5340, %add3A_5343 : vector<8x128xf32>
    %dot_general3A = arith.constant dense<0.000000e+00> : vector<8x2xf32>
    %dot_general3A_5345 = tpu.matmul %add3A_4684, %convert_element_type3A_79, %dot_general3A {dimension_numbers = #tpu.dot_dimension_numbers<[1], [0], [0], [1], [0, 0, 1, 1], [], []>, transpose_lhs_hint = false} : vector<8x128xf32>, vector<128x2xf32>, vector<8x2xf32> -> vector<8x2xf32>
    %get3A_5346 = arith.constant 1092 : index
    %get3A_5347 = memref.load %arg3[%get3A_5346] : memref<1108xf32, #tpu.memory_space<smem>>
    %mul3A_5348 = vector.broadcast %get3A_5347 : f32 to vector<8x2xf32>
    %mul3A_5349 = arith.mulf %dot_general3A_5345, %mul3A_5348 : vector<8x2xf32>
    %dot_general3A_5350 = arith.constant dense<0.000000e+00> : vector<8x2xf32>
    %dot_general3A_5351 = tpu.matmul %add3A_4728, %convert_element_type3A_79, %dot_general3A_5350 {dimension_numbers = #tpu.dot_dimension_numbers<[1], [0], [0], [1], [0, 0, 1, 1], [], []>, transpose_lhs_hint = false} : vector<8x128xf32>, vector<128x2xf32>, vector<8x2xf32> -> vector<8x2xf32>
    %get3A_5352 = arith.constant 1093 : index
    %get3A_5353 = memref.load %arg3[%get3A_5352] : memref<1108xf32, #tpu.memory_space<smem>>
    %mul3A_5354 = vector.broadcast %get3A_5353 : f32 to vector<8x2xf32>
    %mul3A_5355 = arith.mulf %dot_general3A_5351, %mul3A_5354 : vector<8x2xf32>
    %add3A_5356 = arith.addf %mul3A_5349, %mul3A_5355 : vector<8x2xf32>
    %dot_general3A_5357 = arith.constant dense<0.000000e+00> : vector<8x2xf32>
    %dot_general3A_5358 = tpu.matmul %add3A_4772, %convert_element_type3A_79, %dot_general3A_5357 {dimension_numbers = #tpu.dot_dimension_numbers<[1], [0], [0], [1], [0, 0, 1, 1], [], []>, transpose_lhs_hint = false} : vector<8x128xf32>, vector<128x2xf32>, vector<8x2xf32> -> vector<8x2xf32>
    %get3A_5359 = arith.constant 1094 : index
    %get3A_5360 = memref.load %arg3[%get3A_5359] : memref<1108xf32, #tpu.memory_space<smem>>
    %mul3A_5361 = vector.broadcast %get3A_5360 : f32 to vector<8x2xf32>
    %mul3A_5362 = arith.mulf %dot_general3A_5358, %mul3A_5361 : vector<8x2xf32>
    %add3A_5363 = arith.addf %add3A_5356, %mul3A_5362 : vector<8x2xf32>
    %dot_general3A_5364 = arith.constant dense<0.000000e+00> : vector<8x2xf32>
    %dot_general3A_5365 = tpu.matmul %add3A_4816, %convert_element_type3A_79, %dot_general3A_5364 {dimension_numbers = #tpu.dot_dimension_numbers<[1], [0], [0], [1], [0, 0, 1, 1], [], []>, transpose_lhs_hint = false} : vector<8x128xf32>, vector<128x2xf32>, vector<8x2xf32> -> vector<8x2xf32>
    %get3A_5366 = arith.constant 1095 : index
    %get3A_5367 = memref.load %arg3[%get3A_5366] : memref<1108xf32, #tpu.memory_space<smem>>
    %mul3A_5368 = vector.broadcast %get3A_5367 : f32 to vector<8x2xf32>
    %mul3A_5369 = arith.mulf %dot_general3A_5365, %mul3A_5368 : vector<8x2xf32>
    %add3A_5370 = arith.addf %add3A_5363, %mul3A_5369 : vector<8x2xf32>
    %dot_general3A_5371 = arith.constant dense<0.000000e+00> : vector<8x2xf32>
    %dot_general3A_5372 = tpu.matmul %add3A_4860, %convert_element_type3A_79, %dot_general3A_5371 {dimension_numbers = #tpu.dot_dimension_numbers<[1], [0], [0], [1], [0, 0, 1, 1], [], []>, transpose_lhs_hint = false} : vector<8x128xf32>, vector<128x2xf32>, vector<8x2xf32> -> vector<8x2xf32>
    %get3A_5373 = arith.constant 1096 : index
    %get3A_5374 = memref.load %arg3[%get3A_5373] : memref<1108xf32, #tpu.memory_space<smem>>
    %mul3A_5375 = vector.broadcast %get3A_5374 : f32 to vector<8x2xf32>
    %mul3A_5376 = arith.mulf %dot_general3A_5372, %mul3A_5375 : vector<8x2xf32>
    %add3A_5377 = arith.addf %add3A_5370, %mul3A_5376 : vector<8x2xf32>
    %dot_general3A_5378 = arith.constant dense<0.000000e+00> : vector<8x2xf32>
    %dot_general3A_5379 = tpu.matmul %add3A_4904, %convert_element_type3A_79, %dot_general3A_5378 {dimension_numbers = #tpu.dot_dimension_numbers<[1], [0], [0], [1], [0, 0, 1, 1], [], []>, transpose_lhs_hint = false} : vector<8x128xf32>, vector<128x2xf32>, vector<8x2xf32> -> vector<8x2xf32>
    %get3A_5380 = arith.constant 1097 : index
    %get3A_5381 = memref.load %arg3[%get3A_5380] : memref<1108xf32, #tpu.memory_space<smem>>
    %mul3A_5382 = vector.broadcast %get3A_5381 : f32 to vector<8x2xf32>
    %mul3A_5383 = arith.mulf %dot_general3A_5379, %mul3A_5382 : vector<8x2xf32>
    %add3A_5384 = arith.addf %add3A_5377, %mul3A_5383 : vector<8x2xf32>
    %dot_general3A_5385 = arith.constant dense<0.000000e+00> : vector<8x2xf32>
    %dot_general3A_5386 = tpu.matmul %add3A_4948, %convert_element_type3A_79, %dot_general3A_5385 {dimension_numbers = #tpu.dot_dimension_numbers<[1], [0], [0], [1], [0, 0, 1, 1], [], []>, transpose_lhs_hint = false} : vector<8x128xf32>, vector<128x2xf32>, vector<8x2xf32> -> vector<8x2xf32>
    %get3A_5387 = arith.constant 1098 : index
    %get3A_5388 = memref.load %arg3[%get3A_5387] : memref<1108xf32, #tpu.memory_space<smem>>
    %mul3A_5389 = vector.broadcast %get3A_5388 : f32 to vector<8x2xf32>
    %mul3A_5390 = arith.mulf %dot_general3A_5386, %mul3A_5389 : vector<8x2xf32>
    %add3A_5391 = arith.addf %add3A_5384, %mul3A_5390 : vector<8x2xf32>
    %dot_general3A_5392 = arith.constant dense<0.000000e+00> : vector<8x2xf32>
    %dot_general3A_5393 = tpu.matmul %add3A_4992, %convert_element_type3A_79, %dot_general3A_5392 {dimension_numbers = #tpu.dot_dimension_numbers<[1], [0], [0], [1], [0, 0, 1, 1], [], []>, transpose_lhs_hint = false} : vector<8x128xf32>, vector<128x2xf32>, vector<8x2xf32> -> vector<8x2xf32>
    %get3A_5394 = arith.constant 1099 : index
    %get3A_5395 = memref.load %arg3[%get3A_5394] : memref<1108xf32, #tpu.memory_space<smem>>
    %mul3A_5396 = vector.broadcast %get3A_5395 : f32 to vector<8x2xf32>
    %mul3A_5397 = arith.mulf %dot_general3A_5393, %mul3A_5396 : vector<8x2xf32>
    %add3A_5398 = arith.addf %add3A_5391, %mul3A_5397 : vector<8x2xf32>
    %dot_general3A_5399 = arith.constant dense<0.000000e+00> : vector<8x2xf32>
    %dot_general3A_5400 = tpu.matmul %add3A_5036, %convert_element_type3A_79, %dot_general3A_5399 {dimension_numbers = #tpu.dot_dimension_numbers<[1], [0], [0], [1], [0, 0, 1, 1], [], []>, transpose_lhs_hint = false} : vector<8x128xf32>, vector<128x2xf32>, vector<8x2xf32> -> vector<8x2xf32>
    %get3A_5401 = arith.constant 1100 : index
    %get3A_5402 = memref.load %arg3[%get3A_5401] : memref<1108xf32, #tpu.memory_space<smem>>
    %mul3A_5403 = vector.broadcast %get3A_5402 : f32 to vector<8x2xf32>
    %mul3A_5404 = arith.mulf %dot_general3A_5400, %mul3A_5403 : vector<8x2xf32>
    %add3A_5405 = arith.addf %add3A_5398, %mul3A_5404 : vector<8x2xf32>
    %dot_general3A_5406 = arith.constant dense<0.000000e+00> : vector<8x2xf32>
    %dot_general3A_5407 = tpu.matmul %add3A_5080, %convert_element_type3A_79, %dot_general3A_5406 {dimension_numbers = #tpu.dot_dimension_numbers<[1], [0], [0], [1], [0, 0, 1, 1], [], []>, transpose_lhs_hint = false} : vector<8x128xf32>, vector<128x2xf32>, vector<8x2xf32> -> vector<8x2xf32>
    %get3A_5408 = arith.constant 1101 : index
    %get3A_5409 = memref.load %arg3[%get3A_5408] : memref<1108xf32, #tpu.memory_space<smem>>
    %mul3A_5410 = vector.broadcast %get3A_5409 : f32 to vector<8x2xf32>
    %mul3A_5411 = arith.mulf %dot_general3A_5407, %mul3A_5410 : vector<8x2xf32>
    %add3A_5412 = arith.addf %add3A_5405, %mul3A_5411 : vector<8x2xf32>
    %dot_general3A_5413 = arith.constant dense<0.000000e+00> : vector<8x2xf32>
    %dot_general3A_5414 = tpu.matmul %add3A_5124, %convert_element_type3A_79, %dot_general3A_5413 {dimension_numbers = #tpu.dot_dimension_numbers<[1], [0], [0], [1], [0, 0, 1, 1], [], []>, transpose_lhs_hint = false} : vector<8x128xf32>, vector<128x2xf32>, vector<8x2xf32> -> vector<8x2xf32>
    %get3A_5415 = arith.constant 1102 : index
    %get3A_5416 = memref.load %arg3[%get3A_5415] : memref<1108xf32, #tpu.memory_space<smem>>
    %mul3A_5417 = vector.broadcast %get3A_5416 : f32 to vector<8x2xf32>
    %mul3A_5418 = arith.mulf %dot_general3A_5414, %mul3A_5417 : vector<8x2xf32>
    %add3A_5419 = arith.addf %add3A_5412, %mul3A_5418 : vector<8x2xf32>
    %dot_general3A_5420 = arith.constant dense<0.000000e+00> : vector<8x2xf32>
    %dot_general3A_5421 = tpu.matmul %add3A_5168, %convert_element_type3A_79, %dot_general3A_5420 {dimension_numbers = #tpu.dot_dimension_numbers<[1], [0], [0], [1], [0, 0, 1, 1], [], []>, transpose_lhs_hint = false} : vector<8x128xf32>, vector<128x2xf32>, vector<8x2xf32> -> vector<8x2xf32>
    %get3A_5422 = arith.constant 1103 : index
    %get3A_5423 = memref.load %arg3[%get3A_5422] : memref<1108xf32, #tpu.memory_space<smem>>
    %mul3A_5424 = vector.broadcast %get3A_5423 : f32 to vector<8x2xf32>
    %mul3A_5425 = arith.mulf %dot_general3A_5421, %mul3A_5424 : vector<8x2xf32>
    %add3A_5426 = arith.addf %add3A_5419, %mul3A_5425 : vector<8x2xf32>
    %dot_general3A_5427 = arith.constant dense<0.000000e+00> : vector<8x2xf32>
    %dot_general3A_5428 = tpu.matmul %add3A_5212, %convert_element_type3A_79, %dot_general3A_5427 {dimension_numbers = #tpu.dot_dimension_numbers<[1], [0], [0], [1], [0, 0, 1, 1], [], []>, transpose_lhs_hint = false} : vector<8x128xf32>, vector<128x2xf32>, vector<8x2xf32> -> vector<8x2xf32>
    %get3A_5429 = arith.constant 1104 : index
    %get3A_5430 = memref.load %arg3[%get3A_5429] : memref<1108xf32, #tpu.memory_space<smem>>
    %mul3A_5431 = vector.broadcast %get3A_5430 : f32 to vector<8x2xf32>
    %mul3A_5432 = arith.mulf %dot_general3A_5428, %mul3A_5431 : vector<8x2xf32>
    %add3A_5433 = arith.addf %add3A_5426, %mul3A_5432 : vector<8x2xf32>
    %dot_general3A_5434 = arith.constant dense<0.000000e+00> : vector<8x2xf32>
    %dot_general3A_5435 = tpu.matmul %add3A_5256, %convert_element_type3A_79, %dot_general3A_5434 {dimension_numbers = #tpu.dot_dimension_numbers<[1], [0], [0], [1], [0, 0, 1, 1], [], []>, transpose_lhs_hint = false} : vector<8x128xf32>, vector<128x2xf32>, vector<8x2xf32> -> vector<8x2xf32>
    %get3A_5436 = arith.constant 1105 : index
    %get3A_5437 = memref.load %arg3[%get3A_5436] : memref<1108xf32, #tpu.memory_space<smem>>
    %mul3A_5438 = vector.broadcast %get3A_5437 : f32 to vector<8x2xf32>
    %mul3A_5439 = arith.mulf %dot_general3A_5435, %mul3A_5438 : vector<8x2xf32>
    %add3A_5440 = arith.addf %add3A_5433, %mul3A_5439 : vector<8x2xf32>
    %dot_general3A_5441 = arith.constant dense<0.000000e+00> : vector<8x2xf32>
    %dot_general3A_5442 = tpu.matmul %add3A_5300, %convert_element_type3A_79, %dot_general3A_5441 {dimension_numbers = #tpu.dot_dimension_numbers<[1], [0], [0], [1], [0, 0, 1, 1], [], []>, transpose_lhs_hint = false} : vector<8x128xf32>, vector<128x2xf32>, vector<8x2xf32> -> vector<8x2xf32>
    %get3A_5443 = arith.constant 1106 : index
    %get3A_5444 = memref.load %arg3[%get3A_5443] : memref<1108xf32, #tpu.memory_space<smem>>
    %mul3A_5445 = vector.broadcast %get3A_5444 : f32 to vector<8x2xf32>
    %mul3A_5446 = arith.mulf %dot_general3A_5442, %mul3A_5445 : vector<8x2xf32>
    %add3A_5447 = arith.addf %add3A_5440, %mul3A_5446 : vector<8x2xf32>
    %dot_general3A_5448 = arith.constant dense<0.000000e+00> : vector<8x2xf32>
    %dot_general3A_5449 = tpu.matmul %add3A_5344, %convert_element_type3A_79, %dot_general3A_5448 {dimension_numbers = #tpu.dot_dimension_numbers<[1], [0], [0], [1], [0, 0, 1, 1], [], []>, transpose_lhs_hint = false} : vector<8x128xf32>, vector<128x2xf32>, vector<8x2xf32> -> vector<8x2xf32>
    %get3A_5450 = arith.constant 1107 : index
    %get3A_5451 = memref.load %arg3[%get3A_5450] : memref<1108xf32, #tpu.memory_space<smem>>
    %mul3A_5452 = vector.broadcast %get3A_5451 : f32 to vector<8x2xf32>
    %mul3A_5453 = arith.mulf %dot_general3A_5449, %mul3A_5452 : vector<8x2xf32>
    %add3A_5454 = arith.addf %add3A_5447, %mul3A_5453 : vector<8x2xf32>
    %broadcast_in_dim3A_5455 = vector.shape_cast %add3A_5454 : vector<8x2xf32> to vector<1x8x2xf32>
    %swap3A = arith.constant 0 : index
    %swap3A_5456 = arith.constant 0 : index
    %swap3A_5457 = arith.constant 0 : index
    %swap3A_5458 = vector.load %arg4[%swap3A, %swap3A_5456, %swap3A_5457] : memref<1x8x2xf32, #tpu.memory_space<vmem>>, vector<1x8x2xf32>
    tpu.vector_store %arg4[%swap3A, %swap3A_5456, %swap3A_5457], %broadcast_in_dim3A_5455 {strides = array<i32>} : memref<1x8x2xf32, #tpu.memory_space<vmem>>, vector<1x8x2xf32>,
    return
  }
  func.func @transform_0(%arg0: i32) -> (i32, i32, i32, i32) {
    %c0_i32 = arith.constant 0 : i32
    %c0_i32_0 = arith.constant 0 : i32
    %c0_i32_1 = arith.constant 0 : i32
    %c0_i32_2 = arith.constant 0 : i32
    return %c0_i32, %arg0, %c0_i32_0, %c0_i32_1 : i32, i32, i32, i32
  }
  func.func @transform_1(%arg0: i32) -> (i32, i32, i32, i32) {
    %c0_i32 = arith.constant 0 : i32
    %c0_i32_0 = arith.constant 0 : i32
    %c0_i32_1 = arith.constant 0 : i32
    %c0_i32_2 = arith.constant 0 : i32
    return %c0_i32, %c0_i32_0, %arg0, %c0_i32_1 : i32, i32, i32, i32
  }
  func.func @transform_2(%arg0: i32) -> i32 {
    %c0_i32 = arith.constant 0 : i32
    %c0_i32_0 = arith.constant 0 : i32
    return %c0_i32 : i32
  }
  func.func @transform_3(%arg0: i32) -> (i32, i32, i32) {
    %c0_i32 = arith.constant 0 : i32
    %c0_i32_0 = arith.constant 0 : i32
    %c0_i32_1 = arith.constant 0 : i32
    return %arg0, %c0_i32, %c0_i32_0 : i32, i32, i32
  }
}

</mosaic_0001>

<sc_bundles>
// kernel: sparse-core-data-format-call.cloned.1.call-start
scs
called_computation_lowered:
.L_overlay_start_0:
0x0: {  	s1 =	sld [smem:$0x3FD9]  }
0x1: {  	s2 =	sld [smem:$0x3FFE];
	_ =	sdelay $0x1  }
0x2: {  	s3 =	srdreg.scid  }
0x3: {  	s0 =	sand.u32 $0x1, s3  }
0x4: {  	s17 =	sshll.u32 s0, $0xA;
	s1 =	sadd.s32 s2, s1  }
0x5: {  	s1 =	sadd.s32 s1, s17  }
0x6: {  	[smem:$0x3FBB] =	sst s1  }
0x7: {  	_ = 	snop  }
0x8: {  	(tm) =	ssettm $0x1  }
0x9: {  	s18 =	sld [smem:$0x3FFB];
	_ =	sdelay $0x3  }
0xa: {  	_ =	strace s18  }
0xb: {  	s1 =	sld [smem:$0x3FFC];
	_ =	sdelay $0x3  }
0xc: {  	_ =	strace s1  }
0xd: {  	s1 =	sld [smem:$0x3FFD];
	_ =	sdelay $0x3  }
0xe: {  	_ =	strace s1  }
0xf: {  	_ =	strace $0x8FFFFFFF  }
0x10: {  	s19 =	sld [smem:$0x3FDB];
	_ =	sdelay $0x1  }
0x11: {  	s20 =	simm.s32 $_scs_section_size  }
0x12: {  	s4 =	simm.s32 $_size__tile_overlayer_lowered;
	s5 =	simm.s32 $_tile_overlayer_lowered  }
0x13: {  	s23 =	simm.s32 $0x1BFF;
	s22 =	sshll.u32 s5, $0x1;
	s1 =	sadd.s32 s20, s19  }
0x14: {  	s6 =	simm.s32 $0x0;
	s21 =	sshll.u32 s4, $0x1;
	s4 =	sadd.s32 s22, s1  }
0x15: {  	[timem:s6], [sflag:s23] =	dma.local [hbm:s4], s21  }
0x16: {  	_ =	swait.ge [sflag:s23], s21  }
0x17: {  	s2 =	ssub.s32 $0x0, s21;
	[sflag:s23] =	ssyncset.done $0x0  }
0x18: {  	[sflag:s23] =	ssyncadd.s32 s2;
	_ =	sdelay $0x1  }
0x19: {  	s24 =	simm.s32 $0x1B8B  }
0x1a: {  	_ =	swait.ge [sflag:s24], $0x1  }
0x1b: {  	[sflag:s24] =	ssyncset.done $0x0  }
0x1c: {  	s26 =	simm.s32 $0x1B8E;
	s25 =	sld [smem:$0x3FFE];
	[sflag:s24] =	ssyncadd.s32 $0xFFFFFFFF  }
0x1d: {  	s27 =	simm.s32 $execute0_lowered;
	[smem:$0x3FD2] =	sst s26  }
0x1e: {  	s4 =	sshll.u32 s27, $0x1;
	_ =	strace $0x80000046;
	[dreg:$0x1] =	wrdreg $0xFFFFFFFF  }
0x1f: {  	s28 =	simm.s32 $_size_execute0_lowered;
	s1 =	sadd.s32 s1, s4;
	[dreg:$0x0] =	wrdreg $0x0  }
0x20: {  	s4 =	sshll.u32 s28, $0x1;
	[dreg:$0x2] =	wrdreg s1  }
0x21: {  	[dreg:$0x3] =	wrdreg s4  }
0x22: {  	[dreg:$0x4] =	wrdreg $0xC0  }
0x23: {  	_ =	task [dreg:s6], $0x5FFFF  }
0x24: {  	[dreg:$0x1] =	wrdreg $0xFFFFFFFF  }
0x25: {  	[dreg:$0x0] =	wrdreg $0x60  }
0x26: {  	[dreg:$0x2] =	wrdreg s25  }
0x27: {  	[dreg:$0x3] =	wrdreg $0x9  }
0x28: {  	_ =	task.clear_ibuf [dreg:s6], $0x4FFFF;
	_ =	strace $0x90000046  }
0x29: {  	s29 =	simm.s32 $0x9;
	_ =	strace $0x80000048  }
0x2a: {  	_ =	swait.ge [sflag:s29], $0x1  }
0x2b: {  	[sflag:s29] =	ssyncadd.s32 $0xFFFFFFFF  }
0x2c: {  	_ =	strace $0x90000048  }
0x2d: {  	_ =	sfence  }
0x2e: {  	s30 =	sld [smem:$0x0];
	_ =	sdelay $0x2  }
0x2f: {  	s31 =	sshll.u32 s3, $0xD;
	s3 =	sshrl.u32 s3, $0x2  }
0x30: {  	s2 =	sand.u32 $0x4000, s31;
	s1 =	sadd.s32 s3, s30  }
0x31: {  	s0 =	sor.u32 s2, s0;
	s1 =	sshll.u32 s1, $0x11  }
0x32: {  	s0 =	sor.u32 s1, s0  }
0x33: {  	s0 =	sadd.s32 $0x8F2B, s0  }
0x34: {  	[sflag:s0] =	ssyncadd.remote.s32 $0x1  }
0x35: {  	_ =	sfence.sel $0xFFFF  }
0x36: {  	[dreg:$0x0] =	wrdreg $0xFFFFFFFF;
	(pc) =	sbr.abs _section_cstart, $3  }
0x37: {  	[dreg:$0x1] =	wrdreg $0xFFFFFFFF  }
0x38: {  	_ =	task.clear_ibuf [dreg:s6], $0x2FFFF;
	_ =	strace $0x9FFFFFFF  }
0x39: {  	(tm) =	ssettm $0x7FFFFFFF  }
tec
execute0_lowered:
.L_overlay_start_1:
0x0: {  	(tag) =	ssettag $0x1  }
0x1: {  	s0 =	stileid.u32;
	s5 =	rddreg [dreg:$0x0]  }
0x2: {  	s3 =	srdreg.scid;
	s31 =	simm.s32 $0x2;
	s16 =	simm.s32 $0x0  }
0x3: {  	s10 =	simm.s32 $0x1000;
	s17 =	simm.s32 $0x0;
	s19 =	simm.s32 $0x0  }
0x4: {  	s18 =	simm.s32 $0x0;
	s13 =	simm.s32 $0x0;
	s1 =	sshll.u32 s0, $0x7  }
0x5: {  	s15 =	simm.s32 $0x0;
	s3 =	sand.u32 $0x1, s3;
	s2 =	sand.u32 $0x180, s1  }
0x6: {  	s1 =	rddreg [dreg:$0x1];
	_ =	strace $0x80000047;
	s4 =	ssub.s32 $0x200, s2  }
0x7: {  	s7 =	ssub.s32 $0x40, s3;
	s11 =	smov.u32 s3;
	s6 =	sand.u32 $0x180, s4  }
0x8: {  	s9 =	sshrl.u32 s7, $0x1;
	p0 =	sne.s32 s6, $0x0;
	s6 =	simm.s32 $0x1  }
.Ltmp0:
0x9: {  	s8 =	sshrl.u32 s4, $0x9;
	s6 =	simm.s32 @!p0 $0x0;
	(pc) =	sbr.rel .LBB1_1-.Ltmp0, $4  }
0xa: {  	s14 =	smov.u32 s2;
	s7 =	ssub.s32 s7, s9;
	s8 =	sadd.s32 s6, s8  }
0xb: {  	s4 =	sadd.s32 $0x1C00, s5;
	s6 =	simm.s32 $0x1;
	s7 =	smul.u32 s7, s8  }
0xc: {  	s5 =	sadd.s32 $0x401C00, s5;
	s8 =	sshrl.u32 s0, $0x2;
	[sflag:s6] =	ssyncpa.u1 $0x0  }
0xd: {  	[sflag:s31] =	ssyncpa.u1 $0x0;
	s12 =	smov.u32 s8;
	s9 =	sadd.s32 $0x1, s7  }
.LBB1_7:
0xe: {  	s20 =	sadd.s32 $0x2, s11  }
0xf: {  	s16 =	sadd.s32 $0x4, s12;
	s21 =	smov.u32 s12;
	p1 =	sgt.s32 s20, $0x3F  }
0x10: {  	s21 =	smov.u32 @p1 s16  }
0x11: {  	s22 =	smov.u32 s13;
	s16 =	sadd.s32 $0x2, s13;
	p2 =	sgt.s32 s21, $0x3  }
0x12: {  	s22 =	smov.u32 @p2 s16  }
0x13: {  	s23 =	smov.u32 s14;
	s16 =	sadd.s32 $0x200, s14;
	p3 =	sgt.s32 s22, $0x1  }
0x14: {  	s23 =	smov.u32 @p3 s16  }
0x15: {  	p0 =	slt.u32 s15, $0x2;
	s20 =	smov.u32 @p1 s3;
	p1 =	sgt.s32 s23, $0x1FF  }
0x16: {  	s24 =	simm.s32 @!p0 $0x2;
	s23 =	smov.u32 @p1 s2;
	p1 =	sne.s32 s15, s9  }
.Ltmp1:
0x17: {  	s17 =	smov.u32 s12;
	_ =	swait.ge @!p0 [sflag:s24], $0x4000;
	(pc) =	sbr.rel @!p1 .LBB1_8-.Ltmp1, $4  }
0x18: {  	s19 =	smov.u32 s13;
	[sflag:s24] =	ssyncset.done @!p0 $0x0;
	s21 =	smov.u32 @p2 s8  }
0x19: {  	s18 =	smov.u32 s14;
	[sflag:s24] =	ssyncadd.s32 @!p0 $0xFFFFC000;
	s12 =	smov.u32 s21  }
0x1a: {  	s22 =	simm.s32 @p3 $0x0;
	s16 =	smov.u32 s11;
	s11 =	smov.u32 s20  }
0x1b: {  	s13 =	smov.u32 s22;
	s15 =	sadd.s32 $0x1, s15;
	s14 =	smov.u32 s23  }
.LBB1_1:
0x1c: {  	p0 =	sge.u32 s15, s7  }
0x1d: {  	s31 =	sadd.s32 $0xFFFFFFFF, s15;
	s20 =	sxor.u32 @!p0 $0xFFFFFFFF, s15;
	s21 =	sshll.u32 @!p0 s14, $0xD  }
0x1e: {  	s22 =	sshll.u32 @!p0 s13, $0xC;
	s23 =	sshll.u32 @!p0 s12, $0xA;
	s21 =	sadd.s32 @!p0 s4, s21  }
0x1f: {  	s24 =	sshll.u32 @!p0 s11, $0x4;
	s20 =	sshll.u32 @!p0 s20, $0xE;
	s21 =	sadd.s32 @!p0 s22, s21  }
0x20: {  	s20 =	sand.u32 @!p0 $0x4000, s20;
	s22 =	sand.u32 @!p0 $0x3F0, s24;
	s21 =	sadd.s32 @!p0 s23, s21  }
0x21: {  	s23 =	simm.s32 @!p0 $0x8000;
	s21 =	sadd.s32 @!p0 s22, s21;
	s22 =	simm.s32 @!p0 $0x40  }
0x22: {  	[tilespmem:s20], [sflag:$0x1] =	stream.strided.gather @!p0 [hbm4b:s21+s22], $0x4000, s23, s22, $0x38;
	[tilespmem:$0x10100] =	vst v63  }
0x23: {  	p0 =	sge.u32 s31, s7  }
.Ltmp2:
0x24: {  	_ = 	snop;
	(pc) =	sbr.rel @p0 .LBB1_7-.Ltmp2, $1  }
0x25: {  	_ =	sdelay $0x3  }
0x26: {  	s20 =	sand.u32 $0x1, s15  }
0x27: {  	_ =	swait.ge [sflag:s6], $0x4000;
	s21 =	smul.u32 $0x10200, s20  }
0x28: {  	[sflag:s6] =	ssyncset.done $0x0  }
0x29: {  	[sflag:s6] =	ssyncadd.s32 $0xFFFFC000;
	s22 =	sshrl.u32 s21, $0x2  }
0x2a: {  	s21 =	sshll.u32 s20, $0xE;
	s20 =	sor.u32 $0x8000, s22;
	s22 =	simm.s32 $0x0  }
.LBB1_3:
0x2b: {  	s23 =	sshll.u32 s22, $0x7  }
0x2c: {  	s23 =	sand.u32 $0x3FFFFF80, s23  }
0x2d: {  	s23 =	sadd.s32 s23, s21  }
0x2e: {  	v0 =	vmov s23;
	_ =	sdelay $0x1  }
0x2f: {  	p0 =	por $0x1, $0x1;
	s23 =	simm.s32 $0x0  }
.LBB1_4:
0x30: {  	s24 =	sshll.u32 s23, $0x6  }
0x31: {  	s24 =	sand.u32 $0x3FFFFFC0, s24  }
0x32: {  	s31 =	smul.u32 $0x8100, s23;
	v1 =	vld.idx.msk [tilespmem:v0+s24+$0x0 ss:$0x1], $0xffff  }
0x33: {  	v2 =	vld.idx.msk [tilespmem:v0+s24+$0x10 ss:$0x1], $0xffff  }
0x34: {  	s23 =	sshra.s32 s31, $0x2;
	v3 =	vld.idx.msk [tilespmem:v0+s24+$0x20 ss:$0x1], $0xffff  }
0x35: {  	p1 =	por p0, p0;
	v4 =	vld.idx.msk [tilespmem:v0+s24+$0x30 ss:$0x1], $0xffff;
	s23 =	sadd.s32 s23, s20  }
.Ltmp3:
0x36: {  	s23 =	sadd.s32 s22, s23;
	(pc) =	sbr.rel @p1 .LBB1_4-.Ltmp3, $4  }
0x37: {  	[tilespmem:s23+$0x0 ss:$0x81] =	vst.msk $0xffff, v1  }
0x38: {  	[tilespmem:s23+$0x810 ss:$0x81] =	vst.msk $0xffff, v2  }
0x39: {  	[tilespmem:s23+$0x1020 ss:$0x81] =	vst.msk $0xffff, v3  }
0x3a: {  	p0 =	por $0x0, $0x0;
	[tilespmem:s23+$0x1830 ss:$0x81] =	vst.msk $0xffff, v4;
	s23 =	simm.s32 $0x1  }
0x3b: {  	s22 =	sadd.s32 $0x1, s22  }
0x3c: {  	p0 =	sne.s32 s22, $0x80  }
.Ltmp4:
0x3d: {  	_ = 	snop;
	(pc) =	sbr.rel @p0 .LBB1_3-.Ltmp4, $1  }
0x3e: {  	_ =	sdelay $0x3  }
0x3f: {  	s21 =	sand.u32 $0xF80, s18  }
0x40: {  	s19 =	sshll.u32 s19, $0xC;
	s22 =	sshrl.u32 s18, $0x3;
	s21 =	sadd.s32 s5, s21  }
.Ltmp5:
0x41: {  	s22 =	sand.u32 $0xF, s22;
	s19 =	sadd.s32 s19, s21;
	(pc) =	sbr.rel .LBB1_7-.Ltmp5, $4  }
0x42: {  	s17 =	sshll.u32 s17, $0x13;
	s30 =	sand.u32 $0x7, s18;
	s19 =	sadd.s32 s22, s19  }
0x43: {  	s16 =	sshll.u32 s16, $0xD;
	s18 =	sshll.u32 s30, $0x12;
	s17 =	sadd.s32 s17, s19  }
0x44: {  	s31 =	sor.u32 $0x400, s18;
	s16 =	sadd.s32 s16, s17  }
0x45: {  	[hbm4b:s16+s31] =	stream.strided.scatter [tilespmem:s20], [sflag:$0x2], $0x4000, s10, s31, $0x20;
	[tilespmem:$0x10100] =	vst v63  }
.LBB1_8:
0x46: {  	_ =	sfence.sel $0x180000  }
0x47: {  	s2 =	simm.s32 $0x1;
	[bflag:$0x0] =	sbarrier.arrive $0xFFFF  }
0x48: {  	s31 =	simm.s32 $0x2;
	[sflag:s2] =	ssyncpa.u1 $0x1  }
0x49: {  	[sflag:s31] =	ssyncpa.u1 $0x1  }
0x4a: {  	p0 =	sne.s32 s0, $0x0;
	_ =	strace $0x90000047  }
0x4b: {  	s0 =	sadd.s32 @!p0 $0x100000, s1;
	[bflag:$0x2] =	sbarrier.arrive $0xFFFF  }
0x4c: {  	[sflag:s0] =	ssyncadd.tile.s32 @!p0 $0x1;
	_ =	shalt  }
.Lfunc_end1:
_tile_overlayer_lowered:
.L_overlay_start_2:
0x4d: {  	(tag) =	ssettag $0x2  }
0x4e: {  	s0 =	rddreg [dreg:$0x0];
	s2 =	stileid.u32  }
0x4f: {  	s1 =	rddreg [dreg:$0x1];
	p0 =	sne.s32 s2, $0x0  }
0x50: {  	s3 =	rddreg [dreg:$0x2];
	[bflag:$0x3] =	sbarrier.arrive $0xFFFF;
	s2 =	simm.s32 @!p0 $0x1C01  }
0x51: {  	[timem:s3], [sflag:s2] =	dma.local @!p0 [hbm:s0], s1  }
0x52: {  	s0 =	simm.s32 @!p0 $0x1  }
0x53: {  	_ =	swait.ge @!p0 [sflag:s0], s1  }
0x54: {  	s1 =	ssub.s32 @!p0 $0x0, s1;
	[sflag:s0] =	ssyncset.done @!p0 $0x0  }
0x55: {  	[sflag:s0] =	ssyncadd.s32 @!p0 s1  }
0x56: {  	[bflag:$0x3] =	sbarrier.arrive $0xFFFF  }
0x57: {  	_ =	shalt  }

</sc_bundles>
